<compile_context>
chip_gen: v7x
topology: tpu7x:2x2x1
jax: 0.10.2.dev20260603
libtpu: 0.0.44.dev20260713+nightly
codegen_flags: <defaults>
</compile_context>

<pallas_src>
import functools

import jax
import jax.numpy as jnp
from jax import lax
from jax.experimental import pallas as pl
from jax.experimental.pallas import tpu as pltpu
from jax.experimental.pallas import tpu_sc as plsc

NC = 2
NS = 16
K = 128
CS = 8
CPT0 = 120
CPT1 = 40


def _sc_scatter(table, src2d, dst2d, zeros, n_pad):
    d = table.shape[1]
    rows_per_tile = n_pad // NS
    mesh = plsc.VectorSubcoreMesh(core_axis_name="c", subcore_axis_name="s")

    @functools.partial(
        pl.kernel,
        mesh=mesh,
        out_type=jax.ShapeDtypeStruct((NC, n_pad, d), jnp.float32),
        scratch_types=[
            pltpu.VMEM((CS, K), jnp.int32),
            pltpu.VMEM((CS, K), jnp.int32),
            pltpu.VMEM((CS, K), jnp.int32),
            pltpu.VMEM((CS, K), jnp.int32),
            pltpu.VMEM((K, d), jnp.float32),
            pltpu.VMEM((K, d), jnp.float32),
            pltpu.VMEM_SHARED((n_pad, d), jnp.float32),
            pltpu.SemaphoreType.DMA,
            pltpu.SemaphoreType.DMA,
            pltpu.SemaphoreType.DMA,
        ],
    )
    def body(table_hbm, src_hbm, dst_hbm, zeros_hbm, out_hbm,
             is0, is1, id0, id1, rows0, rows1, acc, sem0, sem1, semi):
        cid = lax.axis_index("c")
        sid = lax.axis_index("s")
        isb = (is0, is1)
        idb = (id0, id1)

        def gather(idx, rows, sem):
            return pltpu.async_copy(table_hbm.at[idx], rows, sem)

        def pipeline(base, nch):
            seg = nch // CS
            if seg == 0:
                return
            p0 = pltpu.async_copy(src_hbm.at[pl.ds(base, CS)], is0, semi)
            p1 = pltpu.async_copy(dst_hbm.at[pl.ds(base, CS)], id0, semi)
            p0.wait()
            p1.wait()
            for s in range(seg):
                i_s = isb[s % 2]
                i_d = idb[s % 2]
                g0 = gather(i_s.at[0], rows0, sem0)
                g1 = gather(i_s.at[1], rows1, sem1)
                if s + 1 < seg:
                    nbase = base + (s + 1) * CS
                    ps = pltpu.async_copy(src_hbm.at[pl.ds(nbase, CS)],
                                          isb[(s + 1) % 2], semi)
                    pd = pltpu.async_copy(dst_hbm.at[pl.ds(nbase, CS)],
                                          idb[(s + 1) % 2], semi)

                def pair(p, carry):
                    c = 2 * p
                    g0.wait()
                    pltpu.sync_copy(rows0, acc.at[i_d.at[c]], add=True)

                    @pl.when(c + 2 < CS)
                    def _():
                        gather(i_s.at[c + 2], rows0, sem0)

                    g1.wait()
                    pltpu.sync_copy(rows1, acc.at[i_d.at[c + 1]], add=True)

                    @pl.when(c + 3 < CS)
                    def _():
                        gather(i_s.at[c + 3], rows1, sem1)

                    return carry

                lax.fori_loop(0, CS // 2, pair, 0)
                if s + 1 < seg:
                    ps.wait()
                    pd.wait()

        r0 = sid * rows_per_tile
        pltpu.sync_copy(zeros_hbm.at[pl.ds(r0, rows_per_tile)],
                        acc.at[pl.ds(r0, rows_per_tile)])
        plsc.subcore_barrier()

        @pl.when(cid == 0)
        def _():
            pipeline(sid * CPT0, CPT0)

        @pl.when(cid == 1)
        def _():
            pipeline(NS * CPT0 + sid * CPT1, CPT1)

        plsc.subcore_barrier()

        pltpu.sync_copy(acc.at[pl.ds(r0, rows_per_tile)],
                        out_hbm.at[cid, pl.ds(r0, rows_per_tile)])

    return body(table, src2d, dst2d, zeros)


def _tc_combine(node, acc0, acc1, eps):
    n, d = node.shape
    blk = 2000
    grid = n // blk

    def body(eps_ref, node_ref, a0_ref, a1_ref, out_ref):
        scale = 1.0 + eps_ref[0]
        out_ref[...] = scale * node_ref[...] + a0_ref[...] + a1_ref[...]

    return pl.pallas_call(
        body,
        grid=(grid,),
        in_specs=[
            pl.BlockSpec(memory_space=pltpu.SMEM),
            pl.BlockSpec((blk, d), lambda i: (i, 0)),
            pl.BlockSpec((blk, d), lambda i: (i, 0)),
            pl.BlockSpec((blk, d), lambda i: (i, 0)),
        ],
        out_specs=pl.BlockSpec((blk, d), lambda i: (i, 0)),
        out_shape=jax.ShapeDtypeStruct((n, d), jnp.float32),
    )(eps, node, acc0, acc1)


def kernel(node, edge_index, eps_k):
    n, d = node.shape
    m = edge_index.shape[1]
    src = edge_index[1]
    dst = edge_index[0]

    m_pad = NS * (CPT0 + CPT1) * K
    m0 = NS * CPT0 * K
    n_pad = -(-(n + 1) // (NS * 8)) * (NS * 8)

    pad = m_pad - m
    src = jnp.concatenate([src, jnp.zeros((pad,), jnp.int32)])
    dst_pad = n + jnp.arange(pad, dtype=jnp.int32) % (n_pad - n)
    dst = jnp.concatenate([dst, dst_pad])
    table = jnp.concatenate([node, node])
    src = jnp.concatenate([src[:m0], src[m0:] + n])
    src2d = src.reshape(m_pad // K, K)
    dst2d = dst.reshape(m_pad // K, K)

    zeros = jnp.zeros((n_pad, d), jnp.float32)
    acc = _sc_scatter(table, src2d, dst2d, zeros, n_pad)
    return _tc_combine(node, acc[0, :n], acc[1, :n], jnp.reshape(eps_k, (1,)))

# --- scband reference (transcript-rebuilt; emitter-appended) ---
"""Pipeline reference for scband-gin-24953759989866 (READ-ONLY COPY).

The authoritative reference and input builder live on the scoring server;
editing this copy changes nothing except your own understanding.
"""

import jax, jax.numpy as jnp
import numpy as np

N_NODES = 10000
N_EDGES = 320000
D_FEAT = 128

def setup_inputs(seed: int = 0) -> dict:
    key = jax.random.key(seed)
    k1, k2 = jax.random.split(key)
    node = jax.random.normal(k1, (N_NODES, D_FEAT), dtype=jnp.float32)
    edge_index = jax.random.randint(k2, (2, N_EDGES), 0, N_NODES, dtype=jnp.int64 if jax.config.jax_enable_x64 else jnp.int32).astype(jnp.int32)
    # epsilon_k weight (initializer='zeros', scalar)
    eps_k = jnp.zeros((), dtype=jnp.float32)
    return {"node": node, "edge_index": edge_index, "eps_k": eps_k}

def reference(node, edge_index, eps_k):
    # GatherNodesOutgoing: gather sending-node features at edge_index[1]
    ed = jnp.take(node, edge_index[1], axis=0)  # (M, F)
    # AggregateLocalEdges with scatter_sum: pool edge messages to receiving nodes edge_index[0]
    nu = jax.ops.segment_sum(ed, edge_index[0], num_segments=N_NODES)  # (N, F)
    # (1 + eps) * node + aggregated neighbors
    no = (jnp.asarray(1.0, dtype=eps_k.dtype) + eps_k) * node
    out = no + nu
    return out

if __name__ == "__main__":
    import jax
    _d = setup_inputs()
    print(jax.jit(kernel)(*tuple(_d.values())))

</pallas_src>

<mosaic_0001>
#map = affine_map<(d0, d1) -> (0, 0)>
#map1 = affine_map<(d0, d1) -> (0, 0, 0)>
module attributes {stable_mosaic.version = 14 : i64} {
  func.func @body(%arg0: i32, %arg1: i32, %arg2: memref<20000x128xf32, #tpu.memory_space<hbm>>, %arg3: memref<2560x128xi32, #tpu.memory_space<hbm>>, %arg4: memref<2560x128xi32, #tpu.memory_space<hbm>>, %arg5: memref<10112x128xf32, #tpu.memory_space<hbm>>, %arg6: memref<2x10112x128xf32, #tpu.memory_space<hbm>>, %arg7: memref<8x128xi32, #tpu.memory_space<vmem>>, %arg8: memref<8x128xi32, #tpu.memory_space<vmem>>, %arg9: memref<8x128xi32, #tpu.memory_space<vmem>>, %arg10: memref<8x128xi32, #tpu.memory_space<vmem>>, %arg11: memref<128x128xf32, #tpu.memory_space<vmem>>, %arg12: memref<128x128xf32, #tpu.memory_space<vmem>>, %arg13: memref<10112x128xf32, #tpu.memory_space<vmem_shared>>, %arg14: memref<!tpu.dma_semaphore, #tpu.memory_space<semaphore_mem>>, %arg15: memref<!tpu.dma_semaphore, #tpu.memory_space<semaphore_mem>>, %arg16: memref<!tpu.dma_semaphore, #tpu.memory_space<semaphore_mem>>) attributes {dimension_semantics = [#tpu.dimension_semantics<core_parallel>, #tpu.dimension_semantics<subcore_parallel>], iteration_bounds = array<i64: 2, 16>, scalar_prefetch = 0 : i64, scratch_operands = 10 : i64, tpu.core_type = #tpu.core_type<sc_vector_subcore>, window_params = [{transform_indices = #map}, {transform_indices = #map}, {transform_indices = #map}, {transform_indices = #map}, {transform_indices = #map1}]} {
    %mul3A = arith.constant 632 : i32
    %mul3A_0 = arith.muli %arg1, %mul3A : i32
    "tpu.region"() ({
      %run_scoped3A = tpu.sem_alloc : memref<!tpu.dma_semaphore, #tpu.memory_space<semaphore_mem>>
      %dma_start3A = arith.constant 0 : i32
      %dma_start3A_9 = tpu.memref_slice %arg13[%mul3A_0, %dma_start3A] : memref<10112x128xf32, #tpu.memory_space<vmem_shared>> -> memref<632x128xf32, #tpu.memory_space<vmem_shared>>
      %dma_start3A_10 = arith.constant 0 : i32
      %dma_start3A_11 = tpu.memref_slice %arg5[%mul3A_0, %dma_start3A_10] : memref<10112x128xf32, #tpu.memory_space<hbm>> -> memref<632x128xf32, #tpu.memory_space<hbm>>
      tpu.enqueue_dma source(%dma_start3A_11 : memref<632x128xf32, #tpu.memory_space<hbm>>) target(%dma_start3A_9 : memref<632x128xf32, #tpu.memory_space<vmem_shared>>) target_semaphore(%run_scoped3A : memref<!tpu.dma_semaphore, #tpu.memory_space<semaphore_mem>>)
      %dma_wait3A = arith.constant 0 : i32
      %dma_wait3A_12 = tpu.memref_slice %arg13[%mul3A_0, %dma_wait3A] : memref<10112x128xf32, #tpu.memory_space<vmem_shared>> -> memref<632x128xf32, #tpu.memory_space<vmem_shared>>
      %dma_wait3A_13 = arith.constant 0 : i32
      %dma_wait3A_14 = tpu.memref_slice %arg5[%mul3A_0, %dma_wait3A_13] : memref<10112x128xf32, #tpu.memory_space<hbm>> -> memref<632x128xf32, #tpu.memory_space<hbm>>
      tpu.wait_dma2 semaphore(%run_scoped3A : memref<!tpu.dma_semaphore, #tpu.memory_space<semaphore_mem>>) src(%dma_wait3A_14 : memref<632x128xf32, #tpu.memory_space<hbm>>) dst(%dma_wait3A_12 : memref<632x128xf32, #tpu.memory_space<vmem_shared>>)
      tpu.yield
    }) : () -> ()
    %barrier3A = arith.constant 0 : index
    tpu.barrier barrier_id(%barrier3A)
    %eq3A = arith.constant 0 : i32
    %eq3A_1 = arith.cmpi eq, %arg0, %eq3A : i32
    %convert_element_type3A = arith.extui %eq3A_1 : i1 to i32
    %cond3A = arith.constant 0 : i32
    %cond3A_2 = arith.cmpi ne, %convert_element_type3A, %cond3A : i32
    scf.if %cond3A_2 {
      %mul3A_9 = arith.constant 120 : i32
      %mul3A_10 = arith.muli %arg1, %mul3A_9 : i32
      %dma_start3A = arith.constant 0 : i32
      %dma_start3A_11 = tpu.memref_slice %arg3[%mul3A_10, %dma_start3A] : memref<2560x128xi32, #tpu.memory_space<hbm>> -> memref<8x128xi32, #tpu.memory_space<hbm>>
      %dma_start3A_12 = arith.constant 0 : i32
      %dma_start3A_13 = tpu.memref_slice %arg3[%mul3A_10, %dma_start3A_12] : memref<2560x128xi32, #tpu.memory_space<hbm>> -> memref<8x128xi32, #tpu.memory_space<hbm>>
      tpu.enqueue_dma source(%dma_start3A_13 : memref<8x128xi32, #tpu.memory_space<hbm>>) target(%arg7 : memref<8x128xi32, #tpu.memory_space<vmem>>) target_semaphore(%arg16 : memref<!tpu.dma_semaphore, #tpu.memory_space<semaphore_mem>>)
      %dma_start3A_14 = arith.constant 0 : i32
      %dma_start3A_15 = tpu.memref_slice %arg4[%mul3A_10, %dma_start3A_14] : memref<2560x128xi32, #tpu.memory_space<hbm>> -> memref<8x128xi32, #tpu.memory_space<hbm>>
      %dma_start3A_16 = arith.constant 0 : i32
      %dma_start3A_17 = tpu.memref_slice %arg4[%mul3A_10, %dma_start3A_16] : memref<2560x128xi32, #tpu.memory_space<hbm>> -> memref<8x128xi32, #tpu.memory_space<hbm>>
      tpu.enqueue_dma source(%dma_start3A_17 : memref<8x128xi32, #tpu.memory_space<hbm>>) target(%arg9 : memref<8x128xi32, #tpu.memory_space<vmem>>) target_semaphore(%arg16 : memref<!tpu.dma_semaphore, #tpu.memory_space<semaphore_mem>>)
      %dma_wait3A = arith.constant 0 : i32
      %dma_wait3A_18 = tpu.memref_slice %arg3[%mul3A_10, %dma_wait3A] : memref<2560x128xi32, #tpu.memory_space<hbm>> -> memref<8x128xi32, #tpu.memory_space<hbm>>
      %dma_wait3A_19 = arith.constant 0 : i32
      %dma_wait3A_20 = tpu.memref_slice %arg3[%mul3A_10, %dma_wait3A_19] : memref<2560x128xi32, #tpu.memory_space<hbm>> -> memref<8x128xi32, #tpu.memory_space<hbm>>
      tpu.wait_dma2 semaphore(%arg16 : memref<!tpu.dma_semaphore, #tpu.memory_space<semaphore_mem>>) src(%dma_wait3A_20 : memref<8x128xi32, #tpu.memory_space<hbm>>) dst(%arg7 : memref<8x128xi32, #tpu.memory_space<vmem>>)
      %dma_wait3A_21 = arith.constant 0 : i32
      %dma_wait3A_22 = tpu.memref_slice %arg4[%mul3A_10, %dma_wait3A_21] : memref<2560x128xi32, #tpu.memory_space<hbm>> -> memref<8x128xi32, #tpu.memory_space<hbm>>
      %dma_wait3A_23 = arith.constant 0 : i32
      %dma_wait3A_24 = tpu.memref_slice %arg4[%mul3A_10, %dma_wait3A_23] : memref<2560x128xi32, #tpu.memory_space<hbm>> -> memref<8x128xi32, #tpu.memory_space<hbm>>
      tpu.wait_dma2 semaphore(%arg16 : memref<!tpu.dma_semaphore, #tpu.memory_space<semaphore_mem>>) src(%dma_wait3A_24 : memref<8x128xi32, #tpu.memory_space<hbm>>) dst(%arg9 : memref<8x128xi32, #tpu.memory_space<vmem>>)
      %dma_start3A_25 = arith.constant 0 : i32
      %dma_start3A_26 = arith.constant 0 : i32
      %dma_start3A_27 = tpu.memref_slice %arg7[%dma_start3A_25, %dma_start3A_26] : memref<8x128xi32, #tpu.memory_space<vmem>> -> memref<1x128xi32, #tpu.memory_space<vmem>>
      %dma_start3A_28 = tpu.memref_squeeze %dma_start3A_27 : memref<1x128xi32, #tpu.memory_space<vmem>> -> memref<128xi32, #tpu.memory_space<vmem>>
      %dma_start3A_29 = arith.constant 0 : i32
      %dma_start3A_30 = arith.constant 0 : i32
      %dma_start3A_31 = tpu.memref_slice %arg2[%dma_start3A_29, %dma_start3A_30] : memref<20000x128xf32, #tpu.memory_space<hbm>> -> memref<20000x128xf32, #tpu.memory_space<hbm>>
      tpu.enqueue_indirect_dma source(%dma_start3A_31 : memref<20000x128xf32, #tpu.memory_space<hbm>>) target(%arg11 : memref<128x128xf32, #tpu.memory_space<vmem>>) offsets(%dma_start3A_28 : memref<128xi32, #tpu.memory_space<vmem>>) semaphore(%arg14 : memref<!tpu.dma_semaphore, #tpu.memory_space<semaphore_mem>>)
      %dma_start3A_32 = arith.constant 1 : i32
      %dma_start3A_33 = arith.constant 0 : i32
      %dma_start3A_34 = tpu.memref_slice %arg7[%dma_start3A_32, %dma_start3A_33] : memref<8x128xi32, #tpu.memory_space<vmem>> -> memref<1x128xi32, #tpu.memory_space<vmem>>
      %dma_start3A_35 = tpu.memref_squeeze %dma_start3A_34 : memref<1x128xi32, #tpu.memory_space<vmem>> -> memref<128xi32, #tpu.memory_space<vmem>>
      %dma_start3A_36 = arith.constant 0 : i32
      %dma_start3A_37 = arith.constant 0 : i32
      %dma_start3A_38 = tpu.memref_slice %arg2[%dma_start3A_36, %dma_start3A_37] : memref<20000x128xf32, #tpu.memory_space<hbm>> -> memref<20000x128xf32, #tpu.memory_space<hbm>>
      tpu.enqueue_indirect_dma source(%dma_start3A_38 : memref<20000x128xf32, #tpu.memory_space<hbm>>) target(%arg12 : memref<128x128xf32, #tpu.memory_space<vmem>>) offsets(%dma_start3A_35 : memref<128xi32, #tpu.memory_space<vmem>>) semaphore(%arg15 : memref<!tpu.dma_semaphore, #tpu.memory_space<semaphore_mem>>)
      %add3A = arith.constant 8 : i32
      %add3A_39 = arith.addi %mul3A_10, %add3A : i32
      %dma_start3A_40 = arith.constant 0 : i32
      %dma_start3A_41 = tpu.memref_slice %arg3[%add3A_39, %dma_start3A_40] : memref<2560x128xi32, #tpu.memory_space<hbm>> -> memref<8x128xi32, #tpu.memory_space<hbm>>
      %dma_start3A_42 = arith.constant 0 : i32
      %dma_start3A_43 = tpu.memref_slice %arg3[%add3A_39, %dma_start3A_42] : memref<2560x128xi32, #tpu.memory_space<hbm>> -> memref<8x128xi32, #tpu.memory_space<hbm>>
      tpu.enqueue_dma source(%dma_start3A_43 : memref<8x128xi32, #tpu.memory_space<hbm>>) target(%arg8 : memref<8x128xi32, #tpu.memory_space<vmem>>) target_semaphore(%arg16 : memref<!tpu.dma_semaphore, #tpu.memory_space<semaphore_mem>>)
      %dma_start3A_44 = arith.constant 0 : i32
      %dma_start3A_45 = tpu.memref_slice %arg4[%add3A_39, %dma_start3A_44] : memref<2560x128xi32, #tpu.memory_space<hbm>> -> memref<8x128xi32, #tpu.memory_space<hbm>>
      %dma_start3A_46 = arith.constant 0 : i32
      %dma_start3A_47 = tpu.memref_slice %arg4[%add3A_39, %dma_start3A_46] : memref<2560x128xi32, #tpu.memory_space<hbm>> -> memref<8x128xi32, #tpu.memory_space<hbm>>
      tpu.enqueue_dma source(%dma_start3A_47 : memref<8x128xi32, #tpu.memory_space<hbm>>) target(%arg10 : memref<8x128xi32, #tpu.memory_space<vmem>>) target_semaphore(%arg16 : memref<!tpu.dma_semaphore, #tpu.memory_space<semaphore_mem>>)
      %scan3A = arith.constant 0 : i32
      %scan3A_48 = arith.constant 0 : i32
      %scan3A_49 = arith.constant 1 : i32
      %scan3A_50 = arith.constant 0 : i32
      %scan3A_51 = arith.constant 4 : i32
      %scan3A_52 = arith.addi %scan3A_50, %scan3A_51 : i32
      %scan3A_53 = arith.constant 1 : i32
      scf.for %scan3A_605 = %scan3A_50 to %scan3A_52 step %scan3A_53  : i32 {
        %mul3A_606 = arith.constant 2 : i32
        %mul3A_607 = arith.muli %mul3A_606, %scan3A_605 : i32
        %dma_wait3A_608 = arith.constant 0 : i32
        %dma_wait3A_609 = tpu.memref_slice %arg7[%scan3A_48, %dma_wait3A_608] : memref<8x128xi32, #tpu.memory_space<vmem>> -> memref<1x128xi32, #tpu.memory_space<vmem>>
        %dma_wait3A_610 = tpu.memref_squeeze %dma_wait3A_609 : memref<1x128xi32, #tpu.memory_space<vmem>> -> memref<128xi32, #tpu.memory_space<vmem>>
        %dma_wait3A_611 = arith.constant 0 : i32
        %dma_wait3A_612 = arith.constant 0 : i32
        %dma_wait3A_613 = tpu.memref_slice %arg2[%dma_wait3A_611, %dma_wait3A_612] : memref<20000x128xf32, #tpu.memory_space<hbm>> -> memref<20000x128xf32, #tpu.memory_space<hbm>>
        tpu.wait_indirect_dma semaphore(%arg14 : memref<!tpu.dma_semaphore, #tpu.memory_space<semaphore_mem>>) src(%dma_wait3A_613 : memref<20000x128xf32, #tpu.memory_space<hbm>>) dst(%arg11 : memref<128x128xf32, #tpu.memory_space<vmem>>)
        "tpu.region"() ({
          %run_scoped3A = tpu.sem_alloc : memref<!tpu.dma_semaphore, #tpu.memory_space<semaphore_mem>>
          %dma_start3A_635 = arith.constant 0 : i32
          %dma_start3A_636 = tpu.memref_slice %arg9[%mul3A_607, %dma_start3A_635] : memref<8x128xi32, #tpu.memory_space<vmem>> -> memref<1x128xi32, #tpu.memory_space<vmem>>
          %dma_start3A_637 = tpu.memref_squeeze %dma_start3A_636 : memref<1x128xi32, #tpu.memory_space<vmem>> -> memref<128xi32, #tpu.memory_space<vmem>>
          %dma_start3A_638 = arith.constant 0 : i32
          %dma_start3A_639 = arith.constant 0 : i32
          %dma_start3A_640 = tpu.memref_slice %arg13[%dma_start3A_638, %dma_start3A_639] : memref<10112x128xf32, #tpu.memory_space<vmem_shared>> -> memref<10112x128xf32, #tpu.memory_space<vmem_shared>>
          tpu.enqueue_indirect_dma source(%arg11 : memref<128x128xf32, #tpu.memory_space<vmem>>) target(%dma_start3A_640 : memref<10112x128xf32, #tpu.memory_space<vmem_shared>>) offsets(%dma_start3A_637 : memref<128xi32, #tpu.memory_space<vmem>>) semaphore(%run_scoped3A : memref<!tpu.dma_semaphore, #tpu.memory_space<semaphore_mem>>) {add = true}
          %dma_wait3A_641 = arith.constant 0 : i32
          %dma_wait3A_642 = tpu.memref_slice %arg9[%mul3A_607, %dma_wait3A_641] : memref<8x128xi32, #tpu.memory_space<vmem>> -> memref<1x128xi32, #tpu.memory_space<vmem>>
          %dma_wait3A_643 = tpu.memref_squeeze %dma_wait3A_642 : memref<1x128xi32, #tpu.memory_space<vmem>> -> memref<128xi32, #tpu.memory_space<vmem>>
          %dma_wait3A_644 = arith.constant 0 : i32
          %dma_wait3A_645 = arith.constant 0 : i32
          %dma_wait3A_646 = tpu.memref_slice %arg13[%dma_wait3A_644, %dma_wait3A_645] : memref<10112x128xf32, #tpu.memory_space<vmem_shared>> -> memref<10112x128xf32, #tpu.memory_space<vmem_shared>>
          tpu.wait_indirect_dma semaphore(%run_scoped3A : memref<!tpu.dma_semaphore, #tpu.memory_space<semaphore_mem>>) src(%arg11 : memref<128x128xf32, #tpu.memory_space<vmem>>) dst(%dma_wait3A_646 : memref<10112x128xf32, #tpu.memory_space<vmem_shared>>)
          tpu.yield
        }) : () -> ()
        %add3A_614 = arith.constant 2 : i32
        %add3A_615 = arith.addi %mul3A_607, %add3A_614 : i32
        %lt3A = arith.constant 8 : i32
        %lt3A_616 = arith.cmpi slt, %add3A_615, %lt3A : i32
        %convert_element_type3A_617 = arith.extui %lt3A_616 : i1 to i32
        %cond3A_618 = arith.constant 0 : i32
        %cond3A_619 = arith.cmpi ne, %convert_element_type3A_617, %cond3A_618 : i32
        scf.if %cond3A_619 {
          %add3A_635 = arith.constant 2 : i32
          %add3A_636 = arith.addi %mul3A_607, %add3A_635 : i32
          %dma_start3A_637 = arith.constant 0 : i32
          %dma_start3A_638 = tpu.memref_slice %arg7[%add3A_636, %dma_start3A_637] : memref<8x128xi32, #tpu.memory_space<vmem>> -> memref<1x128xi32, #tpu.memory_space<vmem>>
          %dma_start3A_639 = tpu.memref_squeeze %dma_start3A_638 : memref<1x128xi32, #tpu.memory_space<vmem>> -> memref<128xi32, #tpu.memory_space<vmem>>
          %dma_start3A_640 = arith.constant 0 : i32
          %dma_start3A_641 = arith.constant 0 : i32
          %dma_start3A_642 = tpu.memref_slice %arg2[%dma_start3A_640, %dma_start3A_641] : memref<20000x128xf32, #tpu.memory_space<hbm>> -> memref<20000x128xf32, #tpu.memory_space<hbm>>
          tpu.enqueue_indirect_dma source(%dma_start3A_642 : memref<20000x128xf32, #tpu.memory_space<hbm>>) target(%arg11 : memref<128x128xf32, #tpu.memory_space<vmem>>) offsets(%dma_start3A_639 : memref<128xi32, #tpu.memory_space<vmem>>) semaphore(%arg14 : memref<!tpu.dma_semaphore, #tpu.memory_space<semaphore_mem>>)
        } else {
        }
        %dma_wait3A_620 = arith.constant 0 : i32
        %dma_wait3A_621 = tpu.memref_slice %arg7[%scan3A_49, %dma_wait3A_620] : memref<8x128xi32, #tpu.memory_space<vmem>> -> memref<1x128xi32, #tpu.memory_space<vmem>>
        %dma_wait3A_622 = tpu.memref_squeeze %dma_wait3A_621 : memref<1x128xi32, #tpu.memory_space<vmem>> -> memref<128xi32, #tpu.memory_space<vmem>>
        %dma_wait3A_623 = arith.constant 0 : i32
        %dma_wait3A_624 = arith.constant 0 : i32
        %dma_wait3A_625 = tpu.memref_slice %arg2[%dma_wait3A_623, %dma_wait3A_624] : memref<20000x128xf32, #tpu.memory_space<hbm>> -> memref<20000x128xf32, #tpu.memory_space<hbm>>
        tpu.wait_indirect_dma semaphore(%arg15 : memref<!tpu.dma_semaphore, #tpu.memory_space<semaphore_mem>>) src(%dma_wait3A_625 : memref<20000x128xf32, #tpu.memory_space<hbm>>) dst(%arg12 : memref<128x128xf32, #tpu.memory_space<vmem>>)
        %add3A_626 = arith.constant 1 : i32
        %add3A_627 = arith.addi %mul3A_607, %add3A_626 : i32
        "tpu.region"() ({
          %run_scoped3A = tpu.sem_alloc : memref<!tpu.dma_semaphore, #tpu.memory_space<semaphore_mem>>
          %dma_start3A_635 = arith.constant 0 : i32
          %dma_start3A_636 = tpu.memref_slice %arg9[%add3A_627, %dma_start3A_635] : memref<8x128xi32, #tpu.memory_space<vmem>> -> memref<1x128xi32, #tpu.memory_space<vmem>>
          %dma_start3A_637 = tpu.memref_squeeze %dma_start3A_636 : memref<1x128xi32, #tpu.memory_space<vmem>> -> memref<128xi32, #tpu.memory_space<vmem>>
          %dma_start3A_638 = arith.constant 0 : i32
          %dma_start3A_639 = arith.constant 0 : i32
          %dma_start3A_640 = tpu.memref_slice %arg13[%dma_start3A_638, %dma_start3A_639] : memref<10112x128xf32, #tpu.memory_space<vmem_shared>> -> memref<10112x128xf32, #tpu.memory_space<vmem_shared>>
          tpu.enqueue_indirect_dma source(%arg12 : memref<128x128xf32, #tpu.memory_space<vmem>>) target(%dma_start3A_640 : memref<10112x128xf32, #tpu.memory_space<vmem_shared>>) offsets(%dma_start3A_637 : memref<128xi32, #tpu.memory_space<vmem>>) semaphore(%run_scoped3A : memref<!tpu.dma_semaphore, #tpu.memory_space<semaphore_mem>>) {add = true}
          %dma_wait3A_641 = arith.constant 0 : i32
          %dma_wait3A_642 = tpu.memref_slice %arg9[%add3A_627, %dma_wait3A_641] : memref<8x128xi32, #tpu.memory_space<vmem>> -> memref<1x128xi32, #tpu.memory_space<vmem>>
          %dma_wait3A_643 = tpu.memref_squeeze %dma_wait3A_642 : memref<1x128xi32, #tpu.memory_space<vmem>> -> memref<128xi32, #tpu.memory_space<vmem>>
          %dma_wait3A_644 = arith.constant 0 : i32
          %dma_wait3A_645 = arith.constant 0 : i32
          %dma_wait3A_646 = tpu.memref_slice %arg13[%dma_wait3A_644, %dma_wait3A_645] : memref<10112x128xf32, #tpu.memory_space<vmem_shared>> -> memref<10112x128xf32, #tpu.memory_space<vmem_shared>>
          tpu.wait_indirect_dma semaphore(%run_scoped3A : memref<!tpu.dma_semaphore, #tpu.memory_space<semaphore_mem>>) src(%arg12 : memref<128x128xf32, #tpu.memory_space<vmem>>) dst(%dma_wait3A_646 : memref<10112x128xf32, #tpu.memory_space<vmem_shared>>)
          tpu.yield
        }) : () -> ()
        %add3A_628 = arith.constant 3 : i32
        %add3A_629 = arith.addi %mul3A_607, %add3A_628 : i32
        %lt3A_630 = arith.constant 8 : i32
        %lt3A_631 = arith.cmpi slt, %add3A_629, %lt3A_630 : i32
        %convert_element_type3A_632 = arith.extui %lt3A_631 : i1 to i32
        %cond3A_633 = arith.constant 0 : i32
        %cond3A_634 = arith.cmpi ne, %convert_element_type3A_632, %cond3A_633 : i32
        scf.if %cond3A_634 {
          %add3A_635 = arith.constant 3 : i32
          %add3A_636 = arith.addi %mul3A_607, %add3A_635 : i32
          %dma_start3A_637 = arith.constant 0 : i32
          %dma_start3A_638 = tpu.memref_slice %arg7[%add3A_636, %dma_start3A_637] : memref<8x128xi32, #tpu.memory_space<vmem>> -> memref<1x128xi32, #tpu.memory_space<vmem>>
          %dma_start3A_639 = tpu.memref_squeeze %dma_start3A_638 : memref<1x128xi32, #tpu.memory_space<vmem>> -> memref<128xi32, #tpu.memory_space<vmem>>
          %dma_start3A_640 = arith.constant 0 : i32
          %dma_start3A_641 = arith.constant 0 : i32
          %dma_start3A_642 = tpu.memref_slice %arg2[%dma_start3A_640, %dma_start3A_641] : memref<20000x128xf32, #tpu.memory_space<hbm>> -> memref<20000x128xf32, #tpu.memory_space<hbm>>
          tpu.enqueue_indirect_dma source(%dma_start3A_642 : memref<20000x128xf32, #tpu.memory_space<hbm>>) target(%arg12 : memref<128x128xf32, #tpu.memory_space<vmem>>) offsets(%dma_start3A_639 : memref<128xi32, #tpu.memory_space<vmem>>) semaphore(%arg15 : memref<!tpu.dma_semaphore, #tpu.memory_space<semaphore_mem>>)
        } else {
        }
      }
      %scan3A_54 = arith.constant 4 : i32
      %dma_wait3A_55 = arith.constant 0 : i32
      %dma_wait3A_56 = tpu.memref_slice %arg3[%add3A_39, %dma_wait3A_55] : memref<2560x128xi32, #tpu.memory_space<hbm>> -> memref<8x128xi32, #tpu.memory_space<hbm>>
      %dma_wait3A_57 = arith.constant 0 : i32
      %dma_wait3A_58 = tpu.memref_slice %arg3[%add3A_39, %dma_wait3A_57] : memref<2560x128xi32, #tpu.memory_space<hbm>> -> memref<8x128xi32, #tpu.memory_space<hbm>>
      tpu.wait_dma2 semaphore(%arg16 : memref<!tpu.dma_semaphore, #tpu.memory_space<semaphore_mem>>) src(%dma_wait3A_58 : memref<8x128xi32, #tpu.memory_space<hbm>>) dst(%arg8 : memref<8x128xi32, #tpu.memory_space<vmem>>)
      %dma_wait3A_59 = arith.constant 0 : i32
      %dma_wait3A_60 = tpu.memref_slice %arg4[%add3A_39, %dma_wait3A_59] : memref<2560x128xi32, #tpu.memory_space<hbm>> -> memref<8x128xi32, #tpu.memory_space<hbm>>
      %dma_wait3A_61 = arith.constant 0 : i32
      %dma_wait3A_62 = tpu.memref_slice %arg4[%add3A_39, %dma_wait3A_61] : memref<2560x128xi32, #tpu.memory_space<hbm>> -> memref<8x128xi32, #tpu.memory_space<hbm>>
      tpu.wait_dma2 semaphore(%arg16 : memref<!tpu.dma_semaphore, #tpu.memory_space<semaphore_mem>>) src(%dma_wait3A_62 : memref<8x128xi32, #tpu.memory_space<hbm>>) dst(%arg10 : memref<8x128xi32, #tpu.memory_space<vmem>>)
      %dma_start3A_63 = arith.constant 0 : i32
      %dma_start3A_64 = arith.constant 0 : i32
      %dma_start3A_65 = tpu.memref_slice %arg8[%dma_start3A_63, %dma_start3A_64] : memref<8x128xi32, #tpu.memory_space<vmem>> -> memref<1x128xi32, #tpu.memory_space<vmem>>
      %dma_start3A_66 = tpu.memref_squeeze %dma_start3A_65 : memref<1x128xi32, #tpu.memory_space<vmem>> -> memref<128xi32, #tpu.memory_space<vmem>>
      %dma_start3A_67 = arith.constant 0 : i32
      %dma_start3A_68 = arith.constant 0 : i32
      %dma_start3A_69 = tpu.memref_slice %arg2[%dma_start3A_67, %dma_start3A_68] : memref<20000x128xf32, #tpu.memory_space<hbm>> -> memref<20000x128xf32, #tpu.memory_space<hbm>>
      tpu.enqueue_indirect_dma source(%dma_start3A_69 : memref<20000x128xf32, #tpu.memory_space<hbm>>) target(%arg11 : memref<128x128xf32, #tpu.memory_space<vmem>>) offsets(%dma_start3A_66 : memref<128xi32, #tpu.memory_space<vmem>>) semaphore(%arg14 : memref<!tpu.dma_semaphore, #tpu.memory_space<semaphore_mem>>)
      %dma_start3A_70 = arith.constant 1 : i32
      %dma_start3A_71 = arith.constant 0 : i32
      %dma_start3A_72 = tpu.memref_slice %arg8[%dma_start3A_70, %dma_start3A_71] : memref<8x128xi32, #tpu.memory_space<vmem>> -> memref<1x128xi32, #tpu.memory_space<vmem>>
      %dma_start3A_73 = tpu.memref_squeeze %dma_start3A_72 : memref<1x128xi32, #tpu.memory_space<vmem>> -> memref<128xi32, #tpu.memory_space<vmem>>
      %dma_start3A_74 = arith.constant 0 : i32
      %dma_start3A_75 = arith.constant 0 : i32
      %dma_start3A_76 = tpu.memref_slice %arg2[%dma_start3A_74, %dma_start3A_75] : memref<20000x128xf32, #tpu.memory_space<hbm>> -> memref<20000x128xf32, #tpu.memory_space<hbm>>
      tpu.enqueue_indirect_dma source(%dma_start3A_76 : memref<20000x128xf32, #tpu.memory_space<hbm>>) target(%arg12 : memref<128x128xf32, #tpu.memory_space<vmem>>) offsets(%dma_start3A_73 : memref<128xi32, #tpu.memory_space<vmem>>) semaphore(%arg15 : memref<!tpu.dma_semaphore, #tpu.memory_space<semaphore_mem>>)
      %add3A_77 = arith.constant 16 : i32
      %add3A_78 = arith.addi %mul3A_10, %add3A_77 : i32
      %dma_start3A_79 = arith.constant 0 : i32
      %dma_start3A_80 = tpu.memref_slice %arg3[%add3A_78, %dma_start3A_79] : memref<2560x128xi32, #tpu.memory_space<hbm>> -> memref<8x128xi32, #tpu.memory_space<hbm>>
      %dma_start3A_81 = arith.constant 0 : i32
      %dma_start3A_82 = tpu.memref_slice %arg3[%add3A_78, %dma_start3A_81] : memref<2560x128xi32, #tpu.memory_space<hbm>> -> memref<8x128xi32, #tpu.memory_space<hbm>>
      tpu.enqueue_dma source(%dma_start3A_82 : memref<8x128xi32, #tpu.memory_space<hbm>>) target(%arg7 : memref<8x128xi32, #tpu.memory_space<vmem>>) target_semaphore(%arg16 : memref<!tpu.dma_semaphore, #tpu.memory_space<semaphore_mem>>)
      %dma_start3A_83 = arith.constant 0 : i32
      %dma_start3A_84 = tpu.memref_slice %arg4[%add3A_78, %dma_start3A_83] : memref<2560x128xi32, #tpu.memory_space<hbm>> -> memref<8x128xi32, #tpu.memory_space<hbm>>
      %dma_start3A_85 = arith.constant 0 : i32
      %dma_start3A_86 = tpu.memref_slice %arg4[%add3A_78, %dma_start3A_85] : memref<2560x128xi32, #tpu.memory_space<hbm>> -> memref<8x128xi32, #tpu.memory_space<hbm>>
      tpu.enqueue_dma source(%dma_start3A_86 : memref<8x128xi32, #tpu.memory_space<hbm>>) target(%arg9 : memref<8x128xi32, #tpu.memory_space<vmem>>) target_semaphore(%arg16 : memref<!tpu.dma_semaphore, #tpu.memory_space<semaphore_mem>>)
      %scan3A_87 = arith.constant 0 : i32
      %scan3A_88 = arith.constant 0 : i32
      %scan3A_89 = arith.constant 1 : i32
      %scan3A_90 = arith.constant 0 : i32
      %scan3A_91 = arith.constant 4 : i32
      %scan3A_92 = arith.addi %scan3A_90, %scan3A_91 : i32
      %scan3A_93 = arith.constant 1 : i32
      scf.for %scan3A_605 = %scan3A_90 to %scan3A_92 step %scan3A_93  : i32 {
        %mul3A_606 = arith.constant 2 : i32
        %mul3A_607 = arith.muli %mul3A_606, %scan3A_605 : i32
        %dma_wait3A_608 = arith.constant 0 : i32
        %dma_wait3A_609 = tpu.memref_slice %arg8[%scan3A_88, %dma_wait3A_608] : memref<8x128xi32, #tpu.memory_space<vmem>> -> memref<1x128xi32, #tpu.memory_space<vmem>>
        %dma_wait3A_610 = tpu.memref_squeeze %dma_wait3A_609 : memref<1x128xi32, #tpu.memory_space<vmem>> -> memref<128xi32, #tpu.memory_space<vmem>>
        %dma_wait3A_611 = arith.constant 0 : i32
        %dma_wait3A_612 = arith.constant 0 : i32
        %dma_wait3A_613 = tpu.memref_slice %arg2[%dma_wait3A_611, %dma_wait3A_612] : memref<20000x128xf32, #tpu.memory_space<hbm>> -> memref<20000x128xf32, #tpu.memory_space<hbm>>
        tpu.wait_indirect_dma semaphore(%arg14 : memref<!tpu.dma_semaphore, #tpu.memory_space<semaphore_mem>>) src(%dma_wait3A_613 : memref<20000x128xf32, #tpu.memory_space<hbm>>) dst(%arg11 : memref<128x128xf32, #tpu.memory_space<vmem>>)
        "tpu.region"() ({
          %run_scoped3A = tpu.sem_alloc : memref<!tpu.dma_semaphore, #tpu.memory_space<semaphore_mem>>
          %dma_start3A_635 = arith.constant 0 : i32
          %dma_start3A_636 = tpu.memref_slice %arg10[%mul3A_607, %dma_start3A_635] : memref<8x128xi32, #tpu.memory_space<vmem>> -> memref<1x128xi32, #tpu.memory_space<vmem>>
          %dma_start3A_637 = tpu.memref_squeeze %dma_start3A_636 : memref<1x128xi32, #tpu.memory_space<vmem>> -> memref<128xi32, #tpu.memory_space<vmem>>
          %dma_start3A_638 = arith.constant 0 : i32
          %dma_start3A_639 = arith.constant 0 : i32
          %dma_start3A_640 = tpu.memref_slice %arg13[%dma_start3A_638, %dma_start3A_639] : memref<10112x128xf32, #tpu.memory_space<vmem_shared>> -> memref<10112x128xf32, #tpu.memory_space<vmem_shared>>
          tpu.enqueue_indirect_dma source(%arg11 : memref<128x128xf32, #tpu.memory_space<vmem>>) target(%dma_start3A_640 : memref<10112x128xf32, #tpu.memory_space<vmem_shared>>) offsets(%dma_start3A_637 : memref<128xi32, #tpu.memory_space<vmem>>) semaphore(%run_scoped3A : memref<!tpu.dma_semaphore, #tpu.memory_space<semaphore_mem>>) {add = true}
          %dma_wait3A_641 = arith.constant 0 : i32
          %dma_wait3A_642 = tpu.memref_slice %arg10[%mul3A_607, %dma_wait3A_641] : memref<8x128xi32, #tpu.memory_space<vmem>> -> memref<1x128xi32, #tpu.memory_space<vmem>>
          %dma_wait3A_643 = tpu.memref_squeeze %dma_wait3A_642 : memref<1x128xi32, #tpu.memory_space<vmem>> -> memref<128xi32, #tpu.memory_space<vmem>>
          %dma_wait3A_644 = arith.constant 0 : i32
          %dma_wait3A_645 = arith.constant 0 : i32
          %dma_wait3A_646 = tpu.memref_slice %arg13[%dma_wait3A_644, %dma_wait3A_645] : memref<10112x128xf32, #tpu.memory_space<vmem_shared>> -> memref<10112x128xf32, #tpu.memory_space<vmem_shared>>
          tpu.wait_indirect_dma semaphore(%run_scoped3A : memref<!tpu.dma_semaphore, #tpu.memory_space<semaphore_mem>>) src(%arg11 : memref<128x128xf32, #tpu.memory_space<vmem>>) dst(%dma_wait3A_646 : memref<10112x128xf32, #tpu.memory_space<vmem_shared>>)
          tpu.yield
        }) : () -> ()
        %add3A_614 = arith.constant 2 : i32
        %add3A_615 = arith.addi %mul3A_607, %add3A_614 : i32
        %lt3A = arith.constant 8 : i32
        %lt3A_616 = arith.cmpi slt, %add3A_615, %lt3A : i32
        %convert_element_type3A_617 = arith.extui %lt3A_616 : i1 to i32
        %cond3A_618 = arith.constant 0 : i32
        %cond3A_619 = arith.cmpi ne, %convert_element_type3A_617, %cond3A_618 : i32
        scf.if %cond3A_619 {
          %add3A_635 = arith.constant 2 : i32
          %add3A_636 = arith.addi %mul3A_607, %add3A_635 : i32
          %dma_start3A_637 = arith.constant 0 : i32
          %dma_start3A_638 = tpu.memref_slice %arg8[%add3A_636, %dma_start3A_637] : memref<8x128xi32, #tpu.memory_space<vmem>> -> memref<1x128xi32, #tpu.memory_space<vmem>>
          %dma_start3A_639 = tpu.memref_squeeze %dma_start3A_638 : memref<1x128xi32, #tpu.memory_space<vmem>> -> memref<128xi32, #tpu.memory_space<vmem>>
          %dma_start3A_640 = arith.constant 0 : i32
          %dma_start3A_641 = arith.constant 0 : i32
          %dma_start3A_642 = tpu.memref_slice %arg2[%dma_start3A_640, %dma_start3A_641] : memref<20000x128xf32, #tpu.memory_space<hbm>> -> memref<20000x128xf32, #tpu.memory_space<hbm>>
          tpu.enqueue_indirect_dma source(%dma_start3A_642 : memref<20000x128xf32, #tpu.memory_space<hbm>>) target(%arg11 : memref<128x128xf32, #tpu.memory_space<vmem>>) offsets(%dma_start3A_639 : memref<128xi32, #tpu.memory_space<vmem>>) semaphore(%arg14 : memref<!tpu.dma_semaphore, #tpu.memory_space<semaphore_mem>>)
        } else {
        }
        %dma_wait3A_620 = arith.constant 0 : i32
        %dma_wait3A_621 = tpu.memref_slice %arg8[%scan3A_89, %dma_wait3A_620] : memref<8x128xi32, #tpu.memory_space<vmem>> -> memref<1x128xi32, #tpu.memory_space<vmem>>
        %dma_wait3A_622 = tpu.memref_squeeze %dma_wait3A_621 : memref<1x128xi32, #tpu.memory_space<vmem>> -> memref<128xi32, #tpu.memory_space<vmem>>
        %dma_wait3A_623 = arith.constant 0 : i32
        %dma_wait3A_624 = arith.constant 0 : i32
        %dma_wait3A_625 = tpu.memref_slice %arg2[%dma_wait3A_623, %dma_wait3A_624] : memref<20000x128xf32, #tpu.memory_space<hbm>> -> memref<20000x128xf32, #tpu.memory_space<hbm>>
        tpu.wait_indirect_dma semaphore(%arg15 : memref<!tpu.dma_semaphore, #tpu.memory_space<semaphore_mem>>) src(%dma_wait3A_625 : memref<20000x128xf32, #tpu.memory_space<hbm>>) dst(%arg12 : memref<128x128xf32, #tpu.memory_space<vmem>>)
        %add3A_626 = arith.constant 1 : i32
        %add3A_627 = arith.addi %mul3A_607, %add3A_626 : i32
        "tpu.region"() ({
          %run_scoped3A = tpu.sem_alloc : memref<!tpu.dma_semaphore, #tpu.memory_space<semaphore_mem>>
          %dma_start3A_635 = arith.constant 0 : i32
          %dma_start3A_636 = tpu.memref_slice %arg10[%add3A_627, %dma_start3A_635] : memref<8x128xi32, #tpu.memory_space<vmem>> -> memref<1x128xi32, #tpu.memory_space<vmem>>
          %dma_start3A_637 = tpu.memref_squeeze %dma_start3A_636 : memref<1x128xi32, #tpu.memory_space<vmem>> -> memref<128xi32, #tpu.memory_space<vmem>>
          %dma_start3A_638 = arith.constant 0 : i32
          %dma_start3A_639 = arith.constant 0 : i32
          %dma_start3A_640 = tpu.memref_slice %arg13[%dma_start3A_638, %dma_start3A_639] : memref<10112x128xf32, #tpu.memory_space<vmem_shared>> -> memref<10112x128xf32, #tpu.memory_space<vmem_shared>>
          tpu.enqueue_indirect_dma source(%arg12 : memref<128x128xf32, #tpu.memory_space<vmem>>) target(%dma_start3A_640 : memref<10112x128xf32, #tpu.memory_space<vmem_shared>>) offsets(%dma_start3A_637 : memref<128xi32, #tpu.memory_space<vmem>>) semaphore(%run_scoped3A : memref<!tpu.dma_semaphore, #tpu.memory_space<semaphore_mem>>) {add = true}
          %dma_wait3A_641 = arith.constant 0 : i32
          %dma_wait3A_642 = tpu.memref_slice %arg10[%add3A_627, %dma_wait3A_641] : memref<8x128xi32, #tpu.memory_space<vmem>> -> memref<1x128xi32, #tpu.memory_space<vmem>>
          %dma_wait3A_643 = tpu.memref_squeeze %dma_wait3A_642 : memref<1x128xi32, #tpu.memory_space<vmem>> -> memref<128xi32, #tpu.memory_space<vmem>>
          %dma_wait3A_644 = arith.constant 0 : i32
          %dma_wait3A_645 = arith.constant 0 : i32
          %dma_wait3A_646 = tpu.memref_slice %arg13[%dma_wait3A_644, %dma_wait3A_645] : memref<10112x128xf32, #tpu.memory_space<vmem_shared>> -> memref<10112x128xf32, #tpu.memory_space<vmem_shared>>
          tpu.wait_indirect_dma semaphore(%run_scoped3A : memref<!tpu.dma_semaphore, #tpu.memory_space<semaphore_mem>>) src(%arg12 : memref<128x128xf32, #tpu.memory_space<vmem>>) dst(%dma_wait3A_646 : memref<10112x128xf32, #tpu.memory_space<vmem_shared>>)
          tpu.yield
        }) : () -> ()
        %add3A_628 = arith.constant 3 : i32
        %add3A_629 = arith.addi %mul3A_607, %add3A_628 : i32
        %lt3A_630 = arith.constant 8 : i32
        %lt3A_631 = arith.cmpi slt, %add3A_629, %lt3A_630 : i32
        %convert_element_type3A_632 = arith.extui %lt3A_631 : i1 to i32
        %cond3A_633 = arith.constant 0 : i32
        %cond3A_634 = arith.cmpi ne, %convert_element_type3A_632, %cond3A_633 : i32
        scf.if %cond3A_634 {
          %add3A_635 = arith.constant 3 : i32
          %add3A_636 = arith.addi %mul3A_607, %add3A_635 : i32
          %dma_start3A_637 = arith.constant 0 : i32
          %dma_start3A_638 = tpu.memref_slice %arg8[%add3A_636, %dma_start3A_637] : memref<8x128xi32, #tpu.memory_space<vmem>> -> memref<1x128xi32, #tpu.memory_space<vmem>>
          %dma_start3A_639 = tpu.memref_squeeze %dma_start3A_638 : memref<1x128xi32, #tpu.memory_space<vmem>> -> memref<128xi32, #tpu.memory_space<vmem>>
          %dma_start3A_640 = arith.constant 0 : i32
          %dma_start3A_641 = arith.constant 0 : i32
          %dma_start3A_642 = tpu.memref_slice %arg2[%dma_start3A_640, %dma_start3A_641] : memref<20000x128xf32, #tpu.memory_space<hbm>> -> memref<20000x128xf32, #tpu.memory_space<hbm>>
          tpu.enqueue_indirect_dma source(%dma_start3A_642 : memref<20000x128xf32, #tpu.memory_space<hbm>>) target(%arg12 : memref<128x128xf32, #tpu.memory_space<vmem>>) offsets(%dma_start3A_639 : memref<128xi32, #tpu.memory_space<vmem>>) semaphore(%arg15 : memref<!tpu.dma_semaphore, #tpu.memory_space<semaphore_mem>>)
        } else {
        }
      }
      %scan3A_94 = arith.constant 4 : i32
      %dma_wait3A_95 = arith.constant 0 : i32
      %dma_wait3A_96 = tpu.memref_slice %arg3[%add3A_78, %dma_wait3A_95] : memref<2560x128xi32, #tpu.memory_space<hbm>> -> memref<8x128xi32, #tpu.memory_space<hbm>>
      %dma_wait3A_97 = arith.constant 0 : i32
      %dma_wait3A_98 = tpu.memref_slice %arg3[%add3A_78, %dma_wait3A_97] : memref<2560x128xi32, #tpu.memory_space<hbm>> -> memref<8x128xi32, #tpu.memory_space<hbm>>
      tpu.wait_dma2 semaphore(%arg16 : memref<!tpu.dma_semaphore, #tpu.memory_space<semaphore_mem>>) src(%dma_wait3A_98 : memref<8x128xi32, #tpu.memory_space<hbm>>) dst(%arg7 : memref<8x128xi32, #tpu.memory_space<vmem>>)
      %dma_wait3A_99 = arith.constant 0 : i32
      %dma_wait3A_100 = tpu.memref_slice %arg4[%add3A_78, %dma_wait3A_99] : memref<2560x128xi32, #tpu.memory_space<hbm>> -> memref<8x128xi32, #tpu.memory_space<hbm>>
      %dma_wait3A_101 = arith.constant 0 : i32
      %dma_wait3A_102 = tpu.memref_slice %arg4[%add3A_78, %dma_wait3A_101] : memref<2560x128xi32, #tpu.memory_space<hbm>> -> memref<8x128xi32, #tpu.memory_space<hbm>>
      tpu.wait_dma2 semaphore(%arg16 : memref<!tpu.dma_semaphore, #tpu.memory_space<semaphore_mem>>) src(%dma_wait3A_102 : memref<8x128xi32, #tpu.memory_space<hbm>>) dst(%arg9 : memref<8x128xi32, #tpu.memory_space<vmem>>)
      %dma_start3A_103 = arith.constant 0 : i32
      %dma_start3A_104 = arith.constant 0 : i32
      %dma_start3A_105 = tpu.memref_slice %arg7[%dma_start3A_103, %dma_start3A_104] : memref<8x128xi32, #tpu.memory_space<vmem>> -> memref<1x128xi32, #tpu.memory_space<vmem>>
      %dma_start3A_106 = tpu.memref_squeeze %dma_start3A_105 : memref<1x128xi32, #tpu.memory_space<vmem>> -> memref<128xi32, #tpu.memory_space<vmem>>
      %dma_start3A_107 = arith.constant 0 : i32
      %dma_start3A_108 = arith.constant 0 : i32
      %dma_start3A_109 = tpu.memref_slice %arg2[%dma_start3A_107, %dma_start3A_108] : memref<20000x128xf32, #tpu.memory_space<hbm>> -> memref<20000x128xf32, #tpu.memory_space<hbm>>
      tpu.enqueue_indirect_dma source(%dma_start3A_109 : memref<20000x128xf32, #tpu.memory_space<hbm>>) target(%arg11 : memref<128x128xf32, #tpu.memory_space<vmem>>) offsets(%dma_start3A_106 : memref<128xi32, #tpu.memory_space<vmem>>) semaphore(%arg14 : memref<!tpu.dma_semaphore, #tpu.memory_space<semaphore_mem>>)
      %dma_start3A_110 = arith.constant 1 : i32
      %dma_start3A_111 = arith.constant 0 : i32
      %dma_start3A_112 = tpu.memref_slice %arg7[%dma_start3A_110, %dma_start3A_111] : memref<8x128xi32, #tpu.memory_space<vmem>> -> memref<1x128xi32, #tpu.memory_space<vmem>>
      %dma_start3A_113 = tpu.memref_squeeze %dma_start3A_112 : memref<1x128xi32, #tpu.memory_space<vmem>> -> memref<128xi32, #tpu.memory_space<vmem>>
      %dma_start3A_114 = arith.constant 0 : i32
      %dma_start3A_115 = arith.constant 0 : i32
      %dma_start3A_116 = tpu.memref_slice %arg2[%dma_start3A_114, %dma_start3A_115] : memref<20000x128xf32, #tpu.memory_space<hbm>> -> memref<20000x128xf32, #tpu.memory_space<hbm>>
      tpu.enqueue_indirect_dma source(%dma_start3A_116 : memref<20000x128xf32, #tpu.memory_space<hbm>>) target(%arg12 : memref<128x128xf32, #tpu.memory_space<vmem>>) offsets(%dma_start3A_113 : memref<128xi32, #tpu.memory_space<vmem>>) semaphore(%arg15 : memref<!tpu.dma_semaphore, #tpu.memory_space<semaphore_mem>>)
      %add3A_117 = arith.constant 24 : i32
      %add3A_118 = arith.addi %mul3A_10, %add3A_117 : i32
      %dma_start3A_119 = arith.constant 0 : i32
      %dma_start3A_120 = tpu.memref_slice %arg3[%add3A_118, %dma_start3A_119] : memref<2560x128xi32, #tpu.memory_space<hbm>> -> memref<8x128xi32, #tpu.memory_space<hbm>>
      %dma_start3A_121 = arith.constant 0 : i32
      %dma_start3A_122 = tpu.memref_slice %arg3[%add3A_118, %dma_start3A_121] : memref<2560x128xi32, #tpu.memory_space<hbm>> -> memref<8x128xi32, #tpu.memory_space<hbm>>
      tpu.enqueue_dma source(%dma_start3A_122 : memref<8x128xi32, #tpu.memory_space<hbm>>) target(%arg8 : memref<8x128xi32, #tpu.memory_space<vmem>>) target_semaphore(%arg16 : memref<!tpu.dma_semaphore, #tpu.memory_space<semaphore_mem>>)
      %dma_start3A_123 = arith.constant 0 : i32
      %dma_start3A_124 = tpu.memref_slice %arg4[%add3A_118, %dma_start3A_123] : memref<2560x128xi32, #tpu.memory_space<hbm>> -> memref<8x128xi32, #tpu.memory_space<hbm>>
      %dma_start3A_125 = arith.constant 0 : i32
      %dma_start3A_126 = tpu.memref_slice %arg4[%add3A_118, %dma_start3A_125] : memref<2560x128xi32, #tpu.memory_space<hbm>> -> memref<8x128xi32, #tpu.memory_space<hbm>>
      tpu.enqueue_dma source(%dma_start3A_126 : memref<8x128xi32, #tpu.memory_space<hbm>>) target(%arg10 : memref<8x128xi32, #tpu.memory_space<vmem>>) target_semaphore(%arg16 : memref<!tpu.dma_semaphore, #tpu.memory_space<semaphore_mem>>)
      %scan3A_127 = arith.constant 0 : i32
      %scan3A_128 = arith.constant 0 : i32
      %scan3A_129 = arith.constant 1 : i32
      %scan3A_130 = arith.constant 0 : i32
      %scan3A_131 = arith.constant 4 : i32
      %scan3A_132 = arith.addi %scan3A_130, %scan3A_131 : i32
      %scan3A_133 = arith.constant 1 : i32
      scf.for %scan3A_605 = %scan3A_130 to %scan3A_132 step %scan3A_133  : i32 {
        %mul3A_606 = arith.constant 2 : i32
        %mul3A_607 = arith.muli %mul3A_606, %scan3A_605 : i32
        %dma_wait3A_608 = arith.constant 0 : i32
        %dma_wait3A_609 = tpu.memref_slice %arg7[%scan3A_128, %dma_wait3A_608] : memref<8x128xi32, #tpu.memory_space<vmem>> -> memref<1x128xi32, #tpu.memory_space<vmem>>
        %dma_wait3A_610 = tpu.memref_squeeze %dma_wait3A_609 : memref<1x128xi32, #tpu.memory_space<vmem>> -> memref<128xi32, #tpu.memory_space<vmem>>
        %dma_wait3A_611 = arith.constant 0 : i32
        %dma_wait3A_612 = arith.constant 0 : i32
        %dma_wait3A_613 = tpu.memref_slice %arg2[%dma_wait3A_611, %dma_wait3A_612] : memref<20000x128xf32, #tpu.memory_space<hbm>> -> memref<20000x128xf32, #tpu.memory_space<hbm>>
        tpu.wait_indirect_dma semaphore(%arg14 : memref<!tpu.dma_semaphore, #tpu.memory_space<semaphore_mem>>) src(%dma_wait3A_613 : memref<20000x128xf32, #tpu.memory_space<hbm>>) dst(%arg11 : memref<128x128xf32, #tpu.memory_space<vmem>>)
        "tpu.region"() ({
          %run_scoped3A = tpu.sem_alloc : memref<!tpu.dma_semaphore, #tpu.memory_space<semaphore_mem>>
          %dma_start3A_635 = arith.constant 0 : i32
          %dma_start3A_636 = tpu.memref_slice %arg9[%mul3A_607, %dma_start3A_635] : memref<8x128xi32, #tpu.memory_space<vmem>> -> memref<1x128xi32, #tpu.memory_space<vmem>>
          %dma_start3A_637 = tpu.memref_squeeze %dma_start3A_636 : memref<1x128xi32, #tpu.memory_space<vmem>> -> memref<128xi32, #tpu.memory_space<vmem>>
          %dma_start3A_638 = arith.constant 0 : i32
          %dma_start3A_639 = arith.constant 0 : i32
          %dma_start3A_640 = tpu.memref_slice %arg13[%dma_start3A_638, %dma_start3A_639] : memref<10112x128xf32, #tpu.memory_space<vmem_shared>> -> memref<10112x128xf32, #tpu.memory_space<vmem_shared>>
          tpu.enqueue_indirect_dma source(%arg11 : memref<128x128xf32, #tpu.memory_space<vmem>>) target(%dma_start3A_640 : memref<10112x128xf32, #tpu.memory_space<vmem_shared>>) offsets(%dma_start3A_637 : memref<128xi32, #tpu.memory_space<vmem>>) semaphore(%run_scoped3A : memref<!tpu.dma_semaphore, #tpu.memory_space<semaphore_mem>>) {add = true}
          %dma_wait3A_641 = arith.constant 0 : i32
          %dma_wait3A_642 = tpu.memref_slice %arg9[%mul3A_607, %dma_wait3A_641] : memref<8x128xi32, #tpu.memory_space<vmem>> -> memref<1x128xi32, #tpu.memory_space<vmem>>
          %dma_wait3A_643 = tpu.memref_squeeze %dma_wait3A_642 : memref<1x128xi32, #tpu.memory_space<vmem>> -> memref<128xi32, #tpu.memory_space<vmem>>
          %dma_wait3A_644 = arith.constant 0 : i32
          %dma_wait3A_645 = arith.constant 0 : i32
          %dma_wait3A_646 = tpu.memref_slice %arg13[%dma_wait3A_644, %dma_wait3A_645] : memref<10112x128xf32, #tpu.memory_space<vmem_shared>> -> memref<10112x128xf32, #tpu.memory_space<vmem_shared>>
          tpu.wait_indirect_dma semaphore(%run_scoped3A : memref<!tpu.dma_semaphore, #tpu.memory_space<semaphore_mem>>) src(%arg11 : memref<128x128xf32, #tpu.memory_space<vmem>>) dst(%dma_wait3A_646 : memref<10112x128xf32, #tpu.memory_space<vmem_shared>>)
          tpu.yield
        }) : () -> ()
        %add3A_614 = arith.constant 2 : i32
        %add3A_615 = arith.addi %mul3A_607, %add3A_614 : i32
        %lt3A = arith.constant 8 : i32
        %lt3A_616 = arith.cmpi slt, %add3A_615, %lt3A : i32
        %convert_element_type3A_617 = arith.extui %lt3A_616 : i1 to i32
        %cond3A_618 = arith.constant 0 : i32
        %cond3A_619 = arith.cmpi ne, %convert_element_type3A_617, %cond3A_618 : i32
        scf.if %cond3A_619 {
          %add3A_635 = arith.constant 2 : i32
          %add3A_636 = arith.addi %mul3A_607, %add3A_635 : i32
          %dma_start3A_637 = arith.constant 0 : i32
          %dma_start3A_638 = tpu.memref_slice %arg7[%add3A_636, %dma_start3A_637] : memref<8x128xi32, #tpu.memory_space<vmem>> -> memref<1x128xi32, #tpu.memory_space<vmem>>
          %dma_start3A_639 = tpu.memref_squeeze %dma_start3A_638 : memref<1x128xi32, #tpu.memory_space<vmem>> -> memref<128xi32, #tpu.memory_space<vmem>>
          %dma_start3A_640 = arith.constant 0 : i32
          %dma_start3A_641 = arith.constant 0 : i32
          %dma_start3A_642 = tpu.memref_slice %arg2[%dma_start3A_640, %dma_start3A_641] : memref<20000x128xf32, #tpu.memory_space<hbm>> -> memref<20000x128xf32, #tpu.memory_space<hbm>>
          tpu.enqueue_indirect_dma source(%dma_start3A_642 : memref<20000x128xf32, #tpu.memory_space<hbm>>) target(%arg11 : memref<128x128xf32, #tpu.memory_space<vmem>>) offsets(%dma_start3A_639 : memref<128xi32, #tpu.memory_space<vmem>>) semaphore(%arg14 : memref<!tpu.dma_semaphore, #tpu.memory_space<semaphore_mem>>)
        } else {
        }
        %dma_wait3A_620 = arith.constant 0 : i32
        %dma_wait3A_621 = tpu.memref_slice %arg7[%scan3A_129, %dma_wait3A_620] : memref<8x128xi32, #tpu.memory_space<vmem>> -> memref<1x128xi32, #tpu.memory_space<vmem>>
        %dma_wait3A_622 = tpu.memref_squeeze %dma_wait3A_621 : memref<1x128xi32, #tpu.memory_space<vmem>> -> memref<128xi32, #tpu.memory_space<vmem>>
        %dma_wait3A_623 = arith.constant 0 : i32
        %dma_wait3A_624 = arith.constant 0 : i32
        %dma_wait3A_625 = tpu.memref_slice %arg2[%dma_wait3A_623, %dma_wait3A_624] : memref<20000x128xf32, #tpu.memory_space<hbm>> -> memref<20000x128xf32, #tpu.memory_space<hbm>>
        tpu.wait_indirect_dma semaphore(%arg15 : memref<!tpu.dma_semaphore, #tpu.memory_space<semaphore_mem>>) src(%dma_wait3A_625 : memref<20000x128xf32, #tpu.memory_space<hbm>>) dst(%arg12 : memref<128x128xf32, #tpu.memory_space<vmem>>)
        %add3A_626 = arith.constant 1 : i32
        %add3A_627 = arith.addi %mul3A_607, %add3A_626 : i32
        "tpu.region"() ({
          %run_scoped3A = tpu.sem_alloc : memref<!tpu.dma_semaphore, #tpu.memory_space<semaphore_mem>>
          %dma_start3A_635 = arith.constant 0 : i32
          %dma_start3A_636 = tpu.memref_slice %arg9[%add3A_627, %dma_start3A_635] : memref<8x128xi32, #tpu.memory_space<vmem>> -> memref<1x128xi32, #tpu.memory_space<vmem>>
          %dma_start3A_637 = tpu.memref_squeeze %dma_start3A_636 : memref<1x128xi32, #tpu.memory_space<vmem>> -> memref<128xi32, #tpu.memory_space<vmem>>
          %dma_start3A_638 = arith.constant 0 : i32
          %dma_start3A_639 = arith.constant 0 : i32
          %dma_start3A_640 = tpu.memref_slice %arg13[%dma_start3A_638, %dma_start3A_639] : memref<10112x128xf32, #tpu.memory_space<vmem_shared>> -> memref<10112x128xf32, #tpu.memory_space<vmem_shared>>
          tpu.enqueue_indirect_dma source(%arg12 : memref<128x128xf32, #tpu.memory_space<vmem>>) target(%dma_start3A_640 : memref<10112x128xf32, #tpu.memory_space<vmem_shared>>) offsets(%dma_start3A_637 : memref<128xi32, #tpu.memory_space<vmem>>) semaphore(%run_scoped3A : memref<!tpu.dma_semaphore, #tpu.memory_space<semaphore_mem>>) {add = true}
          %dma_wait3A_641 = arith.constant 0 : i32
          %dma_wait3A_642 = tpu.memref_slice %arg9[%add3A_627, %dma_wait3A_641] : memref<8x128xi32, #tpu.memory_space<vmem>> -> memref<1x128xi32, #tpu.memory_space<vmem>>
          %dma_wait3A_643 = tpu.memref_squeeze %dma_wait3A_642 : memref<1x128xi32, #tpu.memory_space<vmem>> -> memref<128xi32, #tpu.memory_space<vmem>>
          %dma_wait3A_644 = arith.constant 0 : i32
          %dma_wait3A_645 = arith.constant 0 : i32
          %dma_wait3A_646 = tpu.memref_slice %arg13[%dma_wait3A_644, %dma_wait3A_645] : memref<10112x128xf32, #tpu.memory_space<vmem_shared>> -> memref<10112x128xf32, #tpu.memory_space<vmem_shared>>
          tpu.wait_indirect_dma semaphore(%run_scoped3A : memref<!tpu.dma_semaphore, #tpu.memory_space<semaphore_mem>>) src(%arg12 : memref<128x128xf32, #tpu.memory_space<vmem>>) dst(%dma_wait3A_646 : memref<10112x128xf32, #tpu.memory_space<vmem_shared>>)
          tpu.yield
        }) : () -> ()
        %add3A_628 = arith.constant 3 : i32
        %add3A_629 = arith.addi %mul3A_607, %add3A_628 : i32
        %lt3A_630 = arith.constant 8 : i32
        %lt3A_631 = arith.cmpi slt, %add3A_629, %lt3A_630 : i32
        %convert_element_type3A_632 = arith.extui %lt3A_631 : i1 to i32
        %cond3A_633 = arith.constant 0 : i32
        %cond3A_634 = arith.cmpi ne, %convert_element_type3A_632, %cond3A_633 : i32
        scf.if %cond3A_634 {
          %add3A_635 = arith.constant 3 : i32
          %add3A_636 = arith.addi %mul3A_607, %add3A_635 : i32
          %dma_start3A_637 = arith.constant 0 : i32
          %dma_start3A_638 = tpu.memref_slice %arg7[%add3A_636, %dma_start3A_637] : memref<8x128xi32, #tpu.memory_space<vmem>> -> memref<1x128xi32, #tpu.memory_space<vmem>>
          %dma_start3A_639 = tpu.memref_squeeze %dma_start3A_638 : memref<1x128xi32, #tpu.memory_space<vmem>> -> memref<128xi32, #tpu.memory_space<vmem>>
          %dma_start3A_640 = arith.constant 0 : i32
          %dma_start3A_641 = arith.constant 0 : i32
          %dma_start3A_642 = tpu.memref_slice %arg2[%dma_start3A_640, %dma_start3A_641] : memref<20000x128xf32, #tpu.memory_space<hbm>> -> memref<20000x128xf32, #tpu.memory_space<hbm>>
          tpu.enqueue_indirect_dma source(%dma_start3A_642 : memref<20000x128xf32, #tpu.memory_space<hbm>>) target(%arg12 : memref<128x128xf32, #tpu.memory_space<vmem>>) offsets(%dma_start3A_639 : memref<128xi32, #tpu.memory_space<vmem>>) semaphore(%arg15 : memref<!tpu.dma_semaphore, #tpu.memory_space<semaphore_mem>>)
        } else {
        }
      }
      %scan3A_134 = arith.constant 4 : i32
      %dma_wait3A_135 = arith.constant 0 : i32
      %dma_wait3A_136 = tpu.memref_slice %arg3[%add3A_118, %dma_wait3A_135] : memref<2560x128xi32, #tpu.memory_space<hbm>> -> memref<8x128xi32, #tpu.memory_space<hbm>>
      %dma_wait3A_137 = arith.constant 0 : i32
      %dma_wait3A_138 = tpu.memref_slice %arg3[%add3A_118, %dma_wait3A_137] : memref<2560x128xi32, #tpu.memory_space<hbm>> -> memref<8x128xi32, #tpu.memory_space<hbm>>
      tpu.wait_dma2 semaphore(%arg16 : memref<!tpu.dma_semaphore, #tpu.memory_space<semaphore_mem>>) src(%dma_wait3A_138 : memref<8x128xi32, #tpu.memory_space<hbm>>) dst(%arg8 : memref<8x128xi32, #tpu.memory_space<vmem>>)
      %dma_wait3A_139 = arith.constant 0 : i32
      %dma_wait3A_140 = tpu.memref_slice %arg4[%add3A_118, %dma_wait3A_139] : memref<2560x128xi32, #tpu.memory_space<hbm>> -> memref<8x128xi32, #tpu.memory_space<hbm>>
      %dma_wait3A_141 = arith.constant 0 : i32
      %dma_wait3A_142 = tpu.memref_slice %arg4[%add3A_118, %dma_wait3A_141] : memref<2560x128xi32, #tpu.memory_space<hbm>> -> memref<8x128xi32, #tpu.memory_space<hbm>>
      tpu.wait_dma2 semaphore(%arg16 : memref<!tpu.dma_semaphore, #tpu.memory_space<semaphore_mem>>) src(%dma_wait3A_142 : memref<8x128xi32, #tpu.memory_space<hbm>>) dst(%arg10 : memref<8x128xi32, #tpu.memory_space<vmem>>)
      %dma_start3A_143 = arith.constant 0 : i32
      %dma_start3A_144 = arith.constant 0 : i32
      %dma_start3A_145 = tpu.memref_slice %arg8[%dma_start3A_143, %dma_start3A_144] : memref<8x128xi32, #tpu.memory_space<vmem>> -> memref<1x128xi32, #tpu.memory_space<vmem>>
      %dma_start3A_146 = tpu.memref_squeeze %dma_start3A_145 : memref<1x128xi32, #tpu.memory_space<vmem>> -> memref<128xi32, #tpu.memory_space<vmem>>
      %dma_start3A_147 = arith.constant 0 : i32
      %dma_start3A_148 = arith.constant 0 : i32
      %dma_start3A_149 = tpu.memref_slice %arg2[%dma_start3A_147, %dma_start3A_148] : memref<20000x128xf32, #tpu.memory_space<hbm>> -> memref<20000x128xf32, #tpu.memory_space<hbm>>
      tpu.enqueue_indirect_dma source(%dma_start3A_149 : memref<20000x128xf32, #tpu.memory_space<hbm>>) target(%arg11 : memref<128x128xf32, #tpu.memory_space<vmem>>) offsets(%dma_start3A_146 : memref<128xi32, #tpu.memory_space<vmem>>) semaphore(%arg14 : memref<!tpu.dma_semaphore, #tpu.memory_space<semaphore_mem>>)
      %dma_start3A_150 = arith.constant 1 : i32
      %dma_start3A_151 = arith.constant 0 : i32
      %dma_start3A_152 = tpu.memref_slice %arg8[%dma_start3A_150, %dma_start3A_151] : memref<8x128xi32, #tpu.memory_space<vmem>> -> memref<1x128xi32, #tpu.memory_space<vmem>>
      %dma_start3A_153 = tpu.memref_squeeze %dma_start3A_152 : memref<1x128xi32, #tpu.memory_space<vmem>> -> memref<128xi32, #tpu.memory_space<vmem>>
      %dma_start3A_154 = arith.constant 0 : i32
      %dma_start3A_155 = arith.constant 0 : i32
      %dma_start3A_156 = tpu.memref_slice %arg2[%dma_start3A_154, %dma_start3A_155] : memref<20000x128xf32, #tpu.memory_space<hbm>> -> memref<20000x128xf32, #tpu.memory_space<hbm>>
      tpu.enqueue_indirect_dma source(%dma_start3A_156 : memref<20000x128xf32, #tpu.memory_space<hbm>>) target(%arg12 : memref<128x128xf32, #tpu.memory_space<vmem>>) offsets(%dma_start3A_153 : memref<128xi32, #tpu.memory_space<vmem>>) semaphore(%arg15 : memref<!tpu.dma_semaphore, #tpu.memory_space<semaphore_mem>>)
      %add3A_157 = arith.constant 32 : i32
      %add3A_158 = arith.addi %mul3A_10, %add3A_157 : i32
      %dma_start3A_159 = arith.constant 0 : i32
      %dma_start3A_160 = tpu.memref_slice %arg3[%add3A_158, %dma_start3A_159] : memref<2560x128xi32, #tpu.memory_space<hbm>> -> memref<8x128xi32, #tpu.memory_space<hbm>>
      %dma_start3A_161 = arith.constant 0 : i32
      %dma_start3A_162 = tpu.memref_slice %arg3[%add3A_158, %dma_start3A_161] : memref<2560x128xi32, #tpu.memory_space<hbm>> -> memref<8x128xi32, #tpu.memory_space<hbm>>
      tpu.enqueue_dma source(%dma_start3A_162 : memref<8x128xi32, #tpu.memory_space<hbm>>) target(%arg7 : memref<8x128xi32, #tpu.memory_space<vmem>>) target_semaphore(%arg16 : memref<!tpu.dma_semaphore, #tpu.memory_space<semaphore_mem>>)
      %dma_start3A_163 = arith.constant 0 : i32
      %dma_start3A_164 = tpu.memref_slice %arg4[%add3A_158, %dma_start3A_163] : memref<2560x128xi32, #tpu.memory_space<hbm>> -> memref<8x128xi32, #tpu.memory_space<hbm>>
      %dma_start3A_165 = arith.constant 0 : i32
      %dma_start3A_166 = tpu.memref_slice %arg4[%add3A_158, %dma_start3A_165] : memref<2560x128xi32, #tpu.memory_space<hbm>> -> memref<8x128xi32, #tpu.memory_space<hbm>>
      tpu.enqueue_dma source(%dma_start3A_166 : memref<8x128xi32, #tpu.memory_space<hbm>>) target(%arg9 : memref<8x128xi32, #tpu.memory_space<vmem>>) target_semaphore(%arg16 : memref<!tpu.dma_semaphore, #tpu.memory_space<semaphore_mem>>)
      %scan3A_167 = arith.constant 0 : i32
      %scan3A_168 = arith.constant 0 : i32
      %scan3A_169 = arith.constant 1 : i32
      %scan3A_170 = arith.constant 0 : i32
      %scan3A_171 = arith.constant 4 : i32
      %scan3A_172 = arith.addi %scan3A_170, %scan3A_171 : i32
      %scan3A_173 = arith.constant 1 : i32
      scf.for %scan3A_605 = %scan3A_170 to %scan3A_172 step %scan3A_173  : i32 {
        %mul3A_606 = arith.constant 2 : i32
        %mul3A_607 = arith.muli %mul3A_606, %scan3A_605 : i32
        %dma_wait3A_608 = arith.constant 0 : i32
        %dma_wait3A_609 = tpu.memref_slice %arg8[%scan3A_168, %dma_wait3A_608] : memref<8x128xi32, #tpu.memory_space<vmem>> -> memref<1x128xi32, #tpu.memory_space<vmem>>
        %dma_wait3A_610 = tpu.memref_squeeze %dma_wait3A_609 : memref<1x128xi32, #tpu.memory_space<vmem>> -> memref<128xi32, #tpu.memory_space<vmem>>
        %dma_wait3A_611 = arith.constant 0 : i32
        %dma_wait3A_612 = arith.constant 0 : i32
        %dma_wait3A_613 = tpu.memref_slice %arg2[%dma_wait3A_611, %dma_wait3A_612] : memref<20000x128xf32, #tpu.memory_space<hbm>> -> memref<20000x128xf32, #tpu.memory_space<hbm>>
        tpu.wait_indirect_dma semaphore(%arg14 : memref<!tpu.dma_semaphore, #tpu.memory_space<semaphore_mem>>) src(%dma_wait3A_613 : memref<20000x128xf32, #tpu.memory_space<hbm>>) dst(%arg11 : memref<128x128xf32, #tpu.memory_space<vmem>>)
        "tpu.region"() ({
          %run_scoped3A = tpu.sem_alloc : memref<!tpu.dma_semaphore, #tpu.memory_space<semaphore_mem>>
          %dma_start3A_635 = arith.constant 0 : i32
          %dma_start3A_636 = tpu.memref_slice %arg10[%mul3A_607, %dma_start3A_635] : memref<8x128xi32, #tpu.memory_space<vmem>> -> memref<1x128xi32, #tpu.memory_space<vmem>>
          %dma_start3A_637 = tpu.memref_squeeze %dma_start3A_636 : memref<1x128xi32, #tpu.memory_space<vmem>> -> memref<128xi32, #tpu.memory_space<vmem>>
          %dma_start3A_638 = arith.constant 0 : i32
          %dma_start3A_639 = arith.constant 0 : i32
          %dma_start3A_640 = tpu.memref_slice %arg13[%dma_start3A_638, %dma_start3A_639] : memref<10112x128xf32, #tpu.memory_space<vmem_shared>> -> memref<10112x128xf32, #tpu.memory_space<vmem_shared>>
          tpu.enqueue_indirect_dma source(%arg11 : memref<128x128xf32, #tpu.memory_space<vmem>>) target(%dma_start3A_640 : memref<10112x128xf32, #tpu.memory_space<vmem_shared>>) offsets(%dma_start3A_637 : memref<128xi32, #tpu.memory_space<vmem>>) semaphore(%run_scoped3A : memref<!tpu.dma_semaphore, #tpu.memory_space<semaphore_mem>>) {add = true}
          %dma_wait3A_641 = arith.constant 0 : i32
          %dma_wait3A_642 = tpu.memref_slice %arg10[%mul3A_607, %dma_wait3A_641] : memref<8x128xi32, #tpu.memory_space<vmem>> -> memref<1x128xi32, #tpu.memory_space<vmem>>
          %dma_wait3A_643 = tpu.memref_squeeze %dma_wait3A_642 : memref<1x128xi32, #tpu.memory_space<vmem>> -> memref<128xi32, #tpu.memory_space<vmem>>
          %dma_wait3A_644 = arith.constant 0 : i32
          %dma_wait3A_645 = arith.constant 0 : i32
          %dma_wait3A_646 = tpu.memref_slice %arg13[%dma_wait3A_644, %dma_wait3A_645] : memref<10112x128xf32, #tpu.memory_space<vmem_shared>> -> memref<10112x128xf32, #tpu.memory_space<vmem_shared>>
          tpu.wait_indirect_dma semaphore(%run_scoped3A : memref<!tpu.dma_semaphore, #tpu.memory_space<semaphore_mem>>) src(%arg11 : memref<128x128xf32, #tpu.memory_space<vmem>>) dst(%dma_wait3A_646 : memref<10112x128xf32, #tpu.memory_space<vmem_shared>>)
          tpu.yield
        }) : () -> ()
        %add3A_614 = arith.constant 2 : i32
        %add3A_615 = arith.addi %mul3A_607, %add3A_614 : i32
        %lt3A = arith.constant 8 : i32
        %lt3A_616 = arith.cmpi slt, %add3A_615, %lt3A : i32
        %convert_element_type3A_617 = arith.extui %lt3A_616 : i1 to i32
        %cond3A_618 = arith.constant 0 : i32
        %cond3A_619 = arith.cmpi ne, %convert_element_type3A_617, %cond3A_618 : i32
        scf.if %cond3A_619 {
          %add3A_635 = arith.constant 2 : i32
          %add3A_636 = arith.addi %mul3A_607, %add3A_635 : i32
          %dma_start3A_637 = arith.constant 0 : i32
          %dma_start3A_638 = tpu.memref_slice %arg8[%add3A_636, %dma_start3A_637] : memref<8x128xi32, #tpu.memory_space<vmem>> -> memref<1x128xi32, #tpu.memory_space<vmem>>
          %dma_start3A_639 = tpu.memref_squeeze %dma_start3A_638 : memref<1x128xi32, #tpu.memory_space<vmem>> -> memref<128xi32, #tpu.memory_space<vmem>>
          %dma_start3A_640 = arith.constant 0 : i32
          %dma_start3A_641 = arith.constant 0 : i32
          %dma_start3A_642 = tpu.memref_slice %arg2[%dma_start3A_640, %dma_start3A_641] : memref<20000x128xf32, #tpu.memory_space<hbm>> -> memref<20000x128xf32, #tpu.memory_space<hbm>>
          tpu.enqueue_indirect_dma source(%dma_start3A_642 : memref<20000x128xf32, #tpu.memory_space<hbm>>) target(%arg11 : memref<128x128xf32, #tpu.memory_space<vmem>>) offsets(%dma_start3A_639 : memref<128xi32, #tpu.memory_space<vmem>>) semaphore(%arg14 : memref<!tpu.dma_semaphore, #tpu.memory_space<semaphore_mem>>)
        } else {
        }
        %dma_wait3A_620 = arith.constant 0 : i32
        %dma_wait3A_621 = tpu.memref_slice %arg8[%scan3A_169, %dma_wait3A_620] : memref<8x128xi32, #tpu.memory_space<vmem>> -> memref<1x128xi32, #tpu.memory_space<vmem>>
        %dma_wait3A_622 = tpu.memref_squeeze %dma_wait3A_621 : memref<1x128xi32, #tpu.memory_space<vmem>> -> memref<128xi32, #tpu.memory_space<vmem>>
        %dma_wait3A_623 = arith.constant 0 : i32
        %dma_wait3A_624 = arith.constant 0 : i32
        %dma_wait3A_625 = tpu.memref_slice %arg2[%dma_wait3A_623, %dma_wait3A_624] : memref<20000x128xf32, #tpu.memory_space<hbm>> -> memref<20000x128xf32, #tpu.memory_space<hbm>>
        tpu.wait_indirect_dma semaphore(%arg15 : memref<!tpu.dma_semaphore, #tpu.memory_space<semaphore_mem>>) src(%dma_wait3A_625 : memref<20000x128xf32, #tpu.memory_space<hbm>>) dst(%arg12 : memref<128x128xf32, #tpu.memory_space<vmem>>)
        %add3A_626 = arith.constant 1 : i32
        %add3A_627 = arith.addi %mul3A_607, %add3A_626 : i32
        "tpu.region"() ({
          %run_scoped3A = tpu.sem_alloc : memref<!tpu.dma_semaphore, #tpu.memory_space<semaphore_mem>>
          %dma_start3A_635 = arith.constant 0 : i32
          %dma_start3A_636 = tpu.memref_slice %arg10[%add3A_627, %dma_start3A_635] : memref<8x128xi32, #tpu.memory_space<vmem>> -> memref<1x128xi32, #tpu.memory_space<vmem>>
          %dma_start3A_637 = tpu.memref_squeeze %dma_start3A_636 : memref<1x128xi32, #tpu.memory_space<vmem>> -> memref<128xi32, #tpu.memory_space<vmem>>
          %dma_start3A_638 = arith.constant 0 : i32
          %dma_start3A_639 = arith.constant 0 : i32
          %dma_start3A_640 = tpu.memref_slice %arg13[%dma_start3A_638, %dma_start3A_639] : memref<10112x128xf32, #tpu.memory_space<vmem_shared>> -> memref<10112x128xf32, #tpu.memory_space<vmem_shared>>
          tpu.enqueue_indirect_dma source(%arg12 : memref<128x128xf32, #tpu.memory_space<vmem>>) target(%dma_start3A_640 : memref<10112x128xf32, #tpu.memory_space<vmem_shared>>) offsets(%dma_start3A_637 : memref<128xi32, #tpu.memory_space<vmem>>) semaphore(%run_scoped3A : memref<!tpu.dma_semaphore, #tpu.memory_space<semaphore_mem>>) {add = true}
          %dma_wait3A_641 = arith.constant 0 : i32
          %dma_wait3A_642 = tpu.memref_slice %arg10[%add3A_627, %dma_wait3A_641] : memref<8x128xi32, #tpu.memory_space<vmem>> -> memref<1x128xi32, #tpu.memory_space<vmem>>
          %dma_wait3A_643 = tpu.memref_squeeze %dma_wait3A_642 : memref<1x128xi32, #tpu.memory_space<vmem>> -> memref<128xi32, #tpu.memory_space<vmem>>
          %dma_wait3A_644 = arith.constant 0 : i32
          %dma_wait3A_645 = arith.constant 0 : i32
          %dma_wait3A_646 = tpu.memref_slice %arg13[%dma_wait3A_644, %dma_wait3A_645] : memref<10112x128xf32, #tpu.memory_space<vmem_shared>> -> memref<10112x128xf32, #tpu.memory_space<vmem_shared>>
          tpu.wait_indirect_dma semaphore(%run_scoped3A : memref<!tpu.dma_semaphore, #tpu.memory_space<semaphore_mem>>) src(%arg12 : memref<128x128xf32, #tpu.memory_space<vmem>>) dst(%dma_wait3A_646 : memref<10112x128xf32, #tpu.memory_space<vmem_shared>>)
          tpu.yield
        }) : () -> ()
        %add3A_628 = arith.constant 3 : i32
        %add3A_629 = arith.addi %mul3A_607, %add3A_628 : i32
        %lt3A_630 = arith.constant 8 : i32
        %lt3A_631 = arith.cmpi slt, %add3A_629, %lt3A_630 : i32
        %convert_element_type3A_632 = arith.extui %lt3A_631 : i1 to i32
        %cond3A_633 = arith.constant 0 : i32
        %cond3A_634 = arith.cmpi ne, %convert_element_type3A_632, %cond3A_633 : i32
        scf.if %cond3A_634 {
          %add3A_635 = arith.constant 3 : i32
          %add3A_636 = arith.addi %mul3A_607, %add3A_635 : i32
          %dma_start3A_637 = arith.constant 0 : i32
          %dma_start3A_638 = tpu.memref_slice %arg8[%add3A_636, %dma_start3A_637] : memref<8x128xi32, #tpu.memory_space<vmem>> -> memref<1x128xi32, #tpu.memory_space<vmem>>
          %dma_start3A_639 = tpu.memref_squeeze %dma_start3A_638 : memref<1x128xi32, #tpu.memory_space<vmem>> -> memref<128xi32, #tpu.memory_space<vmem>>
          %dma_start3A_640 = arith.constant 0 : i32
          %dma_start3A_641 = arith.constant 0 : i32
          %dma_start3A_642 = tpu.memref_slice %arg2[%dma_start3A_640, %dma_start3A_641] : memref<20000x128xf32, #tpu.memory_space<hbm>> -> memref<20000x128xf32, #tpu.memory_space<hbm>>
          tpu.enqueue_indirect_dma source(%dma_start3A_642 : memref<20000x128xf32, #tpu.memory_space<hbm>>) target(%arg12 : memref<128x128xf32, #tpu.memory_space<vmem>>) offsets(%dma_start3A_639 : memref<128xi32, #tpu.memory_space<vmem>>) semaphore(%arg15 : memref<!tpu.dma_semaphore, #tpu.memory_space<semaphore_mem>>)
        } else {
        }
      }
      %scan3A_174 = arith.constant 4 : i32
      %dma_wait3A_175 = arith.constant 0 : i32
      %dma_wait3A_176 = tpu.memref_slice %arg3[%add3A_158, %dma_wait3A_175] : memref<2560x128xi32, #tpu.memory_space<hbm>> -> memref<8x128xi32, #tpu.memory_space<hbm>>
      %dma_wait3A_177 = arith.constant 0 : i32
      %dma_wait3A_178 = tpu.memref_slice %arg3[%add3A_158, %dma_wait3A_177] : memref<2560x128xi32, #tpu.memory_space<hbm>> -> memref<8x128xi32, #tpu.memory_space<hbm>>
      tpu.wait_dma2 semaphore(%arg16 : memref<!tpu.dma_semaphore, #tpu.memory_space<semaphore_mem>>) src(%dma_wait3A_178 : memref<8x128xi32, #tpu.memory_space<hbm>>) dst(%arg7 : memref<8x128xi32, #tpu.memory_space<vmem>>)
      %dma_wait3A_179 = arith.constant 0 : i32
      %dma_wait3A_180 = tpu.memref_slice %arg4[%add3A_158, %dma_wait3A_179] : memref<2560x128xi32, #tpu.memory_space<hbm>> -> memref<8x128xi32, #tpu.memory_space<hbm>>
      %dma_wait3A_181 = arith.constant 0 : i32
      %dma_wait3A_182 = tpu.memref_slice %arg4[%add3A_158, %dma_wait3A_181] : memref<2560x128xi32, #tpu.memory_space<hbm>> -> memref<8x128xi32, #tpu.memory_space<hbm>>
      tpu.wait_dma2 semaphore(%arg16 : memref<!tpu.dma_semaphore, #tpu.memory_space<semaphore_mem>>) src(%dma_wait3A_182 : memref<8x128xi32, #tpu.memory_space<hbm>>) dst(%arg9 : memref<8x128xi32, #tpu.memory_space<vmem>>)
      %dma_start3A_183 = arith.constant 0 : i32
      %dma_start3A_184 = arith.constant 0 : i32
      %dma_start3A_185 = tpu.memref_slice %arg7[%dma_start3A_183, %dma_start3A_184] : memref<8x128xi32, #tpu.memory_space<vmem>> -> memref<1x128xi32, #tpu.memory_space<vmem>>
      %dma_start3A_186 = tpu.memref_squeeze %dma_start3A_185 : memref<1x128xi32, #tpu.memory_space<vmem>> -> memref<128xi32, #tpu.memory_space<vmem>>
      %dma_start3A_187 = arith.constant 0 : i32
      %dma_start3A_188 = arith.constant 0 : i32
      %dma_start3A_189 = tpu.memref_slice %arg2[%dma_start3A_187, %dma_start3A_188] : memref<20000x128xf32, #tpu.memory_space<hbm>> -> memref<20000x128xf32, #tpu.memory_space<hbm>>
      tpu.enqueue_indirect_dma source(%dma_start3A_189 : memref<20000x128xf32, #tpu.memory_space<hbm>>) target(%arg11 : memref<128x128xf32, #tpu.memory_space<vmem>>) offsets(%dma_start3A_186 : memref<128xi32, #tpu.memory_space<vmem>>) semaphore(%arg14 : memref<!tpu.dma_semaphore, #tpu.memory_space<semaphore_mem>>)
      %dma_start3A_190 = arith.constant 1 : i32
      %dma_start3A_191 = arith.constant 0 : i32
      %dma_start3A_192 = tpu.memref_slice %arg7[%dma_start3A_190, %dma_start3A_191] : memref<8x128xi32, #tpu.memory_space<vmem>> -> memref<1x128xi32, #tpu.memory_space<vmem>>
      %dma_start3A_193 = tpu.memref_squeeze %dma_start3A_192 : memref<1x128xi32, #tpu.memory_space<vmem>> -> memref<128xi32, #tpu.memory_space<vmem>>
      %dma_start3A_194 = arith.constant 0 : i32
      %dma_start3A_195 = arith.constant 0 : i32
      %dma_start3A_196 = tpu.memref_slice %arg2[%dma_start3A_194, %dma_start3A_195] : memref<20000x128xf32, #tpu.memory_space<hbm>> -> memref<20000x128xf32, #tpu.memory_space<hbm>>
      tpu.enqueue_indirect_dma source(%dma_start3A_196 : memref<20000x128xf32, #tpu.memory_space<hbm>>) target(%arg12 : memref<128x128xf32, #tpu.memory_space<vmem>>) offsets(%dma_start3A_193 : memref<128xi32, #tpu.memory_space<vmem>>) semaphore(%arg15 : memref<!tpu.dma_semaphore, #tpu.memory_space<semaphore_mem>>)
      %add3A_197 = arith.constant 40 : i32
      %add3A_198 = arith.addi %mul3A_10, %add3A_197 : i32
      %dma_start3A_199 = arith.constant 0 : i32
      %dma_start3A_200 = tpu.memref_slice %arg3[%add3A_198, %dma_start3A_199] : memref<2560x128xi32, #tpu.memory_space<hbm>> -> memref<8x128xi32, #tpu.memory_space<hbm>>
      %dma_start3A_201 = arith.constant 0 : i32
      %dma_start3A_202 = tpu.memref_slice %arg3[%add3A_198, %dma_start3A_201] : memref<2560x128xi32, #tpu.memory_space<hbm>> -> memref<8x128xi32, #tpu.memory_space<hbm>>
      tpu.enqueue_dma source(%dma_start3A_202 : memref<8x128xi32, #tpu.memory_space<hbm>>) target(%arg8 : memref<8x128xi32, #tpu.memory_space<vmem>>) target_semaphore(%arg16 : memref<!tpu.dma_semaphore, #tpu.memory_space<semaphore_mem>>)
      %dma_start3A_203 = arith.constant 0 : i32
      %dma_start3A_204 = tpu.memref_slice %arg4[%add3A_198, %dma_start3A_203] : memref<2560x128xi32, #tpu.memory_space<hbm>> -> memref<8x128xi32, #tpu.memory_space<hbm>>
      %dma_start3A_205 = arith.constant 0 : i32
      %dma_start3A_206 = tpu.memref_slice %arg4[%add3A_198, %dma_start3A_205] : memref<2560x128xi32, #tpu.memory_space<hbm>> -> memref<8x128xi32, #tpu.memory_space<hbm>>
      tpu.enqueue_dma source(%dma_start3A_206 : memref<8x128xi32, #tpu.memory_space<hbm>>) target(%arg10 : memref<8x128xi32, #tpu.memory_space<vmem>>) target_semaphore(%arg16 : memref<!tpu.dma_semaphore, #tpu.memory_space<semaphore_mem>>)
      %scan3A_207 = arith.constant 0 : i32
      %scan3A_208 = arith.constant 0 : i32
      %scan3A_209 = arith.constant 1 : i32
      %scan3A_210 = arith.constant 0 : i32
      %scan3A_211 = arith.constant 4 : i32
      %scan3A_212 = arith.addi %scan3A_210, %scan3A_211 : i32
      %scan3A_213 = arith.constant 1 : i32
      scf.for %scan3A_605 = %scan3A_210 to %scan3A_212 step %scan3A_213  : i32 {
        %mul3A_606 = arith.constant 2 : i32
        %mul3A_607 = arith.muli %mul3A_606, %scan3A_605 : i32
        %dma_wait3A_608 = arith.constant 0 : i32
        %dma_wait3A_609 = tpu.memref_slice %arg7[%scan3A_208, %dma_wait3A_608] : memref<8x128xi32, #tpu.memory_space<vmem>> -> memref<1x128xi32, #tpu.memory_space<vmem>>
        %dma_wait3A_610 = tpu.memref_squeeze %dma_wait3A_609 : memref<1x128xi32, #tpu.memory_space<vmem>> -> memref<128xi32, #tpu.memory_space<vmem>>
        %dma_wait3A_611 = arith.constant 0 : i32
        %dma_wait3A_612 = arith.constant 0 : i32
        %dma_wait3A_613 = tpu.memref_slice %arg2[%dma_wait3A_611, %dma_wait3A_612] : memref<20000x128xf32, #tpu.memory_space<hbm>> -> memref<20000x128xf32, #tpu.memory_space<hbm>>
        tpu.wait_indirect_dma semaphore(%arg14 : memref<!tpu.dma_semaphore, #tpu.memory_space<semaphore_mem>>) src(%dma_wait3A_613 : memref<20000x128xf32, #tpu.memory_space<hbm>>) dst(%arg11 : memref<128x128xf32, #tpu.memory_space<vmem>>)
        "tpu.region"() ({
          %run_scoped3A = tpu.sem_alloc : memref<!tpu.dma_semaphore, #tpu.memory_space<semaphore_mem>>
          %dma_start3A_635 = arith.constant 0 : i32
          %dma_start3A_636 = tpu.memref_slice %arg9[%mul3A_607, %dma_start3A_635] : memref<8x128xi32, #tpu.memory_space<vmem>> -> memref<1x128xi32, #tpu.memory_space<vmem>>
          %dma_start3A_637 = tpu.memref_squeeze %dma_start3A_636 : memref<1x128xi32, #tpu.memory_space<vmem>> -> memref<128xi32, #tpu.memory_space<vmem>>
          %dma_start3A_638 = arith.constant 0 : i32
          %dma_start3A_639 = arith.constant 0 : i32
          %dma_start3A_640 = tpu.memref_slice %arg13[%dma_start3A_638, %dma_start3A_639] : memref<10112x128xf32, #tpu.memory_space<vmem_shared>> -> memref<10112x128xf32, #tpu.memory_space<vmem_shared>>
          tpu.enqueue_indirect_dma source(%arg11 : memref<128x128xf32, #tpu.memory_space<vmem>>) target(%dma_start3A_640 : memref<10112x128xf32, #tpu.memory_space<vmem_shared>>) offsets(%dma_start3A_637 : memref<128xi32, #tpu.memory_space<vmem>>) semaphore(%run_scoped3A : memref<!tpu.dma_semaphore, #tpu.memory_space<semaphore_mem>>) {add = true}
          %dma_wait3A_641 = arith.constant 0 : i32
          %dma_wait3A_642 = tpu.memref_slice %arg9[%mul3A_607, %dma_wait3A_641] : memref<8x128xi32, #tpu.memory_space<vmem>> -> memref<1x128xi32, #tpu.memory_space<vmem>>
          %dma_wait3A_643 = tpu.memref_squeeze %dma_wait3A_642 : memref<1x128xi32, #tpu.memory_space<vmem>> -> memref<128xi32, #tpu.memory_space<vmem>>
          %dma_wait3A_644 = arith.constant 0 : i32
          %dma_wait3A_645 = arith.constant 0 : i32
          %dma_wait3A_646 = tpu.memref_slice %arg13[%dma_wait3A_644, %dma_wait3A_645] : memref<10112x128xf32, #tpu.memory_space<vmem_shared>> -> memref<10112x128xf32, #tpu.memory_space<vmem_shared>>
          tpu.wait_indirect_dma semaphore(%run_scoped3A : memref<!tpu.dma_semaphore, #tpu.memory_space<semaphore_mem>>) src(%arg11 : memref<128x128xf32, #tpu.memory_space<vmem>>) dst(%dma_wait3A_646 : memref<10112x128xf32, #tpu.memory_space<vmem_shared>>)
          tpu.yield
        }) : () -> ()
        %add3A_614 = arith.constant 2 : i32
        %add3A_615 = arith.addi %mul3A_607, %add3A_614 : i32
        %lt3A = arith.constant 8 : i32
        %lt3A_616 = arith.cmpi slt, %add3A_615, %lt3A : i32
        %convert_element_type3A_617 = arith.extui %lt3A_616 : i1 to i32
        %cond3A_618 = arith.constant 0 : i32
        %cond3A_619 = arith.cmpi ne, %convert_element_type3A_617, %cond3A_618 : i32
        scf.if %cond3A_619 {
          %add3A_635 = arith.constant 2 : i32
          %add3A_636 = arith.addi %mul3A_607, %add3A_635 : i32
          %dma_start3A_637 = arith.constant 0 : i32
          %dma_start3A_638 = tpu.memref_slice %arg7[%add3A_636, %dma_start3A_637] : memref<8x128xi32, #tpu.memory_space<vmem>> -> memref<1x128xi32, #tpu.memory_space<vmem>>
          %dma_start3A_639 = tpu.memref_squeeze %dma_start3A_638 : memref<1x128xi32, #tpu.memory_space<vmem>> -> memref<128xi32, #tpu.memory_space<vmem>>
          %dma_start3A_640 = arith.constant 0 : i32
          %dma_start3A_641 = arith.constant 0 : i32
          %dma_start3A_642 = tpu.memref_slice %arg2[%dma_start3A_640, %dma_start3A_641] : memref<20000x128xf32, #tpu.memory_space<hbm>> -> memref<20000x128xf32, #tpu.memory_space<hbm>>
          tpu.enqueue_indirect_dma source(%dma_start3A_642 : memref<20000x128xf32, #tpu.memory_space<hbm>>) target(%arg11 : memref<128x128xf32, #tpu.memory_space<vmem>>) offsets(%dma_start3A_639 : memref<128xi32, #tpu.memory_space<vmem>>) semaphore(%arg14 : memref<!tpu.dma_semaphore, #tpu.memory_space<semaphore_mem>>)
        } else {
        }
        %dma_wait3A_620 = arith.constant 0 : i32
        %dma_wait3A_621 = tpu.memref_slice %arg7[%scan3A_209, %dma_wait3A_620] : memref<8x128xi32, #tpu.memory_space<vmem>> -> memref<1x128xi32, #tpu.memory_space<vmem>>
        %dma_wait3A_622 = tpu.memref_squeeze %dma_wait3A_621 : memref<1x128xi32, #tpu.memory_space<vmem>> -> memref<128xi32, #tpu.memory_space<vmem>>
        %dma_wait3A_623 = arith.constant 0 : i32
        %dma_wait3A_624 = arith.constant 0 : i32
        %dma_wait3A_625 = tpu.memref_slice %arg2[%dma_wait3A_623, %dma_wait3A_624] : memref<20000x128xf32, #tpu.memory_space<hbm>> -> memref<20000x128xf32, #tpu.memory_space<hbm>>
        tpu.wait_indirect_dma semaphore(%arg15 : memref<!tpu.dma_semaphore, #tpu.memory_space<semaphore_mem>>) src(%dma_wait3A_625 : memref<20000x128xf32, #tpu.memory_space<hbm>>) dst(%arg12 : memref<128x128xf32, #tpu.memory_space<vmem>>)
        %add3A_626 = arith.constant 1 : i32
        %add3A_627 = arith.addi %mul3A_607, %add3A_626 : i32
        "tpu.region"() ({
          %run_scoped3A = tpu.sem_alloc : memref<!tpu.dma_semaphore, #tpu.memory_space<semaphore_mem>>
          %dma_start3A_635 = arith.constant 0 : i32
          %dma_start3A_636 = tpu.memref_slice %arg9[%add3A_627, %dma_start3A_635] : memref<8x128xi32, #tpu.memory_space<vmem>> -> memref<1x128xi32, #tpu.memory_space<vmem>>
          %dma_start3A_637 = tpu.memref_squeeze %dma_start3A_636 : memref<1x128xi32, #tpu.memory_space<vmem>> -> memref<128xi32, #tpu.memory_space<vmem>>
          %dma_start3A_638 = arith.constant 0 : i32
          %dma_start3A_639 = arith.constant 0 : i32
          %dma_start3A_640 = tpu.memref_slice %arg13[%dma_start3A_638, %dma_start3A_639] : memref<10112x128xf32, #tpu.memory_space<vmem_shared>> -> memref<10112x128xf32, #tpu.memory_space<vmem_shared>>
          tpu.enqueue_indirect_dma source(%arg12 : memref<128x128xf32, #tpu.memory_space<vmem>>) target(%dma_start3A_640 : memref<10112x128xf32, #tpu.memory_space<vmem_shared>>) offsets(%dma_start3A_637 : memref<128xi32, #tpu.memory_space<vmem>>) semaphore(%run_scoped3A : memref<!tpu.dma_semaphore, #tpu.memory_space<semaphore_mem>>) {add = true}
          %dma_wait3A_641 = arith.constant 0 : i32
          %dma_wait3A_642 = tpu.memref_slice %arg9[%add3A_627, %dma_wait3A_641] : memref<8x128xi32, #tpu.memory_space<vmem>> -> memref<1x128xi32, #tpu.memory_space<vmem>>
          %dma_wait3A_643 = tpu.memref_squeeze %dma_wait3A_642 : memref<1x128xi32, #tpu.memory_space<vmem>> -> memref<128xi32, #tpu.memory_space<vmem>>
          %dma_wait3A_644 = arith.constant 0 : i32
          %dma_wait3A_645 = arith.constant 0 : i32
          %dma_wait3A_646 = tpu.memref_slice %arg13[%dma_wait3A_644, %dma_wait3A_645] : memref<10112x128xf32, #tpu.memory_space<vmem_shared>> -> memref<10112x128xf32, #tpu.memory_space<vmem_shared>>
          tpu.wait_indirect_dma semaphore(%run_scoped3A : memref<!tpu.dma_semaphore, #tpu.memory_space<semaphore_mem>>) src(%arg12 : memref<128x128xf32, #tpu.memory_space<vmem>>) dst(%dma_wait3A_646 : memref<10112x128xf32, #tpu.memory_space<vmem_shared>>)
          tpu.yield
        }) : () -> ()
        %add3A_628 = arith.constant 3 : i32
        %add3A_629 = arith.addi %mul3A_607, %add3A_628 : i32
        %lt3A_630 = arith.constant 8 : i32
        %lt3A_631 = arith.cmpi slt, %add3A_629, %lt3A_630 : i32
        %convert_element_type3A_632 = arith.extui %lt3A_631 : i1 to i32
        %cond3A_633 = arith.constant 0 : i32
        %cond3A_634 = arith.cmpi ne, %convert_element_type3A_632, %cond3A_633 : i32
        scf.if %cond3A_634 {
          %add3A_635 = arith.constant 3 : i32
          %add3A_636 = arith.addi %mul3A_607, %add3A_635 : i32
          %dma_start3A_637 = arith.constant 0 : i32
          %dma_start3A_638 = tpu.memref_slice %arg7[%add3A_636, %dma_start3A_637] : memref<8x128xi32, #tpu.memory_space<vmem>> -> memref<1x128xi32, #tpu.memory_space<vmem>>
          %dma_start3A_639 = tpu.memref_squeeze %dma_start3A_638 : memref<1x128xi32, #tpu.memory_space<vmem>> -> memref<128xi32, #tpu.memory_space<vmem>>
          %dma_start3A_640 = arith.constant 0 : i32
          %dma_start3A_641 = arith.constant 0 : i32
          %dma_start3A_642 = tpu.memref_slice %arg2[%dma_start3A_640, %dma_start3A_641] : memref<20000x128xf32, #tpu.memory_space<hbm>> -> memref<20000x128xf32, #tpu.memory_space<hbm>>
          tpu.enqueue_indirect_dma source(%dma_start3A_642 : memref<20000x128xf32, #tpu.memory_space<hbm>>) target(%arg12 : memref<128x128xf32, #tpu.memory_space<vmem>>) offsets(%dma_start3A_639 : memref<128xi32, #tpu.memory_space<vmem>>) semaphore(%arg15 : memref<!tpu.dma_semaphore, #tpu.memory_space<semaphore_mem>>)
        } else {
        }
      }
      %scan3A_214 = arith.constant 4 : i32
      %dma_wait3A_215 = arith.constant 0 : i32
      %dma_wait3A_216 = tpu.memref_slice %arg3[%add3A_198, %dma_wait3A_215] : memref<2560x128xi32, #tpu.memory_space<hbm>> -> memref<8x128xi32, #tpu.memory_space<hbm>>
      %dma_wait3A_217 = arith.constant 0 : i32
      %dma_wait3A_218 = tpu.memref_slice %arg3[%add3A_198, %dma_wait3A_217] : memref<2560x128xi32, #tpu.memory_space<hbm>> -> memref<8x128xi32, #tpu.memory_space<hbm>>
      tpu.wait_dma2 semaphore(%arg16 : memref<!tpu.dma_semaphore, #tpu.memory_space<semaphore_mem>>) src(%dma_wait3A_218 : memref<8x128xi32, #tpu.memory_space<hbm>>) dst(%arg8 : memref<8x128xi32, #tpu.memory_space<vmem>>)
      %dma_wait3A_219 = arith.constant 0 : i32
      %dma_wait3A_220 = tpu.memref_slice %arg4[%add3A_198, %dma_wait3A_219] : memref<2560x128xi32, #tpu.memory_space<hbm>> -> memref<8x128xi32, #tpu.memory_space<hbm>>
      %dma_wait3A_221 = arith.constant 0 : i32
      %dma_wait3A_222 = tpu.memref_slice %arg4[%add3A_198, %dma_wait3A_221] : memref<2560x128xi32, #tpu.memory_space<hbm>> -> memref<8x128xi32, #tpu.memory_space<hbm>>
      tpu.wait_dma2 semaphore(%arg16 : memref<!tpu.dma_semaphore, #tpu.memory_space<semaphore_mem>>) src(%dma_wait3A_222 : memref<8x128xi32, #tpu.memory_space<hbm>>) dst(%arg10 : memref<8x128xi32, #tpu.memory_space<vmem>>)
      %dma_start3A_223 = arith.constant 0 : i32
      %dma_start3A_224 = arith.constant 0 : i32
      %dma_start3A_225 = tpu.memref_slice %arg8[%dma_start3A_223, %dma_start3A_224] : memref<8x128xi32, #tpu.memory_space<vmem>> -> memref<1x128xi32, #tpu.memory_space<vmem>>
      %dma_start3A_226 = tpu.memref_squeeze %dma_start3A_225 : memref<1x128xi32, #tpu.memory_space<vmem>> -> memref<128xi32, #tpu.memory_space<vmem>>
      %dma_start3A_227 = arith.constant 0 : i32
      %dma_start3A_228 = arith.constant 0 : i32
      %dma_start3A_229 = tpu.memref_slice %arg2[%dma_start3A_227, %dma_start3A_228] : memref<20000x128xf32, #tpu.memory_space<hbm>> -> memref<20000x128xf32, #tpu.memory_space<hbm>>
      tpu.enqueue_indirect_dma source(%dma_start3A_229 : memref<20000x128xf32, #tpu.memory_space<hbm>>) target(%arg11 : memref<128x128xf32, #tpu.memory_space<vmem>>) offsets(%dma_start3A_226 : memref<128xi32, #tpu.memory_space<vmem>>) semaphore(%arg14 : memref<!tpu.dma_semaphore, #tpu.memory_space<semaphore_mem>>)
      %dma_start3A_230 = arith.constant 1 : i32
      %dma_start3A_231 = arith.constant 0 : i32
      %dma_start3A_232 = tpu.memref_slice %arg8[%dma_start3A_230, %dma_start3A_231] : memref<8x128xi32, #tpu.memory_space<vmem>> -> memref<1x128xi32, #tpu.memory_space<vmem>>
      %dma_start3A_233 = tpu.memref_squeeze %dma_start3A_232 : memref<1x128xi32, #tpu.memory_space<vmem>> -> memref<128xi32, #tpu.memory_space<vmem>>
      %dma_start3A_234 = arith.constant 0 : i32
      %dma_start3A_235 = arith.constant 0 : i32
      %dma_start3A_236 = tpu.memref_slice %arg2[%dma_start3A_234, %dma_start3A_235] : memref<20000x128xf32, #tpu.memory_space<hbm>> -> memref<20000x128xf32, #tpu.memory_space<hbm>>
      tpu.enqueue_indirect_dma source(%dma_start3A_236 : memref<20000x128xf32, #tpu.memory_space<hbm>>) target(%arg12 : memref<128x128xf32, #tpu.memory_space<vmem>>) offsets(%dma_start3A_233 : memref<128xi32, #tpu.memory_space<vmem>>) semaphore(%arg15 : memref<!tpu.dma_semaphore, #tpu.memory_space<semaphore_mem>>)
      %add3A_237 = arith.constant 48 : i32
      %add3A_238 = arith.addi %mul3A_10, %add3A_237 : i32
      %dma_start3A_239 = arith.constant 0 : i32
      %dma_start3A_240 = tpu.memref_slice %arg3[%add3A_238, %dma_start3A_239] : memref<2560x128xi32, #tpu.memory_space<hbm>> -> memref<8x128xi32, #tpu.memory_space<hbm>>
      %dma_start3A_241 = arith.constant 0 : i32
      %dma_start3A_242 = tpu.memref_slice %arg3[%add3A_238, %dma_start3A_241] : memref<2560x128xi32, #tpu.memory_space<hbm>> -> memref<8x128xi32, #tpu.memory_space<hbm>>
      tpu.enqueue_dma source(%dma_start3A_242 : memref<8x128xi32, #tpu.memory_space<hbm>>) target(%arg7 : memref<8x128xi32, #tpu.memory_space<vmem>>) target_semaphore(%arg16 : memref<!tpu.dma_semaphore, #tpu.memory_space<semaphore_mem>>)
      %dma_start3A_243 = arith.constant 0 : i32
      %dma_start3A_244 = tpu.memref_slice %arg4[%add3A_238, %dma_start3A_243] : memref<2560x128xi32, #tpu.memory_space<hbm>> -> memref<8x128xi32, #tpu.memory_space<hbm>>
      %dma_start3A_245 = arith.constant 0 : i32
      %dma_start3A_246 = tpu.memref_slice %arg4[%add3A_238, %dma_start3A_245] : memref<2560x128xi32, #tpu.memory_space<hbm>> -> memref<8x128xi32, #tpu.memory_space<hbm>>
      tpu.enqueue_dma source(%dma_start3A_246 : memref<8x128xi32, #tpu.memory_space<hbm>>) target(%arg9 : memref<8x128xi32, #tpu.memory_space<vmem>>) target_semaphore(%arg16 : memref<!tpu.dma_semaphore, #tpu.memory_space<semaphore_mem>>)
      %scan3A_247 = arith.constant 0 : i32
      %scan3A_248 = arith.constant 0 : i32
      %scan3A_249 = arith.constant 1 : i32
      %scan3A_250 = arith.constant 0 : i32
      %scan3A_251 = arith.constant 4 : i32
      %scan3A_252 = arith.addi %scan3A_250, %scan3A_251 : i32
      %scan3A_253 = arith.constant 1 : i32
      scf.for %scan3A_605 = %scan3A_250 to %scan3A_252 step %scan3A_253  : i32 {
        %mul3A_606 = arith.constant 2 : i32
        %mul3A_607 = arith.muli %mul3A_606, %scan3A_605 : i32
        %dma_wait3A_608 = arith.constant 0 : i32
        %dma_wait3A_609 = tpu.memref_slice %arg8[%scan3A_248, %dma_wait3A_608] : memref<8x128xi32, #tpu.memory_space<vmem>> -> memref<1x128xi32, #tpu.memory_space<vmem>>
        %dma_wait3A_610 = tpu.memref_squeeze %dma_wait3A_609 : memref<1x128xi32, #tpu.memory_space<vmem>> -> memref<128xi32, #tpu.memory_space<vmem>>
        %dma_wait3A_611 = arith.constant 0 : i32
        %dma_wait3A_612 = arith.constant 0 : i32
        %dma_wait3A_613 = tpu.memref_slice %arg2[%dma_wait3A_611, %dma_wait3A_612] : memref<20000x128xf32, #tpu.memory_space<hbm>> -> memref<20000x128xf32, #tpu.memory_space<hbm>>
        tpu.wait_indirect_dma semaphore(%arg14 : memref<!tpu.dma_semaphore, #tpu.memory_space<semaphore_mem>>) src(%dma_wait3A_613 : memref<20000x128xf32, #tpu.memory_space<hbm>>) dst(%arg11 : memref<128x128xf32, #tpu.memory_space<vmem>>)
        "tpu.region"() ({
          %run_scoped3A = tpu.sem_alloc : memref<!tpu.dma_semaphore, #tpu.memory_space<semaphore_mem>>
          %dma_start3A_635 = arith.constant 0 : i32
          %dma_start3A_636 = tpu.memref_slice %arg10[%mul3A_607, %dma_start3A_635] : memref<8x128xi32, #tpu.memory_space<vmem>> -> memref<1x128xi32, #tpu.memory_space<vmem>>
          %dma_start3A_637 = tpu.memref_squeeze %dma_start3A_636 : memref<1x128xi32, #tpu.memory_space<vmem>> -> memref<128xi32, #tpu.memory_space<vmem>>
          %dma_start3A_638 = arith.constant 0 : i32
          %dma_start3A_639 = arith.constant 0 : i32
          %dma_start3A_640 = tpu.memref_slice %arg13[%dma_start3A_638, %dma_start3A_639] : memref<10112x128xf32, #tpu.memory_space<vmem_shared>> -> memref<10112x128xf32, #tpu.memory_space<vmem_shared>>
          tpu.enqueue_indirect_dma source(%arg11 : memref<128x128xf32, #tpu.memory_space<vmem>>) target(%dma_start3A_640 : memref<10112x128xf32, #tpu.memory_space<vmem_shared>>) offsets(%dma_start3A_637 : memref<128xi32, #tpu.memory_space<vmem>>) semaphore(%run_scoped3A : memref<!tpu.dma_semaphore, #tpu.memory_space<semaphore_mem>>) {add = true}
          %dma_wait3A_641 = arith.constant 0 : i32
          %dma_wait3A_642 = tpu.memref_slice %arg10[%mul3A_607, %dma_wait3A_641] : memref<8x128xi32, #tpu.memory_space<vmem>> -> memref<1x128xi32, #tpu.memory_space<vmem>>
          %dma_wait3A_643 = tpu.memref_squeeze %dma_wait3A_642 : memref<1x128xi32, #tpu.memory_space<vmem>> -> memref<128xi32, #tpu.memory_space<vmem>>
          %dma_wait3A_644 = arith.constant 0 : i32
          %dma_wait3A_645 = arith.constant 0 : i32
          %dma_wait3A_646 = tpu.memref_slice %arg13[%dma_wait3A_644, %dma_wait3A_645] : memref<10112x128xf32, #tpu.memory_space<vmem_shared>> -> memref<10112x128xf32, #tpu.memory_space<vmem_shared>>
          tpu.wait_indirect_dma semaphore(%run_scoped3A : memref<!tpu.dma_semaphore, #tpu.memory_space<semaphore_mem>>) src(%arg11 : memref<128x128xf32, #tpu.memory_space<vmem>>) dst(%dma_wait3A_646 : memref<10112x128xf32, #tpu.memory_space<vmem_shared>>)
          tpu.yield
        }) : () -> ()
        %add3A_614 = arith.constant 2 : i32
        %add3A_615 = arith.addi %mul3A_607, %add3A_614 : i32
        %lt3A = arith.constant 8 : i32
        %lt3A_616 = arith.cmpi slt, %add3A_615, %lt3A : i32
        %convert_element_type3A_617 = arith.extui %lt3A_616 : i1 to i32
        %cond3A_618 = arith.constant 0 : i32
        %cond3A_619 = arith.cmpi ne, %convert_element_type3A_617, %cond3A_618 : i32
        scf.if %cond3A_619 {
          %add3A_635 = arith.constant 2 : i32
          %add3A_636 = arith.addi %mul3A_607, %add3A_635 : i32
          %dma_start3A_637 = arith.constant 0 : i32
          %dma_start3A_638 = tpu.memref_slice %arg8[%add3A_636, %dma_start3A_637] : memref<8x128xi32, #tpu.memory_space<vmem>> -> memref<1x128xi32, #tpu.memory_space<vmem>>
          %dma_start3A_639 = tpu.memref_squeeze %dma_start3A_638 : memref<1x128xi32, #tpu.memory_space<vmem>> -> memref<128xi32, #tpu.memory_space<vmem>>
          %dma_start3A_640 = arith.constant 0 : i32
          %dma_start3A_641 = arith.constant 0 : i32
          %dma_start3A_642 = tpu.memref_slice %arg2[%dma_start3A_640, %dma_start3A_641] : memref<20000x128xf32, #tpu.memory_space<hbm>> -> memref<20000x128xf32, #tpu.memory_space<hbm>>
          tpu.enqueue_indirect_dma source(%dma_start3A_642 : memref<20000x128xf32, #tpu.memory_space<hbm>>) target(%arg11 : memref<128x128xf32, #tpu.memory_space<vmem>>) offsets(%dma_start3A_639 : memref<128xi32, #tpu.memory_space<vmem>>) semaphore(%arg14 : memref<!tpu.dma_semaphore, #tpu.memory_space<semaphore_mem>>)
        } else {
        }
        %dma_wait3A_620 = arith.constant 0 : i32
        %dma_wait3A_621 = tpu.memref_slice %arg8[%scan3A_249, %dma_wait3A_620] : memref<8x128xi32, #tpu.memory_space<vmem>> -> memref<1x128xi32, #tpu.memory_space<vmem>>
        %dma_wait3A_622 = tpu.memref_squeeze %dma_wait3A_621 : memref<1x128xi32, #tpu.memory_space<vmem>> -> memref<128xi32, #tpu.memory_space<vmem>>
        %dma_wait3A_623 = arith.constant 0 : i32
        %dma_wait3A_624 = arith.constant 0 : i32
        %dma_wait3A_625 = tpu.memref_slice %arg2[%dma_wait3A_623, %dma_wait3A_624] : memref<20000x128xf32, #tpu.memory_space<hbm>> -> memref<20000x128xf32, #tpu.memory_space<hbm>>
        tpu.wait_indirect_dma semaphore(%arg15 : memref<!tpu.dma_semaphore, #tpu.memory_space<semaphore_mem>>) src(%dma_wait3A_625 : memref<20000x128xf32, #tpu.memory_space<hbm>>) dst(%arg12 : memref<128x128xf32, #tpu.memory_space<vmem>>)
        %add3A_626 = arith.constant 1 : i32
        %add3A_627 = arith.addi %mul3A_607, %add3A_626 : i32
        "tpu.region"() ({
          %run_scoped3A = tpu.sem_alloc : memref<!tpu.dma_semaphore, #tpu.memory_space<semaphore_mem>>
          %dma_start3A_635 = arith.constant 0 : i32
          %dma_start3A_636 = tpu.memref_slice %arg10[%add3A_627, %dma_start3A_635] : memref<8x128xi32, #tpu.memory_space<vmem>> -> memref<1x128xi32, #tpu.memory_space<vmem>>
          %dma_start3A_637 = tpu.memref_squeeze %dma_start3A_636 : memref<1x128xi32, #tpu.memory_space<vmem>> -> memref<128xi32, #tpu.memory_space<vmem>>
          %dma_start3A_638 = arith.constant 0 : i32
          %dma_start3A_639 = arith.constant 0 : i32
          %dma_start3A_640 = tpu.memref_slice %arg13[%dma_start3A_638, %dma_start3A_639] : memref<10112x128xf32, #tpu.memory_space<vmem_shared>> -> memref<10112x128xf32, #tpu.memory_space<vmem_shared>>
          tpu.enqueue_indirect_dma source(%arg12 : memref<128x128xf32, #tpu.memory_space<vmem>>) target(%dma_start3A_640 : memref<10112x128xf32, #tpu.memory_space<vmem_shared>>) offsets(%dma_start3A_637 : memref<128xi32, #tpu.memory_space<vmem>>) semaphore(%run_scoped3A : memref<!tpu.dma_semaphore, #tpu.memory_space<semaphore_mem>>) {add = true}
          %dma_wait3A_641 = arith.constant 0 : i32
          %dma_wait3A_642 = tpu.memref_slice %arg10[%add3A_627, %dma_wait3A_641] : memref<8x128xi32, #tpu.memory_space<vmem>> -> memref<1x128xi32, #tpu.memory_space<vmem>>
          %dma_wait3A_643 = tpu.memref_squeeze %dma_wait3A_642 : memref<1x128xi32, #tpu.memory_space<vmem>> -> memref<128xi32, #tpu.memory_space<vmem>>
          %dma_wait3A_644 = arith.constant 0 : i32
          %dma_wait3A_645 = arith.constant 0 : i32
          %dma_wait3A_646 = tpu.memref_slice %arg13[%dma_wait3A_644, %dma_wait3A_645] : memref<10112x128xf32, #tpu.memory_space<vmem_shared>> -> memref<10112x128xf32, #tpu.memory_space<vmem_shared>>
          tpu.wait_indirect_dma semaphore(%run_scoped3A : memref<!tpu.dma_semaphore, #tpu.memory_space<semaphore_mem>>) src(%arg12 : memref<128x128xf32, #tpu.memory_space<vmem>>) dst(%dma_wait3A_646 : memref<10112x128xf32, #tpu.memory_space<vmem_shared>>)
          tpu.yield
        }) : () -> ()
        %add3A_628 = arith.constant 3 : i32
        %add3A_629 = arith.addi %mul3A_607, %add3A_628 : i32
        %lt3A_630 = arith.constant 8 : i32
        %lt3A_631 = arith.cmpi slt, %add3A_629, %lt3A_630 : i32
        %convert_element_type3A_632 = arith.extui %lt3A_631 : i1 to i32
        %cond3A_633 = arith.constant 0 : i32
        %cond3A_634 = arith.cmpi ne, %convert_element_type3A_632, %cond3A_633 : i32
        scf.if %cond3A_634 {
          %add3A_635 = arith.constant 3 : i32
          %add3A_636 = arith.addi %mul3A_607, %add3A_635 : i32
          %dma_start3A_637 = arith.constant 0 : i32
          %dma_start3A_638 = tpu.memref_slice %arg8[%add3A_636, %dma_start3A_637] : memref<8x128xi32, #tpu.memory_space<vmem>> -> memref<1x128xi32, #tpu.memory_space<vmem>>
          %dma_start3A_639 = tpu.memref_squeeze %dma_start3A_638 : memref<1x128xi32, #tpu.memory_space<vmem>> -> memref<128xi32, #tpu.memory_space<vmem>>
          %dma_start3A_640 = arith.constant 0 : i32
          %dma_start3A_641 = arith.constant 0 : i32
          %dma_start3A_642 = tpu.memref_slice %arg2[%dma_start3A_640, %dma_start3A_641] : memref<20000x128xf32, #tpu.memory_space<hbm>> -> memref<20000x128xf32, #tpu.memory_space<hbm>>
          tpu.enqueue_indirect_dma source(%dma_start3A_642 : memref<20000x128xf32, #tpu.memory_space<hbm>>) target(%arg12 : memref<128x128xf32, #tpu.memory_space<vmem>>) offsets(%dma_start3A_639 : memref<128xi32, #tpu.memory_space<vmem>>) semaphore(%arg15 : memref<!tpu.dma_semaphore, #tpu.memory_space<semaphore_mem>>)
        } else {
        }
      }
      %scan3A_254 = arith.constant 4 : i32
      %dma_wait3A_255 = arith.constant 0 : i32
      %dma_wait3A_256 = tpu.memref_slice %arg3[%add3A_238, %dma_wait3A_255] : memref<2560x128xi32, #tpu.memory_space<hbm>> -> memref<8x128xi32, #tpu.memory_space<hbm>>
      %dma_wait3A_257 = arith.constant 0 : i32
      %dma_wait3A_258 = tpu.memref_slice %arg3[%add3A_238, %dma_wait3A_257] : memref<2560x128xi32, #tpu.memory_space<hbm>> -> memref<8x128xi32, #tpu.memory_space<hbm>>
      tpu.wait_dma2 semaphore(%arg16 : memref<!tpu.dma_semaphore, #tpu.memory_space<semaphore_mem>>) src(%dma_wait3A_258 : memref<8x128xi32, #tpu.memory_space<hbm>>) dst(%arg7 : memref<8x128xi32, #tpu.memory_space<vmem>>)
      %dma_wait3A_259 = arith.constant 0 : i32
      %dma_wait3A_260 = tpu.memref_slice %arg4[%add3A_238, %dma_wait3A_259] : memref<2560x128xi32, #tpu.memory_space<hbm>> -> memref<8x128xi32, #tpu.memory_space<hbm>>
      %dma_wait3A_261 = arith.constant 0 : i32
      %dma_wait3A_262 = tpu.memref_slice %arg4[%add3A_238, %dma_wait3A_261] : memref<2560x128xi32, #tpu.memory_space<hbm>> -> memref<8x128xi32, #tpu.memory_space<hbm>>
      tpu.wait_dma2 semaphore(%arg16 : memref<!tpu.dma_semaphore, #tpu.memory_space<semaphore_mem>>) src(%dma_wait3A_262 : memref<8x128xi32, #tpu.memory_space<hbm>>) dst(%arg9 : memref<8x128xi32, #tpu.memory_space<vmem>>)
      %dma_start3A_263 = arith.constant 0 : i32
      %dma_start3A_264 = arith.constant 0 : i32
      %dma_start3A_265 = tpu.memref_slice %arg7[%dma_start3A_263, %dma_start3A_264] : memref<8x128xi32, #tpu.memory_space<vmem>> -> memref<1x128xi32, #tpu.memory_space<vmem>>
      %dma_start3A_266 = tpu.memref_squeeze %dma_start3A_265 : memref<1x128xi32, #tpu.memory_space<vmem>> -> memref<128xi32, #tpu.memory_space<vmem>>
      %dma_start3A_267 = arith.constant 0 : i32
      %dma_start3A_268 = arith.constant 0 : i32
      %dma_start3A_269 = tpu.memref_slice %arg2[%dma_start3A_267, %dma_start3A_268] : memref<20000x128xf32, #tpu.memory_space<hbm>> -> memref<20000x128xf32, #tpu.memory_space<hbm>>
      tpu.enqueue_indirect_dma source(%dma_start3A_269 : memref<20000x128xf32, #tpu.memory_space<hbm>>) target(%arg11 : memref<128x128xf32, #tpu.memory_space<vmem>>) offsets(%dma_start3A_266 : memref<128xi32, #tpu.memory_space<vmem>>) semaphore(%arg14 : memref<!tpu.dma_semaphore, #tpu.memory_space<semaphore_mem>>)
      %dma_start3A_270 = arith.constant 1 : i32
      %dma_start3A_271 = arith.constant 0 : i32
      %dma_start3A_272 = tpu.memref_slice %arg7[%dma_start3A_270, %dma_start3A_271] : memref<8x128xi32, #tpu.memory_space<vmem>> -> memref<1x128xi32, #tpu.memory_space<vmem>>
      %dma_start3A_273 = tpu.memref_squeeze %dma_start3A_272 : memref<1x128xi32, #tpu.memory_space<vmem>> -> memref<128xi32, #tpu.memory_space<vmem>>
      %dma_start3A_274 = arith.constant 0 : i32
      %dma_start3A_275 = arith.constant 0 : i32
      %dma_start3A_276 = tpu.memref_slice %arg2[%dma_start3A_274, %dma_start3A_275] : memref<20000x128xf32, #tpu.memory_space<hbm>> -> memref<20000x128xf32, #tpu.memory_space<hbm>>
      tpu.enqueue_indirect_dma source(%dma_start3A_276 : memref<20000x128xf32, #tpu.memory_space<hbm>>) target(%arg12 : memref<128x128xf32, #tpu.memory_space<vmem>>) offsets(%dma_start3A_273 : memref<128xi32, #tpu.memory_space<vmem>>) semaphore(%arg15 : memref<!tpu.dma_semaphore, #tpu.memory_space<semaphore_mem>>)
      %add3A_277 = arith.constant 56 : i32
      %add3A_278 = arith.addi %mul3A_10, %add3A_277 : i32
      %dma_start3A_279 = arith.constant 0 : i32
      %dma_start3A_280 = tpu.memref_slice %arg3[%add3A_278, %dma_start3A_279] : memref<2560x128xi32, #tpu.memory_space<hbm>> -> memref<8x128xi32, #tpu.memory_space<hbm>>
      %dma_start3A_281 = arith.constant 0 : i32
      %dma_start3A_282 = tpu.memref_slice %arg3[%add3A_278, %dma_start3A_281] : memref<2560x128xi32, #tpu.memory_space<hbm>> -> memref<8x128xi32, #tpu.memory_space<hbm>>
      tpu.enqueue_dma source(%dma_start3A_282 : memref<8x128xi32, #tpu.memory_space<hbm>>) target(%arg8 : memref<8x128xi32, #tpu.memory_space<vmem>>) target_semaphore(%arg16 : memref<!tpu.dma_semaphore, #tpu.memory_space<semaphore_mem>>)
      %dma_start3A_283 = arith.constant 0 : i32
      %dma_start3A_284 = tpu.memref_slice %arg4[%add3A_278, %dma_start3A_283] : memref<2560x128xi32, #tpu.memory_space<hbm>> -> memref<8x128xi32, #tpu.memory_space<hbm>>
      %dma_start3A_285 = arith.constant 0 : i32
      %dma_start3A_286 = tpu.memref_slice %arg4[%add3A_278, %dma_start3A_285] : memref<2560x128xi32, #tpu.memory_space<hbm>> -> memref<8x128xi32, #tpu.memory_space<hbm>>
      tpu.enqueue_dma source(%dma_start3A_286 : memref<8x128xi32, #tpu.memory_space<hbm>>) target(%arg10 : memref<8x128xi32, #tpu.memory_space<vmem>>) target_semaphore(%arg16 : memref<!tpu.dma_semaphore, #tpu.memory_space<semaphore_mem>>)
      %scan3A_287 = arith.constant 0 : i32
      %scan3A_288 = arith.constant 0 : i32
      %scan3A_289 = arith.constant 1 : i32
      %scan3A_290 = arith.constant 0 : i32
      %scan3A_291 = arith.constant 4 : i32
      %scan3A_292 = arith.addi %scan3A_290, %scan3A_291 : i32
      %scan3A_293 = arith.constant 1 : i32
      scf.for %scan3A_605 = %scan3A_290 to %scan3A_292 step %scan3A_293  : i32 {
        %mul3A_606 = arith.constant 2 : i32
        %mul3A_607 = arith.muli %mul3A_606, %scan3A_605 : i32
        %dma_wait3A_608 = arith.constant 0 : i32
        %dma_wait3A_609 = tpu.memref_slice %arg7[%scan3A_288, %dma_wait3A_608] : memref<8x128xi32, #tpu.memory_space<vmem>> -> memref<1x128xi32, #tpu.memory_space<vmem>>
        %dma_wait3A_610 = tpu.memref_squeeze %dma_wait3A_609 : memref<1x128xi32, #tpu.memory_space<vmem>> -> memref<128xi32, #tpu.memory_space<vmem>>
        %dma_wait3A_611 = arith.constant 0 : i32
        %dma_wait3A_612 = arith.constant 0 : i32
        %dma_wait3A_613 = tpu.memref_slice %arg2[%dma_wait3A_611, %dma_wait3A_612] : memref<20000x128xf32, #tpu.memory_space<hbm>> -> memref<20000x128xf32, #tpu.memory_space<hbm>>
        tpu.wait_indirect_dma semaphore(%arg14 : memref<!tpu.dma_semaphore, #tpu.memory_space<semaphore_mem>>) src(%dma_wait3A_613 : memref<20000x128xf32, #tpu.memory_space<hbm>>) dst(%arg11 : memref<128x128xf32, #tpu.memory_space<vmem>>)
        "tpu.region"() ({
          %run_scoped3A = tpu.sem_alloc : memref<!tpu.dma_semaphore, #tpu.memory_space<semaphore_mem>>
          %dma_start3A_635 = arith.constant 0 : i32
          %dma_start3A_636 = tpu.memref_slice %arg9[%mul3A_607, %dma_start3A_635] : memref<8x128xi32, #tpu.memory_space<vmem>> -> memref<1x128xi32, #tpu.memory_space<vmem>>
          %dma_start3A_637 = tpu.memref_squeeze %dma_start3A_636 : memref<1x128xi32, #tpu.memory_space<vmem>> -> memref<128xi32, #tpu.memory_space<vmem>>
          %dma_start3A_638 = arith.constant 0 : i32
          %dma_start3A_639 = arith.constant 0 : i32
          %dma_start3A_640 = tpu.memref_slice %arg13[%dma_start3A_638, %dma_start3A_639] : memref<10112x128xf32, #tpu.memory_space<vmem_shared>> -> memref<10112x128xf32, #tpu.memory_space<vmem_shared>>
          tpu.enqueue_indirect_dma source(%arg11 : memref<128x128xf32, #tpu.memory_space<vmem>>) target(%dma_start3A_640 : memref<10112x128xf32, #tpu.memory_space<vmem_shared>>) offsets(%dma_start3A_637 : memref<128xi32, #tpu.memory_space<vmem>>) semaphore(%run_scoped3A : memref<!tpu.dma_semaphore, #tpu.memory_space<semaphore_mem>>) {add = true}
          %dma_wait3A_641 = arith.constant 0 : i32
          %dma_wait3A_642 = tpu.memref_slice %arg9[%mul3A_607, %dma_wait3A_641] : memref<8x128xi32, #tpu.memory_space<vmem>> -> memref<1x128xi32, #tpu.memory_space<vmem>>
          %dma_wait3A_643 = tpu.memref_squeeze %dma_wait3A_642 : memref<1x128xi32, #tpu.memory_space<vmem>> -> memref<128xi32, #tpu.memory_space<vmem>>
          %dma_wait3A_644 = arith.constant 0 : i32
          %dma_wait3A_645 = arith.constant 0 : i32
          %dma_wait3A_646 = tpu.memref_slice %arg13[%dma_wait3A_644, %dma_wait3A_645] : memref<10112x128xf32, #tpu.memory_space<vmem_shared>> -> memref<10112x128xf32, #tpu.memory_space<vmem_shared>>
          tpu.wait_indirect_dma semaphore(%run_scoped3A : memref<!tpu.dma_semaphore, #tpu.memory_space<semaphore_mem>>) src(%arg11 : memref<128x128xf32, #tpu.memory_space<vmem>>) dst(%dma_wait3A_646 : memref<10112x128xf32, #tpu.memory_space<vmem_shared>>)
          tpu.yield
        }) : () -> ()
        %add3A_614 = arith.constant 2 : i32
        %add3A_615 = arith.addi %mul3A_607, %add3A_614 : i32
        %lt3A = arith.constant 8 : i32
        %lt3A_616 = arith.cmpi slt, %add3A_615, %lt3A : i32
        %convert_element_type3A_617 = arith.extui %lt3A_616 : i1 to i32
        %cond3A_618 = arith.constant 0 : i32
        %cond3A_619 = arith.cmpi ne, %convert_element_type3A_617, %cond3A_618 : i32
        scf.if %cond3A_619 {
          %add3A_635 = arith.constant 2 : i32
          %add3A_636 = arith.addi %mul3A_607, %add3A_635 : i32
          %dma_start3A_637 = arith.constant 0 : i32
          %dma_start3A_638 = tpu.memref_slice %arg7[%add3A_636, %dma_start3A_637] : memref<8x128xi32, #tpu.memory_space<vmem>> -> memref<1x128xi32, #tpu.memory_space<vmem>>
          %dma_start3A_639 = tpu.memref_squeeze %dma_start3A_638 : memref<1x128xi32, #tpu.memory_space<vmem>> -> memref<128xi32, #tpu.memory_space<vmem>>
          %dma_start3A_640 = arith.constant 0 : i32
          %dma_start3A_641 = arith.constant 0 : i32
          %dma_start3A_642 = tpu.memref_slice %arg2[%dma_start3A_640, %dma_start3A_641] : memref<20000x128xf32, #tpu.memory_space<hbm>> -> memref<20000x128xf32, #tpu.memory_space<hbm>>
          tpu.enqueue_indirect_dma source(%dma_start3A_642 : memref<20000x128xf32, #tpu.memory_space<hbm>>) target(%arg11 : memref<128x128xf32, #tpu.memory_space<vmem>>) offsets(%dma_start3A_639 : memref<128xi32, #tpu.memory_space<vmem>>) semaphore(%arg14 : memref<!tpu.dma_semaphore, #tpu.memory_space<semaphore_mem>>)
        } else {
        }
        %dma_wait3A_620 = arith.constant 0 : i32
        %dma_wait3A_621 = tpu.memref_slice %arg7[%scan3A_289, %dma_wait3A_620] : memref<8x128xi32, #tpu.memory_space<vmem>> -> memref<1x128xi32, #tpu.memory_space<vmem>>
        %dma_wait3A_622 = tpu.memref_squeeze %dma_wait3A_621 : memref<1x128xi32, #tpu.memory_space<vmem>> -> memref<128xi32, #tpu.memory_space<vmem>>
        %dma_wait3A_623 = arith.constant 0 : i32
        %dma_wait3A_624 = arith.constant 0 : i32
        %dma_wait3A_625 = tpu.memref_slice %arg2[%dma_wait3A_623, %dma_wait3A_624] : memref<20000x128xf32, #tpu.memory_space<hbm>> -> memref<20000x128xf32, #tpu.memory_space<hbm>>
        tpu.wait_indirect_dma semaphore(%arg15 : memref<!tpu.dma_semaphore, #tpu.memory_space<semaphore_mem>>) src(%dma_wait3A_625 : memref<20000x128xf32, #tpu.memory_space<hbm>>) dst(%arg12 : memref<128x128xf32, #tpu.memory_space<vmem>>)
        %add3A_626 = arith.constant 1 : i32
        %add3A_627 = arith.addi %mul3A_607, %add3A_626 : i32
        "tpu.region"() ({
          %run_scoped3A = tpu.sem_alloc : memref<!tpu.dma_semaphore, #tpu.memory_space<semaphore_mem>>
          %dma_start3A_635 = arith.constant 0 : i32
          %dma_start3A_636 = tpu.memref_slice %arg9[%add3A_627, %dma_start3A_635] : memref<8x128xi32, #tpu.memory_space<vmem>> -> memref<1x128xi32, #tpu.memory_space<vmem>>
          %dma_start3A_637 = tpu.memref_squeeze %dma_start3A_636 : memref<1x128xi32, #tpu.memory_space<vmem>> -> memref<128xi32, #tpu.memory_space<vmem>>
          %dma_start3A_638 = arith.constant 0 : i32
          %dma_start3A_639 = arith.constant 0 : i32
          %dma_start3A_640 = tpu.memref_slice %arg13[%dma_start3A_638, %dma_start3A_639] : memref<10112x128xf32, #tpu.memory_space<vmem_shared>> -> memref<10112x128xf32, #tpu.memory_space<vmem_shared>>
          tpu.enqueue_indirect_dma source(%arg12 : memref<128x128xf32, #tpu.memory_space<vmem>>) target(%dma_start3A_640 : memref<10112x128xf32, #tpu.memory_space<vmem_shared>>) offsets(%dma_start3A_637 : memref<128xi32, #tpu.memory_space<vmem>>) semaphore(%run_scoped3A : memref<!tpu.dma_semaphore, #tpu.memory_space<semaphore_mem>>) {add = true}
          %dma_wait3A_641 = arith.constant 0 : i32
          %dma_wait3A_642 = tpu.memref_slice %arg9[%add3A_627, %dma_wait3A_641] : memref<8x128xi32, #tpu.memory_space<vmem>> -> memref<1x128xi32, #tpu.memory_space<vmem>>
          %dma_wait3A_643 = tpu.memref_squeeze %dma_wait3A_642 : memref<1x128xi32, #tpu.memory_space<vmem>> -> memref<128xi32, #tpu.memory_space<vmem>>
          %dma_wait3A_644 = arith.constant 0 : i32
          %dma_wait3A_645 = arith.constant 0 : i32
          %dma_wait3A_646 = tpu.memref_slice %arg13[%dma_wait3A_644, %dma_wait3A_645] : memref<10112x128xf32, #tpu.memory_space<vmem_shared>> -> memref<10112x128xf32, #tpu.memory_space<vmem_shared>>
          tpu.wait_indirect_dma semaphore(%run_scoped3A : memref<!tpu.dma_semaphore, #tpu.memory_space<semaphore_mem>>) src(%arg12 : memref<128x128xf32, #tpu.memory_space<vmem>>) dst(%dma_wait3A_646 : memref<10112x128xf32, #tpu.memory_space<vmem_shared>>)
          tpu.yield
        }) : () -> ()
        %add3A_628 = arith.constant 3 : i32
        %add3A_629 = arith.addi %mul3A_607, %add3A_628 : i32
        %lt3A_630 = arith.constant 8 : i32
        %lt3A_631 = arith.cmpi slt, %add3A_629, %lt3A_630 : i32
        %convert_element_type3A_632 = arith.extui %lt3A_631 : i1 to i32
        %cond3A_633 = arith.constant 0 : i32
        %cond3A_634 = arith.cmpi ne, %convert_element_type3A_632, %cond3A_633 : i32
        scf.if %cond3A_634 {
          %add3A_635 = arith.constant 3 : i32
          %add3A_636 = arith.addi %mul3A_607, %add3A_635 : i32
          %dma_start3A_637 = arith.constant 0 : i32
          %dma_start3A_638 = tpu.memref_slice %arg7[%add3A_636, %dma_start3A_637] : memref<8x128xi32, #tpu.memory_space<vmem>> -> memref<1x128xi32, #tpu.memory_space<vmem>>
          %dma_start3A_639 = tpu.memref_squeeze %dma_start3A_638 : memref<1x128xi32, #tpu.memory_space<vmem>> -> memref<128xi32, #tpu.memory_space<vmem>>
          %dma_start3A_640 = arith.constant 0 : i32
          %dma_start3A_641 = arith.constant 0 : i32
          %dma_start3A_642 = tpu.memref_slice %arg2[%dma_start3A_640, %dma_start3A_641] : memref<20000x128xf32, #tpu.memory_space<hbm>> -> memref<20000x128xf32, #tpu.memory_space<hbm>>
          tpu.enqueue_indirect_dma source(%dma_start3A_642 : memref<20000x128xf32, #tpu.memory_space<hbm>>) target(%arg12 : memref<128x128xf32, #tpu.memory_space<vmem>>) offsets(%dma_start3A_639 : memref<128xi32, #tpu.memory_space<vmem>>) semaphore(%arg15 : memref<!tpu.dma_semaphore, #tpu.memory_space<semaphore_mem>>)
        } else {
        }
      }
      %scan3A_294 = arith.constant 4 : i32
      %dma_wait3A_295 = arith.constant 0 : i32
      %dma_wait3A_296 = tpu.memref_slice %arg3[%add3A_278, %dma_wait3A_295] : memref<2560x128xi32, #tpu.memory_space<hbm>> -> memref<8x128xi32, #tpu.memory_space<hbm>>
      %dma_wait3A_297 = arith.constant 0 : i32
      %dma_wait3A_298 = tpu.memref_slice %arg3[%add3A_278, %dma_wait3A_297] : memref<2560x128xi32, #tpu.memory_space<hbm>> -> memref<8x128xi32, #tpu.memory_space<hbm>>
      tpu.wait_dma2 semaphore(%arg16 : memref<!tpu.dma_semaphore, #tpu.memory_space<semaphore_mem>>) src(%dma_wait3A_298 : memref<8x128xi32, #tpu.memory_space<hbm>>) dst(%arg8 : memref<8x128xi32, #tpu.memory_space<vmem>>)
      %dma_wait3A_299 = arith.constant 0 : i32
      %dma_wait3A_300 = tpu.memref_slice %arg4[%add3A_278, %dma_wait3A_299] : memref<2560x128xi32, #tpu.memory_space<hbm>> -> memref<8x128xi32, #tpu.memory_space<hbm>>
      %dma_wait3A_301 = arith.constant 0 : i32
      %dma_wait3A_302 = tpu.memref_slice %arg4[%add3A_278, %dma_wait3A_301] : memref<2560x128xi32, #tpu.memory_space<hbm>> -> memref<8x128xi32, #tpu.memory_space<hbm>>
      tpu.wait_dma2 semaphore(%arg16 : memref<!tpu.dma_semaphore, #tpu.memory_space<semaphore_mem>>) src(%dma_wait3A_302 : memref<8x128xi32, #tpu.memory_space<hbm>>) dst(%arg10 : memref<8x128xi32, #tpu.memory_space<vmem>>)
      %dma_start3A_303 = arith.constant 0 : i32
      %dma_start3A_304 = arith.constant 0 : i32
      %dma_start3A_305 = tpu.memref_slice %arg8[%dma_start3A_303, %dma_start3A_304] : memref<8x128xi32, #tpu.memory_space<vmem>> -> memref<1x128xi32, #tpu.memory_space<vmem>>
      %dma_start3A_306 = tpu.memref_squeeze %dma_start3A_305 : memref<1x128xi32, #tpu.memory_space<vmem>> -> memref<128xi32, #tpu.memory_space<vmem>>
      %dma_start3A_307 = arith.constant 0 : i32
      %dma_start3A_308 = arith.constant 0 : i32
      %dma_start3A_309 = tpu.memref_slice %arg2[%dma_start3A_307, %dma_start3A_308] : memref<20000x128xf32, #tpu.memory_space<hbm>> -> memref<20000x128xf32, #tpu.memory_space<hbm>>
      tpu.enqueue_indirect_dma source(%dma_start3A_309 : memref<20000x128xf32, #tpu.memory_space<hbm>>) target(%arg11 : memref<128x128xf32, #tpu.memory_space<vmem>>) offsets(%dma_start3A_306 : memref<128xi32, #tpu.memory_space<vmem>>) semaphore(%arg14 : memref<!tpu.dma_semaphore, #tpu.memory_space<semaphore_mem>>)
      %dma_start3A_310 = arith.constant 1 : i32
      %dma_start3A_311 = arith.constant 0 : i32
      %dma_start3A_312 = tpu.memref_slice %arg8[%dma_start3A_310, %dma_start3A_311] : memref<8x128xi32, #tpu.memory_space<vmem>> -> memref<1x128xi32, #tpu.memory_space<vmem>>
      %dma_start3A_313 = tpu.memref_squeeze %dma_start3A_312 : memref<1x128xi32, #tpu.memory_space<vmem>> -> memref<128xi32, #tpu.memory_space<vmem>>
      %dma_start3A_314 = arith.constant 0 : i32
      %dma_start3A_315 = arith.constant 0 : i32
      %dma_start3A_316 = tpu.memref_slice %arg2[%dma_start3A_314, %dma_start3A_315] : memref<20000x128xf32, #tpu.memory_space<hbm>> -> memref<20000x128xf32, #tpu.memory_space<hbm>>
      tpu.enqueue_indirect_dma source(%dma_start3A_316 : memref<20000x128xf32, #tpu.memory_space<hbm>>) target(%arg12 : memref<128x128xf32, #tpu.memory_space<vmem>>) offsets(%dma_start3A_313 : memref<128xi32, #tpu.memory_space<vmem>>) semaphore(%arg15 : memref<!tpu.dma_semaphore, #tpu.memory_space<semaphore_mem>>)
      %add3A_317 = arith.constant 64 : i32
      %add3A_318 = arith.addi %mul3A_10, %add3A_317 : i32
      %dma_start3A_319 = arith.constant 0 : i32
      %dma_start3A_320 = tpu.memref_slice %arg3[%add3A_318, %dma_start3A_319] : memref<2560x128xi32, #tpu.memory_space<hbm>> -> memref<8x128xi32, #tpu.memory_space<hbm>>
      %dma_start3A_321 = arith.constant 0 : i32
      %dma_start3A_322 = tpu.memref_slice %arg3[%add3A_318, %dma_start3A_321] : memref<2560x128xi32, #tpu.memory_space<hbm>> -> memref<8x128xi32, #tpu.memory_space<hbm>>
      tpu.enqueue_dma source(%dma_start3A_322 : memref<8x128xi32, #tpu.memory_space<hbm>>) target(%arg7 : memref<8x128xi32, #tpu.memory_space<vmem>>) target_semaphore(%arg16 : memref<!tpu.dma_semaphore, #tpu.memory_space<semaphore_mem>>)
      %dma_start3A_323 = arith.constant 0 : i32
      %dma_start3A_324 = tpu.memref_slice %arg4[%add3A_318, %dma_start3A_323] : memref<2560x128xi32, #tpu.memory_space<hbm>> -> memref<8x128xi32, #tpu.memory_space<hbm>>
      %dma_start3A_325 = arith.constant 0 : i32
      %dma_start3A_326 = tpu.memref_slice %arg4[%add3A_318, %dma_start3A_325] : memref<2560x128xi32, #tpu.memory_space<hbm>> -> memref<8x128xi32, #tpu.memory_space<hbm>>
      tpu.enqueue_dma source(%dma_start3A_326 : memref<8x128xi32, #tpu.memory_space<hbm>>) target(%arg9 : memref<8x128xi32, #tpu.memory_space<vmem>>) target_semaphore(%arg16 : memref<!tpu.dma_semaphore, #tpu.memory_space<semaphore_mem>>)
      %scan3A_327 = arith.constant 0 : i32
      %scan3A_328 = arith.constant 0 : i32
      %scan3A_329 = arith.constant 1 : i32
      %scan3A_330 = arith.constant 0 : i32
      %scan3A_331 = arith.constant 4 : i32
      %scan3A_332 = arith.addi %scan3A_330, %scan3A_331 : i32
      %scan3A_333 = arith.constant 1 : i32
      scf.for %scan3A_605 = %scan3A_330 to %scan3A_332 step %scan3A_333  : i32 {
        %mul3A_606 = arith.constant 2 : i32
        %mul3A_607 = arith.muli %mul3A_606, %scan3A_605 : i32
        %dma_wait3A_608 = arith.constant 0 : i32
        %dma_wait3A_609 = tpu.memref_slice %arg8[%scan3A_328, %dma_wait3A_608] : memref<8x128xi32, #tpu.memory_space<vmem>> -> memref<1x128xi32, #tpu.memory_space<vmem>>
        %dma_wait3A_610 = tpu.memref_squeeze %dma_wait3A_609 : memref<1x128xi32, #tpu.memory_space<vmem>> -> memref<128xi32, #tpu.memory_space<vmem>>
        %dma_wait3A_611 = arith.constant 0 : i32
        %dma_wait3A_612 = arith.constant 0 : i32
        %dma_wait3A_613 = tpu.memref_slice %arg2[%dma_wait3A_611, %dma_wait3A_612] : memref<20000x128xf32, #tpu.memory_space<hbm>> -> memref<20000x128xf32, #tpu.memory_space<hbm>>
        tpu.wait_indirect_dma semaphore(%arg14 : memref<!tpu.dma_semaphore, #tpu.memory_space<semaphore_mem>>) src(%dma_wait3A_613 : memref<20000x128xf32, #tpu.memory_space<hbm>>) dst(%arg11 : memref<128x128xf32, #tpu.memory_space<vmem>>)
        "tpu.region"() ({
          %run_scoped3A = tpu.sem_alloc : memref<!tpu.dma_semaphore, #tpu.memory_space<semaphore_mem>>
          %dma_start3A_635 = arith.constant 0 : i32
          %dma_start3A_636 = tpu.memref_slice %arg10[%mul3A_607, %dma_start3A_635] : memref<8x128xi32, #tpu.memory_space<vmem>> -> memref<1x128xi32, #tpu.memory_space<vmem>>
          %dma_start3A_637 = tpu.memref_squeeze %dma_start3A_636 : memref<1x128xi32, #tpu.memory_space<vmem>> -> memref<128xi32, #tpu.memory_space<vmem>>
          %dma_start3A_638 = arith.constant 0 : i32
          %dma_start3A_639 = arith.constant 0 : i32
          %dma_start3A_640 = tpu.memref_slice %arg13[%dma_start3A_638, %dma_start3A_639] : memref<10112x128xf32, #tpu.memory_space<vmem_shared>> -> memref<10112x128xf32, #tpu.memory_space<vmem_shared>>
          tpu.enqueue_indirect_dma source(%arg11 : memref<128x128xf32, #tpu.memory_space<vmem>>) target(%dma_start3A_640 : memref<10112x128xf32, #tpu.memory_space<vmem_shared>>) offsets(%dma_start3A_637 : memref<128xi32, #tpu.memory_space<vmem>>) semaphore(%run_scoped3A : memref<!tpu.dma_semaphore, #tpu.memory_space<semaphore_mem>>) {add = true}
          %dma_wait3A_641 = arith.constant 0 : i32
          %dma_wait3A_642 = tpu.memref_slice %arg10[%mul3A_607, %dma_wait3A_641] : memref<8x128xi32, #tpu.memory_space<vmem>> -> memref<1x128xi32, #tpu.memory_space<vmem>>
          %dma_wait3A_643 = tpu.memref_squeeze %dma_wait3A_642 : memref<1x128xi32, #tpu.memory_space<vmem>> -> memref<128xi32, #tpu.memory_space<vmem>>
          %dma_wait3A_644 = arith.constant 0 : i32
          %dma_wait3A_645 = arith.constant 0 : i32
          %dma_wait3A_646 = tpu.memref_slice %arg13[%dma_wait3A_644, %dma_wait3A_645] : memref<10112x128xf32, #tpu.memory_space<vmem_shared>> -> memref<10112x128xf32, #tpu.memory_space<vmem_shared>>
          tpu.wait_indirect_dma semaphore(%run_scoped3A : memref<!tpu.dma_semaphore, #tpu.memory_space<semaphore_mem>>) src(%arg11 : memref<128x128xf32, #tpu.memory_space<vmem>>) dst(%dma_wait3A_646 : memref<10112x128xf32, #tpu.memory_space<vmem_shared>>)
          tpu.yield
        }) : () -> ()
        %add3A_614 = arith.constant 2 : i32
        %add3A_615 = arith.addi %mul3A_607, %add3A_614 : i32
        %lt3A = arith.constant 8 : i32
        %lt3A_616 = arith.cmpi slt, %add3A_615, %lt3A : i32
        %convert_element_type3A_617 = arith.extui %lt3A_616 : i1 to i32
        %cond3A_618 = arith.constant 0 : i32
        %cond3A_619 = arith.cmpi ne, %convert_element_type3A_617, %cond3A_618 : i32
        scf.if %cond3A_619 {
          %add3A_635 = arith.constant 2 : i32
          %add3A_636 = arith.addi %mul3A_607, %add3A_635 : i32
          %dma_start3A_637 = arith.constant 0 : i32
          %dma_start3A_638 = tpu.memref_slice %arg8[%add3A_636, %dma_start3A_637] : memref<8x128xi32, #tpu.memory_space<vmem>> -> memref<1x128xi32, #tpu.memory_space<vmem>>
          %dma_start3A_639 = tpu.memref_squeeze %dma_start3A_638 : memref<1x128xi32, #tpu.memory_space<vmem>> -> memref<128xi32, #tpu.memory_space<vmem>>
          %dma_start3A_640 = arith.constant 0 : i32
          %dma_start3A_641 = arith.constant 0 : i32
          %dma_start3A_642 = tpu.memref_slice %arg2[%dma_start3A_640, %dma_start3A_641] : memref<20000x128xf32, #tpu.memory_space<hbm>> -> memref<20000x128xf32, #tpu.memory_space<hbm>>
          tpu.enqueue_indirect_dma source(%dma_start3A_642 : memref<20000x128xf32, #tpu.memory_space<hbm>>) target(%arg11 : memref<128x128xf32, #tpu.memory_space<vmem>>) offsets(%dma_start3A_639 : memref<128xi32, #tpu.memory_space<vmem>>) semaphore(%arg14 : memref<!tpu.dma_semaphore, #tpu.memory_space<semaphore_mem>>)
        } else {
        }
        %dma_wait3A_620 = arith.constant 0 : i32
        %dma_wait3A_621 = tpu.memref_slice %arg8[%scan3A_329, %dma_wait3A_620] : memref<8x128xi32, #tpu.memory_space<vmem>> -> memref<1x128xi32, #tpu.memory_space<vmem>>
        %dma_wait3A_622 = tpu.memref_squeeze %dma_wait3A_621 : memref<1x128xi32, #tpu.memory_space<vmem>> -> memref<128xi32, #tpu.memory_space<vmem>>
        %dma_wait3A_623 = arith.constant 0 : i32
        %dma_wait3A_624 = arith.constant 0 : i32
        %dma_wait3A_625 = tpu.memref_slice %arg2[%dma_wait3A_623, %dma_wait3A_624] : memref<20000x128xf32, #tpu.memory_space<hbm>> -> memref<20000x128xf32, #tpu.memory_space<hbm>>
        tpu.wait_indirect_dma semaphore(%arg15 : memref<!tpu.dma_semaphore, #tpu.memory_space<semaphore_mem>>) src(%dma_wait3A_625 : memref<20000x128xf32, #tpu.memory_space<hbm>>) dst(%arg12 : memref<128x128xf32, #tpu.memory_space<vmem>>)
        %add3A_626 = arith.constant 1 : i32
        %add3A_627 = arith.addi %mul3A_607, %add3A_626 : i32
        "tpu.region"() ({
          %run_scoped3A = tpu.sem_alloc : memref<!tpu.dma_semaphore, #tpu.memory_space<semaphore_mem>>
          %dma_start3A_635 = arith.constant 0 : i32
          %dma_start3A_636 = tpu.memref_slice %arg10[%add3A_627, %dma_start3A_635] : memref<8x128xi32, #tpu.memory_space<vmem>> -> memref<1x128xi32, #tpu.memory_space<vmem>>
          %dma_start3A_637 = tpu.memref_squeeze %dma_start3A_636 : memref<1x128xi32, #tpu.memory_space<vmem>> -> memref<128xi32, #tpu.memory_space<vmem>>
          %dma_start3A_638 = arith.constant 0 : i32
          %dma_start3A_639 = arith.constant 0 : i32
          %dma_start3A_640 = tpu.memref_slice %arg13[%dma_start3A_638, %dma_start3A_639] : memref<10112x128xf32, #tpu.memory_space<vmem_shared>> -> memref<10112x128xf32, #tpu.memory_space<vmem_shared>>
          tpu.enqueue_indirect_dma source(%arg12 : memref<128x128xf32, #tpu.memory_space<vmem>>) target(%dma_start3A_640 : memref<10112x128xf32, #tpu.memory_space<vmem_shared>>) offsets(%dma_start3A_637 : memref<128xi32, #tpu.memory_space<vmem>>) semaphore(%run_scoped3A : memref<!tpu.dma_semaphore, #tpu.memory_space<semaphore_mem>>) {add = true}
          %dma_wait3A_641 = arith.constant 0 : i32
          %dma_wait3A_642 = tpu.memref_slice %arg10[%add3A_627, %dma_wait3A_641] : memref<8x128xi32, #tpu.memory_space<vmem>> -> memref<1x128xi32, #tpu.memory_space<vmem>>
          %dma_wait3A_643 = tpu.memref_squeeze %dma_wait3A_642 : memref<1x128xi32, #tpu.memory_space<vmem>> -> memref<128xi32, #tpu.memory_space<vmem>>
          %dma_wait3A_644 = arith.constant 0 : i32
          %dma_wait3A_645 = arith.constant 0 : i32
          %dma_wait3A_646 = tpu.memref_slice %arg13[%dma_wait3A_644, %dma_wait3A_645] : memref<10112x128xf32, #tpu.memory_space<vmem_shared>> -> memref<10112x128xf32, #tpu.memory_space<vmem_shared>>
          tpu.wait_indirect_dma semaphore(%run_scoped3A : memref<!tpu.dma_semaphore, #tpu.memory_space<semaphore_mem>>) src(%arg12 : memref<128x128xf32, #tpu.memory_space<vmem>>) dst(%dma_wait3A_646 : memref<10112x128xf32, #tpu.memory_space<vmem_shared>>)
          tpu.yield
        }) : () -> ()
        %add3A_628 = arith.constant 3 : i32
        %add3A_629 = arith.addi %mul3A_607, %add3A_628 : i32
        %lt3A_630 = arith.constant 8 : i32
        %lt3A_631 = arith.cmpi slt, %add3A_629, %lt3A_630 : i32
        %convert_element_type3A_632 = arith.extui %lt3A_631 : i1 to i32
        %cond3A_633 = arith.constant 0 : i32
        %cond3A_634 = arith.cmpi ne, %convert_element_type3A_632, %cond3A_633 : i32
        scf.if %cond3A_634 {
          %add3A_635 = arith.constant 3 : i32
          %add3A_636 = arith.addi %mul3A_607, %add3A_635 : i32
          %dma_start3A_637 = arith.constant 0 : i32
          %dma_start3A_638 = tpu.memref_slice %arg8[%add3A_636, %dma_start3A_637] : memref<8x128xi32, #tpu.memory_space<vmem>> -> memref<1x128xi32, #tpu.memory_space<vmem>>
          %dma_start3A_639 = tpu.memref_squeeze %dma_start3A_638 : memref<1x128xi32, #tpu.memory_space<vmem>> -> memref<128xi32, #tpu.memory_space<vmem>>
          %dma_start3A_640 = arith.constant 0 : i32
          %dma_start3A_641 = arith.constant 0 : i32
          %dma_start3A_642 = tpu.memref_slice %arg2[%dma_start3A_640, %dma_start3A_641] : memref<20000x128xf32, #tpu.memory_space<hbm>> -> memref<20000x128xf32, #tpu.memory_space<hbm>>
          tpu.enqueue_indirect_dma source(%dma_start3A_642 : memref<20000x128xf32, #tpu.memory_space<hbm>>) target(%arg12 : memref<128x128xf32, #tpu.memory_space<vmem>>) offsets(%dma_start3A_639 : memref<128xi32, #tpu.memory_space<vmem>>) semaphore(%arg15 : memref<!tpu.dma_semaphore, #tpu.memory_space<semaphore_mem>>)
        } else {
        }
      }
      %scan3A_334 = arith.constant 4 : i32
      %dma_wait3A_335 = arith.constant 0 : i32
      %dma_wait3A_336 = tpu.memref_slice %arg3[%add3A_318, %dma_wait3A_335] : memref<2560x128xi32, #tpu.memory_space<hbm>> -> memref<8x128xi32, #tpu.memory_space<hbm>>
      %dma_wait3A_337 = arith.constant 0 : i32
      %dma_wait3A_338 = tpu.memref_slice %arg3[%add3A_318, %dma_wait3A_337] : memref<2560x128xi32, #tpu.memory_space<hbm>> -> memref<8x128xi32, #tpu.memory_space<hbm>>
      tpu.wait_dma2 semaphore(%arg16 : memref<!tpu.dma_semaphore, #tpu.memory_space<semaphore_mem>>) src(%dma_wait3A_338 : memref<8x128xi32, #tpu.memory_space<hbm>>) dst(%arg7 : memref<8x128xi32, #tpu.memory_space<vmem>>)
      %dma_wait3A_339 = arith.constant 0 : i32
      %dma_wait3A_340 = tpu.memref_slice %arg4[%add3A_318, %dma_wait3A_339] : memref<2560x128xi32, #tpu.memory_space<hbm>> -> memref<8x128xi32, #tpu.memory_space<hbm>>
      %dma_wait3A_341 = arith.constant 0 : i32
      %dma_wait3A_342 = tpu.memref_slice %arg4[%add3A_318, %dma_wait3A_341] : memref<2560x128xi32, #tpu.memory_space<hbm>> -> memref<8x128xi32, #tpu.memory_space<hbm>>
      tpu.wait_dma2 semaphore(%arg16 : memref<!tpu.dma_semaphore, #tpu.memory_space<semaphore_mem>>) src(%dma_wait3A_342 : memref<8x128xi32, #tpu.memory_space<hbm>>) dst(%arg9 : memref<8x128xi32, #tpu.memory_space<vmem>>)
      %dma_start3A_343 = arith.constant 0 : i32
      %dma_start3A_344 = arith.constant 0 : i32
      %dma_start3A_345 = tpu.memref_slice %arg7[%dma_start3A_343, %dma_start3A_344] : memref<8x128xi32, #tpu.memory_space<vmem>> -> memref<1x128xi32, #tpu.memory_space<vmem>>
      %dma_start3A_346 = tpu.memref_squeeze %dma_start3A_345 : memref<1x128xi32, #tpu.memory_space<vmem>> -> memref<128xi32, #tpu.memory_space<vmem>>
      %dma_start3A_347 = arith.constant 0 : i32
      %dma_start3A_348 = arith.constant 0 : i32
      %dma_start3A_349 = tpu.memref_slice %arg2[%dma_start3A_347, %dma_start3A_348] : memref<20000x128xf32, #tpu.memory_space<hbm>> -> memref<20000x128xf32, #tpu.memory_space<hbm>>
      tpu.enqueue_indirect_dma source(%dma_start3A_349 : memref<20000x128xf32, #tpu.memory_space<hbm>>) target(%arg11 : memref<128x128xf32, #tpu.memory_space<vmem>>) offsets(%dma_start3A_346 : memref<128xi32, #tpu.memory_space<vmem>>) semaphore(%arg14 : memref<!tpu.dma_semaphore, #tpu.memory_space<semaphore_mem>>)
      %dma_start3A_350 = arith.constant 1 : i32
      %dma_start3A_351 = arith.constant 0 : i32
      %dma_start3A_352 = tpu.memref_slice %arg7[%dma_start3A_350, %dma_start3A_351] : memref<8x128xi32, #tpu.memory_space<vmem>> -> memref<1x128xi32, #tpu.memory_space<vmem>>
      %dma_start3A_353 = tpu.memref_squeeze %dma_start3A_352 : memref<1x128xi32, #tpu.memory_space<vmem>> -> memref<128xi32, #tpu.memory_space<vmem>>
      %dma_start3A_354 = arith.constant 0 : i32
      %dma_start3A_355 = arith.constant 0 : i32
      %dma_start3A_356 = tpu.memref_slice %arg2[%dma_start3A_354, %dma_start3A_355] : memref<20000x128xf32, #tpu.memory_space<hbm>> -> memref<20000x128xf32, #tpu.memory_space<hbm>>
      tpu.enqueue_indirect_dma source(%dma_start3A_356 : memref<20000x128xf32, #tpu.memory_space<hbm>>) target(%arg12 : memref<128x128xf32, #tpu.memory_space<vmem>>) offsets(%dma_start3A_353 : memref<128xi32, #tpu.memory_space<vmem>>) semaphore(%arg15 : memref<!tpu.dma_semaphore, #tpu.memory_space<semaphore_mem>>)
      %add3A_357 = arith.constant 72 : i32
      %add3A_358 = arith.addi %mul3A_10, %add3A_357 : i32
      %dma_start3A_359 = arith.constant 0 : i32
      %dma_start3A_360 = tpu.memref_slice %arg3[%add3A_358, %dma_start3A_359] : memref<2560x128xi32, #tpu.memory_space<hbm>> -> memref<8x128xi32, #tpu.memory_space<hbm>>
      %dma_start3A_361 = arith.constant 0 : i32
      %dma_start3A_362 = tpu.memref_slice %arg3[%add3A_358, %dma_start3A_361] : memref<2560x128xi32, #tpu.memory_space<hbm>> -> memref<8x128xi32, #tpu.memory_space<hbm>>
      tpu.enqueue_dma source(%dma_start3A_362 : memref<8x128xi32, #tpu.memory_space<hbm>>) target(%arg8 : memref<8x128xi32, #tpu.memory_space<vmem>>) target_semaphore(%arg16 : memref<!tpu.dma_semaphore, #tpu.memory_space<semaphore_mem>>)
      %dma_start3A_363 = arith.constant 0 : i32
      %dma_start3A_364 = tpu.memref_slice %arg4[%add3A_358, %dma_start3A_363] : memref<2560x128xi32, #tpu.memory_space<hbm>> -> memref<8x128xi32, #tpu.memory_space<hbm>>
      %dma_start3A_365 = arith.constant 0 : i32
      %dma_start3A_366 = tpu.memref_slice %arg4[%add3A_358, %dma_start3A_365] : memref<2560x128xi32, #tpu.memory_space<hbm>> -> memref<8x128xi32, #tpu.memory_space<hbm>>
      tpu.enqueue_dma source(%dma_start3A_366 : memref<8x128xi32, #tpu.memory_space<hbm>>) target(%arg10 : memref<8x128xi32, #tpu.memory_space<vmem>>) target_semaphore(%arg16 : memref<!tpu.dma_semaphore, #tpu.memory_space<semaphore_mem>>)
      %scan3A_367 = arith.constant 0 : i32
      %scan3A_368 = arith.constant 0 : i32
      %scan3A_369 = arith.constant 1 : i32
      %scan3A_370 = arith.constant 0 : i32
      %scan3A_371 = arith.constant 4 : i32
      %scan3A_372 = arith.addi %scan3A_370, %scan3A_371 : i32
      %scan3A_373 = arith.constant 1 : i32
      scf.for %scan3A_605 = %scan3A_370 to %scan3A_372 step %scan3A_373  : i32 {
        %mul3A_606 = arith.constant 2 : i32
        %mul3A_607 = arith.muli %mul3A_606, %scan3A_605 : i32
        %dma_wait3A_608 = arith.constant 0 : i32
        %dma_wait3A_609 = tpu.memref_slice %arg7[%scan3A_368, %dma_wait3A_608] : memref<8x128xi32, #tpu.memory_space<vmem>> -> memref<1x128xi32, #tpu.memory_space<vmem>>
        %dma_wait3A_610 = tpu.memref_squeeze %dma_wait3A_609 : memref<1x128xi32, #tpu.memory_space<vmem>> -> memref<128xi32, #tpu.memory_space<vmem>>
        %dma_wait3A_611 = arith.constant 0 : i32
        %dma_wait3A_612 = arith.constant 0 : i32
        %dma_wait3A_613 = tpu.memref_slice %arg2[%dma_wait3A_611, %dma_wait3A_612] : memref<20000x128xf32, #tpu.memory_space<hbm>> -> memref<20000x128xf32, #tpu.memory_space<hbm>>
        tpu.wait_indirect_dma semaphore(%arg14 : memref<!tpu.dma_semaphore, #tpu.memory_space<semaphore_mem>>) src(%dma_wait3A_613 : memref<20000x128xf32, #tpu.memory_space<hbm>>) dst(%arg11 : memref<128x128xf32, #tpu.memory_space<vmem>>)
        "tpu.region"() ({
          %run_scoped3A = tpu.sem_alloc : memref<!tpu.dma_semaphore, #tpu.memory_space<semaphore_mem>>
          %dma_start3A_635 = arith.constant 0 : i32
          %dma_start3A_636 = tpu.memref_slice %arg9[%mul3A_607, %dma_start3A_635] : memref<8x128xi32, #tpu.memory_space<vmem>> -> memref<1x128xi32, #tpu.memory_space<vmem>>
          %dma_start3A_637 = tpu.memref_squeeze %dma_start3A_636 : memref<1x128xi32, #tpu.memory_space<vmem>> -> memref<128xi32, #tpu.memory_space<vmem>>
          %dma_start3A_638 = arith.constant 0 : i32
          %dma_start3A_639 = arith.constant 0 : i32
          %dma_start3A_640 = tpu.memref_slice %arg13[%dma_start3A_638, %dma_start3A_639] : memref<10112x128xf32, #tpu.memory_space<vmem_shared>> -> memref<10112x128xf32, #tpu.memory_space<vmem_shared>>
          tpu.enqueue_indirect_dma source(%arg11 : memref<128x128xf32, #tpu.memory_space<vmem>>) target(%dma_start3A_640 : memref<10112x128xf32, #tpu.memory_space<vmem_shared>>) offsets(%dma_start3A_637 : memref<128xi32, #tpu.memory_space<vmem>>) semaphore(%run_scoped3A : memref<!tpu.dma_semaphore, #tpu.memory_space<semaphore_mem>>) {add = true}
          %dma_wait3A_641 = arith.constant 0 : i32
          %dma_wait3A_642 = tpu.memref_slice %arg9[%mul3A_607, %dma_wait3A_641] : memref<8x128xi32, #tpu.memory_space<vmem>> -> memref<1x128xi32, #tpu.memory_space<vmem>>
          %dma_wait3A_643 = tpu.memref_squeeze %dma_wait3A_642 : memref<1x128xi32, #tpu.memory_space<vmem>> -> memref<128xi32, #tpu.memory_space<vmem>>
          %dma_wait3A_644 = arith.constant 0 : i32
          %dma_wait3A_645 = arith.constant 0 : i32
          %dma_wait3A_646 = tpu.memref_slice %arg13[%dma_wait3A_644, %dma_wait3A_645] : memref<10112x128xf32, #tpu.memory_space<vmem_shared>> -> memref<10112x128xf32, #tpu.memory_space<vmem_shared>>
          tpu.wait_indirect_dma semaphore(%run_scoped3A : memref<!tpu.dma_semaphore, #tpu.memory_space<semaphore_mem>>) src(%arg11 : memref<128x128xf32, #tpu.memory_space<vmem>>) dst(%dma_wait3A_646 : memref<10112x128xf32, #tpu.memory_space<vmem_shared>>)
          tpu.yield
        }) : () -> ()
        %add3A_614 = arith.constant 2 : i32
        %add3A_615 = arith.addi %mul3A_607, %add3A_614 : i32
        %lt3A = arith.constant 8 : i32
        %lt3A_616 = arith.cmpi slt, %add3A_615, %lt3A : i32
        %convert_element_type3A_617 = arith.extui %lt3A_616 : i1 to i32
        %cond3A_618 = arith.constant 0 : i32
        %cond3A_619 = arith.cmpi ne, %convert_element_type3A_617, %cond3A_618 : i32
        scf.if %cond3A_619 {
          %add3A_635 = arith.constant 2 : i32
          %add3A_636 = arith.addi %mul3A_607, %add3A_635 : i32
          %dma_start3A_637 = arith.constant 0 : i32
          %dma_start3A_638 = tpu.memref_slice %arg7[%add3A_636, %dma_start3A_637] : memref<8x128xi32, #tpu.memory_space<vmem>> -> memref<1x128xi32, #tpu.memory_space<vmem>>
          %dma_start3A_639 = tpu.memref_squeeze %dma_start3A_638 : memref<1x128xi32, #tpu.memory_space<vmem>> -> memref<128xi32, #tpu.memory_space<vmem>>
          %dma_start3A_640 = arith.constant 0 : i32
          %dma_start3A_641 = arith.constant 0 : i32
          %dma_start3A_642 = tpu.memref_slice %arg2[%dma_start3A_640, %dma_start3A_641] : memref<20000x128xf32, #tpu.memory_space<hbm>> -> memref<20000x128xf32, #tpu.memory_space<hbm>>
          tpu.enqueue_indirect_dma source(%dma_start3A_642 : memref<20000x128xf32, #tpu.memory_space<hbm>>) target(%arg11 : memref<128x128xf32, #tpu.memory_space<vmem>>) offsets(%dma_start3A_639 : memref<128xi32, #tpu.memory_space<vmem>>) semaphore(%arg14 : memref<!tpu.dma_semaphore, #tpu.memory_space<semaphore_mem>>)
        } else {
        }
        %dma_wait3A_620 = arith.constant 0 : i32
        %dma_wait3A_621 = tpu.memref_slice %arg7[%scan3A_369, %dma_wait3A_620] : memref<8x128xi32, #tpu.memory_space<vmem>> -> memref<1x128xi32, #tpu.memory_space<vmem>>
        %dma_wait3A_622 = tpu.memref_squeeze %dma_wait3A_621 : memref<1x128xi32, #tpu.memory_space<vmem>> -> memref<128xi32, #tpu.memory_space<vmem>>
        %dma_wait3A_623 = arith.constant 0 : i32
        %dma_wait3A_624 = arith.constant 0 : i32
        %dma_wait3A_625 = tpu.memref_slice %arg2[%dma_wait3A_623, %dma_wait3A_624] : memref<20000x128xf32, #tpu.memory_space<hbm>> -> memref<20000x128xf32, #tpu.memory_space<hbm>>
        tpu.wait_indirect_dma semaphore(%arg15 : memref<!tpu.dma_semaphore, #tpu.memory_space<semaphore_mem>>) src(%dma_wait3A_625 : memref<20000x128xf32, #tpu.memory_space<hbm>>) dst(%arg12 : memref<128x128xf32, #tpu.memory_space<vmem>>)
        %add3A_626 = arith.constant 1 : i32
        %add3A_627 = arith.addi %mul3A_607, %add3A_626 : i32
        "tpu.region"() ({
          %run_scoped3A = tpu.sem_alloc : memref<!tpu.dma_semaphore, #tpu.memory_space<semaphore_mem>>
          %dma_start3A_635 = arith.constant 0 : i32
          %dma_start3A_636 = tpu.memref_slice %arg9[%add3A_627, %dma_start3A_635] : memref<8x128xi32, #tpu.memory_space<vmem>> -> memref<1x128xi32, #tpu.memory_space<vmem>>
          %dma_start3A_637 = tpu.memref_squeeze %dma_start3A_636 : memref<1x128xi32, #tpu.memory_space<vmem>> -> memref<128xi32, #tpu.memory_space<vmem>>
          %dma_start3A_638 = arith.constant 0 : i32
          %dma_start3A_639 = arith.constant 0 : i32
          %dma_start3A_640 = tpu.memref_slice %arg13[%dma_start3A_638, %dma_start3A_639] : memref<10112x128xf32, #tpu.memory_space<vmem_shared>> -> memref<10112x128xf32, #tpu.memory_space<vmem_shared>>
          tpu.enqueue_indirect_dma source(%arg12 : memref<128x128xf32, #tpu.memory_space<vmem>>) target(%dma_start3A_640 : memref<10112x128xf32, #tpu.memory_space<vmem_shared>>) offsets(%dma_start3A_637 : memref<128xi32, #tpu.memory_space<vmem>>) semaphore(%run_scoped3A : memref<!tpu.dma_semaphore, #tpu.memory_space<semaphore_mem>>) {add = true}
          %dma_wait3A_641 = arith.constant 0 : i32
          %dma_wait3A_642 = tpu.memref_slice %arg9[%add3A_627, %dma_wait3A_641] : memref<8x128xi32, #tpu.memory_space<vmem>> -> memref<1x128xi32, #tpu.memory_space<vmem>>
          %dma_wait3A_643 = tpu.memref_squeeze %dma_wait3A_642 : memref<1x128xi32, #tpu.memory_space<vmem>> -> memref<128xi32, #tpu.memory_space<vmem>>
          %dma_wait3A_644 = arith.constant 0 : i32
          %dma_wait3A_645 = arith.constant 0 : i32
          %dma_wait3A_646 = tpu.memref_slice %arg13[%dma_wait3A_644, %dma_wait3A_645] : memref<10112x128xf32, #tpu.memory_space<vmem_shared>> -> memref<10112x128xf32, #tpu.memory_space<vmem_shared>>
          tpu.wait_indirect_dma semaphore(%run_scoped3A : memref<!tpu.dma_semaphore, #tpu.memory_space<semaphore_mem>>) src(%arg12 : memref<128x128xf32, #tpu.memory_space<vmem>>) dst(%dma_wait3A_646 : memref<10112x128xf32, #tpu.memory_space<vmem_shared>>)
          tpu.yield
        }) : () -> ()
        %add3A_628 = arith.constant 3 : i32
        %add3A_629 = arith.addi %mul3A_607, %add3A_628 : i32
        %lt3A_630 = arith.constant 8 : i32
        %lt3A_631 = arith.cmpi slt, %add3A_629, %lt3A_630 : i32
        %convert_element_type3A_632 = arith.extui %lt3A_631 : i1 to i32
        %cond3A_633 = arith.constant 0 : i32
        %cond3A_634 = arith.cmpi ne, %convert_element_type3A_632, %cond3A_633 : i32
        scf.if %cond3A_634 {
          %add3A_635 = arith.constant 3 : i32
          %add3A_636 = arith.addi %mul3A_607, %add3A_635 : i32
          %dma_start3A_637 = arith.constant 0 : i32
          %dma_start3A_638 = tpu.memref_slice %arg7[%add3A_636, %dma_start3A_637] : memref<8x128xi32, #tpu.memory_space<vmem>> -> memref<1x128xi32, #tpu.memory_space<vmem>>
          %dma_start3A_639 = tpu.memref_squeeze %dma_start3A_638 : memref<1x128xi32, #tpu.memory_space<vmem>> -> memref<128xi32, #tpu.memory_space<vmem>>
          %dma_start3A_640 = arith.constant 0 : i32
          %dma_start3A_641 = arith.constant 0 : i32
          %dma_start3A_642 = tpu.memref_slice %arg2[%dma_start3A_640, %dma_start3A_641] : memref<20000x128xf32, #tpu.memory_space<hbm>> -> memref<20000x128xf32, #tpu.memory_space<hbm>>
          tpu.enqueue_indirect_dma source(%dma_start3A_642 : memref<20000x128xf32, #tpu.memory_space<hbm>>) target(%arg12 : memref<128x128xf32, #tpu.memory_space<vmem>>) offsets(%dma_start3A_639 : memref<128xi32, #tpu.memory_space<vmem>>) semaphore(%arg15 : memref<!tpu.dma_semaphore, #tpu.memory_space<semaphore_mem>>)
        } else {
        }
      }
      %scan3A_374 = arith.constant 4 : i32
      %dma_wait3A_375 = arith.constant 0 : i32
      %dma_wait3A_376 = tpu.memref_slice %arg3[%add3A_358, %dma_wait3A_375] : memref<2560x128xi32, #tpu.memory_space<hbm>> -> memref<8x128xi32, #tpu.memory_space<hbm>>
      %dma_wait3A_377 = arith.constant 0 : i32
      %dma_wait3A_378 = tpu.memref_slice %arg3[%add3A_358, %dma_wait3A_377] : memref<2560x128xi32, #tpu.memory_space<hbm>> -> memref<8x128xi32, #tpu.memory_space<hbm>>
      tpu.wait_dma2 semaphore(%arg16 : memref<!tpu.dma_semaphore, #tpu.memory_space<semaphore_mem>>) src(%dma_wait3A_378 : memref<8x128xi32, #tpu.memory_space<hbm>>) dst(%arg8 : memref<8x128xi32, #tpu.memory_space<vmem>>)
      %dma_wait3A_379 = arith.constant 0 : i32
      %dma_wait3A_380 = tpu.memref_slice %arg4[%add3A_358, %dma_wait3A_379] : memref<2560x128xi32, #tpu.memory_space<hbm>> -> memref<8x128xi32, #tpu.memory_space<hbm>>
      %dma_wait3A_381 = arith.constant 0 : i32
      %dma_wait3A_382 = tpu.memref_slice %arg4[%add3A_358, %dma_wait3A_381] : memref<2560x128xi32, #tpu.memory_space<hbm>> -> memref<8x128xi32, #tpu.memory_space<hbm>>
      tpu.wait_dma2 semaphore(%arg16 : memref<!tpu.dma_semaphore, #tpu.memory_space<semaphore_mem>>) src(%dma_wait3A_382 : memref<8x128xi32, #tpu.memory_space<hbm>>) dst(%arg10 : memref<8x128xi32, #tpu.memory_space<vmem>>)
      %dma_start3A_383 = arith.constant 0 : i32
      %dma_start3A_384 = arith.constant 0 : i32
      %dma_start3A_385 = tpu.memref_slice %arg8[%dma_start3A_383, %dma_start3A_384] : memref<8x128xi32, #tpu.memory_space<vmem>> -> memref<1x128xi32, #tpu.memory_space<vmem>>
      %dma_start3A_386 = tpu.memref_squeeze %dma_start3A_385 : memref<1x128xi32, #tpu.memory_space<vmem>> -> memref<128xi32, #tpu.memory_space<vmem>>
      %dma_start3A_387 = arith.constant 0 : i32
      %dma_start3A_388 = arith.constant 0 : i32
      %dma_start3A_389 = tpu.memref_slice %arg2[%dma_start3A_387, %dma_start3A_388] : memref<20000x128xf32, #tpu.memory_space<hbm>> -> memref<20000x128xf32, #tpu.memory_space<hbm>>
      tpu.enqueue_indirect_dma source(%dma_start3A_389 : memref<20000x128xf32, #tpu.memory_space<hbm>>) target(%arg11 : memref<128x128xf32, #tpu.memory_space<vmem>>) offsets(%dma_start3A_386 : memref<128xi32, #tpu.memory_space<vmem>>) semaphore(%arg14 : memref<!tpu.dma_semaphore, #tpu.memory_space<semaphore_mem>>)
      %dma_start3A_390 = arith.constant 1 : i32
      %dma_start3A_391 = arith.constant 0 : i32
      %dma_start3A_392 = tpu.memref_slice %arg8[%dma_start3A_390, %dma_start3A_391] : memref<8x128xi32, #tpu.memory_space<vmem>> -> memref<1x128xi32, #tpu.memory_space<vmem>>
      %dma_start3A_393 = tpu.memref_squeeze %dma_start3A_392 : memref<1x128xi32, #tpu.memory_space<vmem>> -> memref<128xi32, #tpu.memory_space<vmem>>
      %dma_start3A_394 = arith.constant 0 : i32
      %dma_start3A_395 = arith.constant 0 : i32
      %dma_start3A_396 = tpu.memref_slice %arg2[%dma_start3A_394, %dma_start3A_395] : memref<20000x128xf32, #tpu.memory_space<hbm>> -> memref<20000x128xf32, #tpu.memory_space<hbm>>
      tpu.enqueue_indirect_dma source(%dma_start3A_396 : memref<20000x128xf32, #tpu.memory_space<hbm>>) target(%arg12 : memref<128x128xf32, #tpu.memory_space<vmem>>) offsets(%dma_start3A_393 : memref<128xi32, #tpu.memory_space<vmem>>) semaphore(%arg15 : memref<!tpu.dma_semaphore, #tpu.memory_space<semaphore_mem>>)
      %add3A_397 = arith.constant 80 : i32
      %add3A_398 = arith.addi %mul3A_10, %add3A_397 : i32
      %dma_start3A_399 = arith.constant 0 : i32
      %dma_start3A_400 = tpu.memref_slice %arg3[%add3A_398, %dma_start3A_399] : memref<2560x128xi32, #tpu.memory_space<hbm>> -> memref<8x128xi32, #tpu.memory_space<hbm>>
      %dma_start3A_401 = arith.constant 0 : i32
      %dma_start3A_402 = tpu.memref_slice %arg3[%add3A_398, %dma_start3A_401] : memref<2560x128xi32, #tpu.memory_space<hbm>> -> memref<8x128xi32, #tpu.memory_space<hbm>>
      tpu.enqueue_dma source(%dma_start3A_402 : memref<8x128xi32, #tpu.memory_space<hbm>>) target(%arg7 : memref<8x128xi32, #tpu.memory_space<vmem>>) target_semaphore(%arg16 : memref<!tpu.dma_semaphore, #tpu.memory_space<semaphore_mem>>)
      %dma_start3A_403 = arith.constant 0 : i32
      %dma_start3A_404 = tpu.memref_slice %arg4[%add3A_398, %dma_start3A_403] : memref<2560x128xi32, #tpu.memory_space<hbm>> -> memref<8x128xi32, #tpu.memory_space<hbm>>
      %dma_start3A_405 = arith.constant 0 : i32
      %dma_start3A_406 = tpu.memref_slice %arg4[%add3A_398, %dma_start3A_405] : memref<2560x128xi32, #tpu.memory_space<hbm>> -> memref<8x128xi32, #tpu.memory_space<hbm>>
      tpu.enqueue_dma source(%dma_start3A_406 : memref<8x128xi32, #tpu.memory_space<hbm>>) target(%arg9 : memref<8x128xi32, #tpu.memory_space<vmem>>) target_semaphore(%arg16 : memref<!tpu.dma_semaphore, #tpu.memory_space<semaphore_mem>>)
      %scan3A_407 = arith.constant 0 : i32
      %scan3A_408 = arith.constant 0 : i32
      %scan3A_409 = arith.constant 1 : i32
      %scan3A_410 = arith.constant 0 : i32
      %scan3A_411 = arith.constant 4 : i32
      %scan3A_412 = arith.addi %scan3A_410, %scan3A_411 : i32
      %scan3A_413 = arith.constant 1 : i32
      scf.for %scan3A_605 = %scan3A_410 to %scan3A_412 step %scan3A_413  : i32 {
        %mul3A_606 = arith.constant 2 : i32
        %mul3A_607 = arith.muli %mul3A_606, %scan3A_605 : i32
        %dma_wait3A_608 = arith.constant 0 : i32
        %dma_wait3A_609 = tpu.memref_slice %arg8[%scan3A_408, %dma_wait3A_608] : memref<8x128xi32, #tpu.memory_space<vmem>> -> memref<1x128xi32, #tpu.memory_space<vmem>>
        %dma_wait3A_610 = tpu.memref_squeeze %dma_wait3A_609 : memref<1x128xi32, #tpu.memory_space<vmem>> -> memref<128xi32, #tpu.memory_space<vmem>>
        %dma_wait3A_611 = arith.constant 0 : i32
        %dma_wait3A_612 = arith.constant 0 : i32
        %dma_wait3A_613 = tpu.memref_slice %arg2[%dma_wait3A_611, %dma_wait3A_612] : memref<20000x128xf32, #tpu.memory_space<hbm>> -> memref<20000x128xf32, #tpu.memory_space<hbm>>
        tpu.wait_indirect_dma semaphore(%arg14 : memref<!tpu.dma_semaphore, #tpu.memory_space<semaphore_mem>>) src(%dma_wait3A_613 : memref<20000x128xf32, #tpu.memory_space<hbm>>) dst(%arg11 : memref<128x128xf32, #tpu.memory_space<vmem>>)
        "tpu.region"() ({
          %run_scoped3A = tpu.sem_alloc : memref<!tpu.dma_semaphore, #tpu.memory_space<semaphore_mem>>
          %dma_start3A_635 = arith.constant 0 : i32
          %dma_start3A_636 = tpu.memref_slice %arg10[%mul3A_607, %dma_start3A_635] : memref<8x128xi32, #tpu.memory_space<vmem>> -> memref<1x128xi32, #tpu.memory_space<vmem>>
          %dma_start3A_637 = tpu.memref_squeeze %dma_start3A_636 : memref<1x128xi32, #tpu.memory_space<vmem>> -> memref<128xi32, #tpu.memory_space<vmem>>
          %dma_start3A_638 = arith.constant 0 : i32
          %dma_start3A_639 = arith.constant 0 : i32
          %dma_start3A_640 = tpu.memref_slice %arg13[%dma_start3A_638, %dma_start3A_639] : memref<10112x128xf32, #tpu.memory_space<vmem_shared>> -> memref<10112x128xf32, #tpu.memory_space<vmem_shared>>
          tpu.enqueue_indirect_dma source(%arg11 : memref<128x128xf32, #tpu.memory_space<vmem>>) target(%dma_start3A_640 : memref<10112x128xf32, #tpu.memory_space<vmem_shared>>) offsets(%dma_start3A_637 : memref<128xi32, #tpu.memory_space<vmem>>) semaphore(%run_scoped3A : memref<!tpu.dma_semaphore, #tpu.memory_space<semaphore_mem>>) {add = true}
          %dma_wait3A_641 = arith.constant 0 : i32
          %dma_wait3A_642 = tpu.memref_slice %arg10[%mul3A_607, %dma_wait3A_641] : memref<8x128xi32, #tpu.memory_space<vmem>> -> memref<1x128xi32, #tpu.memory_space<vmem>>
          %dma_wait3A_643 = tpu.memref_squeeze %dma_wait3A_642 : memref<1x128xi32, #tpu.memory_space<vmem>> -> memref<128xi32, #tpu.memory_space<vmem>>
          %dma_wait3A_644 = arith.constant 0 : i32
          %dma_wait3A_645 = arith.constant 0 : i32
          %dma_wait3A_646 = tpu.memref_slice %arg13[%dma_wait3A_644, %dma_wait3A_645] : memref<10112x128xf32, #tpu.memory_space<vmem_shared>> -> memref<10112x128xf32, #tpu.memory_space<vmem_shared>>
          tpu.wait_indirect_dma semaphore(%run_scoped3A : memref<!tpu.dma_semaphore, #tpu.memory_space<semaphore_mem>>) src(%arg11 : memref<128x128xf32, #tpu.memory_space<vmem>>) dst(%dma_wait3A_646 : memref<10112x128xf32, #tpu.memory_space<vmem_shared>>)
          tpu.yield
        }) : () -> ()
        %add3A_614 = arith.constant 2 : i32
        %add3A_615 = arith.addi %mul3A_607, %add3A_614 : i32
        %lt3A = arith.constant 8 : i32
        %lt3A_616 = arith.cmpi slt, %add3A_615, %lt3A : i32
        %convert_element_type3A_617 = arith.extui %lt3A_616 : i1 to i32
        %cond3A_618 = arith.constant 0 : i32
        %cond3A_619 = arith.cmpi ne, %convert_element_type3A_617, %cond3A_618 : i32
        scf.if %cond3A_619 {
          %add3A_635 = arith.constant 2 : i32
          %add3A_636 = arith.addi %mul3A_607, %add3A_635 : i32
          %dma_start3A_637 = arith.constant 0 : i32
          %dma_start3A_638 = tpu.memref_slice %arg8[%add3A_636, %dma_start3A_637] : memref<8x128xi32, #tpu.memory_space<vmem>> -> memref<1x128xi32, #tpu.memory_space<vmem>>
          %dma_start3A_639 = tpu.memref_squeeze %dma_start3A_638 : memref<1x128xi32, #tpu.memory_space<vmem>> -> memref<128xi32, #tpu.memory_space<vmem>>
          %dma_start3A_640 = arith.constant 0 : i32
          %dma_start3A_641 = arith.constant 0 : i32
          %dma_start3A_642 = tpu.memref_slice %arg2[%dma_start3A_640, %dma_start3A_641] : memref<20000x128xf32, #tpu.memory_space<hbm>> -> memref<20000x128xf32, #tpu.memory_space<hbm>>
          tpu.enqueue_indirect_dma source(%dma_start3A_642 : memref<20000x128xf32, #tpu.memory_space<hbm>>) target(%arg11 : memref<128x128xf32, #tpu.memory_space<vmem>>) offsets(%dma_start3A_639 : memref<128xi32, #tpu.memory_space<vmem>>) semaphore(%arg14 : memref<!tpu.dma_semaphore, #tpu.memory_space<semaphore_mem>>)
        } else {
        }
        %dma_wait3A_620 = arith.constant 0 : i32
        %dma_wait3A_621 = tpu.memref_slice %arg8[%scan3A_409, %dma_wait3A_620] : memref<8x128xi32, #tpu.memory_space<vmem>> -> memref<1x128xi32, #tpu.memory_space<vmem>>
        %dma_wait3A_622 = tpu.memref_squeeze %dma_wait3A_621 : memref<1x128xi32, #tpu.memory_space<vmem>> -> memref<128xi32, #tpu.memory_space<vmem>>
        %dma_wait3A_623 = arith.constant 0 : i32
        %dma_wait3A_624 = arith.constant 0 : i32
        %dma_wait3A_625 = tpu.memref_slice %arg2[%dma_wait3A_623, %dma_wait3A_624] : memref<20000x128xf32, #tpu.memory_space<hbm>> -> memref<20000x128xf32, #tpu.memory_space<hbm>>
        tpu.wait_indirect_dma semaphore(%arg15 : memref<!tpu.dma_semaphore, #tpu.memory_space<semaphore_mem>>) src(%dma_wait3A_625 : memref<20000x128xf32, #tpu.memory_space<hbm>>) dst(%arg12 : memref<128x128xf32, #tpu.memory_space<vmem>>)
        %add3A_626 = arith.constant 1 : i32
        %add3A_627 = arith.addi %mul3A_607, %add3A_626 : i32
        "tpu.region"() ({
          %run_scoped3A = tpu.sem_alloc : memref<!tpu.dma_semaphore, #tpu.memory_space<semaphore_mem>>
          %dma_start3A_635 = arith.constant 0 : i32
          %dma_start3A_636 = tpu.memref_slice %arg10[%add3A_627, %dma_start3A_635] : memref<8x128xi32, #tpu.memory_space<vmem>> -> memref<1x128xi32, #tpu.memory_space<vmem>>
          %dma_start3A_637 = tpu.memref_squeeze %dma_start3A_636 : memref<1x128xi32, #tpu.memory_space<vmem>> -> memref<128xi32, #tpu.memory_space<vmem>>
          %dma_start3A_638 = arith.constant 0 : i32
          %dma_start3A_639 = arith.constant 0 : i32
          %dma_start3A_640 = tpu.memref_slice %arg13[%dma_start3A_638, %dma_start3A_639] : memref<10112x128xf32, #tpu.memory_space<vmem_shared>> -> memref<10112x128xf32, #tpu.memory_space<vmem_shared>>
          tpu.enqueue_indirect_dma source(%arg12 : memref<128x128xf32, #tpu.memory_space<vmem>>) target(%dma_start3A_640 : memref<10112x128xf32, #tpu.memory_space<vmem_shared>>) offsets(%dma_start3A_637 : memref<128xi32, #tpu.memory_space<vmem>>) semaphore(%run_scoped3A : memref<!tpu.dma_semaphore, #tpu.memory_space<semaphore_mem>>) {add = true}
          %dma_wait3A_641 = arith.constant 0 : i32
          %dma_wait3A_642 = tpu.memref_slice %arg10[%add3A_627, %dma_wait3A_641] : memref<8x128xi32, #tpu.memory_space<vmem>> -> memref<1x128xi32, #tpu.memory_space<vmem>>
          %dma_wait3A_643 = tpu.memref_squeeze %dma_wait3A_642 : memref<1x128xi32, #tpu.memory_space<vmem>> -> memref<128xi32, #tpu.memory_space<vmem>>
          %dma_wait3A_644 = arith.constant 0 : i32
          %dma_wait3A_645 = arith.constant 0 : i32
          %dma_wait3A_646 = tpu.memref_slice %arg13[%dma_wait3A_644, %dma_wait3A_645] : memref<10112x128xf32, #tpu.memory_space<vmem_shared>> -> memref<10112x128xf32, #tpu.memory_space<vmem_shared>>
          tpu.wait_indirect_dma semaphore(%run_scoped3A : memref<!tpu.dma_semaphore, #tpu.memory_space<semaphore_mem>>) src(%arg12 : memref<128x128xf32, #tpu.memory_space<vmem>>) dst(%dma_wait3A_646 : memref<10112x128xf32, #tpu.memory_space<vmem_shared>>)
          tpu.yield
        }) : () -> ()
        %add3A_628 = arith.constant 3 : i32
        %add3A_629 = arith.addi %mul3A_607, %add3A_628 : i32
        %lt3A_630 = arith.constant 8 : i32
        %lt3A_631 = arith.cmpi slt, %add3A_629, %lt3A_630 : i32
        %convert_element_type3A_632 = arith.extui %lt3A_631 : i1 to i32
        %cond3A_633 = arith.constant 0 : i32
        %cond3A_634 = arith.cmpi ne, %convert_element_type3A_632, %cond3A_633 : i32
        scf.if %cond3A_634 {
          %add3A_635 = arith.constant 3 : i32
          %add3A_636 = arith.addi %mul3A_607, %add3A_635 : i32
          %dma_start3A_637 = arith.constant 0 : i32
          %dma_start3A_638 = tpu.memref_slice %arg8[%add3A_636, %dma_start3A_637] : memref<8x128xi32, #tpu.memory_space<vmem>> -> memref<1x128xi32, #tpu.memory_space<vmem>>
          %dma_start3A_639 = tpu.memref_squeeze %dma_start3A_638 : memref<1x128xi32, #tpu.memory_space<vmem>> -> memref<128xi32, #tpu.memory_space<vmem>>
          %dma_start3A_640 = arith.constant 0 : i32
          %dma_start3A_641 = arith.constant 0 : i32
          %dma_start3A_642 = tpu.memref_slice %arg2[%dma_start3A_640, %dma_start3A_641] : memref<20000x128xf32, #tpu.memory_space<hbm>> -> memref<20000x128xf32, #tpu.memory_space<hbm>>
          tpu.enqueue_indirect_dma source(%dma_start3A_642 : memref<20000x128xf32, #tpu.memory_space<hbm>>) target(%arg12 : memref<128x128xf32, #tpu.memory_space<vmem>>) offsets(%dma_start3A_639 : memref<128xi32, #tpu.memory_space<vmem>>) semaphore(%arg15 : memref<!tpu.dma_semaphore, #tpu.memory_space<semaphore_mem>>)
        } else {
        }
      }
      %scan3A_414 = arith.constant 4 : i32
      %dma_wait3A_415 = arith.constant 0 : i32
      %dma_wait3A_416 = tpu.memref_slice %arg3[%add3A_398, %dma_wait3A_415] : memref<2560x128xi32, #tpu.memory_space<hbm>> -> memref<8x128xi32, #tpu.memory_space<hbm>>
      %dma_wait3A_417 = arith.constant 0 : i32
      %dma_wait3A_418 = tpu.memref_slice %arg3[%add3A_398, %dma_wait3A_417] : memref<2560x128xi32, #tpu.memory_space<hbm>> -> memref<8x128xi32, #tpu.memory_space<hbm>>
      tpu.wait_dma2 semaphore(%arg16 : memref<!tpu.dma_semaphore, #tpu.memory_space<semaphore_mem>>) src(%dma_wait3A_418 : memref<8x128xi32, #tpu.memory_space<hbm>>) dst(%arg7 : memref<8x128xi32, #tpu.memory_space<vmem>>)
      %dma_wait3A_419 = arith.constant 0 : i32
      %dma_wait3A_420 = tpu.memref_slice %arg4[%add3A_398, %dma_wait3A_419] : memref<2560x128xi32, #tpu.memory_space<hbm>> -> memref<8x128xi32, #tpu.memory_space<hbm>>
      %dma_wait3A_421 = arith.constant 0 : i32
      %dma_wait3A_422 = tpu.memref_slice %arg4[%add3A_398, %dma_wait3A_421] : memref<2560x128xi32, #tpu.memory_space<hbm>> -> memref<8x128xi32, #tpu.memory_space<hbm>>
      tpu.wait_dma2 semaphore(%arg16 : memref<!tpu.dma_semaphore, #tpu.memory_space<semaphore_mem>>) src(%dma_wait3A_422 : memref<8x128xi32, #tpu.memory_space<hbm>>) dst(%arg9 : memref<8x128xi32, #tpu.memory_space<vmem>>)
      %dma_start3A_423 = arith.constant 0 : i32
      %dma_start3A_424 = arith.constant 0 : i32
      %dma_start3A_425 = tpu.memref_slice %arg7[%dma_start3A_423, %dma_start3A_424] : memref<8x128xi32, #tpu.memory_space<vmem>> -> memref<1x128xi32, #tpu.memory_space<vmem>>
      %dma_start3A_426 = tpu.memref_squeeze %dma_start3A_425 : memref<1x128xi32, #tpu.memory_space<vmem>> -> memref<128xi32, #tpu.memory_space<vmem>>
      %dma_start3A_427 = arith.constant 0 : i32
      %dma_start3A_428 = arith.constant 0 : i32
      %dma_start3A_429 = tpu.memref_slice %arg2[%dma_start3A_427, %dma_start3A_428] : memref<20000x128xf32, #tpu.memory_space<hbm>> -> memref<20000x128xf32, #tpu.memory_space<hbm>>
      tpu.enqueue_indirect_dma source(%dma_start3A_429 : memref<20000x128xf32, #tpu.memory_space<hbm>>) target(%arg11 : memref<128x128xf32, #tpu.memory_space<vmem>>) offsets(%dma_start3A_426 : memref<128xi32, #tpu.memory_space<vmem>>) semaphore(%arg14 : memref<!tpu.dma_semaphore, #tpu.memory_space<semaphore_mem>>)
      %dma_start3A_430 = arith.constant 1 : i32
      %dma_start3A_431 = arith.constant 0 : i32
      %dma_start3A_432 = tpu.memref_slice %arg7[%dma_start3A_430, %dma_start3A_431] : memref<8x128xi32, #tpu.memory_space<vmem>> -> memref<1x128xi32, #tpu.memory_space<vmem>>
      %dma_start3A_433 = tpu.memref_squeeze %dma_start3A_432 : memref<1x128xi32, #tpu.memory_space<vmem>> -> memref<128xi32, #tpu.memory_space<vmem>>
      %dma_start3A_434 = arith.constant 0 : i32
      %dma_start3A_435 = arith.constant 0 : i32
      %dma_start3A_436 = tpu.memref_slice %arg2[%dma_start3A_434, %dma_start3A_435] : memref<20000x128xf32, #tpu.memory_space<hbm>> -> memref<20000x128xf32, #tpu.memory_space<hbm>>
      tpu.enqueue_indirect_dma source(%dma_start3A_436 : memref<20000x128xf32, #tpu.memory_space<hbm>>) target(%arg12 : memref<128x128xf32, #tpu.memory_space<vmem>>) offsets(%dma_start3A_433 : memref<128xi32, #tpu.memory_space<vmem>>) semaphore(%arg15 : memref<!tpu.dma_semaphore, #tpu.memory_space<semaphore_mem>>)
      %add3A_437 = arith.constant 88 : i32
      %add3A_438 = arith.addi %mul3A_10, %add3A_437 : i32
      %dma_start3A_439 = arith.constant 0 : i32
      %dma_start3A_440 = tpu.memref_slice %arg3[%add3A_438, %dma_start3A_439] : memref<2560x128xi32, #tpu.memory_space<hbm>> -> memref<8x128xi32, #tpu.memory_space<hbm>>
      %dma_start3A_441 = arith.constant 0 : i32
      %dma_start3A_442 = tpu.memref_slice %arg3[%add3A_438, %dma_start3A_441] : memref<2560x128xi32, #tpu.memory_space<hbm>> -> memref<8x128xi32, #tpu.memory_space<hbm>>
      tpu.enqueue_dma source(%dma_start3A_442 : memref<8x128xi32, #tpu.memory_space<hbm>>) target(%arg8 : memref<8x128xi32, #tpu.memory_space<vmem>>) target_semaphore(%arg16 : memref<!tpu.dma_semaphore, #tpu.memory_space<semaphore_mem>>)
      %dma_start3A_443 = arith.constant 0 : i32
      %dma_start3A_444 = tpu.memref_slice %arg4[%add3A_438, %dma_start3A_443] : memref<2560x128xi32, #tpu.memory_space<hbm>> -> memref<8x128xi32, #tpu.memory_space<hbm>>
      %dma_start3A_445 = arith.constant 0 : i32
      %dma_start3A_446 = tpu.memref_slice %arg4[%add3A_438, %dma_start3A_445] : memref<2560x128xi32, #tpu.memory_space<hbm>> -> memref<8x128xi32, #tpu.memory_space<hbm>>
      tpu.enqueue_dma source(%dma_start3A_446 : memref<8x128xi32, #tpu.memory_space<hbm>>) target(%arg10 : memref<8x128xi32, #tpu.memory_space<vmem>>) target_semaphore(%arg16 : memref<!tpu.dma_semaphore, #tpu.memory_space<semaphore_mem>>)
      %scan3A_447 = arith.constant 0 : i32
      %scan3A_448 = arith.constant 0 : i32
      %scan3A_449 = arith.constant 1 : i32
      %scan3A_450 = arith.constant 0 : i32
      %scan3A_451 = arith.constant 4 : i32
      %scan3A_452 = arith.addi %scan3A_450, %scan3A_451 : i32
      %scan3A_453 = arith.constant 1 : i32
      scf.for %scan3A_605 = %scan3A_450 to %scan3A_452 step %scan3A_453  : i32 {
        %mul3A_606 = arith.constant 2 : i32
        %mul3A_607 = arith.muli %mul3A_606, %scan3A_605 : i32
        %dma_wait3A_608 = arith.constant 0 : i32
        %dma_wait3A_609 = tpu.memref_slice %arg7[%scan3A_448, %dma_wait3A_608] : memref<8x128xi32, #tpu.memory_space<vmem>> -> memref<1x128xi32, #tpu.memory_space<vmem>>
        %dma_wait3A_610 = tpu.memref_squeeze %dma_wait3A_609 : memref<1x128xi32, #tpu.memory_space<vmem>> -> memref<128xi32, #tpu.memory_space<vmem>>
        %dma_wait3A_611 = arith.constant 0 : i32
        %dma_wait3A_612 = arith.constant 0 : i32
        %dma_wait3A_613 = tpu.memref_slice %arg2[%dma_wait3A_611, %dma_wait3A_612] : memref<20000x128xf32, #tpu.memory_space<hbm>> -> memref<20000x128xf32, #tpu.memory_space<hbm>>
        tpu.wait_indirect_dma semaphore(%arg14 : memref<!tpu.dma_semaphore, #tpu.memory_space<semaphore_mem>>) src(%dma_wait3A_613 : memref<20000x128xf32, #tpu.memory_space<hbm>>) dst(%arg11 : memref<128x128xf32, #tpu.memory_space<vmem>>)
        "tpu.region"() ({
          %run_scoped3A = tpu.sem_alloc : memref<!tpu.dma_semaphore, #tpu.memory_space<semaphore_mem>>
          %dma_start3A_635 = arith.constant 0 : i32
          %dma_start3A_636 = tpu.memref_slice %arg9[%mul3A_607, %dma_start3A_635] : memref<8x128xi32, #tpu.memory_space<vmem>> -> memref<1x128xi32, #tpu.memory_space<vmem>>
          %dma_start3A_637 = tpu.memref_squeeze %dma_start3A_636 : memref<1x128xi32, #tpu.memory_space<vmem>> -> memref<128xi32, #tpu.memory_space<vmem>>
          %dma_start3A_638 = arith.constant 0 : i32
          %dma_start3A_639 = arith.constant 0 : i32
          %dma_start3A_640 = tpu.memref_slice %arg13[%dma_start3A_638, %dma_start3A_639] : memref<10112x128xf32, #tpu.memory_space<vmem_shared>> -> memref<10112x128xf32, #tpu.memory_space<vmem_shared>>
          tpu.enqueue_indirect_dma source(%arg11 : memref<128x128xf32, #tpu.memory_space<vmem>>) target(%dma_start3A_640 : memref<10112x128xf32, #tpu.memory_space<vmem_shared>>) offsets(%dma_start3A_637 : memref<128xi32, #tpu.memory_space<vmem>>) semaphore(%run_scoped3A : memref<!tpu.dma_semaphore, #tpu.memory_space<semaphore_mem>>) {add = true}
          %dma_wait3A_641 = arith.constant 0 : i32
          %dma_wait3A_642 = tpu.memref_slice %arg9[%mul3A_607, %dma_wait3A_641] : memref<8x128xi32, #tpu.memory_space<vmem>> -> memref<1x128xi32, #tpu.memory_space<vmem>>
          %dma_wait3A_643 = tpu.memref_squeeze %dma_wait3A_642 : memref<1x128xi32, #tpu.memory_space<vmem>> -> memref<128xi32, #tpu.memory_space<vmem>>
          %dma_wait3A_644 = arith.constant 0 : i32
          %dma_wait3A_645 = arith.constant 0 : i32
          %dma_wait3A_646 = tpu.memref_slice %arg13[%dma_wait3A_644, %dma_wait3A_645] : memref<10112x128xf32, #tpu.memory_space<vmem_shared>> -> memref<10112x128xf32, #tpu.memory_space<vmem_shared>>
          tpu.wait_indirect_dma semaphore(%run_scoped3A : memref<!tpu.dma_semaphore, #tpu.memory_space<semaphore_mem>>) src(%arg11 : memref<128x128xf32, #tpu.memory_space<vmem>>) dst(%dma_wait3A_646 : memref<10112x128xf32, #tpu.memory_space<vmem_shared>>)
          tpu.yield
        }) : () -> ()
        %add3A_614 = arith.constant 2 : i32
        %add3A_615 = arith.addi %mul3A_607, %add3A_614 : i32
        %lt3A = arith.constant 8 : i32
        %lt3A_616 = arith.cmpi slt, %add3A_615, %lt3A : i32
        %convert_element_type3A_617 = arith.extui %lt3A_616 : i1 to i32
        %cond3A_618 = arith.constant 0 : i32
        %cond3A_619 = arith.cmpi ne, %convert_element_type3A_617, %cond3A_618 : i32
        scf.if %cond3A_619 {
          %add3A_635 = arith.constant 2 : i32
          %add3A_636 = arith.addi %mul3A_607, %add3A_635 : i32
          %dma_start3A_637 = arith.constant 0 : i32
          %dma_start3A_638 = tpu.memref_slice %arg7[%add3A_636, %dma_start3A_637] : memref<8x128xi32, #tpu.memory_space<vmem>> -> memref<1x128xi32, #tpu.memory_space<vmem>>
          %dma_start3A_639 = tpu.memref_squeeze %dma_start3A_638 : memref<1x128xi32, #tpu.memory_space<vmem>> -> memref<128xi32, #tpu.memory_space<vmem>>
          %dma_start3A_640 = arith.constant 0 : i32
          %dma_start3A_641 = arith.constant 0 : i32
          %dma_start3A_642 = tpu.memref_slice %arg2[%dma_start3A_640, %dma_start3A_641] : memref<20000x128xf32, #tpu.memory_space<hbm>> -> memref<20000x128xf32, #tpu.memory_space<hbm>>
          tpu.enqueue_indirect_dma source(%dma_start3A_642 : memref<20000x128xf32, #tpu.memory_space<hbm>>) target(%arg11 : memref<128x128xf32, #tpu.memory_space<vmem>>) offsets(%dma_start3A_639 : memref<128xi32, #tpu.memory_space<vmem>>) semaphore(%arg14 : memref<!tpu.dma_semaphore, #tpu.memory_space<semaphore_mem>>)
        } else {
        }
        %dma_wait3A_620 = arith.constant 0 : i32
        %dma_wait3A_621 = tpu.memref_slice %arg7[%scan3A_449, %dma_wait3A_620] : memref<8x128xi32, #tpu.memory_space<vmem>> -> memref<1x128xi32, #tpu.memory_space<vmem>>
        %dma_wait3A_622 = tpu.memref_squeeze %dma_wait3A_621 : memref<1x128xi32, #tpu.memory_space<vmem>> -> memref<128xi32, #tpu.memory_space<vmem>>
        %dma_wait3A_623 = arith.constant 0 : i32
        %dma_wait3A_624 = arith.constant 0 : i32
        %dma_wait3A_625 = tpu.memref_slice %arg2[%dma_wait3A_623, %dma_wait3A_624] : memref<20000x128xf32, #tpu.memory_space<hbm>> -> memref<20000x128xf32, #tpu.memory_space<hbm>>
        tpu.wait_indirect_dma semaphore(%arg15 : memref<!tpu.dma_semaphore, #tpu.memory_space<semaphore_mem>>) src(%dma_wait3A_625 : memref<20000x128xf32, #tpu.memory_space<hbm>>) dst(%arg12 : memref<128x128xf32, #tpu.memory_space<vmem>>)
        %add3A_626 = arith.constant 1 : i32
        %add3A_627 = arith.addi %mul3A_607, %add3A_626 : i32
        "tpu.region"() ({
          %run_scoped3A = tpu.sem_alloc : memref<!tpu.dma_semaphore, #tpu.memory_space<semaphore_mem>>
          %dma_start3A_635 = arith.constant 0 : i32
          %dma_start3A_636 = tpu.memref_slice %arg9[%add3A_627, %dma_start3A_635] : memref<8x128xi32, #tpu.memory_space<vmem>> -> memref<1x128xi32, #tpu.memory_space<vmem>>
          %dma_start3A_637 = tpu.memref_squeeze %dma_start3A_636 : memref<1x128xi32, #tpu.memory_space<vmem>> -> memref<128xi32, #tpu.memory_space<vmem>>
          %dma_start3A_638 = arith.constant 0 : i32
          %dma_start3A_639 = arith.constant 0 : i32
          %dma_start3A_640 = tpu.memref_slice %arg13[%dma_start3A_638, %dma_start3A_639] : memref<10112x128xf32, #tpu.memory_space<vmem_shared>> -> memref<10112x128xf32, #tpu.memory_space<vmem_shared>>
          tpu.enqueue_indirect_dma source(%arg12 : memref<128x128xf32, #tpu.memory_space<vmem>>) target(%dma_start3A_640 : memref<10112x128xf32, #tpu.memory_space<vmem_shared>>) offsets(%dma_start3A_637 : memref<128xi32, #tpu.memory_space<vmem>>) semaphore(%run_scoped3A : memref<!tpu.dma_semaphore, #tpu.memory_space<semaphore_mem>>) {add = true}
          %dma_wait3A_641 = arith.constant 0 : i32
          %dma_wait3A_642 = tpu.memref_slice %arg9[%add3A_627, %dma_wait3A_641] : memref<8x128xi32, #tpu.memory_space<vmem>> -> memref<1x128xi32, #tpu.memory_space<vmem>>
          %dma_wait3A_643 = tpu.memref_squeeze %dma_wait3A_642 : memref<1x128xi32, #tpu.memory_space<vmem>> -> memref<128xi32, #tpu.memory_space<vmem>>
          %dma_wait3A_644 = arith.constant 0 : i32
          %dma_wait3A_645 = arith.constant 0 : i32
          %dma_wait3A_646 = tpu.memref_slice %arg13[%dma_wait3A_644, %dma_wait3A_645] : memref<10112x128xf32, #tpu.memory_space<vmem_shared>> -> memref<10112x128xf32, #tpu.memory_space<vmem_shared>>
          tpu.wait_indirect_dma semaphore(%run_scoped3A : memref<!tpu.dma_semaphore, #tpu.memory_space<semaphore_mem>>) src(%arg12 : memref<128x128xf32, #tpu.memory_space<vmem>>) dst(%dma_wait3A_646 : memref<10112x128xf32, #tpu.memory_space<vmem_shared>>)
          tpu.yield
        }) : () -> ()
        %add3A_628 = arith.constant 3 : i32
        %add3A_629 = arith.addi %mul3A_607, %add3A_628 : i32
        %lt3A_630 = arith.constant 8 : i32
        %lt3A_631 = arith.cmpi slt, %add3A_629, %lt3A_630 : i32
        %convert_element_type3A_632 = arith.extui %lt3A_631 : i1 to i32
        %cond3A_633 = arith.constant 0 : i32
        %cond3A_634 = arith.cmpi ne, %convert_element_type3A_632, %cond3A_633 : i32
        scf.if %cond3A_634 {
          %add3A_635 = arith.constant 3 : i32
          %add3A_636 = arith.addi %mul3A_607, %add3A_635 : i32
          %dma_start3A_637 = arith.constant 0 : i32
          %dma_start3A_638 = tpu.memref_slice %arg7[%add3A_636, %dma_start3A_637] : memref<8x128xi32, #tpu.memory_space<vmem>> -> memref<1x128xi32, #tpu.memory_space<vmem>>
          %dma_start3A_639 = tpu.memref_squeeze %dma_start3A_638 : memref<1x128xi32, #tpu.memory_space<vmem>> -> memref<128xi32, #tpu.memory_space<vmem>>
          %dma_start3A_640 = arith.constant 0 : i32
          %dma_start3A_641 = arith.constant 0 : i32
          %dma_start3A_642 = tpu.memref_slice %arg2[%dma_start3A_640, %dma_start3A_641] : memref<20000x128xf32, #tpu.memory_space<hbm>> -> memref<20000x128xf32, #tpu.memory_space<hbm>>
          tpu.enqueue_indirect_dma source(%dma_start3A_642 : memref<20000x128xf32, #tpu.memory_space<hbm>>) target(%arg12 : memref<128x128xf32, #tpu.memory_space<vmem>>) offsets(%dma_start3A_639 : memref<128xi32, #tpu.memory_space<vmem>>) semaphore(%arg15 : memref<!tpu.dma_semaphore, #tpu.memory_space<semaphore_mem>>)
        } else {
        }
      }
      %scan3A_454 = arith.constant 4 : i32
      %dma_wait3A_455 = arith.constant 0 : i32
      %dma_wait3A_456 = tpu.memref_slice %arg3[%add3A_438, %dma_wait3A_455] : memref<2560x128xi32, #tpu.memory_space<hbm>> -> memref<8x128xi32, #tpu.memory_space<hbm>>
      %dma_wait3A_457 = arith.constant 0 : i32
      %dma_wait3A_458 = tpu.memref_slice %arg3[%add3A_438, %dma_wait3A_457] : memref<2560x128xi32, #tpu.memory_space<hbm>> -> memref<8x128xi32, #tpu.memory_space<hbm>>
      tpu.wait_dma2 semaphore(%arg16 : memref<!tpu.dma_semaphore, #tpu.memory_space<semaphore_mem>>) src(%dma_wait3A_458 : memref<8x128xi32, #tpu.memory_space<hbm>>) dst(%arg8 : memref<8x128xi32, #tpu.memory_space<vmem>>)
      %dma_wait3A_459 = arith.constant 0 : i32
      %dma_wait3A_460 = tpu.memref_slice %arg4[%add3A_438, %dma_wait3A_459] : memref<2560x128xi32, #tpu.memory_space<hbm>> -> memref<8x128xi32, #tpu.memory_space<hbm>>
      %dma_wait3A_461 = arith.constant 0 : i32
      %dma_wait3A_462 = tpu.memref_slice %arg4[%add3A_438, %dma_wait3A_461] : memref<2560x128xi32, #tpu.memory_space<hbm>> -> memref<8x128xi32, #tpu.memory_space<hbm>>
      tpu.wait_dma2 semaphore(%arg16 : memref<!tpu.dma_semaphore, #tpu.memory_space<semaphore_mem>>) src(%dma_wait3A_462 : memref<8x128xi32, #tpu.memory_space<hbm>>) dst(%arg10 : memref<8x128xi32, #tpu.memory_space<vmem>>)
      %dma_start3A_463 = arith.constant 0 : i32
      %dma_start3A_464 = arith.constant 0 : i32
      %dma_start3A_465 = tpu.memref_slice %arg8[%dma_start3A_463, %dma_start3A_464] : memref<8x128xi32, #tpu.memory_space<vmem>> -> memref<1x128xi32, #tpu.memory_space<vmem>>
      %dma_start3A_466 = tpu.memref_squeeze %dma_start3A_465 : memref<1x128xi32, #tpu.memory_space<vmem>> -> memref<128xi32, #tpu.memory_space<vmem>>
      %dma_start3A_467 = arith.constant 0 : i32
      %dma_start3A_468 = arith.constant 0 : i32
      %dma_start3A_469 = tpu.memref_slice %arg2[%dma_start3A_467, %dma_start3A_468] : memref<20000x128xf32, #tpu.memory_space<hbm>> -> memref<20000x128xf32, #tpu.memory_space<hbm>>
      tpu.enqueue_indirect_dma source(%dma_start3A_469 : memref<20000x128xf32, #tpu.memory_space<hbm>>) target(%arg11 : memref<128x128xf32, #tpu.memory_space<vmem>>) offsets(%dma_start3A_466 : memref<128xi32, #tpu.memory_space<vmem>>) semaphore(%arg14 : memref<!tpu.dma_semaphore, #tpu.memory_space<semaphore_mem>>)
      %dma_start3A_470 = arith.constant 1 : i32
      %dma_start3A_471 = arith.constant 0 : i32
      %dma_start3A_472 = tpu.memref_slice %arg8[%dma_start3A_470, %dma_start3A_471] : memref<8x128xi32, #tpu.memory_space<vmem>> -> memref<1x128xi32, #tpu.memory_space<vmem>>
      %dma_start3A_473 = tpu.memref_squeeze %dma_start3A_472 : memref<1x128xi32, #tpu.memory_space<vmem>> -> memref<128xi32, #tpu.memory_space<vmem>>
      %dma_start3A_474 = arith.constant 0 : i32
      %dma_start3A_475 = arith.constant 0 : i32
      %dma_start3A_476 = tpu.memref_slice %arg2[%dma_start3A_474, %dma_start3A_475] : memref<20000x128xf32, #tpu.memory_space<hbm>> -> memref<20000x128xf32, #tpu.memory_space<hbm>>
      tpu.enqueue_indirect_dma source(%dma_start3A_476 : memref<20000x128xf32, #tpu.memory_space<hbm>>) target(%arg12 : memref<128x128xf32, #tpu.memory_space<vmem>>) offsets(%dma_start3A_473 : memref<128xi32, #tpu.memory_space<vmem>>) semaphore(%arg15 : memref<!tpu.dma_semaphore, #tpu.memory_space<semaphore_mem>>)
      %add3A_477 = arith.constant 96 : i32
      %add3A_478 = arith.addi %mul3A_10, %add3A_477 : i32
      %dma_start3A_479 = arith.constant 0 : i32
      %dma_start3A_480 = tpu.memref_slice %arg3[%add3A_478, %dma_start3A_479] : memref<2560x128xi32, #tpu.memory_space<hbm>> -> memref<8x128xi32, #tpu.memory_space<hbm>>
      %dma_start3A_481 = arith.constant 0 : i32
      %dma_start3A_482 = tpu.memref_slice %arg3[%add3A_478, %dma_start3A_481] : memref<2560x128xi32, #tpu.memory_space<hbm>> -> memref<8x128xi32, #tpu.memory_space<hbm>>
      tpu.enqueue_dma source(%dma_start3A_482 : memref<8x128xi32, #tpu.memory_space<hbm>>) target(%arg7 : memref<8x128xi32, #tpu.memory_space<vmem>>) target_semaphore(%arg16 : memref<!tpu.dma_semaphore, #tpu.memory_space<semaphore_mem>>)
      %dma_start3A_483 = arith.constant 0 : i32
      %dma_start3A_484 = tpu.memref_slice %arg4[%add3A_478, %dma_start3A_483] : memref<2560x128xi32, #tpu.memory_space<hbm>> -> memref<8x128xi32, #tpu.memory_space<hbm>>
      %dma_start3A_485 = arith.constant 0 : i32
      %dma_start3A_486 = tpu.memref_slice %arg4[%add3A_478, %dma_start3A_485] : memref<2560x128xi32, #tpu.memory_space<hbm>> -> memref<8x128xi32, #tpu.memory_space<hbm>>
      tpu.enqueue_dma source(%dma_start3A_486 : memref<8x128xi32, #tpu.memory_space<hbm>>) target(%arg9 : memref<8x128xi32, #tpu.memory_space<vmem>>) target_semaphore(%arg16 : memref<!tpu.dma_semaphore, #tpu.memory_space<semaphore_mem>>)
      %scan3A_487 = arith.constant 0 : i32
      %scan3A_488 = arith.constant 0 : i32
      %scan3A_489 = arith.constant 1 : i32
      %scan3A_490 = arith.constant 0 : i32
      %scan3A_491 = arith.constant 4 : i32
      %scan3A_492 = arith.addi %scan3A_490, %scan3A_491 : i32
      %scan3A_493 = arith.constant 1 : i32
      scf.for %scan3A_605 = %scan3A_490 to %scan3A_492 step %scan3A_493  : i32 {
        %mul3A_606 = arith.constant 2 : i32
        %mul3A_607 = arith.muli %mul3A_606, %scan3A_605 : i32
        %dma_wait3A_608 = arith.constant 0 : i32
        %dma_wait3A_609 = tpu.memref_slice %arg8[%scan3A_488, %dma_wait3A_608] : memref<8x128xi32, #tpu.memory_space<vmem>> -> memref<1x128xi32, #tpu.memory_space<vmem>>
        %dma_wait3A_610 = tpu.memref_squeeze %dma_wait3A_609 : memref<1x128xi32, #tpu.memory_space<vmem>> -> memref<128xi32, #tpu.memory_space<vmem>>
        %dma_wait3A_611 = arith.constant 0 : i32
        %dma_wait3A_612 = arith.constant 0 : i32
        %dma_wait3A_613 = tpu.memref_slice %arg2[%dma_wait3A_611, %dma_wait3A_612] : memref<20000x128xf32, #tpu.memory_space<hbm>> -> memref<20000x128xf32, #tpu.memory_space<hbm>>
        tpu.wait_indirect_dma semaphore(%arg14 : memref<!tpu.dma_semaphore, #tpu.memory_space<semaphore_mem>>) src(%dma_wait3A_613 : memref<20000x128xf32, #tpu.memory_space<hbm>>) dst(%arg11 : memref<128x128xf32, #tpu.memory_space<vmem>>)
        "tpu.region"() ({
          %run_scoped3A = tpu.sem_alloc : memref<!tpu.dma_semaphore, #tpu.memory_space<semaphore_mem>>
          %dma_start3A_635 = arith.constant 0 : i32
          %dma_start3A_636 = tpu.memref_slice %arg10[%mul3A_607, %dma_start3A_635] : memref<8x128xi32, #tpu.memory_space<vmem>> -> memref<1x128xi32, #tpu.memory_space<vmem>>
          %dma_start3A_637 = tpu.memref_squeeze %dma_start3A_636 : memref<1x128xi32, #tpu.memory_space<vmem>> -> memref<128xi32, #tpu.memory_space<vmem>>
          %dma_start3A_638 = arith.constant 0 : i32
          %dma_start3A_639 = arith.constant 0 : i32
          %dma_start3A_640 = tpu.memref_slice %arg13[%dma_start3A_638, %dma_start3A_639] : memref<10112x128xf32, #tpu.memory_space<vmem_shared>> -> memref<10112x128xf32, #tpu.memory_space<vmem_shared>>
          tpu.enqueue_indirect_dma source(%arg11 : memref<128x128xf32, #tpu.memory_space<vmem>>) target(%dma_start3A_640 : memref<10112x128xf32, #tpu.memory_space<vmem_shared>>) offsets(%dma_start3A_637 : memref<128xi32, #tpu.memory_space<vmem>>) semaphore(%run_scoped3A : memref<!tpu.dma_semaphore, #tpu.memory_space<semaphore_mem>>) {add = true}
          %dma_wait3A_641 = arith.constant 0 : i32
          %dma_wait3A_642 = tpu.memref_slice %arg10[%mul3A_607, %dma_wait3A_641] : memref<8x128xi32, #tpu.memory_space<vmem>> -> memref<1x128xi32, #tpu.memory_space<vmem>>
          %dma_wait3A_643 = tpu.memref_squeeze %dma_wait3A_642 : memref<1x128xi32, #tpu.memory_space<vmem>> -> memref<128xi32, #tpu.memory_space<vmem>>
          %dma_wait3A_644 = arith.constant 0 : i32
          %dma_wait3A_645 = arith.constant 0 : i32
          %dma_wait3A_646 = tpu.memref_slice %arg13[%dma_wait3A_644, %dma_wait3A_645] : memref<10112x128xf32, #tpu.memory_space<vmem_shared>> -> memref<10112x128xf32, #tpu.memory_space<vmem_shared>>
          tpu.wait_indirect_dma semaphore(%run_scoped3A : memref<!tpu.dma_semaphore, #tpu.memory_space<semaphore_mem>>) src(%arg11 : memref<128x128xf32, #tpu.memory_space<vmem>>) dst(%dma_wait3A_646 : memref<10112x128xf32, #tpu.memory_space<vmem_shared>>)
          tpu.yield
        }) : () -> ()
        %add3A_614 = arith.constant 2 : i32
        %add3A_615 = arith.addi %mul3A_607, %add3A_614 : i32
        %lt3A = arith.constant 8 : i32
        %lt3A_616 = arith.cmpi slt, %add3A_615, %lt3A : i32
        %convert_element_type3A_617 = arith.extui %lt3A_616 : i1 to i32
        %cond3A_618 = arith.constant 0 : i32
        %cond3A_619 = arith.cmpi ne, %convert_element_type3A_617, %cond3A_618 : i32
        scf.if %cond3A_619 {
          %add3A_635 = arith.constant 2 : i32
          %add3A_636 = arith.addi %mul3A_607, %add3A_635 : i32
          %dma_start3A_637 = arith.constant 0 : i32
          %dma_start3A_638 = tpu.memref_slice %arg8[%add3A_636, %dma_start3A_637] : memref<8x128xi32, #tpu.memory_space<vmem>> -> memref<1x128xi32, #tpu.memory_space<vmem>>
          %dma_start3A_639 = tpu.memref_squeeze %dma_start3A_638 : memref<1x128xi32, #tpu.memory_space<vmem>> -> memref<128xi32, #tpu.memory_space<vmem>>
          %dma_start3A_640 = arith.constant 0 : i32
          %dma_start3A_641 = arith.constant 0 : i32
          %dma_start3A_642 = tpu.memref_slice %arg2[%dma_start3A_640, %dma_start3A_641] : memref<20000x128xf32, #tpu.memory_space<hbm>> -> memref<20000x128xf32, #tpu.memory_space<hbm>>
          tpu.enqueue_indirect_dma source(%dma_start3A_642 : memref<20000x128xf32, #tpu.memory_space<hbm>>) target(%arg11 : memref<128x128xf32, #tpu.memory_space<vmem>>) offsets(%dma_start3A_639 : memref<128xi32, #tpu.memory_space<vmem>>) semaphore(%arg14 : memref<!tpu.dma_semaphore, #tpu.memory_space<semaphore_mem>>)
        } else {
        }
        %dma_wait3A_620 = arith.constant 0 : i32
        %dma_wait3A_621 = tpu.memref_slice %arg8[%scan3A_489, %dma_wait3A_620] : memref<8x128xi32, #tpu.memory_space<vmem>> -> memref<1x128xi32, #tpu.memory_space<vmem>>
        %dma_wait3A_622 = tpu.memref_squeeze %dma_wait3A_621 : memref<1x128xi32, #tpu.memory_space<vmem>> -> memref<128xi32, #tpu.memory_space<vmem>>
        %dma_wait3A_623 = arith.constant 0 : i32
        %dma_wait3A_624 = arith.constant 0 : i32
        %dma_wait3A_625 = tpu.memref_slice %arg2[%dma_wait3A_623, %dma_wait3A_624] : memref<20000x128xf32, #tpu.memory_space<hbm>> -> memref<20000x128xf32, #tpu.memory_space<hbm>>
        tpu.wait_indirect_dma semaphore(%arg15 : memref<!tpu.dma_semaphore, #tpu.memory_space<semaphore_mem>>) src(%dma_wait3A_625 : memref<20000x128xf32, #tpu.memory_space<hbm>>) dst(%arg12 : memref<128x128xf32, #tpu.memory_space<vmem>>)
        %add3A_626 = arith.constant 1 : i32
        %add3A_627 = arith.addi %mul3A_607, %add3A_626 : i32
        "tpu.region"() ({
          %run_scoped3A = tpu.sem_alloc : memref<!tpu.dma_semaphore, #tpu.memory_space<semaphore_mem>>
          %dma_start3A_635 = arith.constant 0 : i32
          %dma_start3A_636 = tpu.memref_slice %arg10[%add3A_627, %dma_start3A_635] : memref<8x128xi32, #tpu.memory_space<vmem>> -> memref<1x128xi32, #tpu.memory_space<vmem>>
          %dma_start3A_637 = tpu.memref_squeeze %dma_start3A_636 : memref<1x128xi32, #tpu.memory_space<vmem>> -> memref<128xi32, #tpu.memory_space<vmem>>
          %dma_start3A_638 = arith.constant 0 : i32
          %dma_start3A_639 = arith.constant 0 : i32
          %dma_start3A_640 = tpu.memref_slice %arg13[%dma_start3A_638, %dma_start3A_639] : memref<10112x128xf32, #tpu.memory_space<vmem_shared>> -> memref<10112x128xf32, #tpu.memory_space<vmem_shared>>
          tpu.enqueue_indirect_dma source(%arg12 : memref<128x128xf32, #tpu.memory_space<vmem>>) target(%dma_start3A_640 : memref<10112x128xf32, #tpu.memory_space<vmem_shared>>) offsets(%dma_start3A_637 : memref<128xi32, #tpu.memory_space<vmem>>) semaphore(%run_scoped3A : memref<!tpu.dma_semaphore, #tpu.memory_space<semaphore_mem>>) {add = true}
          %dma_wait3A_641 = arith.constant 0 : i32
          %dma_wait3A_642 = tpu.memref_slice %arg10[%add3A_627, %dma_wait3A_641] : memref<8x128xi32, #tpu.memory_space<vmem>> -> memref<1x128xi32, #tpu.memory_space<vmem>>
          %dma_wait3A_643 = tpu.memref_squeeze %dma_wait3A_642 : memref<1x128xi32, #tpu.memory_space<vmem>> -> memref<128xi32, #tpu.memory_space<vmem>>
          %dma_wait3A_644 = arith.constant 0 : i32
          %dma_wait3A_645 = arith.constant 0 : i32
          %dma_wait3A_646 = tpu.memref_slice %arg13[%dma_wait3A_644, %dma_wait3A_645] : memref<10112x128xf32, #tpu.memory_space<vmem_shared>> -> memref<10112x128xf32, #tpu.memory_space<vmem_shared>>
          tpu.wait_indirect_dma semaphore(%run_scoped3A : memref<!tpu.dma_semaphore, #tpu.memory_space<semaphore_mem>>) src(%arg12 : memref<128x128xf32, #tpu.memory_space<vmem>>) dst(%dma_wait3A_646 : memref<10112x128xf32, #tpu.memory_space<vmem_shared>>)
          tpu.yield
        }) : () -> ()
        %add3A_628 = arith.constant 3 : i32
        %add3A_629 = arith.addi %mul3A_607, %add3A_628 : i32
        %lt3A_630 = arith.constant 8 : i32
        %lt3A_631 = arith.cmpi slt, %add3A_629, %lt3A_630 : i32
        %convert_element_type3A_632 = arith.extui %lt3A_631 : i1 to i32
        %cond3A_633 = arith.constant 0 : i32
        %cond3A_634 = arith.cmpi ne, %convert_element_type3A_632, %cond3A_633 : i32
        scf.if %cond3A_634 {
          %add3A_635 = arith.constant 3 : i32
          %add3A_636 = arith.addi %mul3A_607, %add3A_635 : i32
          %dma_start3A_637 = arith.constant 0 : i32
          %dma_start3A_638 = tpu.memref_slice %arg8[%add3A_636, %dma_start3A_637] : memref<8x128xi32, #tpu.memory_space<vmem>> -> memref<1x128xi32, #tpu.memory_space<vmem>>
          %dma_start3A_639 = tpu.memref_squeeze %dma_start3A_638 : memref<1x128xi32, #tpu.memory_space<vmem>> -> memref<128xi32, #tpu.memory_space<vmem>>
          %dma_start3A_640 = arith.constant 0 : i32
          %dma_start3A_641 = arith.constant 0 : i32
          %dma_start3A_642 = tpu.memref_slice %arg2[%dma_start3A_640, %dma_start3A_641] : memref<20000x128xf32, #tpu.memory_space<hbm>> -> memref<20000x128xf32, #tpu.memory_space<hbm>>
          tpu.enqueue_indirect_dma source(%dma_start3A_642 : memref<20000x128xf32, #tpu.memory_space<hbm>>) target(%arg12 : memref<128x128xf32, #tpu.memory_space<vmem>>) offsets(%dma_start3A_639 : memref<128xi32, #tpu.memory_space<vmem>>) semaphore(%arg15 : memref<!tpu.dma_semaphore, #tpu.memory_space<semaphore_mem>>)
        } else {
        }
      }
      %scan3A_494 = arith.constant 4 : i32
      %dma_wait3A_495 = arith.constant 0 : i32
      %dma_wait3A_496 = tpu.memref_slice %arg3[%add3A_478, %dma_wait3A_495] : memref<2560x128xi32, #tpu.memory_space<hbm>> -> memref<8x128xi32, #tpu.memory_space<hbm>>
      %dma_wait3A_497 = arith.constant 0 : i32
      %dma_wait3A_498 = tpu.memref_slice %arg3[%add3A_478, %dma_wait3A_497] : memref<2560x128xi32, #tpu.memory_space<hbm>> -> memref<8x128xi32, #tpu.memory_space<hbm>>
      tpu.wait_dma2 semaphore(%arg16 : memref<!tpu.dma_semaphore, #tpu.memory_space<semaphore_mem>>) src(%dma_wait3A_498 : memref<8x128xi32, #tpu.memory_space<hbm>>) dst(%arg7 : memref<8x128xi32, #tpu.memory_space<vmem>>)
      %dma_wait3A_499 = arith.constant 0 : i32
      %dma_wait3A_500 = tpu.memref_slice %arg4[%add3A_478, %dma_wait3A_499] : memref<2560x128xi32, #tpu.memory_space<hbm>> -> memref<8x128xi32, #tpu.memory_space<hbm>>
      %dma_wait3A_501 = arith.constant 0 : i32
      %dma_wait3A_502 = tpu.memref_slice %arg4[%add3A_478, %dma_wait3A_501] : memref<2560x128xi32, #tpu.memory_space<hbm>> -> memref<8x128xi32, #tpu.memory_space<hbm>>
      tpu.wait_dma2 semaphore(%arg16 : memref<!tpu.dma_semaphore, #tpu.memory_space<semaphore_mem>>) src(%dma_wait3A_502 : memref<8x128xi32, #tpu.memory_space<hbm>>) dst(%arg9 : memref<8x128xi32, #tpu.memory_space<vmem>>)
      %dma_start3A_503 = arith.constant 0 : i32
      %dma_start3A_504 = arith.constant 0 : i32
      %dma_start3A_505 = tpu.memref_slice %arg7[%dma_start3A_503, %dma_start3A_504] : memref<8x128xi32, #tpu.memory_space<vmem>> -> memref<1x128xi32, #tpu.memory_space<vmem>>
      %dma_start3A_506 = tpu.memref_squeeze %dma_start3A_505 : memref<1x128xi32, #tpu.memory_space<vmem>> -> memref<128xi32, #tpu.memory_space<vmem>>
      %dma_start3A_507 = arith.constant 0 : i32
      %dma_start3A_508 = arith.constant 0 : i32
      %dma_start3A_509 = tpu.memref_slice %arg2[%dma_start3A_507, %dma_start3A_508] : memref<20000x128xf32, #tpu.memory_space<hbm>> -> memref<20000x128xf32, #tpu.memory_space<hbm>>
      tpu.enqueue_indirect_dma source(%dma_start3A_509 : memref<20000x128xf32, #tpu.memory_space<hbm>>) target(%arg11 : memref<128x128xf32, #tpu.memory_space<vmem>>) offsets(%dma_start3A_506 : memref<128xi32, #tpu.memory_space<vmem>>) semaphore(%arg14 : memref<!tpu.dma_semaphore, #tpu.memory_space<semaphore_mem>>)
      %dma_start3A_510 = arith.constant 1 : i32
      %dma_start3A_511 = arith.constant 0 : i32
      %dma_start3A_512 = tpu.memref_slice %arg7[%dma_start3A_510, %dma_start3A_511] : memref<8x128xi32, #tpu.memory_space<vmem>> -> memref<1x128xi32, #tpu.memory_space<vmem>>
      %dma_start3A_513 = tpu.memref_squeeze %dma_start3A_512 : memref<1x128xi32, #tpu.memory_space<vmem>> -> memref<128xi32, #tpu.memory_space<vmem>>
      %dma_start3A_514 = arith.constant 0 : i32
      %dma_start3A_515 = arith.constant 0 : i32
      %dma_start3A_516 = tpu.memref_slice %arg2[%dma_start3A_514, %dma_start3A_515] : memref<20000x128xf32, #tpu.memory_space<hbm>> -> memref<20000x128xf32, #tpu.memory_space<hbm>>
      tpu.enqueue_indirect_dma source(%dma_start3A_516 : memref<20000x128xf32, #tpu.memory_space<hbm>>) target(%arg12 : memref<128x128xf32, #tpu.memory_space<vmem>>) offsets(%dma_start3A_513 : memref<128xi32, #tpu.memory_space<vmem>>) semaphore(%arg15 : memref<!tpu.dma_semaphore, #tpu.memory_space<semaphore_mem>>)
      %add3A_517 = arith.constant 104 : i32
      %add3A_518 = arith.addi %mul3A_10, %add3A_517 : i32
      %dma_start3A_519 = arith.constant 0 : i32
      %dma_start3A_520 = tpu.memref_slice %arg3[%add3A_518, %dma_start3A_519] : memref<2560x128xi32, #tpu.memory_space<hbm>> -> memref<8x128xi32, #tpu.memory_space<hbm>>
      %dma_start3A_521 = arith.constant 0 : i32
      %dma_start3A_522 = tpu.memref_slice %arg3[%add3A_518, %dma_start3A_521] : memref<2560x128xi32, #tpu.memory_space<hbm>> -> memref<8x128xi32, #tpu.memory_space<hbm>>
      tpu.enqueue_dma source(%dma_start3A_522 : memref<8x128xi32, #tpu.memory_space<hbm>>) target(%arg8 : memref<8x128xi32, #tpu.memory_space<vmem>>) target_semaphore(%arg16 : memref<!tpu.dma_semaphore, #tpu.memory_space<semaphore_mem>>)
      %dma_start3A_523 = arith.constant 0 : i32
      %dma_start3A_524 = tpu.memref_slice %arg4[%add3A_518, %dma_start3A_523] : memref<2560x128xi32, #tpu.memory_space<hbm>> -> memref<8x128xi32, #tpu.memory_space<hbm>>
      %dma_start3A_525 = arith.constant 0 : i32
      %dma_start3A_526 = tpu.memref_slice %arg4[%add3A_518, %dma_start3A_525] : memref<2560x128xi32, #tpu.memory_space<hbm>> -> memref<8x128xi32, #tpu.memory_space<hbm>>
      tpu.enqueue_dma source(%dma_start3A_526 : memref<8x128xi32, #tpu.memory_space<hbm>>) target(%arg10 : memref<8x128xi32, #tpu.memory_space<vmem>>) target_semaphore(%arg16 : memref<!tpu.dma_semaphore, #tpu.memory_space<semaphore_mem>>)
      %scan3A_527 = arith.constant 0 : i32
      %scan3A_528 = arith.constant 0 : i32
      %scan3A_529 = arith.constant 1 : i32
      %scan3A_530 = arith.constant 0 : i32
      %scan3A_531 = arith.constant 4 : i32
      %scan3A_532 = arith.addi %scan3A_530, %scan3A_531 : i32
      %scan3A_533 = arith.constant 1 : i32
      scf.for %scan3A_605 = %scan3A_530 to %scan3A_532 step %scan3A_533  : i32 {
        %mul3A_606 = arith.constant 2 : i32
        %mul3A_607 = arith.muli %mul3A_606, %scan3A_605 : i32
        %dma_wait3A_608 = arith.constant 0 : i32
        %dma_wait3A_609 = tpu.memref_slice %arg7[%scan3A_528, %dma_wait3A_608] : memref<8x128xi32, #tpu.memory_space<vmem>> -> memref<1x128xi32, #tpu.memory_space<vmem>>
        %dma_wait3A_610 = tpu.memref_squeeze %dma_wait3A_609 : memref<1x128xi32, #tpu.memory_space<vmem>> -> memref<128xi32, #tpu.memory_space<vmem>>
        %dma_wait3A_611 = arith.constant 0 : i32
        %dma_wait3A_612 = arith.constant 0 : i32
        %dma_wait3A_613 = tpu.memref_slice %arg2[%dma_wait3A_611, %dma_wait3A_612] : memref<20000x128xf32, #tpu.memory_space<hbm>> -> memref<20000x128xf32, #tpu.memory_space<hbm>>
        tpu.wait_indirect_dma semaphore(%arg14 : memref<!tpu.dma_semaphore, #tpu.memory_space<semaphore_mem>>) src(%dma_wait3A_613 : memref<20000x128xf32, #tpu.memory_space<hbm>>) dst(%arg11 : memref<128x128xf32, #tpu.memory_space<vmem>>)
        "tpu.region"() ({
          %run_scoped3A = tpu.sem_alloc : memref<!tpu.dma_semaphore, #tpu.memory_space<semaphore_mem>>
          %dma_start3A_635 = arith.constant 0 : i32
          %dma_start3A_636 = tpu.memref_slice %arg9[%mul3A_607, %dma_start3A_635] : memref<8x128xi32, #tpu.memory_space<vmem>> -> memref<1x128xi32, #tpu.memory_space<vmem>>
          %dma_start3A_637 = tpu.memref_squeeze %dma_start3A_636 : memref<1x128xi32, #tpu.memory_space<vmem>> -> memref<128xi32, #tpu.memory_space<vmem>>
          %dma_start3A_638 = arith.constant 0 : i32
          %dma_start3A_639 = arith.constant 0 : i32
          %dma_start3A_640 = tpu.memref_slice %arg13[%dma_start3A_638, %dma_start3A_639] : memref<10112x128xf32, #tpu.memory_space<vmem_shared>> -> memref<10112x128xf32, #tpu.memory_space<vmem_shared>>
          tpu.enqueue_indirect_dma source(%arg11 : memref<128x128xf32, #tpu.memory_space<vmem>>) target(%dma_start3A_640 : memref<10112x128xf32, #tpu.memory_space<vmem_shared>>) offsets(%dma_start3A_637 : memref<128xi32, #tpu.memory_space<vmem>>) semaphore(%run_scoped3A : memref<!tpu.dma_semaphore, #tpu.memory_space<semaphore_mem>>) {add = true}
          %dma_wait3A_641 = arith.constant 0 : i32
          %dma_wait3A_642 = tpu.memref_slice %arg9[%mul3A_607, %dma_wait3A_641] : memref<8x128xi32, #tpu.memory_space<vmem>> -> memref<1x128xi32, #tpu.memory_space<vmem>>
          %dma_wait3A_643 = tpu.memref_squeeze %dma_wait3A_642 : memref<1x128xi32, #tpu.memory_space<vmem>> -> memref<128xi32, #tpu.memory_space<vmem>>
          %dma_wait3A_644 = arith.constant 0 : i32
          %dma_wait3A_645 = arith.constant 0 : i32
          %dma_wait3A_646 = tpu.memref_slice %arg13[%dma_wait3A_644, %dma_wait3A_645] : memref<10112x128xf32, #tpu.memory_space<vmem_shared>> -> memref<10112x128xf32, #tpu.memory_space<vmem_shared>>
          tpu.wait_indirect_dma semaphore(%run_scoped3A : memref<!tpu.dma_semaphore, #tpu.memory_space<semaphore_mem>>) src(%arg11 : memref<128x128xf32, #tpu.memory_space<vmem>>) dst(%dma_wait3A_646 : memref<10112x128xf32, #tpu.memory_space<vmem_shared>>)
          tpu.yield
        }) : () -> ()
        %add3A_614 = arith.constant 2 : i32
        %add3A_615 = arith.addi %mul3A_607, %add3A_614 : i32
        %lt3A = arith.constant 8 : i32
        %lt3A_616 = arith.cmpi slt, %add3A_615, %lt3A : i32
        %convert_element_type3A_617 = arith.extui %lt3A_616 : i1 to i32
        %cond3A_618 = arith.constant 0 : i32
        %cond3A_619 = arith.cmpi ne, %convert_element_type3A_617, %cond3A_618 : i32
        scf.if %cond3A_619 {
          %add3A_635 = arith.constant 2 : i32
          %add3A_636 = arith.addi %mul3A_607, %add3A_635 : i32
          %dma_start3A_637 = arith.constant 0 : i32
          %dma_start3A_638 = tpu.memref_slice %arg7[%add3A_636, %dma_start3A_637] : memref<8x128xi32, #tpu.memory_space<vmem>> -> memref<1x128xi32, #tpu.memory_space<vmem>>
          %dma_start3A_639 = tpu.memref_squeeze %dma_start3A_638 : memref<1x128xi32, #tpu.memory_space<vmem>> -> memref<128xi32, #tpu.memory_space<vmem>>
          %dma_start3A_640 = arith.constant 0 : i32
          %dma_start3A_641 = arith.constant 0 : i32
          %dma_start3A_642 = tpu.memref_slice %arg2[%dma_start3A_640, %dma_start3A_641] : memref<20000x128xf32, #tpu.memory_space<hbm>> -> memref<20000x128xf32, #tpu.memory_space<hbm>>
          tpu.enqueue_indirect_dma source(%dma_start3A_642 : memref<20000x128xf32, #tpu.memory_space<hbm>>) target(%arg11 : memref<128x128xf32, #tpu.memory_space<vmem>>) offsets(%dma_start3A_639 : memref<128xi32, #tpu.memory_space<vmem>>) semaphore(%arg14 : memref<!tpu.dma_semaphore, #tpu.memory_space<semaphore_mem>>)
        } else {
        }
        %dma_wait3A_620 = arith.constant 0 : i32
        %dma_wait3A_621 = tpu.memref_slice %arg7[%scan3A_529, %dma_wait3A_620] : memref<8x128xi32, #tpu.memory_space<vmem>> -> memref<1x128xi32, #tpu.memory_space<vmem>>
        %dma_wait3A_622 = tpu.memref_squeeze %dma_wait3A_621 : memref<1x128xi32, #tpu.memory_space<vmem>> -> memref<128xi32, #tpu.memory_space<vmem>>
        %dma_wait3A_623 = arith.constant 0 : i32
        %dma_wait3A_624 = arith.constant 0 : i32
        %dma_wait3A_625 = tpu.memref_slice %arg2[%dma_wait3A_623, %dma_wait3A_624] : memref<20000x128xf32, #tpu.memory_space<hbm>> -> memref<20000x128xf32, #tpu.memory_space<hbm>>
        tpu.wait_indirect_dma semaphore(%arg15 : memref<!tpu.dma_semaphore, #tpu.memory_space<semaphore_mem>>) src(%dma_wait3A_625 : memref<20000x128xf32, #tpu.memory_space<hbm>>) dst(%arg12 : memref<128x128xf32, #tpu.memory_space<vmem>>)
        %add3A_626 = arith.constant 1 : i32
        %add3A_627 = arith.addi %mul3A_607, %add3A_626 : i32
        "tpu.region"() ({
          %run_scoped3A = tpu.sem_alloc : memref<!tpu.dma_semaphore, #tpu.memory_space<semaphore_mem>>
          %dma_start3A_635 = arith.constant 0 : i32
          %dma_start3A_636 = tpu.memref_slice %arg9[%add3A_627, %dma_start3A_635] : memref<8x128xi32, #tpu.memory_space<vmem>> -> memref<1x128xi32, #tpu.memory_space<vmem>>
          %dma_start3A_637 = tpu.memref_squeeze %dma_start3A_636 : memref<1x128xi32, #tpu.memory_space<vmem>> -> memref<128xi32, #tpu.memory_space<vmem>>
          %dma_start3A_638 = arith.constant 0 : i32
          %dma_start3A_639 = arith.constant 0 : i32
          %dma_start3A_640 = tpu.memref_slice %arg13[%dma_start3A_638, %dma_start3A_639] : memref<10112x128xf32, #tpu.memory_space<vmem_shared>> -> memref<10112x128xf32, #tpu.memory_space<vmem_shared>>
          tpu.enqueue_indirect_dma source(%arg12 : memref<128x128xf32, #tpu.memory_space<vmem>>) target(%dma_start3A_640 : memref<10112x128xf32, #tpu.memory_space<vmem_shared>>) offsets(%dma_start3A_637 : memref<128xi32, #tpu.memory_space<vmem>>) semaphore(%run_scoped3A : memref<!tpu.dma_semaphore, #tpu.memory_space<semaphore_mem>>) {add = true}
          %dma_wait3A_641 = arith.constant 0 : i32
          %dma_wait3A_642 = tpu.memref_slice %arg9[%add3A_627, %dma_wait3A_641] : memref<8x128xi32, #tpu.memory_space<vmem>> -> memref<1x128xi32, #tpu.memory_space<vmem>>
          %dma_wait3A_643 = tpu.memref_squeeze %dma_wait3A_642 : memref<1x128xi32, #tpu.memory_space<vmem>> -> memref<128xi32, #tpu.memory_space<vmem>>
          %dma_wait3A_644 = arith.constant 0 : i32
          %dma_wait3A_645 = arith.constant 0 : i32
          %dma_wait3A_646 = tpu.memref_slice %arg13[%dma_wait3A_644, %dma_wait3A_645] : memref<10112x128xf32, #tpu.memory_space<vmem_shared>> -> memref<10112x128xf32, #tpu.memory_space<vmem_shared>>
          tpu.wait_indirect_dma semaphore(%run_scoped3A : memref<!tpu.dma_semaphore, #tpu.memory_space<semaphore_mem>>) src(%arg12 : memref<128x128xf32, #tpu.memory_space<vmem>>) dst(%dma_wait3A_646 : memref<10112x128xf32, #tpu.memory_space<vmem_shared>>)
          tpu.yield
        }) : () -> ()
        %add3A_628 = arith.constant 3 : i32
        %add3A_629 = arith.addi %mul3A_607, %add3A_628 : i32
        %lt3A_630 = arith.constant 8 : i32
        %lt3A_631 = arith.cmpi slt, %add3A_629, %lt3A_630 : i32
        %convert_element_type3A_632 = arith.extui %lt3A_631 : i1 to i32
        %cond3A_633 = arith.constant 0 : i32
        %cond3A_634 = arith.cmpi ne, %convert_element_type3A_632, %cond3A_633 : i32
        scf.if %cond3A_634 {
          %add3A_635 = arith.constant 3 : i32
          %add3A_636 = arith.addi %mul3A_607, %add3A_635 : i32
          %dma_start3A_637 = arith.constant 0 : i32
          %dma_start3A_638 = tpu.memref_slice %arg7[%add3A_636, %dma_start3A_637] : memref<8x128xi32, #tpu.memory_space<vmem>> -> memref<1x128xi32, #tpu.memory_space<vmem>>
          %dma_start3A_639 = tpu.memref_squeeze %dma_start3A_638 : memref<1x128xi32, #tpu.memory_space<vmem>> -> memref<128xi32, #tpu.memory_space<vmem>>
          %dma_start3A_640 = arith.constant 0 : i32
          %dma_start3A_641 = arith.constant 0 : i32
          %dma_start3A_642 = tpu.memref_slice %arg2[%dma_start3A_640, %dma_start3A_641] : memref<20000x128xf32, #tpu.memory_space<hbm>> -> memref<20000x128xf32, #tpu.memory_space<hbm>>
          tpu.enqueue_indirect_dma source(%dma_start3A_642 : memref<20000x128xf32, #tpu.memory_space<hbm>>) target(%arg12 : memref<128x128xf32, #tpu.memory_space<vmem>>) offsets(%dma_start3A_639 : memref<128xi32, #tpu.memory_space<vmem>>) semaphore(%arg15 : memref<!tpu.dma_semaphore, #tpu.memory_space<semaphore_mem>>)
        } else {
        }
      }
      %scan3A_534 = arith.constant 4 : i32
      %dma_wait3A_535 = arith.constant 0 : i32
      %dma_wait3A_536 = tpu.memref_slice %arg3[%add3A_518, %dma_wait3A_535] : memref<2560x128xi32, #tpu.memory_space<hbm>> -> memref<8x128xi32, #tpu.memory_space<hbm>>
      %dma_wait3A_537 = arith.constant 0 : i32
      %dma_wait3A_538 = tpu.memref_slice %arg3[%add3A_518, %dma_wait3A_537] : memref<2560x128xi32, #tpu.memory_space<hbm>> -> memref<8x128xi32, #tpu.memory_space<hbm>>
      tpu.wait_dma2 semaphore(%arg16 : memref<!tpu.dma_semaphore, #tpu.memory_space<semaphore_mem>>) src(%dma_wait3A_538 : memref<8x128xi32, #tpu.memory_space<hbm>>) dst(%arg8 : memref<8x128xi32, #tpu.memory_space<vmem>>)
      %dma_wait3A_539 = arith.constant 0 : i32
      %dma_wait3A_540 = tpu.memref_slice %arg4[%add3A_518, %dma_wait3A_539] : memref<2560x128xi32, #tpu.memory_space<hbm>> -> memref<8x128xi32, #tpu.memory_space<hbm>>
      %dma_wait3A_541 = arith.constant 0 : i32
      %dma_wait3A_542 = tpu.memref_slice %arg4[%add3A_518, %dma_wait3A_541] : memref<2560x128xi32, #tpu.memory_space<hbm>> -> memref<8x128xi32, #tpu.memory_space<hbm>>
      tpu.wait_dma2 semaphore(%arg16 : memref<!tpu.dma_semaphore, #tpu.memory_space<semaphore_mem>>) src(%dma_wait3A_542 : memref<8x128xi32, #tpu.memory_space<hbm>>) dst(%arg10 : memref<8x128xi32, #tpu.memory_space<vmem>>)
      %dma_start3A_543 = arith.constant 0 : i32
      %dma_start3A_544 = arith.constant 0 : i32
      %dma_start3A_545 = tpu.memref_slice %arg8[%dma_start3A_543, %dma_start3A_544] : memref<8x128xi32, #tpu.memory_space<vmem>> -> memref<1x128xi32, #tpu.memory_space<vmem>>
      %dma_start3A_546 = tpu.memref_squeeze %dma_start3A_545 : memref<1x128xi32, #tpu.memory_space<vmem>> -> memref<128xi32, #tpu.memory_space<vmem>>
      %dma_start3A_547 = arith.constant 0 : i32
      %dma_start3A_548 = arith.constant 0 : i32
      %dma_start3A_549 = tpu.memref_slice %arg2[%dma_start3A_547, %dma_start3A_548] : memref<20000x128xf32, #tpu.memory_space<hbm>> -> memref<20000x128xf32, #tpu.memory_space<hbm>>
      tpu.enqueue_indirect_dma source(%dma_start3A_549 : memref<20000x128xf32, #tpu.memory_space<hbm>>) target(%arg11 : memref<128x128xf32, #tpu.memory_space<vmem>>) offsets(%dma_start3A_546 : memref<128xi32, #tpu.memory_space<vmem>>) semaphore(%arg14 : memref<!tpu.dma_semaphore, #tpu.memory_space<semaphore_mem>>)
      %dma_start3A_550 = arith.constant 1 : i32
      %dma_start3A_551 = arith.constant 0 : i32
      %dma_start3A_552 = tpu.memref_slice %arg8[%dma_start3A_550, %dma_start3A_551] : memref<8x128xi32, #tpu.memory_space<vmem>> -> memref<1x128xi32, #tpu.memory_space<vmem>>
      %dma_start3A_553 = tpu.memref_squeeze %dma_start3A_552 : memref<1x128xi32, #tpu.memory_space<vmem>> -> memref<128xi32, #tpu.memory_space<vmem>>
      %dma_start3A_554 = arith.constant 0 : i32
      %dma_start3A_555 = arith.constant 0 : i32
      %dma_start3A_556 = tpu.memref_slice %arg2[%dma_start3A_554, %dma_start3A_555] : memref<20000x128xf32, #tpu.memory_space<hbm>> -> memref<20000x128xf32, #tpu.memory_space<hbm>>
      tpu.enqueue_indirect_dma source(%dma_start3A_556 : memref<20000x128xf32, #tpu.memory_space<hbm>>) target(%arg12 : memref<128x128xf32, #tpu.memory_space<vmem>>) offsets(%dma_start3A_553 : memref<128xi32, #tpu.memory_space<vmem>>) semaphore(%arg15 : memref<!tpu.dma_semaphore, #tpu.memory_space<semaphore_mem>>)
      %add3A_557 = arith.constant 112 : i32
      %add3A_558 = arith.addi %mul3A_10, %add3A_557 : i32
      %dma_start3A_559 = arith.constant 0 : i32
      %dma_start3A_560 = tpu.memref_slice %arg3[%add3A_558, %dma_start3A_559] : memref<2560x128xi32, #tpu.memory_space<hbm>> -> memref<8x128xi32, #tpu.memory_space<hbm>>
      %dma_start3A_561 = arith.constant 0 : i32
      %dma_start3A_562 = tpu.memref_slice %arg3[%add3A_558, %dma_start3A_561] : memref<2560x128xi32, #tpu.memory_space<hbm>> -> memref<8x128xi32, #tpu.memory_space<hbm>>
      tpu.enqueue_dma source(%dma_start3A_562 : memref<8x128xi32, #tpu.memory_space<hbm>>) target(%arg7 : memref<8x128xi32, #tpu.memory_space<vmem>>) target_semaphore(%arg16 : memref<!tpu.dma_semaphore, #tpu.memory_space<semaphore_mem>>)
      %dma_start3A_563 = arith.constant 0 : i32
      %dma_start3A_564 = tpu.memref_slice %arg4[%add3A_558, %dma_start3A_563] : memref<2560x128xi32, #tpu.memory_space<hbm>> -> memref<8x128xi32, #tpu.memory_space<hbm>>
      %dma_start3A_565 = arith.constant 0 : i32
      %dma_start3A_566 = tpu.memref_slice %arg4[%add3A_558, %dma_start3A_565] : memref<2560x128xi32, #tpu.memory_space<hbm>> -> memref<8x128xi32, #tpu.memory_space<hbm>>
      tpu.enqueue_dma source(%dma_start3A_566 : memref<8x128xi32, #tpu.memory_space<hbm>>) target(%arg9 : memref<8x128xi32, #tpu.memory_space<vmem>>) target_semaphore(%arg16 : memref<!tpu.dma_semaphore, #tpu.memory_space<semaphore_mem>>)
      %scan3A_567 = arith.constant 0 : i32
      %scan3A_568 = arith.constant 0 : i32
      %scan3A_569 = arith.constant 1 : i32
      %scan3A_570 = arith.constant 0 : i32
      %scan3A_571 = arith.constant 4 : i32
      %scan3A_572 = arith.addi %scan3A_570, %scan3A_571 : i32
      %scan3A_573 = arith.constant 1 : i32
      scf.for %scan3A_605 = %scan3A_570 to %scan3A_572 step %scan3A_573  : i32 {
        %mul3A_606 = arith.constant 2 : i32
        %mul3A_607 = arith.muli %mul3A_606, %scan3A_605 : i32
        %dma_wait3A_608 = arith.constant 0 : i32
        %dma_wait3A_609 = tpu.memref_slice %arg8[%scan3A_568, %dma_wait3A_608] : memref<8x128xi32, #tpu.memory_space<vmem>> -> memref<1x128xi32, #tpu.memory_space<vmem>>
        %dma_wait3A_610 = tpu.memref_squeeze %dma_wait3A_609 : memref<1x128xi32, #tpu.memory_space<vmem>> -> memref<128xi32, #tpu.memory_space<vmem>>
        %dma_wait3A_611 = arith.constant 0 : i32
        %dma_wait3A_612 = arith.constant 0 : i32
        %dma_wait3A_613 = tpu.memref_slice %arg2[%dma_wait3A_611, %dma_wait3A_612] : memref<20000x128xf32, #tpu.memory_space<hbm>> -> memref<20000x128xf32, #tpu.memory_space<hbm>>
        tpu.wait_indirect_dma semaphore(%arg14 : memref<!tpu.dma_semaphore, #tpu.memory_space<semaphore_mem>>) src(%dma_wait3A_613 : memref<20000x128xf32, #tpu.memory_space<hbm>>) dst(%arg11 : memref<128x128xf32, #tpu.memory_space<vmem>>)
        "tpu.region"() ({
          %run_scoped3A = tpu.sem_alloc : memref<!tpu.dma_semaphore, #tpu.memory_space<semaphore_mem>>
          %dma_start3A_635 = arith.constant 0 : i32
          %dma_start3A_636 = tpu.memref_slice %arg10[%mul3A_607, %dma_start3A_635] : memref<8x128xi32, #tpu.memory_space<vmem>> -> memref<1x128xi32, #tpu.memory_space<vmem>>
          %dma_start3A_637 = tpu.memref_squeeze %dma_start3A_636 : memref<1x128xi32, #tpu.memory_space<vmem>> -> memref<128xi32, #tpu.memory_space<vmem>>
          %dma_start3A_638 = arith.constant 0 : i32
          %dma_start3A_639 = arith.constant 0 : i32
          %dma_start3A_640 = tpu.memref_slice %arg13[%dma_start3A_638, %dma_start3A_639] : memref<10112x128xf32, #tpu.memory_space<vmem_shared>> -> memref<10112x128xf32, #tpu.memory_space<vmem_shared>>
          tpu.enqueue_indirect_dma source(%arg11 : memref<128x128xf32, #tpu.memory_space<vmem>>) target(%dma_start3A_640 : memref<10112x128xf32, #tpu.memory_space<vmem_shared>>) offsets(%dma_start3A_637 : memref<128xi32, #tpu.memory_space<vmem>>) semaphore(%run_scoped3A : memref<!tpu.dma_semaphore, #tpu.memory_space<semaphore_mem>>) {add = true}
          %dma_wait3A_641 = arith.constant 0 : i32
          %dma_wait3A_642 = tpu.memref_slice %arg10[%mul3A_607, %dma_wait3A_641] : memref<8x128xi32, #tpu.memory_space<vmem>> -> memref<1x128xi32, #tpu.memory_space<vmem>>
          %dma_wait3A_643 = tpu.memref_squeeze %dma_wait3A_642 : memref<1x128xi32, #tpu.memory_space<vmem>> -> memref<128xi32, #tpu.memory_space<vmem>>
          %dma_wait3A_644 = arith.constant 0 : i32
          %dma_wait3A_645 = arith.constant 0 : i32
          %dma_wait3A_646 = tpu.memref_slice %arg13[%dma_wait3A_644, %dma_wait3A_645] : memref<10112x128xf32, #tpu.memory_space<vmem_shared>> -> memref<10112x128xf32, #tpu.memory_space<vmem_shared>>
          tpu.wait_indirect_dma semaphore(%run_scoped3A : memref<!tpu.dma_semaphore, #tpu.memory_space<semaphore_mem>>) src(%arg11 : memref<128x128xf32, #tpu.memory_space<vmem>>) dst(%dma_wait3A_646 : memref<10112x128xf32, #tpu.memory_space<vmem_shared>>)
          tpu.yield
        }) : () -> ()
        %add3A_614 = arith.constant 2 : i32
        %add3A_615 = arith.addi %mul3A_607, %add3A_614 : i32
        %lt3A = arith.constant 8 : i32
        %lt3A_616 = arith.cmpi slt, %add3A_615, %lt3A : i32
        %convert_element_type3A_617 = arith.extui %lt3A_616 : i1 to i32
        %cond3A_618 = arith.constant 0 : i32
        %cond3A_619 = arith.cmpi ne, %convert_element_type3A_617, %cond3A_618 : i32
        scf.if %cond3A_619 {
          %add3A_635 = arith.constant 2 : i32
          %add3A_636 = arith.addi %mul3A_607, %add3A_635 : i32
          %dma_start3A_637 = arith.constant 0 : i32
          %dma_start3A_638 = tpu.memref_slice %arg8[%add3A_636, %dma_start3A_637] : memref<8x128xi32, #tpu.memory_space<vmem>> -> memref<1x128xi32, #tpu.memory_space<vmem>>
          %dma_start3A_639 = tpu.memref_squeeze %dma_start3A_638 : memref<1x128xi32, #tpu.memory_space<vmem>> -> memref<128xi32, #tpu.memory_space<vmem>>
          %dma_start3A_640 = arith.constant 0 : i32
          %dma_start3A_641 = arith.constant 0 : i32
          %dma_start3A_642 = tpu.memref_slice %arg2[%dma_start3A_640, %dma_start3A_641] : memref<20000x128xf32, #tpu.memory_space<hbm>> -> memref<20000x128xf32, #tpu.memory_space<hbm>>
          tpu.enqueue_indirect_dma source(%dma_start3A_642 : memref<20000x128xf32, #tpu.memory_space<hbm>>) target(%arg11 : memref<128x128xf32, #tpu.memory_space<vmem>>) offsets(%dma_start3A_639 : memref<128xi32, #tpu.memory_space<vmem>>) semaphore(%arg14 : memref<!tpu.dma_semaphore, #tpu.memory_space<semaphore_mem>>)
        } else {
        }
        %dma_wait3A_620 = arith.constant 0 : i32
        %dma_wait3A_621 = tpu.memref_slice %arg8[%scan3A_569, %dma_wait3A_620] : memref<8x128xi32, #tpu.memory_space<vmem>> -> memref<1x128xi32, #tpu.memory_space<vmem>>
        %dma_wait3A_622 = tpu.memref_squeeze %dma_wait3A_621 : memref<1x128xi32, #tpu.memory_space<vmem>> -> memref<128xi32, #tpu.memory_space<vmem>>
        %dma_wait3A_623 = arith.constant 0 : i32
        %dma_wait3A_624 = arith.constant 0 : i32
        %dma_wait3A_625 = tpu.memref_slice %arg2[%dma_wait3A_623, %dma_wait3A_624] : memref<20000x128xf32, #tpu.memory_space<hbm>> -> memref<20000x128xf32, #tpu.memory_space<hbm>>
        tpu.wait_indirect_dma semaphore(%arg15 : memref<!tpu.dma_semaphore, #tpu.memory_space<semaphore_mem>>) src(%dma_wait3A_625 : memref<20000x128xf32, #tpu.memory_space<hbm>>) dst(%arg12 : memref<128x128xf32, #tpu.memory_space<vmem>>)
        %add3A_626 = arith.constant 1 : i32
        %add3A_627 = arith.addi %mul3A_607, %add3A_626 : i32
        "tpu.region"() ({
          %run_scoped3A = tpu.sem_alloc : memref<!tpu.dma_semaphore, #tpu.memory_space<semaphore_mem>>
          %dma_start3A_635 = arith.constant 0 : i32
          %dma_start3A_636 = tpu.memref_slice %arg10[%add3A_627, %dma_start3A_635] : memref<8x128xi32, #tpu.memory_space<vmem>> -> memref<1x128xi32, #tpu.memory_space<vmem>>
          %dma_start3A_637 = tpu.memref_squeeze %dma_start3A_636 : memref<1x128xi32, #tpu.memory_space<vmem>> -> memref<128xi32, #tpu.memory_space<vmem>>
          %dma_start3A_638 = arith.constant 0 : i32
          %dma_start3A_639 = arith.constant 0 : i32
          %dma_start3A_640 = tpu.memref_slice %arg13[%dma_start3A_638, %dma_start3A_639] : memref<10112x128xf32, #tpu.memory_space<vmem_shared>> -> memref<10112x128xf32, #tpu.memory_space<vmem_shared>>
          tpu.enqueue_indirect_dma source(%arg12 : memref<128x128xf32, #tpu.memory_space<vmem>>) target(%dma_start3A_640 : memref<10112x128xf32, #tpu.memory_space<vmem_shared>>) offsets(%dma_start3A_637 : memref<128xi32, #tpu.memory_space<vmem>>) semaphore(%run_scoped3A : memref<!tpu.dma_semaphore, #tpu.memory_space<semaphore_mem>>) {add = true}
          %dma_wait3A_641 = arith.constant 0 : i32
          %dma_wait3A_642 = tpu.memref_slice %arg10[%add3A_627, %dma_wait3A_641] : memref<8x128xi32, #tpu.memory_space<vmem>> -> memref<1x128xi32, #tpu.memory_space<vmem>>
          %dma_wait3A_643 = tpu.memref_squeeze %dma_wait3A_642 : memref<1x128xi32, #tpu.memory_space<vmem>> -> memref<128xi32, #tpu.memory_space<vmem>>
          %dma_wait3A_644 = arith.constant 0 : i32
          %dma_wait3A_645 = arith.constant 0 : i32
          %dma_wait3A_646 = tpu.memref_slice %arg13[%dma_wait3A_644, %dma_wait3A_645] : memref<10112x128xf32, #tpu.memory_space<vmem_shared>> -> memref<10112x128xf32, #tpu.memory_space<vmem_shared>>
          tpu.wait_indirect_dma semaphore(%run_scoped3A : memref<!tpu.dma_semaphore, #tpu.memory_space<semaphore_mem>>) src(%arg12 : memref<128x128xf32, #tpu.memory_space<vmem>>) dst(%dma_wait3A_646 : memref<10112x128xf32, #tpu.memory_space<vmem_shared>>)
          tpu.yield
        }) : () -> ()
        %add3A_628 = arith.constant 3 : i32
        %add3A_629 = arith.addi %mul3A_607, %add3A_628 : i32
        %lt3A_630 = arith.constant 8 : i32
        %lt3A_631 = arith.cmpi slt, %add3A_629, %lt3A_630 : i32
        %convert_element_type3A_632 = arith.extui %lt3A_631 : i1 to i32
        %cond3A_633 = arith.constant 0 : i32
        %cond3A_634 = arith.cmpi ne, %convert_element_type3A_632, %cond3A_633 : i32
        scf.if %cond3A_634 {
          %add3A_635 = arith.constant 3 : i32
          %add3A_636 = arith.addi %mul3A_607, %add3A_635 : i32
          %dma_start3A_637 = arith.constant 0 : i32
          %dma_start3A_638 = tpu.memref_slice %arg8[%add3A_636, %dma_start3A_637] : memref<8x128xi32, #tpu.memory_space<vmem>> -> memref<1x128xi32, #tpu.memory_space<vmem>>
          %dma_start3A_639 = tpu.memref_squeeze %dma_start3A_638 : memref<1x128xi32, #tpu.memory_space<vmem>> -> memref<128xi32, #tpu.memory_space<vmem>>
          %dma_start3A_640 = arith.constant 0 : i32
          %dma_start3A_641 = arith.constant 0 : i32
          %dma_start3A_642 = tpu.memref_slice %arg2[%dma_start3A_640, %dma_start3A_641] : memref<20000x128xf32, #tpu.memory_space<hbm>> -> memref<20000x128xf32, #tpu.memory_space<hbm>>
          tpu.enqueue_indirect_dma source(%dma_start3A_642 : memref<20000x128xf32, #tpu.memory_space<hbm>>) target(%arg12 : memref<128x128xf32, #tpu.memory_space<vmem>>) offsets(%dma_start3A_639 : memref<128xi32, #tpu.memory_space<vmem>>) semaphore(%arg15 : memref<!tpu.dma_semaphore, #tpu.memory_space<semaphore_mem>>)
        } else {
        }
      }
      %scan3A_574 = arith.constant 4 : i32
      %dma_wait3A_575 = arith.constant 0 : i32
      %dma_wait3A_576 = tpu.memref_slice %arg3[%add3A_558, %dma_wait3A_575] : memref<2560x128xi32, #tpu.memory_space<hbm>> -> memref<8x128xi32, #tpu.memory_space<hbm>>
      %dma_wait3A_577 = arith.constant 0 : i32
      %dma_wait3A_578 = tpu.memref_slice %arg3[%add3A_558, %dma_wait3A_577] : memref<2560x128xi32, #tpu.memory_space<hbm>> -> memref<8x128xi32, #tpu.memory_space<hbm>>
      tpu.wait_dma2 semaphore(%arg16 : memref<!tpu.dma_semaphore, #tpu.memory_space<semaphore_mem>>) src(%dma_wait3A_578 : memref<8x128xi32, #tpu.memory_space<hbm>>) dst(%arg7 : memref<8x128xi32, #tpu.memory_space<vmem>>)
      %dma_wait3A_579 = arith.constant 0 : i32
      %dma_wait3A_580 = tpu.memref_slice %arg4[%add3A_558, %dma_wait3A_579] : memref<2560x128xi32, #tpu.memory_space<hbm>> -> memref<8x128xi32, #tpu.memory_space<hbm>>
      %dma_wait3A_581 = arith.constant 0 : i32
      %dma_wait3A_582 = tpu.memref_slice %arg4[%add3A_558, %dma_wait3A_581] : memref<2560x128xi32, #tpu.memory_space<hbm>> -> memref<8x128xi32, #tpu.memory_space<hbm>>
      tpu.wait_dma2 semaphore(%arg16 : memref<!tpu.dma_semaphore, #tpu.memory_space<semaphore_mem>>) src(%dma_wait3A_582 : memref<8x128xi32, #tpu.memory_space<hbm>>) dst(%arg9 : memref<8x128xi32, #tpu.memory_space<vmem>>)
      %dma_start3A_583 = arith.constant 0 : i32
      %dma_start3A_584 = arith.constant 0 : i32
      %dma_start3A_585 = tpu.memref_slice %arg7[%dma_start3A_583, %dma_start3A_584] : memref<8x128xi32, #tpu.memory_space<vmem>> -> memref<1x128xi32, #tpu.memory_space<vmem>>
      %dma_start3A_586 = tpu.memref_squeeze %dma_start3A_585 : memref<1x128xi32, #tpu.memory_space<vmem>> -> memref<128xi32, #tpu.memory_space<vmem>>
      %dma_start3A_587 = arith.constant 0 : i32
      %dma_start3A_588 = arith.constant 0 : i32
      %dma_start3A_589 = tpu.memref_slice %arg2[%dma_start3A_587, %dma_start3A_588] : memref<20000x128xf32, #tpu.memory_space<hbm>> -> memref<20000x128xf32, #tpu.memory_space<hbm>>
      tpu.enqueue_indirect_dma source(%dma_start3A_589 : memref<20000x128xf32, #tpu.memory_space<hbm>>) target(%arg11 : memref<128x128xf32, #tpu.memory_space<vmem>>) offsets(%dma_start3A_586 : memref<128xi32, #tpu.memory_space<vmem>>) semaphore(%arg14 : memref<!tpu.dma_semaphore, #tpu.memory_space<semaphore_mem>>)
      %dma_start3A_590 = arith.constant 1 : i32
      %dma_start3A_591 = arith.constant 0 : i32
      %dma_start3A_592 = tpu.memref_slice %arg7[%dma_start3A_590, %dma_start3A_591] : memref<8x128xi32, #tpu.memory_space<vmem>> -> memref<1x128xi32, #tpu.memory_space<vmem>>
      %dma_start3A_593 = tpu.memref_squeeze %dma_start3A_592 : memref<1x128xi32, #tpu.memory_space<vmem>> -> memref<128xi32, #tpu.memory_space<vmem>>
      %dma_start3A_594 = arith.constant 0 : i32
      %dma_start3A_595 = arith.constant 0 : i32
      %dma_start3A_596 = tpu.memref_slice %arg2[%dma_start3A_594, %dma_start3A_595] : memref<20000x128xf32, #tpu.memory_space<hbm>> -> memref<20000x128xf32, #tpu.memory_space<hbm>>
      tpu.enqueue_indirect_dma source(%dma_start3A_596 : memref<20000x128xf32, #tpu.memory_space<hbm>>) target(%arg12 : memref<128x128xf32, #tpu.memory_space<vmem>>) offsets(%dma_start3A_593 : memref<128xi32, #tpu.memory_space<vmem>>) semaphore(%arg15 : memref<!tpu.dma_semaphore, #tpu.memory_space<semaphore_mem>>)
      %scan3A_597 = arith.constant 0 : i32
      %scan3A_598 = arith.constant 0 : i32
      %scan3A_599 = arith.constant 1 : i32
      %scan3A_600 = arith.constant 0 : i32
      %scan3A_601 = arith.constant 4 : i32
      %scan3A_602 = arith.addi %scan3A_600, %scan3A_601 : i32
      %scan3A_603 = arith.constant 1 : i32
      scf.for %scan3A_605 = %scan3A_600 to %scan3A_602 step %scan3A_603  : i32 {
        %mul3A_606 = arith.constant 2 : i32
        %mul3A_607 = arith.muli %mul3A_606, %scan3A_605 : i32
        %dma_wait3A_608 = arith.constant 0 : i32
        %dma_wait3A_609 = tpu.memref_slice %arg7[%scan3A_598, %dma_wait3A_608] : memref<8x128xi32, #tpu.memory_space<vmem>> -> memref<1x128xi32, #tpu.memory_space<vmem>>
        %dma_wait3A_610 = tpu.memref_squeeze %dma_wait3A_609 : memref<1x128xi32, #tpu.memory_space<vmem>> -> memref<128xi32, #tpu.memory_space<vmem>>
        %dma_wait3A_611 = arith.constant 0 : i32
        %dma_wait3A_612 = arith.constant 0 : i32
        %dma_wait3A_613 = tpu.memref_slice %arg2[%dma_wait3A_611, %dma_wait3A_612] : memref<20000x128xf32, #tpu.memory_space<hbm>> -> memref<20000x128xf32, #tpu.memory_space<hbm>>
        tpu.wait_indirect_dma semaphore(%arg14 : memref<!tpu.dma_semaphore, #tpu.memory_space<semaphore_mem>>) src(%dma_wait3A_613 : memref<20000x128xf32, #tpu.memory_space<hbm>>) dst(%arg11 : memref<128x128xf32, #tpu.memory_space<vmem>>)
        "tpu.region"() ({
          %run_scoped3A = tpu.sem_alloc : memref<!tpu.dma_semaphore, #tpu.memory_space<semaphore_mem>>
          %dma_start3A_635 = arith.constant 0 : i32
          %dma_start3A_636 = tpu.memref_slice %arg9[%mul3A_607, %dma_start3A_635] : memref<8x128xi32, #tpu.memory_space<vmem>> -> memref<1x128xi32, #tpu.memory_space<vmem>>
          %dma_start3A_637 = tpu.memref_squeeze %dma_start3A_636 : memref<1x128xi32, #tpu.memory_space<vmem>> -> memref<128xi32, #tpu.memory_space<vmem>>
          %dma_start3A_638 = arith.constant 0 : i32
          %dma_start3A_639 = arith.constant 0 : i32
          %dma_start3A_640 = tpu.memref_slice %arg13[%dma_start3A_638, %dma_start3A_639] : memref<10112x128xf32, #tpu.memory_space<vmem_shared>> -> memref<10112x128xf32, #tpu.memory_space<vmem_shared>>
          tpu.enqueue_indirect_dma source(%arg11 : memref<128x128xf32, #tpu.memory_space<vmem>>) target(%dma_start3A_640 : memref<10112x128xf32, #tpu.memory_space<vmem_shared>>) offsets(%dma_start3A_637 : memref<128xi32, #tpu.memory_space<vmem>>) semaphore(%run_scoped3A : memref<!tpu.dma_semaphore, #tpu.memory_space<semaphore_mem>>) {add = true}
          %dma_wait3A_641 = arith.constant 0 : i32
          %dma_wait3A_642 = tpu.memref_slice %arg9[%mul3A_607, %dma_wait3A_641] : memref<8x128xi32, #tpu.memory_space<vmem>> -> memref<1x128xi32, #tpu.memory_space<vmem>>
          %dma_wait3A_643 = tpu.memref_squeeze %dma_wait3A_642 : memref<1x128xi32, #tpu.memory_space<vmem>> -> memref<128xi32, #tpu.memory_space<vmem>>
          %dma_wait3A_644 = arith.constant 0 : i32
          %dma_wait3A_645 = arith.constant 0 : i32
          %dma_wait3A_646 = tpu.memref_slice %arg13[%dma_wait3A_644, %dma_wait3A_645] : memref<10112x128xf32, #tpu.memory_space<vmem_shared>> -> memref<10112x128xf32, #tpu.memory_space<vmem_shared>>
          tpu.wait_indirect_dma semaphore(%run_scoped3A : memref<!tpu.dma_semaphore, #tpu.memory_space<semaphore_mem>>) src(%arg11 : memref<128x128xf32, #tpu.memory_space<vmem>>) dst(%dma_wait3A_646 : memref<10112x128xf32, #tpu.memory_space<vmem_shared>>)
          tpu.yield
        }) : () -> ()
        %add3A_614 = arith.constant 2 : i32
        %add3A_615 = arith.addi %mul3A_607, %add3A_614 : i32
        %lt3A = arith.constant 8 : i32
        %lt3A_616 = arith.cmpi slt, %add3A_615, %lt3A : i32
        %convert_element_type3A_617 = arith.extui %lt3A_616 : i1 to i32
        %cond3A_618 = arith.constant 0 : i32
        %cond3A_619 = arith.cmpi ne, %convert_element_type3A_617, %cond3A_618 : i32
        scf.if %cond3A_619 {
          %add3A_635 = arith.constant 2 : i32
          %add3A_636 = arith.addi %mul3A_607, %add3A_635 : i32
          %dma_start3A_637 = arith.constant 0 : i32
          %dma_start3A_638 = tpu.memref_slice %arg7[%add3A_636, %dma_start3A_637] : memref<8x128xi32, #tpu.memory_space<vmem>> -> memref<1x128xi32, #tpu.memory_space<vmem>>
          %dma_start3A_639 = tpu.memref_squeeze %dma_start3A_638 : memref<1x128xi32, #tpu.memory_space<vmem>> -> memref<128xi32, #tpu.memory_space<vmem>>
          %dma_start3A_640 = arith.constant 0 : i32
          %dma_start3A_641 = arith.constant 0 : i32
          %dma_start3A_642 = tpu.memref_slice %arg2[%dma_start3A_640, %dma_start3A_641] : memref<20000x128xf32, #tpu.memory_space<hbm>> -> memref<20000x128xf32, #tpu.memory_space<hbm>>
          tpu.enqueue_indirect_dma source(%dma_start3A_642 : memref<20000x128xf32, #tpu.memory_space<hbm>>) target(%arg11 : memref<128x128xf32, #tpu.memory_space<vmem>>) offsets(%dma_start3A_639 : memref<128xi32, #tpu.memory_space<vmem>>) semaphore(%arg14 : memref<!tpu.dma_semaphore, #tpu.memory_space<semaphore_mem>>)
        } else {
        }
        %dma_wait3A_620 = arith.constant 0 : i32
        %dma_wait3A_621 = tpu.memref_slice %arg7[%scan3A_599, %dma_wait3A_620] : memref<8x128xi32, #tpu.memory_space<vmem>> -> memref<1x128xi32, #tpu.memory_space<vmem>>
        %dma_wait3A_622 = tpu.memref_squeeze %dma_wait3A_621 : memref<1x128xi32, #tpu.memory_space<vmem>> -> memref<128xi32, #tpu.memory_space<vmem>>
        %dma_wait3A_623 = arith.constant 0 : i32
        %dma_wait3A_624 = arith.constant 0 : i32
        %dma_wait3A_625 = tpu.memref_slice %arg2[%dma_wait3A_623, %dma_wait3A_624] : memref<20000x128xf32, #tpu.memory_space<hbm>> -> memref<20000x128xf32, #tpu.memory_space<hbm>>
        tpu.wait_indirect_dma semaphore(%arg15 : memref<!tpu.dma_semaphore, #tpu.memory_space<semaphore_mem>>) src(%dma_wait3A_625 : memref<20000x128xf32, #tpu.memory_space<hbm>>) dst(%arg12 : memref<128x128xf32, #tpu.memory_space<vmem>>)
        %add3A_626 = arith.constant 1 : i32
        %add3A_627 = arith.addi %mul3A_607, %add3A_626 : i32
        "tpu.region"() ({
          %run_scoped3A = tpu.sem_alloc : memref<!tpu.dma_semaphore, #tpu.memory_space<semaphore_mem>>
          %dma_start3A_635 = arith.constant 0 : i32
          %dma_start3A_636 = tpu.memref_slice %arg9[%add3A_627, %dma_start3A_635] : memref<8x128xi32, #tpu.memory_space<vmem>> -> memref<1x128xi32, #tpu.memory_space<vmem>>
          %dma_start3A_637 = tpu.memref_squeeze %dma_start3A_636 : memref<1x128xi32, #tpu.memory_space<vmem>> -> memref<128xi32, #tpu.memory_space<vmem>>
          %dma_start3A_638 = arith.constant 0 : i32
          %dma_start3A_639 = arith.constant 0 : i32
          %dma_start3A_640 = tpu.memref_slice %arg13[%dma_start3A_638, %dma_start3A_639] : memref<10112x128xf32, #tpu.memory_space<vmem_shared>> -> memref<10112x128xf32, #tpu.memory_space<vmem_shared>>
          tpu.enqueue_indirect_dma source(%arg12 : memref<128x128xf32, #tpu.memory_space<vmem>>) target(%dma_start3A_640 : memref<10112x128xf32, #tpu.memory_space<vmem_shared>>) offsets(%dma_start3A_637 : memref<128xi32, #tpu.memory_space<vmem>>) semaphore(%run_scoped3A : memref<!tpu.dma_semaphore, #tpu.memory_space<semaphore_mem>>) {add = true}
          %dma_wait3A_641 = arith.constant 0 : i32
          %dma_wait3A_642 = tpu.memref_slice %arg9[%add3A_627, %dma_wait3A_641] : memref<8x128xi32, #tpu.memory_space<vmem>> -> memref<1x128xi32, #tpu.memory_space<vmem>>
          %dma_wait3A_643 = tpu.memref_squeeze %dma_wait3A_642 : memref<1x128xi32, #tpu.memory_space<vmem>> -> memref<128xi32, #tpu.memory_space<vmem>>
          %dma_wait3A_644 = arith.constant 0 : i32
          %dma_wait3A_645 = arith.constant 0 : i32
          %dma_wait3A_646 = tpu.memref_slice %arg13[%dma_wait3A_644, %dma_wait3A_645] : memref<10112x128xf32, #tpu.memory_space<vmem_shared>> -> memref<10112x128xf32, #tpu.memory_space<vmem_shared>>
          tpu.wait_indirect_dma semaphore(%run_scoped3A : memref<!tpu.dma_semaphore, #tpu.memory_space<semaphore_mem>>) src(%arg12 : memref<128x128xf32, #tpu.memory_space<vmem>>) dst(%dma_wait3A_646 : memref<10112x128xf32, #tpu.memory_space<vmem_shared>>)
          tpu.yield
        }) : () -> ()
        %add3A_628 = arith.constant 3 : i32
        %add3A_629 = arith.addi %mul3A_607, %add3A_628 : i32
        %lt3A_630 = arith.constant 8 : i32
        %lt3A_631 = arith.cmpi slt, %add3A_629, %lt3A_630 : i32
        %convert_element_type3A_632 = arith.extui %lt3A_631 : i1 to i32
        %cond3A_633 = arith.constant 0 : i32
        %cond3A_634 = arith.cmpi ne, %convert_element_type3A_632, %cond3A_633 : i32
        scf.if %cond3A_634 {
          %add3A_635 = arith.constant 3 : i32
          %add3A_636 = arith.addi %mul3A_607, %add3A_635 : i32
          %dma_start3A_637 = arith.constant 0 : i32
          %dma_start3A_638 = tpu.memref_slice %arg7[%add3A_636, %dma_start3A_637] : memref<8x128xi32, #tpu.memory_space<vmem>> -> memref<1x128xi32, #tpu.memory_space<vmem>>
          %dma_start3A_639 = tpu.memref_squeeze %dma_start3A_638 : memref<1x128xi32, #tpu.memory_space<vmem>> -> memref<128xi32, #tpu.memory_space<vmem>>
          %dma_start3A_640 = arith.constant 0 : i32
          %dma_start3A_641 = arith.constant 0 : i32
          %dma_start3A_642 = tpu.memref_slice %arg2[%dma_start3A_640, %dma_start3A_641] : memref<20000x128xf32, #tpu.memory_space<hbm>> -> memref<20000x128xf32, #tpu.memory_space<hbm>>
          tpu.enqueue_indirect_dma source(%dma_start3A_642 : memref<20000x128xf32, #tpu.memory_space<hbm>>) target(%arg12 : memref<128x128xf32, #tpu.memory_space<vmem>>) offsets(%dma_start3A_639 : memref<128xi32, #tpu.memory_space<vmem>>) semaphore(%arg15 : memref<!tpu.dma_semaphore, #tpu.memory_space<semaphore_mem>>)
        } else {
        }
      }
      %scan3A_604 = arith.constant 4 : i32
    } else {
    }
    %eq3A_3 = arith.constant 1 : i32
    %eq3A_4 = arith.cmpi eq, %arg0, %eq3A_3 : i32
    %convert_element_type3A_5 = arith.extui %eq3A_4 : i1 to i32
    %cond3A_6 = arith.constant 0 : i32
    %cond3A_7 = arith.cmpi ne, %convert_element_type3A_5, %cond3A_6 : i32
    scf.if %cond3A_7 {
      %mul3A_9 = arith.constant 40 : i32
      %mul3A_10 = arith.muli %arg1, %mul3A_9 : i32
      %add3A = arith.constant 1920 : i32
      %add3A_11 = arith.addi %add3A, %mul3A_10 : i32
      %dma_start3A = arith.constant 0 : i32
      %dma_start3A_12 = tpu.memref_slice %arg3[%add3A_11, %dma_start3A] : memref<2560x128xi32, #tpu.memory_space<hbm>> -> memref<8x128xi32, #tpu.memory_space<hbm>>
      %dma_start3A_13 = arith.constant 0 : i32
      %dma_start3A_14 = tpu.memref_slice %arg3[%add3A_11, %dma_start3A_13] : memref<2560x128xi32, #tpu.memory_space<hbm>> -> memref<8x128xi32, #tpu.memory_space<hbm>>
      tpu.enqueue_dma source(%dma_start3A_14 : memref<8x128xi32, #tpu.memory_space<hbm>>) target(%arg7 : memref<8x128xi32, #tpu.memory_space<vmem>>) target_semaphore(%arg16 : memref<!tpu.dma_semaphore, #tpu.memory_space<semaphore_mem>>)
      %dma_start3A_15 = arith.constant 0 : i32
      %dma_start3A_16 = tpu.memref_slice %arg4[%add3A_11, %dma_start3A_15] : memref<2560x128xi32, #tpu.memory_space<hbm>> -> memref<8x128xi32, #tpu.memory_space<hbm>>
      %dma_start3A_17 = arith.constant 0 : i32
      %dma_start3A_18 = tpu.memref_slice %arg4[%add3A_11, %dma_start3A_17] : memref<2560x128xi32, #tpu.memory_space<hbm>> -> memref<8x128xi32, #tpu.memory_space<hbm>>
      tpu.enqueue_dma source(%dma_start3A_18 : memref<8x128xi32, #tpu.memory_space<hbm>>) target(%arg9 : memref<8x128xi32, #tpu.memory_space<vmem>>) target_semaphore(%arg16 : memref<!tpu.dma_semaphore, #tpu.memory_space<semaphore_mem>>)
      %dma_wait3A = arith.constant 0 : i32
      %dma_wait3A_19 = tpu.memref_slice %arg3[%add3A_11, %dma_wait3A] : memref<2560x128xi32, #tpu.memory_space<hbm>> -> memref<8x128xi32, #tpu.memory_space<hbm>>
      %dma_wait3A_20 = arith.constant 0 : i32
      %dma_wait3A_21 = tpu.memref_slice %arg3[%add3A_11, %dma_wait3A_20] : memref<2560x128xi32, #tpu.memory_space<hbm>> -> memref<8x128xi32, #tpu.memory_space<hbm>>
      tpu.wait_dma2 semaphore(%arg16 : memref<!tpu.dma_semaphore, #tpu.memory_space<semaphore_mem>>) src(%dma_wait3A_21 : memref<8x128xi32, #tpu.memory_space<hbm>>) dst(%arg7 : memref<8x128xi32, #tpu.memory_space<vmem>>)
      %dma_wait3A_22 = arith.constant 0 : i32
      %dma_wait3A_23 = tpu.memref_slice %arg4[%add3A_11, %dma_wait3A_22] : memref<2560x128xi32, #tpu.memory_space<hbm>> -> memref<8x128xi32, #tpu.memory_space<hbm>>
      %dma_wait3A_24 = arith.constant 0 : i32
      %dma_wait3A_25 = tpu.memref_slice %arg4[%add3A_11, %dma_wait3A_24] : memref<2560x128xi32, #tpu.memory_space<hbm>> -> memref<8x128xi32, #tpu.memory_space<hbm>>
      tpu.wait_dma2 semaphore(%arg16 : memref<!tpu.dma_semaphore, #tpu.memory_space<semaphore_mem>>) src(%dma_wait3A_25 : memref<8x128xi32, #tpu.memory_space<hbm>>) dst(%arg9 : memref<8x128xi32, #tpu.memory_space<vmem>>)
      %dma_start3A_26 = arith.constant 0 : i32
      %dma_start3A_27 = arith.constant 0 : i32
      %dma_start3A_28 = tpu.memref_slice %arg7[%dma_start3A_26, %dma_start3A_27] : memref<8x128xi32, #tpu.memory_space<vmem>> -> memref<1x128xi32, #tpu.memory_space<vmem>>
      %dma_start3A_29 = tpu.memref_squeeze %dma_start3A_28 : memref<1x128xi32, #tpu.memory_space<vmem>> -> memref<128xi32, #tpu.memory_space<vmem>>
      %dma_start3A_30 = arith.constant 0 : i32
      %dma_start3A_31 = arith.constant 0 : i32
      %dma_start3A_32 = tpu.memref_slice %arg2[%dma_start3A_30, %dma_start3A_31] : memref<20000x128xf32, #tpu.memory_space<hbm>> -> memref<20000x128xf32, #tpu.memory_space<hbm>>
      tpu.enqueue_indirect_dma source(%dma_start3A_32 : memref<20000x128xf32, #tpu.memory_space<hbm>>) target(%arg11 : memref<128x128xf32, #tpu.memory_space<vmem>>) offsets(%dma_start3A_29 : memref<128xi32, #tpu.memory_space<vmem>>) semaphore(%arg14 : memref<!tpu.dma_semaphore, #tpu.memory_space<semaphore_mem>>)
      %dma_start3A_33 = arith.constant 1 : i32
      %dma_start3A_34 = arith.constant 0 : i32
      %dma_start3A_35 = tpu.memref_slice %arg7[%dma_start3A_33, %dma_start3A_34] : memref<8x128xi32, #tpu.memory_space<vmem>> -> memref<1x128xi32, #tpu.memory_space<vmem>>
      %dma_start3A_36 = tpu.memref_squeeze %dma_start3A_35 : memref<1x128xi32, #tpu.memory_space<vmem>> -> memref<128xi32, #tpu.memory_space<vmem>>
      %dma_start3A_37 = arith.constant 0 : i32
      %dma_start3A_38 = arith.constant 0 : i32
      %dma_start3A_39 = tpu.memref_slice %arg2[%dma_start3A_37, %dma_start3A_38] : memref<20000x128xf32, #tpu.memory_space<hbm>> -> memref<20000x128xf32, #tpu.memory_space<hbm>>
      tpu.enqueue_indirect_dma source(%dma_start3A_39 : memref<20000x128xf32, #tpu.memory_space<hbm>>) target(%arg12 : memref<128x128xf32, #tpu.memory_space<vmem>>) offsets(%dma_start3A_36 : memref<128xi32, #tpu.memory_space<vmem>>) semaphore(%arg15 : memref<!tpu.dma_semaphore, #tpu.memory_space<semaphore_mem>>)
      %add3A_40 = arith.constant 8 : i32
      %add3A_41 = arith.addi %add3A_11, %add3A_40 : i32
      %dma_start3A_42 = arith.constant 0 : i32
      %dma_start3A_43 = tpu.memref_slice %arg3[%add3A_41, %dma_start3A_42] : memref<2560x128xi32, #tpu.memory_space<hbm>> -> memref<8x128xi32, #tpu.memory_space<hbm>>
      %dma_start3A_44 = arith.constant 0 : i32
      %dma_start3A_45 = tpu.memref_slice %arg3[%add3A_41, %dma_start3A_44] : memref<2560x128xi32, #tpu.memory_space<hbm>> -> memref<8x128xi32, #tpu.memory_space<hbm>>
      tpu.enqueue_dma source(%dma_start3A_45 : memref<8x128xi32, #tpu.memory_space<hbm>>) target(%arg8 : memref<8x128xi32, #tpu.memory_space<vmem>>) target_semaphore(%arg16 : memref<!tpu.dma_semaphore, #tpu.memory_space<semaphore_mem>>)
      %dma_start3A_46 = arith.constant 0 : i32
      %dma_start3A_47 = tpu.memref_slice %arg4[%add3A_41, %dma_start3A_46] : memref<2560x128xi32, #tpu.memory_space<hbm>> -> memref<8x128xi32, #tpu.memory_space<hbm>>
      %dma_start3A_48 = arith.constant 0 : i32
      %dma_start3A_49 = tpu.memref_slice %arg4[%add3A_41, %dma_start3A_48] : memref<2560x128xi32, #tpu.memory_space<hbm>> -> memref<8x128xi32, #tpu.memory_space<hbm>>
      tpu.enqueue_dma source(%dma_start3A_49 : memref<8x128xi32, #tpu.memory_space<hbm>>) target(%arg10 : memref<8x128xi32, #tpu.memory_space<vmem>>) target_semaphore(%arg16 : memref<!tpu.dma_semaphore, #tpu.memory_space<semaphore_mem>>)
      %scan3A = arith.constant 0 : i32
      %scan3A_50 = arith.constant 0 : i32
      %scan3A_51 = arith.constant 1 : i32
      %scan3A_52 = arith.constant 0 : i32
      %scan3A_53 = arith.constant 4 : i32
      %scan3A_54 = arith.addi %scan3A_52, %scan3A_53 : i32
      %scan3A_55 = arith.constant 1 : i32
      scf.for %scan3A_207 = %scan3A_52 to %scan3A_54 step %scan3A_55  : i32 {
        %mul3A_208 = arith.constant 2 : i32
        %mul3A_209 = arith.muli %mul3A_208, %scan3A_207 : i32
        %dma_wait3A_210 = arith.constant 0 : i32
        %dma_wait3A_211 = tpu.memref_slice %arg7[%scan3A_50, %dma_wait3A_210] : memref<8x128xi32, #tpu.memory_space<vmem>> -> memref<1x128xi32, #tpu.memory_space<vmem>>
        %dma_wait3A_212 = tpu.memref_squeeze %dma_wait3A_211 : memref<1x128xi32, #tpu.memory_space<vmem>> -> memref<128xi32, #tpu.memory_space<vmem>>
        %dma_wait3A_213 = arith.constant 0 : i32
        %dma_wait3A_214 = arith.constant 0 : i32
        %dma_wait3A_215 = tpu.memref_slice %arg2[%dma_wait3A_213, %dma_wait3A_214] : memref<20000x128xf32, #tpu.memory_space<hbm>> -> memref<20000x128xf32, #tpu.memory_space<hbm>>
        tpu.wait_indirect_dma semaphore(%arg14 : memref<!tpu.dma_semaphore, #tpu.memory_space<semaphore_mem>>) src(%dma_wait3A_215 : memref<20000x128xf32, #tpu.memory_space<hbm>>) dst(%arg11 : memref<128x128xf32, #tpu.memory_space<vmem>>)
        "tpu.region"() ({
          %run_scoped3A = tpu.sem_alloc : memref<!tpu.dma_semaphore, #tpu.memory_space<semaphore_mem>>
          %dma_start3A_237 = arith.constant 0 : i32
          %dma_start3A_238 = tpu.memref_slice %arg9[%mul3A_209, %dma_start3A_237] : memref<8x128xi32, #tpu.memory_space<vmem>> -> memref<1x128xi32, #tpu.memory_space<vmem>>
          %dma_start3A_239 = tpu.memref_squeeze %dma_start3A_238 : memref<1x128xi32, #tpu.memory_space<vmem>> -> memref<128xi32, #tpu.memory_space<vmem>>
          %dma_start3A_240 = arith.constant 0 : i32
          %dma_start3A_241 = arith.constant 0 : i32
          %dma_start3A_242 = tpu.memref_slice %arg13[%dma_start3A_240, %dma_start3A_241] : memref<10112x128xf32, #tpu.memory_space<vmem_shared>> -> memref<10112x128xf32, #tpu.memory_space<vmem_shared>>
          tpu.enqueue_indirect_dma source(%arg11 : memref<128x128xf32, #tpu.memory_space<vmem>>) target(%dma_start3A_242 : memref<10112x128xf32, #tpu.memory_space<vmem_shared>>) offsets(%dma_start3A_239 : memref<128xi32, #tpu.memory_space<vmem>>) semaphore(%run_scoped3A : memref<!tpu.dma_semaphore, #tpu.memory_space<semaphore_mem>>) {add = true}
          %dma_wait3A_243 = arith.constant 0 : i32
          %dma_wait3A_244 = tpu.memref_slice %arg9[%mul3A_209, %dma_wait3A_243] : memref<8x128xi32, #tpu.memory_space<vmem>> -> memref<1x128xi32, #tpu.memory_space<vmem>>
          %dma_wait3A_245 = tpu.memref_squeeze %dma_wait3A_244 : memref<1x128xi32, #tpu.memory_space<vmem>> -> memref<128xi32, #tpu.memory_space<vmem>>
          %dma_wait3A_246 = arith.constant 0 : i32
          %dma_wait3A_247 = arith.constant 0 : i32
          %dma_wait3A_248 = tpu.memref_slice %arg13[%dma_wait3A_246, %dma_wait3A_247] : memref<10112x128xf32, #tpu.memory_space<vmem_shared>> -> memref<10112x128xf32, #tpu.memory_space<vmem_shared>>
          tpu.wait_indirect_dma semaphore(%run_scoped3A : memref<!tpu.dma_semaphore, #tpu.memory_space<semaphore_mem>>) src(%arg11 : memref<128x128xf32, #tpu.memory_space<vmem>>) dst(%dma_wait3A_248 : memref<10112x128xf32, #tpu.memory_space<vmem_shared>>)
          tpu.yield
        }) : () -> ()
        %add3A_216 = arith.constant 2 : i32
        %add3A_217 = arith.addi %mul3A_209, %add3A_216 : i32
        %lt3A = arith.constant 8 : i32
        %lt3A_218 = arith.cmpi slt, %add3A_217, %lt3A : i32
        %convert_element_type3A_219 = arith.extui %lt3A_218 : i1 to i32
        %cond3A_220 = arith.constant 0 : i32
        %cond3A_221 = arith.cmpi ne, %convert_element_type3A_219, %cond3A_220 : i32
        scf.if %cond3A_221 {
          %add3A_237 = arith.constant 2 : i32
          %add3A_238 = arith.addi %mul3A_209, %add3A_237 : i32
          %dma_start3A_239 = arith.constant 0 : i32
          %dma_start3A_240 = tpu.memref_slice %arg7[%add3A_238, %dma_start3A_239] : memref<8x128xi32, #tpu.memory_space<vmem>> -> memref<1x128xi32, #tpu.memory_space<vmem>>
          %dma_start3A_241 = tpu.memref_squeeze %dma_start3A_240 : memref<1x128xi32, #tpu.memory_space<vmem>> -> memref<128xi32, #tpu.memory_space<vmem>>
          %dma_start3A_242 = arith.constant 0 : i32
          %dma_start3A_243 = arith.constant 0 : i32
          %dma_start3A_244 = tpu.memref_slice %arg2[%dma_start3A_242, %dma_start3A_243] : memref<20000x128xf32, #tpu.memory_space<hbm>> -> memref<20000x128xf32, #tpu.memory_space<hbm>>
          tpu.enqueue_indirect_dma source(%dma_start3A_244 : memref<20000x128xf32, #tpu.memory_space<hbm>>) target(%arg11 : memref<128x128xf32, #tpu.memory_space<vmem>>) offsets(%dma_start3A_241 : memref<128xi32, #tpu.memory_space<vmem>>) semaphore(%arg14 : memref<!tpu.dma_semaphore, #tpu.memory_space<semaphore_mem>>)
        } else {
        }
        %dma_wait3A_222 = arith.constant 0 : i32
        %dma_wait3A_223 = tpu.memref_slice %arg7[%scan3A_51, %dma_wait3A_222] : memref<8x128xi32, #tpu.memory_space<vmem>> -> memref<1x128xi32, #tpu.memory_space<vmem>>
        %dma_wait3A_224 = tpu.memref_squeeze %dma_wait3A_223 : memref<1x128xi32, #tpu.memory_space<vmem>> -> memref<128xi32, #tpu.memory_space<vmem>>
        %dma_wait3A_225 = arith.constant 0 : i32
        %dma_wait3A_226 = arith.constant 0 : i32
        %dma_wait3A_227 = tpu.memref_slice %arg2[%dma_wait3A_225, %dma_wait3A_226] : memref<20000x128xf32, #tpu.memory_space<hbm>> -> memref<20000x128xf32, #tpu.memory_space<hbm>>
        tpu.wait_indirect_dma semaphore(%arg15 : memref<!tpu.dma_semaphore, #tpu.memory_space<semaphore_mem>>) src(%dma_wait3A_227 : memref<20000x128xf32, #tpu.memory_space<hbm>>) dst(%arg12 : memref<128x128xf32, #tpu.memory_space<vmem>>)
        %add3A_228 = arith.constant 1 : i32
        %add3A_229 = arith.addi %mul3A_209, %add3A_228 : i32
        "tpu.region"() ({
          %run_scoped3A = tpu.sem_alloc : memref<!tpu.dma_semaphore, #tpu.memory_space<semaphore_mem>>
          %dma_start3A_237 = arith.constant 0 : i32
          %dma_start3A_238 = tpu.memref_slice %arg9[%add3A_229, %dma_start3A_237] : memref<8x128xi32, #tpu.memory_space<vmem>> -> memref<1x128xi32, #tpu.memory_space<vmem>>
          %dma_start3A_239 = tpu.memref_squeeze %dma_start3A_238 : memref<1x128xi32, #tpu.memory_space<vmem>> -> memref<128xi32, #tpu.memory_space<vmem>>
          %dma_start3A_240 = arith.constant 0 : i32
          %dma_start3A_241 = arith.constant 0 : i32
          %dma_start3A_242 = tpu.memref_slice %arg13[%dma_start3A_240, %dma_start3A_241] : memref<10112x128xf32, #tpu.memory_space<vmem_shared>> -> memref<10112x128xf32, #tpu.memory_space<vmem_shared>>
          tpu.enqueue_indirect_dma source(%arg12 : memref<128x128xf32, #tpu.memory_space<vmem>>) target(%dma_start3A_242 : memref<10112x128xf32, #tpu.memory_space<vmem_shared>>) offsets(%dma_start3A_239 : memref<128xi32, #tpu.memory_space<vmem>>) semaphore(%run_scoped3A : memref<!tpu.dma_semaphore, #tpu.memory_space<semaphore_mem>>) {add = true}
          %dma_wait3A_243 = arith.constant 0 : i32
          %dma_wait3A_244 = tpu.memref_slice %arg9[%add3A_229, %dma_wait3A_243] : memref<8x128xi32, #tpu.memory_space<vmem>> -> memref<1x128xi32, #tpu.memory_space<vmem>>
          %dma_wait3A_245 = tpu.memref_squeeze %dma_wait3A_244 : memref<1x128xi32, #tpu.memory_space<vmem>> -> memref<128xi32, #tpu.memory_space<vmem>>
          %dma_wait3A_246 = arith.constant 0 : i32
          %dma_wait3A_247 = arith.constant 0 : i32
          %dma_wait3A_248 = tpu.memref_slice %arg13[%dma_wait3A_246, %dma_wait3A_247] : memref<10112x128xf32, #tpu.memory_space<vmem_shared>> -> memref<10112x128xf32, #tpu.memory_space<vmem_shared>>
          tpu.wait_indirect_dma semaphore(%run_scoped3A : memref<!tpu.dma_semaphore, #tpu.memory_space<semaphore_mem>>) src(%arg12 : memref<128x128xf32, #tpu.memory_space<vmem>>) dst(%dma_wait3A_248 : memref<10112x128xf32, #tpu.memory_space<vmem_shared>>)
          tpu.yield
        }) : () -> ()
        %add3A_230 = arith.constant 3 : i32
        %add3A_231 = arith.addi %mul3A_209, %add3A_230 : i32
        %lt3A_232 = arith.constant 8 : i32
        %lt3A_233 = arith.cmpi slt, %add3A_231, %lt3A_232 : i32
        %convert_element_type3A_234 = arith.extui %lt3A_233 : i1 to i32
        %cond3A_235 = arith.constant 0 : i32
        %cond3A_236 = arith.cmpi ne, %convert_element_type3A_234, %cond3A_235 : i32
        scf.if %cond3A_236 {
          %add3A_237 = arith.constant 3 : i32
          %add3A_238 = arith.addi %mul3A_209, %add3A_237 : i32
          %dma_start3A_239 = arith.constant 0 : i32
          %dma_start3A_240 = tpu.memref_slice %arg7[%add3A_238, %dma_start3A_239] : memref<8x128xi32, #tpu.memory_space<vmem>> -> memref<1x128xi32, #tpu.memory_space<vmem>>
          %dma_start3A_241 = tpu.memref_squeeze %dma_start3A_240 : memref<1x128xi32, #tpu.memory_space<vmem>> -> memref<128xi32, #tpu.memory_space<vmem>>
          %dma_start3A_242 = arith.constant 0 : i32
          %dma_start3A_243 = arith.constant 0 : i32
          %dma_start3A_244 = tpu.memref_slice %arg2[%dma_start3A_242, %dma_start3A_243] : memref<20000x128xf32, #tpu.memory_space<hbm>> -> memref<20000x128xf32, #tpu.memory_space<hbm>>
          tpu.enqueue_indirect_dma source(%dma_start3A_244 : memref<20000x128xf32, #tpu.memory_space<hbm>>) target(%arg12 : memref<128x128xf32, #tpu.memory_space<vmem>>) offsets(%dma_start3A_241 : memref<128xi32, #tpu.memory_space<vmem>>) semaphore(%arg15 : memref<!tpu.dma_semaphore, #tpu.memory_space<semaphore_mem>>)
        } else {
        }
      }
      %scan3A_56 = arith.constant 4 : i32
      %dma_wait3A_57 = arith.constant 0 : i32
      %dma_wait3A_58 = tpu.memref_slice %arg3[%add3A_41, %dma_wait3A_57] : memref<2560x128xi32, #tpu.memory_space<hbm>> -> memref<8x128xi32, #tpu.memory_space<hbm>>
      %dma_wait3A_59 = arith.constant 0 : i32
      %dma_wait3A_60 = tpu.memref_slice %arg3[%add3A_41, %dma_wait3A_59] : memref<2560x128xi32, #tpu.memory_space<hbm>> -> memref<8x128xi32, #tpu.memory_space<hbm>>
      tpu.wait_dma2 semaphore(%arg16 : memref<!tpu.dma_semaphore, #tpu.memory_space<semaphore_mem>>) src(%dma_wait3A_60 : memref<8x128xi32, #tpu.memory_space<hbm>>) dst(%arg8 : memref<8x128xi32, #tpu.memory_space<vmem>>)
      %dma_wait3A_61 = arith.constant 0 : i32
      %dma_wait3A_62 = tpu.memref_slice %arg4[%add3A_41, %dma_wait3A_61] : memref<2560x128xi32, #tpu.memory_space<hbm>> -> memref<8x128xi32, #tpu.memory_space<hbm>>
      %dma_wait3A_63 = arith.constant 0 : i32
      %dma_wait3A_64 = tpu.memref_slice %arg4[%add3A_41, %dma_wait3A_63] : memref<2560x128xi32, #tpu.memory_space<hbm>> -> memref<8x128xi32, #tpu.memory_space<hbm>>
      tpu.wait_dma2 semaphore(%arg16 : memref<!tpu.dma_semaphore, #tpu.memory_space<semaphore_mem>>) src(%dma_wait3A_64 : memref<8x128xi32, #tpu.memory_space<hbm>>) dst(%arg10 : memref<8x128xi32, #tpu.memory_space<vmem>>)
      %dma_start3A_65 = arith.constant 0 : i32
      %dma_start3A_66 = arith.constant 0 : i32
      %dma_start3A_67 = tpu.memref_slice %arg8[%dma_start3A_65, %dma_start3A_66] : memref<8x128xi32, #tpu.memory_space<vmem>> -> memref<1x128xi32, #tpu.memory_space<vmem>>
      %dma_start3A_68 = tpu.memref_squeeze %dma_start3A_67 : memref<1x128xi32, #tpu.memory_space<vmem>> -> memref<128xi32, #tpu.memory_space<vmem>>
      %dma_start3A_69 = arith.constant 0 : i32
      %dma_start3A_70 = arith.constant 0 : i32
      %dma_start3A_71 = tpu.memref_slice %arg2[%dma_start3A_69, %dma_start3A_70] : memref<20000x128xf32, #tpu.memory_space<hbm>> -> memref<20000x128xf32, #tpu.memory_space<hbm>>
      tpu.enqueue_indirect_dma source(%dma_start3A_71 : memref<20000x128xf32, #tpu.memory_space<hbm>>) target(%arg11 : memref<128x128xf32, #tpu.memory_space<vmem>>) offsets(%dma_start3A_68 : memref<128xi32, #tpu.memory_space<vmem>>) semaphore(%arg14 : memref<!tpu.dma_semaphore, #tpu.memory_space<semaphore_mem>>)
      %dma_start3A_72 = arith.constant 1 : i32
      %dma_start3A_73 = arith.constant 0 : i32
      %dma_start3A_74 = tpu.memref_slice %arg8[%dma_start3A_72, %dma_start3A_73] : memref<8x128xi32, #tpu.memory_space<vmem>> -> memref<1x128xi32, #tpu.memory_space<vmem>>
      %dma_start3A_75 = tpu.memref_squeeze %dma_start3A_74 : memref<1x128xi32, #tpu.memory_space<vmem>> -> memref<128xi32, #tpu.memory_space<vmem>>
      %dma_start3A_76 = arith.constant 0 : i32
      %dma_start3A_77 = arith.constant 0 : i32
      %dma_start3A_78 = tpu.memref_slice %arg2[%dma_start3A_76, %dma_start3A_77] : memref<20000x128xf32, #tpu.memory_space<hbm>> -> memref<20000x128xf32, #tpu.memory_space<hbm>>
      tpu.enqueue_indirect_dma source(%dma_start3A_78 : memref<20000x128xf32, #tpu.memory_space<hbm>>) target(%arg12 : memref<128x128xf32, #tpu.memory_space<vmem>>) offsets(%dma_start3A_75 : memref<128xi32, #tpu.memory_space<vmem>>) semaphore(%arg15 : memref<!tpu.dma_semaphore, #tpu.memory_space<semaphore_mem>>)
      %add3A_79 = arith.constant 16 : i32
      %add3A_80 = arith.addi %add3A_11, %add3A_79 : i32
      %dma_start3A_81 = arith.constant 0 : i32
      %dma_start3A_82 = tpu.memref_slice %arg3[%add3A_80, %dma_start3A_81] : memref<2560x128xi32, #tpu.memory_space<hbm>> -> memref<8x128xi32, #tpu.memory_space<hbm>>
      %dma_start3A_83 = arith.constant 0 : i32
      %dma_start3A_84 = tpu.memref_slice %arg3[%add3A_80, %dma_start3A_83] : memref<2560x128xi32, #tpu.memory_space<hbm>> -> memref<8x128xi32, #tpu.memory_space<hbm>>
      tpu.enqueue_dma source(%dma_start3A_84 : memref<8x128xi32, #tpu.memory_space<hbm>>) target(%arg7 : memref<8x128xi32, #tpu.memory_space<vmem>>) target_semaphore(%arg16 : memref<!tpu.dma_semaphore, #tpu.memory_space<semaphore_mem>>)
      %dma_start3A_85 = arith.constant 0 : i32
      %dma_start3A_86 = tpu.memref_slice %arg4[%add3A_80, %dma_start3A_85] : memref<2560x128xi32, #tpu.memory_space<hbm>> -> memref<8x128xi32, #tpu.memory_space<hbm>>
      %dma_start3A_87 = arith.constant 0 : i32
      %dma_start3A_88 = tpu.memref_slice %arg4[%add3A_80, %dma_start3A_87] : memref<2560x128xi32, #tpu.memory_space<hbm>> -> memref<8x128xi32, #tpu.memory_space<hbm>>
      tpu.enqueue_dma source(%dma_start3A_88 : memref<8x128xi32, #tpu.memory_space<hbm>>) target(%arg9 : memref<8x128xi32, #tpu.memory_space<vmem>>) target_semaphore(%arg16 : memref<!tpu.dma_semaphore, #tpu.memory_space<semaphore_mem>>)
      %scan3A_89 = arith.constant 0 : i32
      %scan3A_90 = arith.constant 0 : i32
      %scan3A_91 = arith.constant 1 : i32
      %scan3A_92 = arith.constant 0 : i32
      %scan3A_93 = arith.constant 4 : i32
      %scan3A_94 = arith.addi %scan3A_92, %scan3A_93 : i32
      %scan3A_95 = arith.constant 1 : i32
      scf.for %scan3A_207 = %scan3A_92 to %scan3A_94 step %scan3A_95  : i32 {
        %mul3A_208 = arith.constant 2 : i32
        %mul3A_209 = arith.muli %mul3A_208, %scan3A_207 : i32
        %dma_wait3A_210 = arith.constant 0 : i32
        %dma_wait3A_211 = tpu.memref_slice %arg8[%scan3A_90, %dma_wait3A_210] : memref<8x128xi32, #tpu.memory_space<vmem>> -> memref<1x128xi32, #tpu.memory_space<vmem>>
        %dma_wait3A_212 = tpu.memref_squeeze %dma_wait3A_211 : memref<1x128xi32, #tpu.memory_space<vmem>> -> memref<128xi32, #tpu.memory_space<vmem>>
        %dma_wait3A_213 = arith.constant 0 : i32
        %dma_wait3A_214 = arith.constant 0 : i32
        %dma_wait3A_215 = tpu.memref_slice %arg2[%dma_wait3A_213, %dma_wait3A_214] : memref<20000x128xf32, #tpu.memory_space<hbm>> -> memref<20000x128xf32, #tpu.memory_space<hbm>>
        tpu.wait_indirect_dma semaphore(%arg14 : memref<!tpu.dma_semaphore, #tpu.memory_space<semaphore_mem>>) src(%dma_wait3A_215 : memref<20000x128xf32, #tpu.memory_space<hbm>>) dst(%arg11 : memref<128x128xf32, #tpu.memory_space<vmem>>)
        "tpu.region"() ({
          %run_scoped3A = tpu.sem_alloc : memref<!tpu.dma_semaphore, #tpu.memory_space<semaphore_mem>>
          %dma_start3A_237 = arith.constant 0 : i32
          %dma_start3A_238 = tpu.memref_slice %arg10[%mul3A_209, %dma_start3A_237] : memref<8x128xi32, #tpu.memory_space<vmem>> -> memref<1x128xi32, #tpu.memory_space<vmem>>
          %dma_start3A_239 = tpu.memref_squeeze %dma_start3A_238 : memref<1x128xi32, #tpu.memory_space<vmem>> -> memref<128xi32, #tpu.memory_space<vmem>>
          %dma_start3A_240 = arith.constant 0 : i32
          %dma_start3A_241 = arith.constant 0 : i32
          %dma_start3A_242 = tpu.memref_slice %arg13[%dma_start3A_240, %dma_start3A_241] : memref<10112x128xf32, #tpu.memory_space<vmem_shared>> -> memref<10112x128xf32, #tpu.memory_space<vmem_shared>>
          tpu.enqueue_indirect_dma source(%arg11 : memref<128x128xf32, #tpu.memory_space<vmem>>) target(%dma_start3A_242 : memref<10112x128xf32, #tpu.memory_space<vmem_shared>>) offsets(%dma_start3A_239 : memref<128xi32, #tpu.memory_space<vmem>>) semaphore(%run_scoped3A : memref<!tpu.dma_semaphore, #tpu.memory_space<semaphore_mem>>) {add = true}
          %dma_wait3A_243 = arith.constant 0 : i32
          %dma_wait3A_244 = tpu.memref_slice %arg10[%mul3A_209, %dma_wait3A_243] : memref<8x128xi32, #tpu.memory_space<vmem>> -> memref<1x128xi32, #tpu.memory_space<vmem>>
          %dma_wait3A_245 = tpu.memref_squeeze %dma_wait3A_244 : memref<1x128xi32, #tpu.memory_space<vmem>> -> memref<128xi32, #tpu.memory_space<vmem>>
          %dma_wait3A_246 = arith.constant 0 : i32
          %dma_wait3A_247 = arith.constant 0 : i32
          %dma_wait3A_248 = tpu.memref_slice %arg13[%dma_wait3A_246, %dma_wait3A_247] : memref<10112x128xf32, #tpu.memory_space<vmem_shared>> -> memref<10112x128xf32, #tpu.memory_space<vmem_shared>>
          tpu.wait_indirect_dma semaphore(%run_scoped3A : memref<!tpu.dma_semaphore, #tpu.memory_space<semaphore_mem>>) src(%arg11 : memref<128x128xf32, #tpu.memory_space<vmem>>) dst(%dma_wait3A_248 : memref<10112x128xf32, #tpu.memory_space<vmem_shared>>)
          tpu.yield
        }) : () -> ()
        %add3A_216 = arith.constant 2 : i32
        %add3A_217 = arith.addi %mul3A_209, %add3A_216 : i32
        %lt3A = arith.constant 8 : i32
        %lt3A_218 = arith.cmpi slt, %add3A_217, %lt3A : i32
        %convert_element_type3A_219 = arith.extui %lt3A_218 : i1 to i32
        %cond3A_220 = arith.constant 0 : i32
        %cond3A_221 = arith.cmpi ne, %convert_element_type3A_219, %cond3A_220 : i32
        scf.if %cond3A_221 {
          %add3A_237 = arith.constant 2 : i32
          %add3A_238 = arith.addi %mul3A_209, %add3A_237 : i32
          %dma_start3A_239 = arith.constant 0 : i32
          %dma_start3A_240 = tpu.memref_slice %arg8[%add3A_238, %dma_start3A_239] : memref<8x128xi32, #tpu.memory_space<vmem>> -> memref<1x128xi32, #tpu.memory_space<vmem>>
          %dma_start3A_241 = tpu.memref_squeeze %dma_start3A_240 : memref<1x128xi32, #tpu.memory_space<vmem>> -> memref<128xi32, #tpu.memory_space<vmem>>
          %dma_start3A_242 = arith.constant 0 : i32
          %dma_start3A_243 = arith.constant 0 : i32
          %dma_start3A_244 = tpu.memref_slice %arg2[%dma_start3A_242, %dma_start3A_243] : memref<20000x128xf32, #tpu.memory_space<hbm>> -> memref<20000x128xf32, #tpu.memory_space<hbm>>
          tpu.enqueue_indirect_dma source(%dma_start3A_244 : memref<20000x128xf32, #tpu.memory_space<hbm>>) target(%arg11 : memref<128x128xf32, #tpu.memory_space<vmem>>) offsets(%dma_start3A_241 : memref<128xi32, #tpu.memory_space<vmem>>) semaphore(%arg14 : memref<!tpu.dma_semaphore, #tpu.memory_space<semaphore_mem>>)
        } else {
        }
        %dma_wait3A_222 = arith.constant 0 : i32
        %dma_wait3A_223 = tpu.memref_slice %arg8[%scan3A_91, %dma_wait3A_222] : memref<8x128xi32, #tpu.memory_space<vmem>> -> memref<1x128xi32, #tpu.memory_space<vmem>>
        %dma_wait3A_224 = tpu.memref_squeeze %dma_wait3A_223 : memref<1x128xi32, #tpu.memory_space<vmem>> -> memref<128xi32, #tpu.memory_space<vmem>>
        %dma_wait3A_225 = arith.constant 0 : i32
        %dma_wait3A_226 = arith.constant 0 : i32
        %dma_wait3A_227 = tpu.memref_slice %arg2[%dma_wait3A_225, %dma_wait3A_226] : memref<20000x128xf32, #tpu.memory_space<hbm>> -> memref<20000x128xf32, #tpu.memory_space<hbm>>
        tpu.wait_indirect_dma semaphore(%arg15 : memref<!tpu.dma_semaphore, #tpu.memory_space<semaphore_mem>>) src(%dma_wait3A_227 : memref<20000x128xf32, #tpu.memory_space<hbm>>) dst(%arg12 : memref<128x128xf32, #tpu.memory_space<vmem>>)
        %add3A_228 = arith.constant 1 : i32
        %add3A_229 = arith.addi %mul3A_209, %add3A_228 : i32
        "tpu.region"() ({
          %run_scoped3A = tpu.sem_alloc : memref<!tpu.dma_semaphore, #tpu.memory_space<semaphore_mem>>
          %dma_start3A_237 = arith.constant 0 : i32
          %dma_start3A_238 = tpu.memref_slice %arg10[%add3A_229, %dma_start3A_237] : memref<8x128xi32, #tpu.memory_space<vmem>> -> memref<1x128xi32, #tpu.memory_space<vmem>>
          %dma_start3A_239 = tpu.memref_squeeze %dma_start3A_238 : memref<1x128xi32, #tpu.memory_space<vmem>> -> memref<128xi32, #tpu.memory_space<vmem>>
          %dma_start3A_240 = arith.constant 0 : i32
          %dma_start3A_241 = arith.constant 0 : i32
          %dma_start3A_242 = tpu.memref_slice %arg13[%dma_start3A_240, %dma_start3A_241] : memref<10112x128xf32, #tpu.memory_space<vmem_shared>> -> memref<10112x128xf32, #tpu.memory_space<vmem_shared>>
          tpu.enqueue_indirect_dma source(%arg12 : memref<128x128xf32, #tpu.memory_space<vmem>>) target(%dma_start3A_242 : memref<10112x128xf32, #tpu.memory_space<vmem_shared>>) offsets(%dma_start3A_239 : memref<128xi32, #tpu.memory_space<vmem>>) semaphore(%run_scoped3A : memref<!tpu.dma_semaphore, #tpu.memory_space<semaphore_mem>>) {add = true}
          %dma_wait3A_243 = arith.constant 0 : i32
          %dma_wait3A_244 = tpu.memref_slice %arg10[%add3A_229, %dma_wait3A_243] : memref<8x128xi32, #tpu.memory_space<vmem>> -> memref<1x128xi32, #tpu.memory_space<vmem>>
          %dma_wait3A_245 = tpu.memref_squeeze %dma_wait3A_244 : memref<1x128xi32, #tpu.memory_space<vmem>> -> memref<128xi32, #tpu.memory_space<vmem>>
          %dma_wait3A_246 = arith.constant 0 : i32
          %dma_wait3A_247 = arith.constant 0 : i32
          %dma_wait3A_248 = tpu.memref_slice %arg13[%dma_wait3A_246, %dma_wait3A_247] : memref<10112x128xf32, #tpu.memory_space<vmem_shared>> -> memref<10112x128xf32, #tpu.memory_space<vmem_shared>>
          tpu.wait_indirect_dma semaphore(%run_scoped3A : memref<!tpu.dma_semaphore, #tpu.memory_space<semaphore_mem>>) src(%arg12 : memref<128x128xf32, #tpu.memory_space<vmem>>) dst(%dma_wait3A_248 : memref<10112x128xf32, #tpu.memory_space<vmem_shared>>)
          tpu.yield
        }) : () -> ()
        %add3A_230 = arith.constant 3 : i32
        %add3A_231 = arith.addi %mul3A_209, %add3A_230 : i32
        %lt3A_232 = arith.constant 8 : i32
        %lt3A_233 = arith.cmpi slt, %add3A_231, %lt3A_232 : i32
        %convert_element_type3A_234 = arith.extui %lt3A_233 : i1 to i32
        %cond3A_235 = arith.constant 0 : i32
        %cond3A_236 = arith.cmpi ne, %convert_element_type3A_234, %cond3A_235 : i32
        scf.if %cond3A_236 {
          %add3A_237 = arith.constant 3 : i32
          %add3A_238 = arith.addi %mul3A_209, %add3A_237 : i32
          %dma_start3A_239 = arith.constant 0 : i32
          %dma_start3A_240 = tpu.memref_slice %arg8[%add3A_238, %dma_start3A_239] : memref<8x128xi32, #tpu.memory_space<vmem>> -> memref<1x128xi32, #tpu.memory_space<vmem>>
          %dma_start3A_241 = tpu.memref_squeeze %dma_start3A_240 : memref<1x128xi32, #tpu.memory_space<vmem>> -> memref<128xi32, #tpu.memory_space<vmem>>
          %dma_start3A_242 = arith.constant 0 : i32
          %dma_start3A_243 = arith.constant 0 : i32
          %dma_start3A_244 = tpu.memref_slice %arg2[%dma_start3A_242, %dma_start3A_243] : memref<20000x128xf32, #tpu.memory_space<hbm>> -> memref<20000x128xf32, #tpu.memory_space<hbm>>
          tpu.enqueue_indirect_dma source(%dma_start3A_244 : memref<20000x128xf32, #tpu.memory_space<hbm>>) target(%arg12 : memref<128x128xf32, #tpu.memory_space<vmem>>) offsets(%dma_start3A_241 : memref<128xi32, #tpu.memory_space<vmem>>) semaphore(%arg15 : memref<!tpu.dma_semaphore, #tpu.memory_space<semaphore_mem>>)
        } else {
        }
      }
      %scan3A_96 = arith.constant 4 : i32
      %dma_wait3A_97 = arith.constant 0 : i32
      %dma_wait3A_98 = tpu.memref_slice %arg3[%add3A_80, %dma_wait3A_97] : memref<2560x128xi32, #tpu.memory_space<hbm>> -> memref<8x128xi32, #tpu.memory_space<hbm>>
      %dma_wait3A_99 = arith.constant 0 : i32
      %dma_wait3A_100 = tpu.memref_slice %arg3[%add3A_80, %dma_wait3A_99] : memref<2560x128xi32, #tpu.memory_space<hbm>> -> memref<8x128xi32, #tpu.memory_space<hbm>>
      tpu.wait_dma2 semaphore(%arg16 : memref<!tpu.dma_semaphore, #tpu.memory_space<semaphore_mem>>) src(%dma_wait3A_100 : memref<8x128xi32, #tpu.memory_space<hbm>>) dst(%arg7 : memref<8x128xi32, #tpu.memory_space<vmem>>)
      %dma_wait3A_101 = arith.constant 0 : i32
      %dma_wait3A_102 = tpu.memref_slice %arg4[%add3A_80, %dma_wait3A_101] : memref<2560x128xi32, #tpu.memory_space<hbm>> -> memref<8x128xi32, #tpu.memory_space<hbm>>
      %dma_wait3A_103 = arith.constant 0 : i32
      %dma_wait3A_104 = tpu.memref_slice %arg4[%add3A_80, %dma_wait3A_103] : memref<2560x128xi32, #tpu.memory_space<hbm>> -> memref<8x128xi32, #tpu.memory_space<hbm>>
      tpu.wait_dma2 semaphore(%arg16 : memref<!tpu.dma_semaphore, #tpu.memory_space<semaphore_mem>>) src(%dma_wait3A_104 : memref<8x128xi32, #tpu.memory_space<hbm>>) dst(%arg9 : memref<8x128xi32, #tpu.memory_space<vmem>>)
      %dma_start3A_105 = arith.constant 0 : i32
      %dma_start3A_106 = arith.constant 0 : i32
      %dma_start3A_107 = tpu.memref_slice %arg7[%dma_start3A_105, %dma_start3A_106] : memref<8x128xi32, #tpu.memory_space<vmem>> -> memref<1x128xi32, #tpu.memory_space<vmem>>
      %dma_start3A_108 = tpu.memref_squeeze %dma_start3A_107 : memref<1x128xi32, #tpu.memory_space<vmem>> -> memref<128xi32, #tpu.memory_space<vmem>>
      %dma_start3A_109 = arith.constant 0 : i32
      %dma_start3A_110 = arith.constant 0 : i32
      %dma_start3A_111 = tpu.memref_slice %arg2[%dma_start3A_109, %dma_start3A_110] : memref<20000x128xf32, #tpu.memory_space<hbm>> -> memref<20000x128xf32, #tpu.memory_space<hbm>>
      tpu.enqueue_indirect_dma source(%dma_start3A_111 : memref<20000x128xf32, #tpu.memory_space<hbm>>) target(%arg11 : memref<128x128xf32, #tpu.memory_space<vmem>>) offsets(%dma_start3A_108 : memref<128xi32, #tpu.memory_space<vmem>>) semaphore(%arg14 : memref<!tpu.dma_semaphore, #tpu.memory_space<semaphore_mem>>)
      %dma_start3A_112 = arith.constant 1 : i32
      %dma_start3A_113 = arith.constant 0 : i32
      %dma_start3A_114 = tpu.memref_slice %arg7[%dma_start3A_112, %dma_start3A_113] : memref<8x128xi32, #tpu.memory_space<vmem>> -> memref<1x128xi32, #tpu.memory_space<vmem>>
      %dma_start3A_115 = tpu.memref_squeeze %dma_start3A_114 : memref<1x128xi32, #tpu.memory_space<vmem>> -> memref<128xi32, #tpu.memory_space<vmem>>
      %dma_start3A_116 = arith.constant 0 : i32
      %dma_start3A_117 = arith.constant 0 : i32
      %dma_start3A_118 = tpu.memref_slice %arg2[%dma_start3A_116, %dma_start3A_117] : memref<20000x128xf32, #tpu.memory_space<hbm>> -> memref<20000x128xf32, #tpu.memory_space<hbm>>
      tpu.enqueue_indirect_dma source(%dma_start3A_118 : memref<20000x128xf32, #tpu.memory_space<hbm>>) target(%arg12 : memref<128x128xf32, #tpu.memory_space<vmem>>) offsets(%dma_start3A_115 : memref<128xi32, #tpu.memory_space<vmem>>) semaphore(%arg15 : memref<!tpu.dma_semaphore, #tpu.memory_space<semaphore_mem>>)
      %add3A_119 = arith.constant 24 : i32
      %add3A_120 = arith.addi %add3A_11, %add3A_119 : i32
      %dma_start3A_121 = arith.constant 0 : i32
      %dma_start3A_122 = tpu.memref_slice %arg3[%add3A_120, %dma_start3A_121] : memref<2560x128xi32, #tpu.memory_space<hbm>> -> memref<8x128xi32, #tpu.memory_space<hbm>>
      %dma_start3A_123 = arith.constant 0 : i32
      %dma_start3A_124 = tpu.memref_slice %arg3[%add3A_120, %dma_start3A_123] : memref<2560x128xi32, #tpu.memory_space<hbm>> -> memref<8x128xi32, #tpu.memory_space<hbm>>
      tpu.enqueue_dma source(%dma_start3A_124 : memref<8x128xi32, #tpu.memory_space<hbm>>) target(%arg8 : memref<8x128xi32, #tpu.memory_space<vmem>>) target_semaphore(%arg16 : memref<!tpu.dma_semaphore, #tpu.memory_space<semaphore_mem>>)
      %dma_start3A_125 = arith.constant 0 : i32
      %dma_start3A_126 = tpu.memref_slice %arg4[%add3A_120, %dma_start3A_125] : memref<2560x128xi32, #tpu.memory_space<hbm>> -> memref<8x128xi32, #tpu.memory_space<hbm>>
      %dma_start3A_127 = arith.constant 0 : i32
      %dma_start3A_128 = tpu.memref_slice %arg4[%add3A_120, %dma_start3A_127] : memref<2560x128xi32, #tpu.memory_space<hbm>> -> memref<8x128xi32, #tpu.memory_space<hbm>>
      tpu.enqueue_dma source(%dma_start3A_128 : memref<8x128xi32, #tpu.memory_space<hbm>>) target(%arg10 : memref<8x128xi32, #tpu.memory_space<vmem>>) target_semaphore(%arg16 : memref<!tpu.dma_semaphore, #tpu.memory_space<semaphore_mem>>)
      %scan3A_129 = arith.constant 0 : i32
      %scan3A_130 = arith.constant 0 : i32
      %scan3A_131 = arith.constant 1 : i32
      %scan3A_132 = arith.constant 0 : i32
      %scan3A_133 = arith.constant 4 : i32
      %scan3A_134 = arith.addi %scan3A_132, %scan3A_133 : i32
      %scan3A_135 = arith.constant 1 : i32
      scf.for %scan3A_207 = %scan3A_132 to %scan3A_134 step %scan3A_135  : i32 {
        %mul3A_208 = arith.constant 2 : i32
        %mul3A_209 = arith.muli %mul3A_208, %scan3A_207 : i32
        %dma_wait3A_210 = arith.constant 0 : i32
        %dma_wait3A_211 = tpu.memref_slice %arg7[%scan3A_130, %dma_wait3A_210] : memref<8x128xi32, #tpu.memory_space<vmem>> -> memref<1x128xi32, #tpu.memory_space<vmem>>
        %dma_wait3A_212 = tpu.memref_squeeze %dma_wait3A_211 : memref<1x128xi32, #tpu.memory_space<vmem>> -> memref<128xi32, #tpu.memory_space<vmem>>
        %dma_wait3A_213 = arith.constant 0 : i32
        %dma_wait3A_214 = arith.constant 0 : i32
        %dma_wait3A_215 = tpu.memref_slice %arg2[%dma_wait3A_213, %dma_wait3A_214] : memref<20000x128xf32, #tpu.memory_space<hbm>> -> memref<20000x128xf32, #tpu.memory_space<hbm>>
        tpu.wait_indirect_dma semaphore(%arg14 : memref<!tpu.dma_semaphore, #tpu.memory_space<semaphore_mem>>) src(%dma_wait3A_215 : memref<20000x128xf32, #tpu.memory_space<hbm>>) dst(%arg11 : memref<128x128xf32, #tpu.memory_space<vmem>>)
        "tpu.region"() ({
          %run_scoped3A = tpu.sem_alloc : memref<!tpu.dma_semaphore, #tpu.memory_space<semaphore_mem>>
          %dma_start3A_237 = arith.constant 0 : i32
          %dma_start3A_238 = tpu.memref_slice %arg9[%mul3A_209, %dma_start3A_237] : memref<8x128xi32, #tpu.memory_space<vmem>> -> memref<1x128xi32, #tpu.memory_space<vmem>>
          %dma_start3A_239 = tpu.memref_squeeze %dma_start3A_238 : memref<1x128xi32, #tpu.memory_space<vmem>> -> memref<128xi32, #tpu.memory_space<vmem>>
          %dma_start3A_240 = arith.constant 0 : i32
          %dma_start3A_241 = arith.constant 0 : i32
          %dma_start3A_242 = tpu.memref_slice %arg13[%dma_start3A_240, %dma_start3A_241] : memref<10112x128xf32, #tpu.memory_space<vmem_shared>> -> memref<10112x128xf32, #tpu.memory_space<vmem_shared>>
          tpu.enqueue_indirect_dma source(%arg11 : memref<128x128xf32, #tpu.memory_space<vmem>>) target(%dma_start3A_242 : memref<10112x128xf32, #tpu.memory_space<vmem_shared>>) offsets(%dma_start3A_239 : memref<128xi32, #tpu.memory_space<vmem>>) semaphore(%run_scoped3A : memref<!tpu.dma_semaphore, #tpu.memory_space<semaphore_mem>>) {add = true}
          %dma_wait3A_243 = arith.constant 0 : i32
          %dma_wait3A_244 = tpu.memref_slice %arg9[%mul3A_209, %dma_wait3A_243] : memref<8x128xi32, #tpu.memory_space<vmem>> -> memref<1x128xi32, #tpu.memory_space<vmem>>
          %dma_wait3A_245 = tpu.memref_squeeze %dma_wait3A_244 : memref<1x128xi32, #tpu.memory_space<vmem>> -> memref<128xi32, #tpu.memory_space<vmem>>
          %dma_wait3A_246 = arith.constant 0 : i32
          %dma_wait3A_247 = arith.constant 0 : i32
          %dma_wait3A_248 = tpu.memref_slice %arg13[%dma_wait3A_246, %dma_wait3A_247] : memref<10112x128xf32, #tpu.memory_space<vmem_shared>> -> memref<10112x128xf32, #tpu.memory_space<vmem_shared>>
          tpu.wait_indirect_dma semaphore(%run_scoped3A : memref<!tpu.dma_semaphore, #tpu.memory_space<semaphore_mem>>) src(%arg11 : memref<128x128xf32, #tpu.memory_space<vmem>>) dst(%dma_wait3A_248 : memref<10112x128xf32, #tpu.memory_space<vmem_shared>>)
          tpu.yield
        }) : () -> ()
        %add3A_216 = arith.constant 2 : i32
        %add3A_217 = arith.addi %mul3A_209, %add3A_216 : i32
        %lt3A = arith.constant 8 : i32
        %lt3A_218 = arith.cmpi slt, %add3A_217, %lt3A : i32
        %convert_element_type3A_219 = arith.extui %lt3A_218 : i1 to i32
        %cond3A_220 = arith.constant 0 : i32
        %cond3A_221 = arith.cmpi ne, %convert_element_type3A_219, %cond3A_220 : i32
        scf.if %cond3A_221 {
          %add3A_237 = arith.constant 2 : i32
          %add3A_238 = arith.addi %mul3A_209, %add3A_237 : i32
          %dma_start3A_239 = arith.constant 0 : i32
          %dma_start3A_240 = tpu.memref_slice %arg7[%add3A_238, %dma_start3A_239] : memref<8x128xi32, #tpu.memory_space<vmem>> -> memref<1x128xi32, #tpu.memory_space<vmem>>
          %dma_start3A_241 = tpu.memref_squeeze %dma_start3A_240 : memref<1x128xi32, #tpu.memory_space<vmem>> -> memref<128xi32, #tpu.memory_space<vmem>>
          %dma_start3A_242 = arith.constant 0 : i32
          %dma_start3A_243 = arith.constant 0 : i32
          %dma_start3A_244 = tpu.memref_slice %arg2[%dma_start3A_242, %dma_start3A_243] : memref<20000x128xf32, #tpu.memory_space<hbm>> -> memref<20000x128xf32, #tpu.memory_space<hbm>>
          tpu.enqueue_indirect_dma source(%dma_start3A_244 : memref<20000x128xf32, #tpu.memory_space<hbm>>) target(%arg11 : memref<128x128xf32, #tpu.memory_space<vmem>>) offsets(%dma_start3A_241 : memref<128xi32, #tpu.memory_space<vmem>>) semaphore(%arg14 : memref<!tpu.dma_semaphore, #tpu.memory_space<semaphore_mem>>)
        } else {
        }
        %dma_wait3A_222 = arith.constant 0 : i32
        %dma_wait3A_223 = tpu.memref_slice %arg7[%scan3A_131, %dma_wait3A_222] : memref<8x128xi32, #tpu.memory_space<vmem>> -> memref<1x128xi32, #tpu.memory_space<vmem>>
        %dma_wait3A_224 = tpu.memref_squeeze %dma_wait3A_223 : memref<1x128xi32, #tpu.memory_space<vmem>> -> memref<128xi32, #tpu.memory_space<vmem>>
        %dma_wait3A_225 = arith.constant 0 : i32
        %dma_wait3A_226 = arith.constant 0 : i32
        %dma_wait3A_227 = tpu.memref_slice %arg2[%dma_wait3A_225, %dma_wait3A_226] : memref<20000x128xf32, #tpu.memory_space<hbm>> -> memref<20000x128xf32, #tpu.memory_space<hbm>>
        tpu.wait_indirect_dma semaphore(%arg15 : memref<!tpu.dma_semaphore, #tpu.memory_space<semaphore_mem>>) src(%dma_wait3A_227 : memref<20000x128xf32, #tpu.memory_space<hbm>>) dst(%arg12 : memref<128x128xf32, #tpu.memory_space<vmem>>)
        %add3A_228 = arith.constant 1 : i32
        %add3A_229 = arith.addi %mul3A_209, %add3A_228 : i32
        "tpu.region"() ({
          %run_scoped3A = tpu.sem_alloc : memref<!tpu.dma_semaphore, #tpu.memory_space<semaphore_mem>>
          %dma_start3A_237 = arith.constant 0 : i32
          %dma_start3A_238 = tpu.memref_slice %arg9[%add3A_229, %dma_start3A_237] : memref<8x128xi32, #tpu.memory_space<vmem>> -> memref<1x128xi32, #tpu.memory_space<vmem>>
          %dma_start3A_239 = tpu.memref_squeeze %dma_start3A_238 : memref<1x128xi32, #tpu.memory_space<vmem>> -> memref<128xi32, #tpu.memory_space<vmem>>
          %dma_start3A_240 = arith.constant 0 : i32
          %dma_start3A_241 = arith.constant 0 : i32
          %dma_start3A_242 = tpu.memref_slice %arg13[%dma_start3A_240, %dma_start3A_241] : memref<10112x128xf32, #tpu.memory_space<vmem_shared>> -> memref<10112x128xf32, #tpu.memory_space<vmem_shared>>
          tpu.enqueue_indirect_dma source(%arg12 : memref<128x128xf32, #tpu.memory_space<vmem>>) target(%dma_start3A_242 : memref<10112x128xf32, #tpu.memory_space<vmem_shared>>) offsets(%dma_start3A_239 : memref<128xi32, #tpu.memory_space<vmem>>) semaphore(%run_scoped3A : memref<!tpu.dma_semaphore, #tpu.memory_space<semaphore_mem>>) {add = true}
          %dma_wait3A_243 = arith.constant 0 : i32
          %dma_wait3A_244 = tpu.memref_slice %arg9[%add3A_229, %dma_wait3A_243] : memref<8x128xi32, #tpu.memory_space<vmem>> -> memref<1x128xi32, #tpu.memory_space<vmem>>
          %dma_wait3A_245 = tpu.memref_squeeze %dma_wait3A_244 : memref<1x128xi32, #tpu.memory_space<vmem>> -> memref<128xi32, #tpu.memory_space<vmem>>
          %dma_wait3A_246 = arith.constant 0 : i32
          %dma_wait3A_247 = arith.constant 0 : i32
          %dma_wait3A_248 = tpu.memref_slice %arg13[%dma_wait3A_246, %dma_wait3A_247] : memref<10112x128xf32, #tpu.memory_space<vmem_shared>> -> memref<10112x128xf32, #tpu.memory_space<vmem_shared>>
          tpu.wait_indirect_dma semaphore(%run_scoped3A : memref<!tpu.dma_semaphore, #tpu.memory_space<semaphore_mem>>) src(%arg12 : memref<128x128xf32, #tpu.memory_space<vmem>>) dst(%dma_wait3A_248 : memref<10112x128xf32, #tpu.memory_space<vmem_shared>>)
          tpu.yield
        }) : () -> ()
        %add3A_230 = arith.constant 3 : i32
        %add3A_231 = arith.addi %mul3A_209, %add3A_230 : i32
        %lt3A_232 = arith.constant 8 : i32
        %lt3A_233 = arith.cmpi slt, %add3A_231, %lt3A_232 : i32
        %convert_element_type3A_234 = arith.extui %lt3A_233 : i1 to i32
        %cond3A_235 = arith.constant 0 : i32
        %cond3A_236 = arith.cmpi ne, %convert_element_type3A_234, %cond3A_235 : i32
        scf.if %cond3A_236 {
          %add3A_237 = arith.constant 3 : i32
          %add3A_238 = arith.addi %mul3A_209, %add3A_237 : i32
          %dma_start3A_239 = arith.constant 0 : i32
          %dma_start3A_240 = tpu.memref_slice %arg7[%add3A_238, %dma_start3A_239] : memref<8x128xi32, #tpu.memory_space<vmem>> -> memref<1x128xi32, #tpu.memory_space<vmem>>
          %dma_start3A_241 = tpu.memref_squeeze %dma_start3A_240 : memref<1x128xi32, #tpu.memory_space<vmem>> -> memref<128xi32, #tpu.memory_space<vmem>>
          %dma_start3A_242 = arith.constant 0 : i32
          %dma_start3A_243 = arith.constant 0 : i32
          %dma_start3A_244 = tpu.memref_slice %arg2[%dma_start3A_242, %dma_start3A_243] : memref<20000x128xf32, #tpu.memory_space<hbm>> -> memref<20000x128xf32, #tpu.memory_space<hbm>>
          tpu.enqueue_indirect_dma source(%dma_start3A_244 : memref<20000x128xf32, #tpu.memory_space<hbm>>) target(%arg12 : memref<128x128xf32, #tpu.memory_space<vmem>>) offsets(%dma_start3A_241 : memref<128xi32, #tpu.memory_space<vmem>>) semaphore(%arg15 : memref<!tpu.dma_semaphore, #tpu.memory_space<semaphore_mem>>)
        } else {
        }
      }
      %scan3A_136 = arith.constant 4 : i32
      %dma_wait3A_137 = arith.constant 0 : i32
      %dma_wait3A_138 = tpu.memref_slice %arg3[%add3A_120, %dma_wait3A_137] : memref<2560x128xi32, #tpu.memory_space<hbm>> -> memref<8x128xi32, #tpu.memory_space<hbm>>
      %dma_wait3A_139 = arith.constant 0 : i32
      %dma_wait3A_140 = tpu.memref_slice %arg3[%add3A_120, %dma_wait3A_139] : memref<2560x128xi32, #tpu.memory_space<hbm>> -> memref<8x128xi32, #tpu.memory_space<hbm>>
      tpu.wait_dma2 semaphore(%arg16 : memref<!tpu.dma_semaphore, #tpu.memory_space<semaphore_mem>>) src(%dma_wait3A_140 : memref<8x128xi32, #tpu.memory_space<hbm>>) dst(%arg8 : memref<8x128xi32, #tpu.memory_space<vmem>>)
      %dma_wait3A_141 = arith.constant 0 : i32
      %dma_wait3A_142 = tpu.memref_slice %arg4[%add3A_120, %dma_wait3A_141] : memref<2560x128xi32, #tpu.memory_space<hbm>> -> memref<8x128xi32, #tpu.memory_space<hbm>>
      %dma_wait3A_143 = arith.constant 0 : i32
      %dma_wait3A_144 = tpu.memref_slice %arg4[%add3A_120, %dma_wait3A_143] : memref<2560x128xi32, #tpu.memory_space<hbm>> -> memref<8x128xi32, #tpu.memory_space<hbm>>
      tpu.wait_dma2 semaphore(%arg16 : memref<!tpu.dma_semaphore, #tpu.memory_space<semaphore_mem>>) src(%dma_wait3A_144 : memref<8x128xi32, #tpu.memory_space<hbm>>) dst(%arg10 : memref<8x128xi32, #tpu.memory_space<vmem>>)
      %dma_start3A_145 = arith.constant 0 : i32
      %dma_start3A_146 = arith.constant 0 : i32
      %dma_start3A_147 = tpu.memref_slice %arg8[%dma_start3A_145, %dma_start3A_146] : memref<8x128xi32, #tpu.memory_space<vmem>> -> memref<1x128xi32, #tpu.memory_space<vmem>>
      %dma_start3A_148 = tpu.memref_squeeze %dma_start3A_147 : memref<1x128xi32, #tpu.memory_space<vmem>> -> memref<128xi32, #tpu.memory_space<vmem>>
      %dma_start3A_149 = arith.constant 0 : i32
      %dma_start3A_150 = arith.constant 0 : i32
      %dma_start3A_151 = tpu.memref_slice %arg2[%dma_start3A_149, %dma_start3A_150] : memref<20000x128xf32, #tpu.memory_space<hbm>> -> memref<20000x128xf32, #tpu.memory_space<hbm>>
      tpu.enqueue_indirect_dma source(%dma_start3A_151 : memref<20000x128xf32, #tpu.memory_space<hbm>>) target(%arg11 : memref<128x128xf32, #tpu.memory_space<vmem>>) offsets(%dma_start3A_148 : memref<128xi32, #tpu.memory_space<vmem>>) semaphore(%arg14 : memref<!tpu.dma_semaphore, #tpu.memory_space<semaphore_mem>>)
      %dma_start3A_152 = arith.constant 1 : i32
      %dma_start3A_153 = arith.constant 0 : i32
      %dma_start3A_154 = tpu.memref_slice %arg8[%dma_start3A_152, %dma_start3A_153] : memref<8x128xi32, #tpu.memory_space<vmem>> -> memref<1x128xi32, #tpu.memory_space<vmem>>
      %dma_start3A_155 = tpu.memref_squeeze %dma_start3A_154 : memref<1x128xi32, #tpu.memory_space<vmem>> -> memref<128xi32, #tpu.memory_space<vmem>>
      %dma_start3A_156 = arith.constant 0 : i32
      %dma_start3A_157 = arith.constant 0 : i32
      %dma_start3A_158 = tpu.memref_slice %arg2[%dma_start3A_156, %dma_start3A_157] : memref<20000x128xf32, #tpu.memory_space<hbm>> -> memref<20000x128xf32, #tpu.memory_space<hbm>>
      tpu.enqueue_indirect_dma source(%dma_start3A_158 : memref<20000x128xf32, #tpu.memory_space<hbm>>) target(%arg12 : memref<128x128xf32, #tpu.memory_space<vmem>>) offsets(%dma_start3A_155 : memref<128xi32, #tpu.memory_space<vmem>>) semaphore(%arg15 : memref<!tpu.dma_semaphore, #tpu.memory_space<semaphore_mem>>)
      %add3A_159 = arith.constant 32 : i32
      %add3A_160 = arith.addi %add3A_11, %add3A_159 : i32
      %dma_start3A_161 = arith.constant 0 : i32
      %dma_start3A_162 = tpu.memref_slice %arg3[%add3A_160, %dma_start3A_161] : memref<2560x128xi32, #tpu.memory_space<hbm>> -> memref<8x128xi32, #tpu.memory_space<hbm>>
      %dma_start3A_163 = arith.constant 0 : i32
      %dma_start3A_164 = tpu.memref_slice %arg3[%add3A_160, %dma_start3A_163] : memref<2560x128xi32, #tpu.memory_space<hbm>> -> memref<8x128xi32, #tpu.memory_space<hbm>>
      tpu.enqueue_dma source(%dma_start3A_164 : memref<8x128xi32, #tpu.memory_space<hbm>>) target(%arg7 : memref<8x128xi32, #tpu.memory_space<vmem>>) target_semaphore(%arg16 : memref<!tpu.dma_semaphore, #tpu.memory_space<semaphore_mem>>)
      %dma_start3A_165 = arith.constant 0 : i32
      %dma_start3A_166 = tpu.memref_slice %arg4[%add3A_160, %dma_start3A_165] : memref<2560x128xi32, #tpu.memory_space<hbm>> -> memref<8x128xi32, #tpu.memory_space<hbm>>
      %dma_start3A_167 = arith.constant 0 : i32
      %dma_start3A_168 = tpu.memref_slice %arg4[%add3A_160, %dma_start3A_167] : memref<2560x128xi32, #tpu.memory_space<hbm>> -> memref<8x128xi32, #tpu.memory_space<hbm>>
      tpu.enqueue_dma source(%dma_start3A_168 : memref<8x128xi32, #tpu.memory_space<hbm>>) target(%arg9 : memref<8x128xi32, #tpu.memory_space<vmem>>) target_semaphore(%arg16 : memref<!tpu.dma_semaphore, #tpu.memory_space<semaphore_mem>>)
      %scan3A_169 = arith.constant 0 : i32
      %scan3A_170 = arith.constant 0 : i32
      %scan3A_171 = arith.constant 1 : i32
      %scan3A_172 = arith.constant 0 : i32
      %scan3A_173 = arith.constant 4 : i32
      %scan3A_174 = arith.addi %scan3A_172, %scan3A_173 : i32
      %scan3A_175 = arith.constant 1 : i32
      scf.for %scan3A_207 = %scan3A_172 to %scan3A_174 step %scan3A_175  : i32 {
        %mul3A_208 = arith.constant 2 : i32
        %mul3A_209 = arith.muli %mul3A_208, %scan3A_207 : i32
        %dma_wait3A_210 = arith.constant 0 : i32
        %dma_wait3A_211 = tpu.memref_slice %arg8[%scan3A_170, %dma_wait3A_210] : memref<8x128xi32, #tpu.memory_space<vmem>> -> memref<1x128xi32, #tpu.memory_space<vmem>>
        %dma_wait3A_212 = tpu.memref_squeeze %dma_wait3A_211 : memref<1x128xi32, #tpu.memory_space<vmem>> -> memref<128xi32, #tpu.memory_space<vmem>>
        %dma_wait3A_213 = arith.constant 0 : i32
        %dma_wait3A_214 = arith.constant 0 : i32
        %dma_wait3A_215 = tpu.memref_slice %arg2[%dma_wait3A_213, %dma_wait3A_214] : memref<20000x128xf32, #tpu.memory_space<hbm>> -> memref<20000x128xf32, #tpu.memory_space<hbm>>
        tpu.wait_indirect_dma semaphore(%arg14 : memref<!tpu.dma_semaphore, #tpu.memory_space<semaphore_mem>>) src(%dma_wait3A_215 : memref<20000x128xf32, #tpu.memory_space<hbm>>) dst(%arg11 : memref<128x128xf32, #tpu.memory_space<vmem>>)
        "tpu.region"() ({
          %run_scoped3A = tpu.sem_alloc : memref<!tpu.dma_semaphore, #tpu.memory_space<semaphore_mem>>
          %dma_start3A_237 = arith.constant 0 : i32
          %dma_start3A_238 = tpu.memref_slice %arg10[%mul3A_209, %dma_start3A_237] : memref<8x128xi32, #tpu.memory_space<vmem>> -> memref<1x128xi32, #tpu.memory_space<vmem>>
          %dma_start3A_239 = tpu.memref_squeeze %dma_start3A_238 : memref<1x128xi32, #tpu.memory_space<vmem>> -> memref<128xi32, #tpu.memory_space<vmem>>
          %dma_start3A_240 = arith.constant 0 : i32
          %dma_start3A_241 = arith.constant 0 : i32
          %dma_start3A_242 = tpu.memref_slice %arg13[%dma_start3A_240, %dma_start3A_241] : memref<10112x128xf32, #tpu.memory_space<vmem_shared>> -> memref<10112x128xf32, #tpu.memory_space<vmem_shared>>
          tpu.enqueue_indirect_dma source(%arg11 : memref<128x128xf32, #tpu.memory_space<vmem>>) target(%dma_start3A_242 : memref<10112x128xf32, #tpu.memory_space<vmem_shared>>) offsets(%dma_start3A_239 : memref<128xi32, #tpu.memory_space<vmem>>) semaphore(%run_scoped3A : memref<!tpu.dma_semaphore, #tpu.memory_space<semaphore_mem>>) {add = true}
          %dma_wait3A_243 = arith.constant 0 : i32
          %dma_wait3A_244 = tpu.memref_slice %arg10[%mul3A_209, %dma_wait3A_243] : memref<8x128xi32, #tpu.memory_space<vmem>> -> memref<1x128xi32, #tpu.memory_space<vmem>>
          %dma_wait3A_245 = tpu.memref_squeeze %dma_wait3A_244 : memref<1x128xi32, #tpu.memory_space<vmem>> -> memref<128xi32, #tpu.memory_space<vmem>>
          %dma_wait3A_246 = arith.constant 0 : i32
          %dma_wait3A_247 = arith.constant 0 : i32
          %dma_wait3A_248 = tpu.memref_slice %arg13[%dma_wait3A_246, %dma_wait3A_247] : memref<10112x128xf32, #tpu.memory_space<vmem_shared>> -> memref<10112x128xf32, #tpu.memory_space<vmem_shared>>
          tpu.wait_indirect_dma semaphore(%run_scoped3A : memref<!tpu.dma_semaphore, #tpu.memory_space<semaphore_mem>>) src(%arg11 : memref<128x128xf32, #tpu.memory_space<vmem>>) dst(%dma_wait3A_248 : memref<10112x128xf32, #tpu.memory_space<vmem_shared>>)
          tpu.yield
        }) : () -> ()
        %add3A_216 = arith.constant 2 : i32
        %add3A_217 = arith.addi %mul3A_209, %add3A_216 : i32
        %lt3A = arith.constant 8 : i32
        %lt3A_218 = arith.cmpi slt, %add3A_217, %lt3A : i32
        %convert_element_type3A_219 = arith.extui %lt3A_218 : i1 to i32
        %cond3A_220 = arith.constant 0 : i32
        %cond3A_221 = arith.cmpi ne, %convert_element_type3A_219, %cond3A_220 : i32
        scf.if %cond3A_221 {
          %add3A_237 = arith.constant 2 : i32
          %add3A_238 = arith.addi %mul3A_209, %add3A_237 : i32
          %dma_start3A_239 = arith.constant 0 : i32
          %dma_start3A_240 = tpu.memref_slice %arg8[%add3A_238, %dma_start3A_239] : memref<8x128xi32, #tpu.memory_space<vmem>> -> memref<1x128xi32, #tpu.memory_space<vmem>>
          %dma_start3A_241 = tpu.memref_squeeze %dma_start3A_240 : memref<1x128xi32, #tpu.memory_space<vmem>> -> memref<128xi32, #tpu.memory_space<vmem>>
          %dma_start3A_242 = arith.constant 0 : i32
          %dma_start3A_243 = arith.constant 0 : i32
          %dma_start3A_244 = tpu.memref_slice %arg2[%dma_start3A_242, %dma_start3A_243] : memref<20000x128xf32, #tpu.memory_space<hbm>> -> memref<20000x128xf32, #tpu.memory_space<hbm>>
          tpu.enqueue_indirect_dma source(%dma_start3A_244 : memref<20000x128xf32, #tpu.memory_space<hbm>>) target(%arg11 : memref<128x128xf32, #tpu.memory_space<vmem>>) offsets(%dma_start3A_241 : memref<128xi32, #tpu.memory_space<vmem>>) semaphore(%arg14 : memref<!tpu.dma_semaphore, #tpu.memory_space<semaphore_mem>>)
        } else {
        }
        %dma_wait3A_222 = arith.constant 0 : i32
        %dma_wait3A_223 = tpu.memref_slice %arg8[%scan3A_171, %dma_wait3A_222] : memref<8x128xi32, #tpu.memory_space<vmem>> -> memref<1x128xi32, #tpu.memory_space<vmem>>
        %dma_wait3A_224 = tpu.memref_squeeze %dma_wait3A_223 : memref<1x128xi32, #tpu.memory_space<vmem>> -> memref<128xi32, #tpu.memory_space<vmem>>
        %dma_wait3A_225 = arith.constant 0 : i32
        %dma_wait3A_226 = arith.constant 0 : i32
        %dma_wait3A_227 = tpu.memref_slice %arg2[%dma_wait3A_225, %dma_wait3A_226] : memref<20000x128xf32, #tpu.memory_space<hbm>> -> memref<20000x128xf32, #tpu.memory_space<hbm>>
        tpu.wait_indirect_dma semaphore(%arg15 : memref<!tpu.dma_semaphore, #tpu.memory_space<semaphore_mem>>) src(%dma_wait3A_227 : memref<20000x128xf32, #tpu.memory_space<hbm>>) dst(%arg12 : memref<128x128xf32, #tpu.memory_space<vmem>>)
        %add3A_228 = arith.constant 1 : i32
        %add3A_229 = arith.addi %mul3A_209, %add3A_228 : i32
        "tpu.region"() ({
          %run_scoped3A = tpu.sem_alloc : memref<!tpu.dma_semaphore, #tpu.memory_space<semaphore_mem>>
          %dma_start3A_237 = arith.constant 0 : i32
          %dma_start3A_238 = tpu.memref_slice %arg10[%add3A_229, %dma_start3A_237] : memref<8x128xi32, #tpu.memory_space<vmem>> -> memref<1x128xi32, #tpu.memory_space<vmem>>
          %dma_start3A_239 = tpu.memref_squeeze %dma_start3A_238 : memref<1x128xi32, #tpu.memory_space<vmem>> -> memref<128xi32, #tpu.memory_space<vmem>>
          %dma_start3A_240 = arith.constant 0 : i32
          %dma_start3A_241 = arith.constant 0 : i32
          %dma_start3A_242 = tpu.memref_slice %arg13[%dma_start3A_240, %dma_start3A_241] : memref<10112x128xf32, #tpu.memory_space<vmem_shared>> -> memref<10112x128xf32, #tpu.memory_space<vmem_shared>>
          tpu.enqueue_indirect_dma source(%arg12 : memref<128x128xf32, #tpu.memory_space<vmem>>) target(%dma_start3A_242 : memref<10112x128xf32, #tpu.memory_space<vmem_shared>>) offsets(%dma_start3A_239 : memref<128xi32, #tpu.memory_space<vmem>>) semaphore(%run_scoped3A : memref<!tpu.dma_semaphore, #tpu.memory_space<semaphore_mem>>) {add = true}
          %dma_wait3A_243 = arith.constant 0 : i32
          %dma_wait3A_244 = tpu.memref_slice %arg10[%add3A_229, %dma_wait3A_243] : memref<8x128xi32, #tpu.memory_space<vmem>> -> memref<1x128xi32, #tpu.memory_space<vmem>>
          %dma_wait3A_245 = tpu.memref_squeeze %dma_wait3A_244 : memref<1x128xi32, #tpu.memory_space<vmem>> -> memref<128xi32, #tpu.memory_space<vmem>>
          %dma_wait3A_246 = arith.constant 0 : i32
          %dma_wait3A_247 = arith.constant 0 : i32
          %dma_wait3A_248 = tpu.memref_slice %arg13[%dma_wait3A_246, %dma_wait3A_247] : memref<10112x128xf32, #tpu.memory_space<vmem_shared>> -> memref<10112x128xf32, #tpu.memory_space<vmem_shared>>
          tpu.wait_indirect_dma semaphore(%run_scoped3A : memref<!tpu.dma_semaphore, #tpu.memory_space<semaphore_mem>>) src(%arg12 : memref<128x128xf32, #tpu.memory_space<vmem>>) dst(%dma_wait3A_248 : memref<10112x128xf32, #tpu.memory_space<vmem_shared>>)
          tpu.yield
        }) : () -> ()
        %add3A_230 = arith.constant 3 : i32
        %add3A_231 = arith.addi %mul3A_209, %add3A_230 : i32
        %lt3A_232 = arith.constant 8 : i32
        %lt3A_233 = arith.cmpi slt, %add3A_231, %lt3A_232 : i32
        %convert_element_type3A_234 = arith.extui %lt3A_233 : i1 to i32
        %cond3A_235 = arith.constant 0 : i32
        %cond3A_236 = arith.cmpi ne, %convert_element_type3A_234, %cond3A_235 : i32
        scf.if %cond3A_236 {
          %add3A_237 = arith.constant 3 : i32
          %add3A_238 = arith.addi %mul3A_209, %add3A_237 : i32
          %dma_start3A_239 = arith.constant 0 : i32
          %dma_start3A_240 = tpu.memref_slice %arg8[%add3A_238, %dma_start3A_239] : memref<8x128xi32, #tpu.memory_space<vmem>> -> memref<1x128xi32, #tpu.memory_space<vmem>>
          %dma_start3A_241 = tpu.memref_squeeze %dma_start3A_240 : memref<1x128xi32, #tpu.memory_space<vmem>> -> memref<128xi32, #tpu.memory_space<vmem>>
          %dma_start3A_242 = arith.constant 0 : i32
          %dma_start3A_243 = arith.constant 0 : i32
          %dma_start3A_244 = tpu.memref_slice %arg2[%dma_start3A_242, %dma_start3A_243] : memref<20000x128xf32, #tpu.memory_space<hbm>> -> memref<20000x128xf32, #tpu.memory_space<hbm>>
          tpu.enqueue_indirect_dma source(%dma_start3A_244 : memref<20000x128xf32, #tpu.memory_space<hbm>>) target(%arg12 : memref<128x128xf32, #tpu.memory_space<vmem>>) offsets(%dma_start3A_241 : memref<128xi32, #tpu.memory_space<vmem>>) semaphore(%arg15 : memref<!tpu.dma_semaphore, #tpu.memory_space<semaphore_mem>>)
        } else {
        }
      }
      %scan3A_176 = arith.constant 4 : i32
      %dma_wait3A_177 = arith.constant 0 : i32
      %dma_wait3A_178 = tpu.memref_slice %arg3[%add3A_160, %dma_wait3A_177] : memref<2560x128xi32, #tpu.memory_space<hbm>> -> memref<8x128xi32, #tpu.memory_space<hbm>>
      %dma_wait3A_179 = arith.constant 0 : i32
      %dma_wait3A_180 = tpu.memref_slice %arg3[%add3A_160, %dma_wait3A_179] : memref<2560x128xi32, #tpu.memory_space<hbm>> -> memref<8x128xi32, #tpu.memory_space<hbm>>
      tpu.wait_dma2 semaphore(%arg16 : memref<!tpu.dma_semaphore, #tpu.memory_space<semaphore_mem>>) src(%dma_wait3A_180 : memref<8x128xi32, #tpu.memory_space<hbm>>) dst(%arg7 : memref<8x128xi32, #tpu.memory_space<vmem>>)
      %dma_wait3A_181 = arith.constant 0 : i32
      %dma_wait3A_182 = tpu.memref_slice %arg4[%add3A_160, %dma_wait3A_181] : memref<2560x128xi32, #tpu.memory_space<hbm>> -> memref<8x128xi32, #tpu.memory_space<hbm>>
      %dma_wait3A_183 = arith.constant 0 : i32
      %dma_wait3A_184 = tpu.memref_slice %arg4[%add3A_160, %dma_wait3A_183] : memref<2560x128xi32, #tpu.memory_space<hbm>> -> memref<8x128xi32, #tpu.memory_space<hbm>>
      tpu.wait_dma2 semaphore(%arg16 : memref<!tpu.dma_semaphore, #tpu.memory_space<semaphore_mem>>) src(%dma_wait3A_184 : memref<8x128xi32, #tpu.memory_space<hbm>>) dst(%arg9 : memref<8x128xi32, #tpu.memory_space<vmem>>)
      %dma_start3A_185 = arith.constant 0 : i32
      %dma_start3A_186 = arith.constant 0 : i32
      %dma_start3A_187 = tpu.memref_slice %arg7[%dma_start3A_185, %dma_start3A_186] : memref<8x128xi32, #tpu.memory_space<vmem>> -> memref<1x128xi32, #tpu.memory_space<vmem>>
      %dma_start3A_188 = tpu.memref_squeeze %dma_start3A_187 : memref<1x128xi32, #tpu.memory_space<vmem>> -> memref<128xi32, #tpu.memory_space<vmem>>
      %dma_start3A_189 = arith.constant 0 : i32
      %dma_start3A_190 = arith.constant 0 : i32
      %dma_start3A_191 = tpu.memref_slice %arg2[%dma_start3A_189, %dma_start3A_190] : memref<20000x128xf32, #tpu.memory_space<hbm>> -> memref<20000x128xf32, #tpu.memory_space<hbm>>
      tpu.enqueue_indirect_dma source(%dma_start3A_191 : memref<20000x128xf32, #tpu.memory_space<hbm>>) target(%arg11 : memref<128x128xf32, #tpu.memory_space<vmem>>) offsets(%dma_start3A_188 : memref<128xi32, #tpu.memory_space<vmem>>) semaphore(%arg14 : memref<!tpu.dma_semaphore, #tpu.memory_space<semaphore_mem>>)
      %dma_start3A_192 = arith.constant 1 : i32
      %dma_start3A_193 = arith.constant 0 : i32
      %dma_start3A_194 = tpu.memref_slice %arg7[%dma_start3A_192, %dma_start3A_193] : memref<8x128xi32, #tpu.memory_space<vmem>> -> memref<1x128xi32, #tpu.memory_space<vmem>>
      %dma_start3A_195 = tpu.memref_squeeze %dma_start3A_194 : memref<1x128xi32, #tpu.memory_space<vmem>> -> memref<128xi32, #tpu.memory_space<vmem>>
      %dma_start3A_196 = arith.constant 0 : i32
      %dma_start3A_197 = arith.constant 0 : i32
      %dma_start3A_198 = tpu.memref_slice %arg2[%dma_start3A_196, %dma_start3A_197] : memref<20000x128xf32, #tpu.memory_space<hbm>> -> memref<20000x128xf32, #tpu.memory_space<hbm>>
      tpu.enqueue_indirect_dma source(%dma_start3A_198 : memref<20000x128xf32, #tpu.memory_space<hbm>>) target(%arg12 : memref<128x128xf32, #tpu.memory_space<vmem>>) offsets(%dma_start3A_195 : memref<128xi32, #tpu.memory_space<vmem>>) semaphore(%arg15 : memref<!tpu.dma_semaphore, #tpu.memory_space<semaphore_mem>>)
      %scan3A_199 = arith.constant 0 : i32
      %scan3A_200 = arith.constant 0 : i32
      %scan3A_201 = arith.constant 1 : i32
      %scan3A_202 = arith.constant 0 : i32
      %scan3A_203 = arith.constant 4 : i32
      %scan3A_204 = arith.addi %scan3A_202, %scan3A_203 : i32
      %scan3A_205 = arith.constant 1 : i32
      scf.for %scan3A_207 = %scan3A_202 to %scan3A_204 step %scan3A_205  : i32 {
        %mul3A_208 = arith.constant 2 : i32
        %mul3A_209 = arith.muli %mul3A_208, %scan3A_207 : i32
        %dma_wait3A_210 = arith.constant 0 : i32
        %dma_wait3A_211 = tpu.memref_slice %arg7[%scan3A_200, %dma_wait3A_210] : memref<8x128xi32, #tpu.memory_space<vmem>> -> memref<1x128xi32, #tpu.memory_space<vmem>>
        %dma_wait3A_212 = tpu.memref_squeeze %dma_wait3A_211 : memref<1x128xi32, #tpu.memory_space<vmem>> -> memref<128xi32, #tpu.memory_space<vmem>>
        %dma_wait3A_213 = arith.constant 0 : i32
        %dma_wait3A_214 = arith.constant 0 : i32
        %dma_wait3A_215 = tpu.memref_slice %arg2[%dma_wait3A_213, %dma_wait3A_214] : memref<20000x128xf32, #tpu.memory_space<hbm>> -> memref<20000x128xf32, #tpu.memory_space<hbm>>
        tpu.wait_indirect_dma semaphore(%arg14 : memref<!tpu.dma_semaphore, #tpu.memory_space<semaphore_mem>>) src(%dma_wait3A_215 : memref<20000x128xf32, #tpu.memory_space<hbm>>) dst(%arg11 : memref<128x128xf32, #tpu.memory_space<vmem>>)
        "tpu.region"() ({
          %run_scoped3A = tpu.sem_alloc : memref<!tpu.dma_semaphore, #tpu.memory_space<semaphore_mem>>
          %dma_start3A_237 = arith.constant 0 : i32
          %dma_start3A_238 = tpu.memref_slice %arg9[%mul3A_209, %dma_start3A_237] : memref<8x128xi32, #tpu.memory_space<vmem>> -> memref<1x128xi32, #tpu.memory_space<vmem>>
          %dma_start3A_239 = tpu.memref_squeeze %dma_start3A_238 : memref<1x128xi32, #tpu.memory_space<vmem>> -> memref<128xi32, #tpu.memory_space<vmem>>
          %dma_start3A_240 = arith.constant 0 : i32
          %dma_start3A_241 = arith.constant 0 : i32
          %dma_start3A_242 = tpu.memref_slice %arg13[%dma_start3A_240, %dma_start3A_241] : memref<10112x128xf32, #tpu.memory_space<vmem_shared>> -> memref<10112x128xf32, #tpu.memory_space<vmem_shared>>
          tpu.enqueue_indirect_dma source(%arg11 : memref<128x128xf32, #tpu.memory_space<vmem>>) target(%dma_start3A_242 : memref<10112x128xf32, #tpu.memory_space<vmem_shared>>) offsets(%dma_start3A_239 : memref<128xi32, #tpu.memory_space<vmem>>) semaphore(%run_scoped3A : memref<!tpu.dma_semaphore, #tpu.memory_space<semaphore_mem>>) {add = true}
          %dma_wait3A_243 = arith.constant 0 : i32
          %dma_wait3A_244 = tpu.memref_slice %arg9[%mul3A_209, %dma_wait3A_243] : memref<8x128xi32, #tpu.memory_space<vmem>> -> memref<1x128xi32, #tpu.memory_space<vmem>>
          %dma_wait3A_245 = tpu.memref_squeeze %dma_wait3A_244 : memref<1x128xi32, #tpu.memory_space<vmem>> -> memref<128xi32, #tpu.memory_space<vmem>>
          %dma_wait3A_246 = arith.constant 0 : i32
          %dma_wait3A_247 = arith.constant 0 : i32
          %dma_wait3A_248 = tpu.memref_slice %arg13[%dma_wait3A_246, %dma_wait3A_247] : memref<10112x128xf32, #tpu.memory_space<vmem_shared>> -> memref<10112x128xf32, #tpu.memory_space<vmem_shared>>
          tpu.wait_indirect_dma semaphore(%run_scoped3A : memref<!tpu.dma_semaphore, #tpu.memory_space<semaphore_mem>>) src(%arg11 : memref<128x128xf32, #tpu.memory_space<vmem>>) dst(%dma_wait3A_248 : memref<10112x128xf32, #tpu.memory_space<vmem_shared>>)
          tpu.yield
        }) : () -> ()
        %add3A_216 = arith.constant 2 : i32
        %add3A_217 = arith.addi %mul3A_209, %add3A_216 : i32
        %lt3A = arith.constant 8 : i32
        %lt3A_218 = arith.cmpi slt, %add3A_217, %lt3A : i32
        %convert_element_type3A_219 = arith.extui %lt3A_218 : i1 to i32
        %cond3A_220 = arith.constant 0 : i32
        %cond3A_221 = arith.cmpi ne, %convert_element_type3A_219, %cond3A_220 : i32
        scf.if %cond3A_221 {
          %add3A_237 = arith.constant 2 : i32
          %add3A_238 = arith.addi %mul3A_209, %add3A_237 : i32
          %dma_start3A_239 = arith.constant 0 : i32
          %dma_start3A_240 = tpu.memref_slice %arg7[%add3A_238, %dma_start3A_239] : memref<8x128xi32, #tpu.memory_space<vmem>> -> memref<1x128xi32, #tpu.memory_space<vmem>>
          %dma_start3A_241 = tpu.memref_squeeze %dma_start3A_240 : memref<1x128xi32, #tpu.memory_space<vmem>> -> memref<128xi32, #tpu.memory_space<vmem>>
          %dma_start3A_242 = arith.constant 0 : i32
          %dma_start3A_243 = arith.constant 0 : i32
          %dma_start3A_244 = tpu.memref_slice %arg2[%dma_start3A_242, %dma_start3A_243] : memref<20000x128xf32, #tpu.memory_space<hbm>> -> memref<20000x128xf32, #tpu.memory_space<hbm>>
          tpu.enqueue_indirect_dma source(%dma_start3A_244 : memref<20000x128xf32, #tpu.memory_space<hbm>>) target(%arg11 : memref<128x128xf32, #tpu.memory_space<vmem>>) offsets(%dma_start3A_241 : memref<128xi32, #tpu.memory_space<vmem>>) semaphore(%arg14 : memref<!tpu.dma_semaphore, #tpu.memory_space<semaphore_mem>>)
        } else {
        }
        %dma_wait3A_222 = arith.constant 0 : i32
        %dma_wait3A_223 = tpu.memref_slice %arg7[%scan3A_201, %dma_wait3A_222] : memref<8x128xi32, #tpu.memory_space<vmem>> -> memref<1x128xi32, #tpu.memory_space<vmem>>
        %dma_wait3A_224 = tpu.memref_squeeze %dma_wait3A_223 : memref<1x128xi32, #tpu.memory_space<vmem>> -> memref<128xi32, #tpu.memory_space<vmem>>
        %dma_wait3A_225 = arith.constant 0 : i32
        %dma_wait3A_226 = arith.constant 0 : i32
        %dma_wait3A_227 = tpu.memref_slice %arg2[%dma_wait3A_225, %dma_wait3A_226] : memref<20000x128xf32, #tpu.memory_space<hbm>> -> memref<20000x128xf32, #tpu.memory_space<hbm>>
        tpu.wait_indirect_dma semaphore(%arg15 : memref<!tpu.dma_semaphore, #tpu.memory_space<semaphore_mem>>) src(%dma_wait3A_227 : memref<20000x128xf32, #tpu.memory_space<hbm>>) dst(%arg12 : memref<128x128xf32, #tpu.memory_space<vmem>>)
        %add3A_228 = arith.constant 1 : i32
        %add3A_229 = arith.addi %mul3A_209, %add3A_228 : i32
        "tpu.region"() ({
          %run_scoped3A = tpu.sem_alloc : memref<!tpu.dma_semaphore, #tpu.memory_space<semaphore_mem>>
          %dma_start3A_237 = arith.constant 0 : i32
          %dma_start3A_238 = tpu.memref_slice %arg9[%add3A_229, %dma_start3A_237] : memref<8x128xi32, #tpu.memory_space<vmem>> -> memref<1x128xi32, #tpu.memory_space<vmem>>
          %dma_start3A_239 = tpu.memref_squeeze %dma_start3A_238 : memref<1x128xi32, #tpu.memory_space<vmem>> -> memref<128xi32, #tpu.memory_space<vmem>>
          %dma_start3A_240 = arith.constant 0 : i32
          %dma_start3A_241 = arith.constant 0 : i32
          %dma_start3A_242 = tpu.memref_slice %arg13[%dma_start3A_240, %dma_start3A_241] : memref<10112x128xf32, #tpu.memory_space<vmem_shared>> -> memref<10112x128xf32, #tpu.memory_space<vmem_shared>>
          tpu.enqueue_indirect_dma source(%arg12 : memref<128x128xf32, #tpu.memory_space<vmem>>) target(%dma_start3A_242 : memref<10112x128xf32, #tpu.memory_space<vmem_shared>>) offsets(%dma_start3A_239 : memref<128xi32, #tpu.memory_space<vmem>>) semaphore(%run_scoped3A : memref<!tpu.dma_semaphore, #tpu.memory_space<semaphore_mem>>) {add = true}
          %dma_wait3A_243 = arith.constant 0 : i32
          %dma_wait3A_244 = tpu.memref_slice %arg9[%add3A_229, %dma_wait3A_243] : memref<8x128xi32, #tpu.memory_space<vmem>> -> memref<1x128xi32, #tpu.memory_space<vmem>>
          %dma_wait3A_245 = tpu.memref_squeeze %dma_wait3A_244 : memref<1x128xi32, #tpu.memory_space<vmem>> -> memref<128xi32, #tpu.memory_space<vmem>>
          %dma_wait3A_246 = arith.constant 0 : i32
          %dma_wait3A_247 = arith.constant 0 : i32
          %dma_wait3A_248 = tpu.memref_slice %arg13[%dma_wait3A_246, %dma_wait3A_247] : memref<10112x128xf32, #tpu.memory_space<vmem_shared>> -> memref<10112x128xf32, #tpu.memory_space<vmem_shared>>
          tpu.wait_indirect_dma semaphore(%run_scoped3A : memref<!tpu.dma_semaphore, #tpu.memory_space<semaphore_mem>>) src(%arg12 : memref<128x128xf32, #tpu.memory_space<vmem>>) dst(%dma_wait3A_248 : memref<10112x128xf32, #tpu.memory_space<vmem_shared>>)
          tpu.yield
        }) : () -> ()
        %add3A_230 = arith.constant 3 : i32
        %add3A_231 = arith.addi %mul3A_209, %add3A_230 : i32
        %lt3A_232 = arith.constant 8 : i32
        %lt3A_233 = arith.cmpi slt, %add3A_231, %lt3A_232 : i32
        %convert_element_type3A_234 = arith.extui %lt3A_233 : i1 to i32
        %cond3A_235 = arith.constant 0 : i32
        %cond3A_236 = arith.cmpi ne, %convert_element_type3A_234, %cond3A_235 : i32
        scf.if %cond3A_236 {
          %add3A_237 = arith.constant 3 : i32
          %add3A_238 = arith.addi %mul3A_209, %add3A_237 : i32
          %dma_start3A_239 = arith.constant 0 : i32
          %dma_start3A_240 = tpu.memref_slice %arg7[%add3A_238, %dma_start3A_239] : memref<8x128xi32, #tpu.memory_space<vmem>> -> memref<1x128xi32, #tpu.memory_space<vmem>>
          %dma_start3A_241 = tpu.memref_squeeze %dma_start3A_240 : memref<1x128xi32, #tpu.memory_space<vmem>> -> memref<128xi32, #tpu.memory_space<vmem>>
          %dma_start3A_242 = arith.constant 0 : i32
          %dma_start3A_243 = arith.constant 0 : i32
          %dma_start3A_244 = tpu.memref_slice %arg2[%dma_start3A_242, %dma_start3A_243] : memref<20000x128xf32, #tpu.memory_space<hbm>> -> memref<20000x128xf32, #tpu.memory_space<hbm>>
          tpu.enqueue_indirect_dma source(%dma_start3A_244 : memref<20000x128xf32, #tpu.memory_space<hbm>>) target(%arg12 : memref<128x128xf32, #tpu.memory_space<vmem>>) offsets(%dma_start3A_241 : memref<128xi32, #tpu.memory_space<vmem>>) semaphore(%arg15 : memref<!tpu.dma_semaphore, #tpu.memory_space<semaphore_mem>>)
        } else {
        }
      }
      %scan3A_206 = arith.constant 4 : i32
    } else {
    }
    %barrier3A_8 = arith.constant 0 : index
    tpu.barrier barrier_id(%barrier3A_8)
    "tpu.region"() ({
      %run_scoped3A = tpu.sem_alloc : memref<!tpu.dma_semaphore, #tpu.memory_space<semaphore_mem>>
      %dma_start3A = arith.constant 0 : i32
      %dma_start3A_9 = tpu.memref_slice %arg6[%arg0, %mul3A_0, %dma_start3A] : memref<2x10112x128xf32, #tpu.memory_space<hbm>> -> memref<1x632x128xf32, #tpu.memory_space<hbm>>
      %dma_start3A_10 = tpu.memref_squeeze %dma_start3A_9 : memref<1x632x128xf32, #tpu.memory_space<hbm>> -> memref<632x128xf32, #tpu.memory_space<hbm>>
      %dma_start3A_11 = arith.constant 0 : i32
      %dma_start3A_12 = tpu.memref_slice %arg13[%mul3A_0, %dma_start3A_11] : memref<10112x128xf32, #tpu.memory_space<vmem_shared>> -> memref<632x128xf32, #tpu.memory_space<vmem_shared>>
      tpu.enqueue_dma source(%dma_start3A_12 : memref<632x128xf32, #tpu.memory_space<vmem_shared>>) target(%dma_start3A_10 : memref<632x128xf32, #tpu.memory_space<hbm>>) target_semaphore(%run_scoped3A : memref<!tpu.dma_semaphore, #tpu.memory_space<semaphore_mem>>)
      %dma_wait3A = arith.constant 0 : i32
      %dma_wait3A_13 = tpu.memref_slice %arg6[%arg0, %mul3A_0, %dma_wait3A] : memref<2x10112x128xf32, #tpu.memory_space<hbm>> -> memref<1x632x128xf32, #tpu.memory_space<hbm>>
      %dma_wait3A_14 = tpu.memref_squeeze %dma_wait3A_13 : memref<1x632x128xf32, #tpu.memory_space<hbm>> -> memref<632x128xf32, #tpu.memory_space<hbm>>
      %dma_wait3A_15 = arith.constant 0 : i32
      %dma_wait3A_16 = tpu.memref_slice %arg13[%mul3A_0, %dma_wait3A_15] : memref<10112x128xf32, #tpu.memory_space<vmem_shared>> -> memref<632x128xf32, #tpu.memory_space<vmem_shared>>
      tpu.wait_dma2 semaphore(%run_scoped3A : memref<!tpu.dma_semaphore, #tpu.memory_space<semaphore_mem>>) src(%dma_wait3A_16 : memref<632x128xf32, #tpu.memory_space<vmem_shared>>) dst(%dma_wait3A_14 : memref<632x128xf32, #tpu.memory_space<hbm>>)
      tpu.yield
    }) : () -> ()
    return
  }
}

module attributes {stable_mosaic.version = 14 : i64} {
  func.func @body(%arg0: i32, %arg1: memref<1xf32, #tpu.memory_space<smem>>, %arg2: memref<2000x128xf32, #tpu.memory_space<vmem>>, %arg3: memref<2000x128xf32, #tpu.memory_space<vmem>>, %arg4: memref<2000x128xf32, #tpu.memory_space<vmem>>, %arg5: memref<2000x128xf32, #tpu.memory_space<vmem>>) attributes {dimension_semantics = [#tpu.dimension_semantics<arbitrary>], iteration_bounds = array<i64: 5>, scalar_prefetch = 0 : i64, scratch_operands = 0 : i64, tpu.core_type = #tpu.core_type<tc>, window_params = [{transform_indices = @transform_0, window_bounds = array<i64: 1>}, {transform_indices = @transform_1, window_bounds = array<i64: 2000, 128>}, {transform_indices = @transform_2, window_bounds = array<i64: 2000, 128>}, {transform_indices = @transform_3, window_bounds = array<i64: 2000, 128>}, {transform_indices = @transform_4, window_bounds = array<i64: 2000, 128>}]} {
    %get3A = arith.constant 0 : index
    %get3A_0 = memref.load %arg1[%get3A] : memref<1xf32, #tpu.memory_space<smem>>
    %add3A = arith.constant 1.000000e+00 : f32
    %add3A_1 = arith.addf %add3A, %get3A_0 : f32
    %get3A_2 = arith.constant 0 : index
    %get3A_3 = arith.constant 0 : index
    %get3A_4 = vector.load %arg2[%get3A_2, %get3A_3] : memref<2000x128xf32, #tpu.memory_space<vmem>>, vector<2000x128xf32>
    %mul3A = vector.broadcast %add3A_1 : f32 to vector<2000x128xf32>
    %mul3A_5 = arith.mulf %mul3A, %get3A_4 : vector<2000x128xf32>
    %get3A_6 = arith.constant 0 : index
    %get3A_7 = arith.constant 0 : index
    %get3A_8 = vector.load %arg3[%get3A_6, %get3A_7] : memref<2000x128xf32, #tpu.memory_space<vmem>>, vector<2000x128xf32>
    %add3A_9 = arith.addf %mul3A_5, %get3A_8 : vector<2000x128xf32>
    %get3A_10 = arith.constant 0 : index
    %get3A_11 = arith.constant 0 : index
    %get3A_12 = vector.load %arg4[%get3A_10, %get3A_11] : memref<2000x128xf32, #tpu.memory_space<vmem>>, vector<2000x128xf32>
    %add3A_13 = arith.addf %add3A_9, %get3A_12 : vector<2000x128xf32>
    %swap3A = arith.constant 0 : index
    %swap3A_14 = arith.constant 0 : index
    %swap3A_15 = vector.load %arg5[%swap3A, %swap3A_14] : memref<2000x128xf32, #tpu.memory_space<vmem>>, vector<2000x128xf32>
    tpu.vector_store %arg5[%swap3A, %swap3A_14], %add3A_13 {strides = array<i32>} : memref<2000x128xf32, #tpu.memory_space<vmem>>, vector<2000x128xf32>,
    return
  }
  func.func @transform_0(%arg0: i32) -> i32 {
    %c0_i32 = arith.constant 0 : i32
    %c0_i32_0 = arith.constant 0 : i32
    return %c0_i32 : i32
  }
  func.func @transform_1(%arg0: i32) -> (i32, i32) {
    %c0_i32 = arith.constant 0 : i32
    %c0_i32_0 = arith.constant 0 : i32
    return %arg0, %c0_i32 : i32, i32
  }
  func.func @transform_2(%arg0: i32) -> (i32, i32) {
    %c0_i32 = arith.constant 0 : i32
    %c0_i32_0 = arith.constant 0 : i32
    return %arg0, %c0_i32 : i32, i32
  }
  func.func @transform_3(%arg0: i32) -> (i32, i32) {
    %c0_i32 = arith.constant 0 : i32
    %c0_i32_0 = arith.constant 0 : i32
    return %arg0, %c0_i32 : i32, i32
  }
  func.func @transform_4(%arg0: i32) -> (i32, i32) {
    %c0_i32 = arith.constant 0 : i32
    %c0_i32_0 = arith.constant 0 : i32
    return %arg0, %c0_i32 : i32, i32
  }
}

</mosaic_0001>

<sc_bundles>
// kernel: kernel.4.cloned.1.call-start
scs
__scs_entry_jumppad:
0x0: {  	(pc) =	sbr.rel $0x88, $3  }
0x1: {  	(tag) =	ssettag $0x0;
	lr =	simm.s32 $0x1  }
0x2: {  	[smem:$0x3F9E] =	sst lr;
	_ =	strace $0xD0000000  }
0x3: {  	_ = 	snop  }
0x4: {  	_ = 	snop  }
0x5: {  	_ = 	snop  }
0x6: {  	_ = 	snop  }
0x7: {  	_ = 	snop  }
__scs_overlays_trampoline_lowered:
0x8: {  	[smem:$0x3FAD] =	sst s0  }
0x9: {  	[smem:$0x3FAE] =	sst s1  }
0xa: {  	[smem:$0x3FAF] =	sst s2  }
0xb: {  	[smem:$0x3FB0] =	sst s3  }
0xc: {  	[smem:$0x3FB1] =	sst s4  }
0xd: {  	[smem:$0x3FB2] =	sst s5  }
0xe: {  	[smem:$0x3FB3] =	sst s6  }
0xf: {  	[smem:$0x3FB4] =	sst s7  }
0x10: {  	[smem:$0x3FB5] =	sst s8  }
0x11: {  	[smem:$0x3FB6] =	sst s9;
	s0 =	simm.s32 @!p0 $0x0  }
0x12: {  	s1 =	sld [smem:$0x3F9C];
	s0 =	simm.s32 @p0 $0x1  }
0x13: {  	[smem:$0x3FB7] =	sst s0;
	s0 =	simm.s32 @!p1 $0x0  }
0x14: {  	s2 =	sld [smem:$0x3F9B];
	s0 =	simm.s32 @p1 $0x1  }
0x15: {  	[smem:$0x3FB8] =	sst s0;
	s0 =	simm.s32 @!p2 $0x0  }
0x16: {  	s3 =	sld [smem:$0x3FDB];
	s0 =	simm.s32 @p2 $0x1  }
0x17: {  	s4 =	simm.s32 $0x1BF5;
	[smem:$0x3FBA] =	sst s0  }
0x18: {  	s0 =	sld [smem:$0x3F9D];
	_ =	swait.ge [sflag:s4], $0x0  }
0x19: {  	s7 =	sld [smem:$0x3F9E]  }
0x1a: {  	s8 =	sadd.s32 $0xFFFFE003, lr  }
0x1b: {  	s9 =	sadd.s32 $0xFFFFFEF7, lr;
	s5 =	simm.s32 $0xFFFFFFFF;
	p2 =	slt.u32 s8, $0xFFFFF086  }
0x1c: {  	p1 =	slt.u32 s9, $0xF7A;
	s5 =	simm.s32 @!p2 $0x0  }
0x1d: {  	s5 =	simm.s32 @p1 $0x1;
	p0 =	seq.s32 s7, s2  }
0x1e: {  	s7 =	smul.u32 @!p0 $0xF7A, s2;
	p2 =	seq.s32 @!p0 s5, $0x0  }
0x1f: {  	s9 =	smul.u32 $0xF7A, s1;
	s8 =	simm.s32 @!p0 $0x1BF5;
	p2 =	por !p2, p0  }
0x20: {  	[sflag:s8] =	ssyncset.s32 @!p0 $0xFFFFF086;
	s6 =	sadd.s32 @!p0 s3, s7;
	s7 =	simm.s32 @!p0 $0x108  }
0x21: {  	s3 =	sadd.s32 s3, s9;
	s6 =	sadd.s32 @!p0 $0x88, s6;
	s7 =	simm.s32 @p2 $0x1082  }
0x22: {  	[simem:s7], [sflag:s8] =	dma.local @!p0 [hbm:s6], $0xF7A  }
0x23: {  	s9 =	sor.u32 $0xD0000000, s2;
	s6 =	simm.s32 $0x108;
	_ =	swait.ge @!p0 [sflag:s8], $0x0  }
0x24: {  	s3 =	sadd.s32 $0x88, s3;
	s6 =	simm.s32 @!p1 $0x1082;
	[sflag:s4] =	ssyncset.s32 $0xFFFFF086  }
0x25: {  	[simem:s6], [sflag:s4] =	dma.local [hbm:s3], $0xF7A  }
0x26: {  	[smem:$0x3F9E] =	sst s1;
	(tag) =	ssettag s2;
	_ =	strace s9  }
0x27: {  	s1 =	sld [smem:$0x3FAE]  }
0x28: {  	s2 =	sld [smem:$0x3FAF]  }
0x29: {  	s4 =	sld [smem:$0x3FB1]  }
0x2a: {  	p0 =	seq.s32 s5, $0x0;
	s5 =	sld [smem:$0x3FB2]  }
0x2b: {  	s6 =	sld [smem:$0x3FB3]  }
0x2c: {  	s7 =	sld [smem:$0x3FB4]  }
0x2d: {  	s3 =	simm.s32 $0x108;
	s8 =	sld [smem:$0x3FB5]  }
0x2e: {  	s3 =	simm.s32 @!p0 $0x1082;
	s9 =	sld [smem:$0x3FB6]  }
0x2f: {  	lr =	sadd.s32 s0, s3;
	s0 =	sld [smem:$0x3FAD]  }
0x30: {  	s3 =	sld [smem:$0x3FB0]  }
0x31: {  	[smem:$0x3FB9] =	sst s10  }
0x32: {  	s10 =	sld [smem:$0x3FB7];
	_ =	sdelay $0x3  }
0x33: {  	p0 =	seq.s32 s10, $0x1;
	s10 =	sld [smem:$0x3FB9];
	_ =	sdelay $0x3  }
0x34: {  	[smem:$0x3FB9] =	sst s10  }
0x35: {  	s10 =	sld [smem:$0x3FB8];
	_ =	sdelay $0x3  }
0x36: {  	p1 =	seq.s32 s10, $0x1;
	s10 =	sld [smem:$0x3FB9];
	_ =	sdelay $0x3  }
0x37: {  	[smem:$0x3FB9] =	sst s10  }
0x38: {  	s10 =	sld [smem:$0x3FBA]  }
0x39: {  	_ = 	snop;
	(pc) =	sbr.ind lr, $3  }
0x3a: {  	_ = 	snop  }
0x3b: {  	_ = 	snop  }
0x3c: {  	p2 =	seq.s32 s10, $0x1;
	s10 =	sld [smem:$0x3FB9]  }
0x3d: {  	_ =	shalt  }
0x3e: {  	_ =	shalt  }
0x3f: {  	_ =	shalt  }
0x40: {  	_ =	shalt  }
0x41: {  	_ =	shalt  }
0x42: {  	_ =	shalt  }
0x43: {  	_ =	shalt  }
0x44: {  	_ =	shalt  }
0x45: {  	_ =	shalt  }
0x46: {  	_ =	shalt  }
0x47: {  	_ =	shalt  }
0x48: {  	_ =	shalt  }
0x49: {  	_ =	shalt  }
0x4a: {  	_ =	shalt  }
0x4b: {  	_ =	shalt  }
0x4c: {  	_ =	shalt  }
0x4d: {  	_ =	shalt  }
0x4e: {  	_ =	shalt  }
0x4f: {  	_ =	shalt  }
0x50: {  	_ =	shalt  }
0x51: {  	_ =	shalt  }
0x52: {  	_ =	shalt  }
0x53: {  	_ =	shalt  }
0x54: {  	_ =	shalt  }
0x55: {  	_ =	shalt  }
0x56: {  	_ =	shalt  }
0x57: {  	_ =	shalt  }
0x58: {  	_ =	shalt  }
0x59: {  	_ =	shalt  }
0x5a: {  	_ =	shalt  }
0x5b: {  	_ =	shalt  }
0x5c: {  	_ =	shalt  }
0x5d: {  	_ =	shalt  }
0x5e: {  	_ =	shalt  }
0x5f: {  	_ =	shalt  }
0x60: {  	_ =	shalt  }
0x61: {  	_ =	shalt  }
0x62: {  	_ =	shalt  }
0x63: {  	_ =	shalt  }
0x64: {  	_ =	shalt  }
0x65: {  	_ =	shalt  }
0x66: {  	_ =	shalt  }
0x67: {  	_ =	shalt  }
0x68: {  	_ =	shalt  }
0x69: {  	_ =	shalt  }
0x6a: {  	_ =	shalt  }
0x6b: {  	_ =	shalt  }
0x6c: {  	_ =	shalt  }
0x6d: {  	_ =	shalt  }
0x6e: {  	_ =	shalt  }
0x6f: {  	_ =	shalt  }
0x70: {  	_ =	shalt  }
0x71: {  	_ =	shalt  }
0x72: {  	_ =	shalt  }
0x73: {  	_ =	shalt  }
0x74: {  	_ =	shalt  }
0x75: {  	_ =	shalt  }
0x76: {  	_ =	shalt  }
0x77: {  	_ =	shalt  }
0x78: {  	_ =	shalt  }
0x79: {  	_ =	shalt  }
0x7a: {  	_ =	shalt  }
0x7b: {  	_ =	shalt  }
0x7c: {  	_ =	shalt  }
0x7d: {  	_ =	shalt  }
0x7e: {  	_ =	shalt  }
0x7f: {  	_ =	shalt  }
0x80: {  	_ =	shalt  }
0x81: {  	_ =	shalt  }
0x82: {  	_ =	shalt  }
0x83: {  	_ =	shalt  }
0x84: {  	_ =	shalt  }
0x85: {  	_ =	shalt  }
0x86: {  	_ =	shalt  }
0x87: {  	_ =	shalt  }
.Lfunc_end0:
.L_simem_size_0:
called_computation_lowered:
.L_overlay_start_0:
0x88: {  	s2 =	sld [smem:$0x3FD9]  }
0x89: {  	s3 =	sld [smem:$0x3FFE];
	_ =	sdelay $0x1  }
0x8a: {  	s1 =	srdreg.scid  }
0x8b: {  	s0 =	sand.u32 $0x1, s1  }
0x8c: {  	s17 =	sshll.u32 s0, $0xA;
	s2 =	sadd.s32 s3, s2  }
0x8d: {  	s2 =	sadd.s32 s2, s17  }
0x8e: {  	[smem:$0x3FC5] =	sst s2  }
0x8f: {  	_ = 	snop  }
0x90: {  	s2 =	sld [smem:$0x3FD0];
	(tm) =	ssettm $0x1  }
0x91: {  	s18 =	sld [smem:$0x3FFB];
	_ =	sdelay $0x3  }
0x92: {  	_ =	strace s18  }
0x93: {  	s3 =	sld [smem:$0x3FFC];
	_ =	sdelay $0x3  }
0x94: {  	_ =	strace s3  }
0x95: {  	s3 =	sld [smem:$0x3FFD];
	_ =	sdelay $0x3  }
0x96: {  	_ =	strace s3  }
0x97: {  	_ =	strace $0x8FFFFFFF  }
0x98: {  	s19 =	sld [smem:$0x3FDB];
	_ =	sdelay $0x1  }
0x99: {  	s4 =	simm.s32 $_scs_section_size  }
0x9a: {  	s5 =	simm.s32 $_size__tile_overlayer_lowered;
	s6 =	simm.s32 $_tile_overlayer_lowered  }
0x9b: {  	s22 =	simm.s32 $0x1BFF;
	s21 =	sshll.u32 s6, $0x1;
	s3 =	sadd.s32 s4, s19  }
0x9c: {  	s7 =	simm.s32 $0x0;
	s20 =	sshll.u32 s5, $0x1;
	s5 =	sadd.s32 s21, s3  }
0x9d: {  	[timem:s7], [sflag:s22] =	dma.local [hbm:s5], s20  }
0x9e: {  	_ =	swait.ge [sflag:s22], s20  }
0x9f: {  	s4 =	ssub.s32 $0x0, s20;
	[sflag:s22] =	ssyncset.done $0x0  }
0xa0: {  	[sflag:s22] =	ssyncadd.s32 s4;
	_ =	sdelay $0x1  }
0xa1: {  	s23 =	simm.s32 $0x1B8B  }
0xa2: {  	_ =	swait.ge [sflag:s23], $0x1  }
0xa3: {  	[sflag:s23] =	ssyncset.done $0x0  }
0xa4: {  	s25 =	simm.s32 $0x1B8E;
	s24 =	sld [smem:$0x3FFE];
	[sflag:s23] =	ssyncadd.s32 $0xFFFFFFFF  }
0xa5: {  	s26 =	simm.s32 $execute0_lowered;
	[smem:$0x3FD2] =	sst s25  }
0xa6: {  	s5 =	sshll.u32 s26, $0x1;
	_ =	strace $0x80000046;
	[dreg:$0x1] =	wrdreg $0xFFFFFFFF  }
0xa7: {  	s28 =	simm.s32 $_size_execute0_lowered;
	s3 =	sadd.s32 s3, s5;
	[dreg:$0x0] =	wrdreg $0x0  }
0xa8: {  	s5 =	sshll.u32 s28, $0x1;
	[dreg:$0x2] =	wrdreg s3  }
0xa9: {  	[dreg:$0x3] =	wrdreg s5  }
0xaa: {  	[dreg:$0x4] =	wrdreg $0xC0  }
0xab: {  	_ =	task [dreg:s7], $0x5FFFF  }
0xac: {  	[dreg:$0x1] =	wrdreg $0xFFFFFFFF  }
0xad: {  	[dreg:$0x0] =	wrdreg $0x60  }
0xae: {  	[dreg:$0x2] =	wrdreg s24  }
0xaf: {  	[dreg:$0x3] =	wrdreg s2  }
0xb0: {  	[dreg:$0x4] =	wrdreg $0x90000  }
0xb1: {  	[dreg:$0x5] =	wrdreg $0x9  }
0xb2: {  	_ =	task.clear_ibuf [dreg:s7], $0x6FFFF;
	_ =	strace $0x90000046  }
0xb3: {  	s29 =	simm.s32 $0x9;
	_ =	strace $0x80000048  }
0xb4: {  	_ =	swait.ge [sflag:s29], $0x1  }
0xb5: {  	[sflag:s29] =	ssyncadd.s32 $0xFFFFFFFF  }
0xb6: {  	_ =	strace $0x90000048  }
0xb7: {  	_ =	sfence  }
0xb8: {  	s30 =	sld [smem:$0x0];
	_ =	sdelay $0x2  }
0xb9: {  	s31 =	sshll.u32 s1, $0xD;
	s1 =	sshrl.u32 s1, $0x2  }
0xba: {  	s3 =	sand.u32 $0x4000, s31;
	s1 =	sadd.s32 s1, s30  }
0xbb: {  	s0 =	sor.u32 s3, s0;
	s1 =	sshll.u32 s1, $0x11  }
0xbc: {  	s0 =	sor.u32 s1, s0  }
0xbd: {  	s0 =	sadd.s32 $0x8F2B, s0  }
0xbe: {  	[sflag:s0] =	ssyncadd.remote.s32 $0x1  }
0xbf: {  	_ =	sfence.sel $0xFFFF  }
0xc0: {  	[dreg:$0x0] =	wrdreg $0xFFFFFFFF;
	(pc) =	sbr.abs _section_cstart, $3  }
0xc1: {  	[dreg:$0x1] =	wrdreg $0xFFFFFFFF  }
0xc2: {  	_ =	task.clear_ibuf [dreg:s7], $0x2FFFF;
	_ =	strace $0x9FFFFFFF  }
0xc3: {  	(tm) =	ssettm $0x7FFFFFFF  }
tec
execute0_lowered:
.L_overlay_start_1:
0x0: {  	(tag) =	ssettag $0x1  }
0x1: {  	s0 =	rddreg [dreg:$0x0]  }
0x2: {  	s11 =	rddreg [dreg:$0x1]  }
0x3: {  	s3 =	rddreg [dreg:$0x2]  }
0x4: {  	s10 =	stileid.u32;
	s1 =	srdreg.scid  }
0x5: {  	s20 =	simm.s32 $0x0;
	s30 =	simm.s32 $0x1;
	s29 =	simm.s32 $0xB80  }
0x6: {  	s31 =	simm.s32 $0x480;
	s2 =	smul.u32 $0x13C00, s10;
	s1 =	sand.u32 $0x1, s1  }
0x7: {  	[smem:$0x7FF] =	sst s20;
	s5 =	sadd.s32 $0x200, s0;
	s24 =	smul.u32 $0x4F000, s10  }
0x8: {  	s6 =	sadd.s32 $0x4E400, s0;
	s26 =	sshll.u32 s10, $0x6;
	s28 =	smul.u32 $0x780, s10  }
0x9: {  	s7 =	smul.u32 $0x13C000, s1;
	_ =	strace $0x80000047;
	s9 =	ssub.s32 $0x2, s1  }
0xa: {  	s13 =	sor.u32 $0x1C04, s26;
	p0 =	seq.s32 s1, $0x1;
	[smem:$0x7F7] =	sst s6  }
0xb: {  	s8 =	sshrl.u32 s2, $0x3;
	s25 =	sshrl.u32 s9, $0x1;
	s4 =	sadd.s32 s11, s28  }
0xc: {  	[dreg:$0x6] =	wrdreg s13;
	s2 =	sadd.s32 s2, s7;
	s7 =	sshrl.u32 s24, $0x2  }
0xd: {  	s8 =	sadd.s32 s8, s0;
	[dreg:$0x7] =	wrdreg s4;
	s7 =	sadd.s32 s7, s3  }
0xe: {  	s2 =	sshrl.u32 s2, $0x3;
	[dreg:$0x4] =	wrdreg s7;
	s7 =	smul.u32 $0x3C00, s10  }
0xf: {  	s8 =	sadd.s32 $0x58400, s8;
	s0 =	sadd.s32 s2, s0;
	s2 =	ssub.s32 s9, s25  }
0x10: {  	[dreg:$0x5] =	wrdreg s8;
	s9 =	sadd.s32 s6, s28;
	s1 =	sshrl.u32 s7, $0x3  }
0x11: {  	[dreg:$0x8] =	wrdreg s9;
	s0 =	sadd.s32 $0x7FC00, s0;
	s12 =	sadd.s32 $0x80, s1  }
0x12: {  	s9 =	simm.s32 $0x100;
	[smem:$0x7FD] =	sst s0;
	s14 =	sadd.s32 s11, s12  }
0x13: {  	s15 =	sadd.s32 $0x100, s1;
	s8 =	sadd.s32 s6, s12;
	[dreg:$0x9] =	wrdreg s14  }
0x14: {  	s17 =	sadd.s32 $0x180, s1;
	s16 =	sadd.s32 s11, s15;
	[dreg:$0xa] =	wrdreg s8  }
0x15: {  	s19 =	sadd.s32 $0x200, s1;
	s18 =	sadd.s32 s11, s17;
	[dreg:$0xb] =	wrdreg s16  }
0x16: {  	s22 =	sadd.s32 $0x280, s1;
	s21 =	sadd.s32 s11, s19;
	[dreg:$0xd] =	wrdreg s18  }
0x17: {  	s24 =	sadd.s32 $0x300, s1;
	s23 =	sadd.s32 s11, s22;
	[dreg:$0xf] =	wrdreg s21  }
0x18: {  	s26 =	sadd.s32 $0x380, s1;
	s25 =	sadd.s32 s11, s24;
	[dreg:$0x11] =	wrdreg s23  }
0x19: {  	s4 =	sadd.s32 $0x400, s1;
	s28 =	sadd.s32 s11, s26;
	[dreg:$0x13] =	wrdreg s25  }
0x1a: {  	s0 =	simm.s32 $0x2;
	s12 =	sadd.s32 s11, s4;
	[dreg:$0x15] =	wrdreg s28  }
0x1b: {  	s8 =	sadd.s32 s6, s15;
	[dreg:$0x17] =	wrdreg s12;
	s14 =	sadd.s32 $0x480, s1  }
0x1c: {  	s1 =	sadd.s32 $0x500, s1;
	s18 =	sadd.s32 $0x2C00, s7;
	[dreg:$0xc] =	wrdreg s8  }
0x1d: {  	s16 =	smul.u32 $0x1400, s10;
	s8 =	sadd.s32 s6, s17;
	[dreg:$0x1d] =	wrdreg s18  }
0x1e: {  	s10 =	simm.s32 $0x880;
	s15 =	sadd.s32 s11, s14;
	[dreg:$0xe] =	wrdreg s8  }
0x1f: {  	s12 =	simm.s32 $0x900;
	s17 =	sadd.s32 s11, s1;
	[dreg:$0x19] =	wrdreg s15  }
0x20: {  	s1 =	sadd.s32 s6, s1;
	s18 =	simm.s32 $0xC00;
	[dreg:$0x1b] =	wrdreg s17  }
0x21: {  	s8 =	sadd.s32 s6, s19;
	[dreg:$0x1c] =	wrdreg s1;
	s19 =	sadd.s32 $0x3000, s7  }
0x22: {  	s21 =	sshrl.u32 s16, $0x3;
	s25 =	sadd.s32 $0x3C800, s16;
	[dreg:$0x10] =	wrdreg s8  }
0x23: {  	s28 =	sadd.s32 $0x3D000, s16;
	s15 =	simm.s32 $0x980;
	[dreg:$0x1e] =	wrdreg s19  }
0x24: {  	s17 =	simm.s32 $0xA00;
	s8 =	sadd.s32 s6, s22;
	[smem:$0x7FA] =	sst s25  }
0x25: {  	s22 =	sadd.s32 $0x3400, s7;
	s7 =	sadd.s32 $0x3800, s7;
	[smem:$0x7FC] =	sst s28  }
0x26: {  	s1 =	sadd.s32 $0x7800, s21;
	s21 =	simm.s32 $0x4;
	[dreg:$0x12] =	wrdreg s8  }
0x27: {  	s19 =	simm.s32 $0x800;
	s25 =	simm.s32 $0x1000;
	[dreg:$0x1f] =	wrdreg s22  }
0x28: {  	s8 =	sadd.s32 s6, s24;
	[smem:$0x7F5] =	sst s7;
	s23 =	sadd.s32 s11, s1  }
0x29: {  	s1 =	sadd.s32 s6, s1;
	s24 =	sadd.s32 $0x3C400, s16;
	[dreg:$0x14] =	wrdreg s8  }
0x2a: {  	s11 =	simm.s32 $0x180;
	s7 =	simm.s32 $0x300;
	[smem:$0x7F6] =	sst s23  }
0x2b: {  	s22 =	simm.s32 $0xB00;
	s8 =	sadd.s32 s6, s26;
	[smem:$0x7F8] =	sst s1  }
0x2c: {  	[smem:$0x7F9] =	sst s24;
	s26 =	sadd.s32 $0x3CC00, s16;
	s23 =	simm.s32 $0x3  }
.Ltmp0:
0x2d: {  	s24 =	simm.s32 $0x80;
	[dreg:$0x16] =	wrdreg s8;
	(pc) =	sbr.rel .LBB2_1-.Ltmp0, $4  }
0x2e: {  	s16 =	simm.s32 $0x280;
	s8 =	sadd.s32 s6, s4;
	[smem:$0x7FB] =	sst s26  }
0x2f: {  	s4 =	smax.u32 s2, $0x1;
	s26 =	simm.s32 $0x5000;
	s2 =	simm.s32 $0x380  }
0x30: {  	[dreg:$0x18] =	wrdreg s8;
	s8 =	sadd.s32 s6, s14;
	s6 =	simm.s32 $0x400  }
0x31: {  	s14 =	simm.s32 $0x200;
	[dreg:$0x1a] =	wrdreg s8;
	s8 =	simm.s32 $0xA80  }
.LBB2_3:
0x32: {  	s1 =	sld [smem:$0x7F6]  }
0x33: {  	s22 =	sld [smem:$0x7F8]  }
0x34: {  	s13 =	sld [smem:$0x7F9];
	s29 =	simm.s32 $0x400;
	s2 =	simm.s32 $0x480  }
0x35: {  	s31 =	sld [smem:$0x7FA];
	s8 =	simm.s32 $0x300;
	s7 =	simm.s32 $0xA00  }
0x36: {  	s17 =	simm.s32 $0x980;
	s15 =	simm.s32 $0x900;
	s9 =	sld [smem:$0x7FB]  }
0x37: {  	s12 =	simm.s32 $0x180;
	s11 =	simm.s32 $0x880;
	s28 =	sld [smem:$0x7FC]  }
0x38: {  	s10 =	simm.s32 $0x100;
	s6 =	simm.s32 $0xB00;
	s4 =	sld [smem:$0x7F3]  }
0x39: {  	[tilespmem:s20], [sflag:$0x3] =	stream.linear.gather [hbm4b:s1+s20], $0x400, $0x38;
	[tilespmem:$0x1CC00] =	vst v63  }
0x3a: {  	s18 =	simm.s32 $0x280;
	s16 =	simm.s32 $0x200;
	[smem:$0x7F2] =	sst s28  }
0x3b: {  	[tilespmem:s19], [sflag:$0x3] =	stream.linear.gather [hbm4b:s22+s20], $0x400, $0x38;
	[tilespmem:$0x1CC00] =	vst v63  }
0x3c: {  	s19 =	simm.s32 $0x0;
	s22 =	simm.s32 $0xC00;
	s20 =	simm.s32 $0x800  }
.LBB2_4:
0x3d: {  	_ =	swait.ge [sflag:s23], $0x400  }
0x3e: {  	[sflag:s23] =	ssyncset.done $0x0  }
0x3f: {  	[sflag:s23] =	ssyncadd.s32 $0xFFFFFC00  }
0x40: {  	_ =	swait.ge [sflag:s23], $0x400  }
0x41: {  	[sflag:s23] =	ssyncset.done $0x0  }
0x42: {  	s28 =	sld [smem:$0x7F7];
	[sflag:s23] =	ssyncadd.s32 $0xFFFFFC00  }
0x43: {  	[tilespmem:s25], [sflag:$0x1] =	stream.indirect.gather [hbm4b:s5+s24], $0x80, s19, s24, $0xb8;
	[tilespmem:$0x1CC00] =	vst v63  }
0x44: {  	s13 =	sshrl.u32 s13, $0x3;
	s1 =	rddreg [dreg:$0x1]  }
0x45: {  	[tilespmem:s26], [sflag:$0x2] =	stream.indirect.gather [hbm4b:s5+s24], $0x80, s24, s24, $0xb8;
	[tilespmem:$0x1CC00] =	vst v63  }
0x46: {  	s14 =	sadd.s32 s1, s13  }
0x47: {  	[tilespmem:s29], [sflag:$0x3] =	stream.linear.gather [hbm4b:s14+s19], $0x400, $0x38;
	[tilespmem:$0x1CC00] =	vst v63  }
0x48: {  	s13 =	sadd.s32 s28, s13  }
0x49: {  	[tilespmem:s22], [sflag:$0x3] =	stream.linear.gather [hbm4b:s13+s19], $0x400, $0x38;
	[tilespmem:$0x1CC00] =	vst v63  }
0x4a: {  	_ =	swait.ge [sflag:s30], $0x4000  }
0x4b: {  	[sflag:s30] =	ssyncset.done $0x0  }
0x4c: {  	[sflag:s30] =	ssyncadd.s32 $0xFFFFC000  }
0x4d: {  	[spmem:s3] =	stream.indirect.scatter.add.f32 [tilespmem:s25], [sflag:$0x4], $0x80, s20, s24, $0xb8;
	[tilespmem:$0x1CC00] =	vst v63  }
0x4e: {  	_ =	swait.ge [sflag:s21], $0x4000  }
0x4f: {  	[sflag:s21] =	ssyncset.done $0x0  }
0x50: {  	[sflag:s21] =	ssyncadd.s32 $0xFFFFC000  }
0x51: {  	[tilespmem:s25], [sflag:$0x1] =	stream.indirect.gather [hbm4b:s5+s24], $0x80, s10, s24, $0xb8;
	[tilespmem:$0x1CC00] =	vst v63  }
0x52: {  	_ =	swait.ge [sflag:s0], $0x4000  }
0x53: {  	[sflag:s0] =	ssyncset.done $0x0  }
0x54: {  	[sflag:s0] =	ssyncadd.s32 $0xFFFFC000  }
0x55: {  	[spmem:s3] =	stream.indirect.scatter.add.f32 [tilespmem:s26], [sflag:$0x4], $0x80, s11, s24, $0xb8;
	[tilespmem:$0x1CC00] =	vst v63  }
0x56: {  	_ =	swait.ge [sflag:s21], $0x4000  }
0x57: {  	[sflag:s21] =	ssyncset.done $0x0  }
0x58: {  	[sflag:s21] =	ssyncadd.s32 $0xFFFFC000  }
0x59: {  	[tilespmem:s26], [sflag:$0x2] =	stream.indirect.gather [hbm4b:s5+s24], $0x80, s12, s24, $0xb8;
	[tilespmem:$0x1CC00] =	vst v63  }
0x5a: {  	_ =	swait.ge [sflag:s30], $0x4000  }
0x5b: {  	[sflag:s30] =	ssyncset.done $0x0  }
0x5c: {  	[sflag:s30] =	ssyncadd.s32 $0xFFFFC000  }
0x5d: {  	[spmem:s3] =	stream.indirect.scatter.add.f32 [tilespmem:s25], [sflag:$0x4], $0x80, s15, s24, $0xb8;
	[tilespmem:$0x1CC00] =	vst v63  }
0x5e: {  	_ =	swait.ge [sflag:s21], $0x4000  }
0x5f: {  	[sflag:s21] =	ssyncset.done $0x0  }
0x60: {  	[sflag:s21] =	ssyncadd.s32 $0xFFFFC000  }
0x61: {  	[tilespmem:s25], [sflag:$0x1] =	stream.indirect.gather [hbm4b:s5+s24], $0x80, s16, s24, $0xb8;
	[tilespmem:$0x1CC00] =	vst v63  }
0x62: {  	_ =	swait.ge [sflag:s0], $0x4000  }
0x63: {  	[sflag:s0] =	ssyncset.done $0x0  }
0x64: {  	[sflag:s0] =	ssyncadd.s32 $0xFFFFC000  }
0x65: {  	[spmem:s3] =	stream.indirect.scatter.add.f32 [tilespmem:s26], [sflag:$0x4], $0x80, s17, s24, $0xb8;
	[tilespmem:$0x1CC00] =	vst v63  }
0x66: {  	_ =	swait.ge [sflag:s21], $0x4000  }
0x67: {  	[sflag:s21] =	ssyncset.done $0x0  }
0x68: {  	[sflag:s21] =	ssyncadd.s32 $0xFFFFC000  }
0x69: {  	[tilespmem:s26], [sflag:$0x2] =	stream.indirect.gather [hbm4b:s5+s24], $0x80, s18, s24, $0xb8;
	[tilespmem:$0x1CC00] =	vst v63  }
0x6a: {  	_ =	swait.ge [sflag:s30], $0x4000  }
0x6b: {  	[sflag:s30] =	ssyncset.done $0x0  }
0x6c: {  	[sflag:s30] =	ssyncadd.s32 $0xFFFFC000  }
0x6d: {  	[spmem:s3] =	stream.indirect.scatter.add.f32 [tilespmem:s25], [sflag:$0x4], $0x80, s7, s24, $0xb8;
	[tilespmem:$0x1CC00] =	vst v63  }
0x6e: {  	_ =	swait.ge [sflag:s21], $0x4000  }
0x6f: {  	[sflag:s21] =	ssyncset.done $0x0  }
0x70: {  	[sflag:s21] =	ssyncadd.s32 $0xFFFFC000  }
0x71: {  	[tilespmem:s25], [sflag:$0x1] =	stream.indirect.gather [hbm4b:s5+s24], $0x80, s8, s24, $0xb8;
	[tilespmem:$0x1CC00] =	vst v63  }
0x72: {  	_ =	swait.ge [sflag:s0], $0x4000  }
0x73: {  	[sflag:s0] =	ssyncset.done $0x0  }
0x74: {  	s14 =	simm.s32 $0xA80;
	[sflag:s0] =	ssyncadd.s32 $0xFFFFC000  }
0x75: {  	[spmem:s3] =	stream.indirect.scatter.add.f32 [tilespmem:s26], [sflag:$0x4], $0x80, s14, s24, $0xb8;
	[tilespmem:$0x1CC00] =	vst v63  }
0x76: {  	_ =	swait.ge [sflag:s21], $0x4000  }
0x77: {  	[sflag:s21] =	ssyncset.done $0x0  }
0x78: {  	s14 =	simm.s32 $0x380;
	[sflag:s21] =	ssyncadd.s32 $0xFFFFC000  }
0x79: {  	[tilespmem:s26], [sflag:$0x2] =	stream.indirect.gather [hbm4b:s5+s24], $0x80, s14, s24, $0xb8;
	[tilespmem:$0x1CC00] =	vst v63  }
0x7a: {  	_ =	swait.ge [sflag:s30], $0x4000  }
0x7b: {  	[sflag:s30] =	ssyncset.done $0x0  }
0x7c: {  	[sflag:s30] =	ssyncadd.s32 $0xFFFFC000  }
0x7d: {  	[spmem:s3] =	stream.indirect.scatter.add.f32 [tilespmem:s25], [sflag:$0x4], $0x80, s6, s24, $0xb8;
	[tilespmem:$0x1CC00] =	vst v63  }
0x7e: {  	_ =	swait.ge [sflag:s21], $0x4000  }
0x7f: {  	[sflag:s21] =	ssyncset.done $0x0  }
0x80: {  	[sflag:s21] =	ssyncadd.s32 $0xFFFFC000  }
0x81: {  	_ =	swait.ge [sflag:s0], $0x4000  }
0x82: {  	[sflag:s0] =	ssyncset.done $0x0  }
0x83: {  	s14 =	simm.s32 $0xB80;
	[sflag:s0] =	ssyncadd.s32 $0xFFFFC000  }
0x84: {  	[spmem:s3] =	stream.indirect.scatter.add.f32 [tilespmem:s26], [sflag:$0x4], $0x80, s14, s24, $0xb8;
	[tilespmem:$0x1CC00] =	vst v63  }
0x85: {  	_ =	swait.ge [sflag:s21], $0x4000  }
0x86: {  	[sflag:s21] =	ssyncset.done $0x0  }
0x87: {  	[sflag:s21] =	ssyncadd.s32 $0xFFFFC000  }
0x88: {  	_ =	swait.ge [sflag:s23], $0x400  }
0x89: {  	[sflag:s23] =	ssyncset.done $0x0  }
0x8a: {  	[sflag:s23] =	ssyncadd.s32 $0xFFFFFC00  }
0x8b: {  	_ =	swait.ge [sflag:s23], $0x400  }
0x8c: {  	[sflag:s23] =	ssyncset.done $0x0  }
0x8d: {  	[sflag:s23] =	ssyncadd.s32 $0xFFFFFC00  }
0x8e: {  	[tilespmem:s25], [sflag:$0x1] =	stream.indirect.gather [hbm4b:s5+s24], $0x80, s29, s24, $0xb8;
	[tilespmem:$0x1CC00] =	vst v63  }
0x8f: {  	s13 =	sshrl.u32 s31, $0x3  }
0x90: {  	[tilespmem:s26], [sflag:$0x2] =	stream.indirect.gather [hbm4b:s5+s24], $0x80, s2, s24, $0xb8;
	[tilespmem:$0x1CC00] =	vst v63  }
0x91: {  	s14 =	sadd.s32 s1, s13  }
0x92: {  	[tilespmem:s19], [sflag:$0x3] =	stream.linear.gather [hbm4b:s14+s19], $0x400, $0x38;
	[tilespmem:$0x1CC00] =	vst v63  }
0x93: {  	s13 =	sadd.s32 s28, s13  }
0x94: {  	[tilespmem:s20], [sflag:$0x3] =	stream.linear.gather [hbm4b:s13+s19], $0x400, $0x38;
	[tilespmem:$0x1CC00] =	vst v63  }
0x95: {  	_ =	swait.ge [sflag:s30], $0x4000  }
0x96: {  	[sflag:s30] =	ssyncset.done $0x0  }
0x97: {  	[sflag:s30] =	ssyncadd.s32 $0xFFFFC000  }
0x98: {  	[spmem:s3] =	stream.indirect.scatter.add.f32 [tilespmem:s25], [sflag:$0x4], $0x80, s22, s24, $0xb8;
	[tilespmem:$0x1CC00] =	vst v63  }
0x99: {  	_ =	swait.ge [sflag:s21], $0x4000  }
0x9a: {  	[sflag:s21] =	ssyncset.done $0x0  }
0x9b: {  	s14 =	simm.s32 $0x500;
	[sflag:s21] =	ssyncadd.s32 $0xFFFFC000  }
0x9c: {  	[tilespmem:s25], [sflag:$0x1] =	stream.indirect.gather [hbm4b:s5+s24], $0x80, s14, s24, $0xb8;
	[tilespmem:$0x1CC00] =	vst v63  }
0x9d: {  	_ =	swait.ge [sflag:s0], $0x4000  }
0x9e: {  	[sflag:s0] =	ssyncset.done $0x0  }
0x9f: {  	s14 =	simm.s32 $0xC80;
	[sflag:s0] =	ssyncadd.s32 $0xFFFFC000  }
0xa0: {  	[spmem:s3] =	stream.indirect.scatter.add.f32 [tilespmem:s26], [sflag:$0x4], $0x80, s14, s24, $0xb8;
	[tilespmem:$0x1CC00] =	vst v63  }
0xa1: {  	_ =	swait.ge [sflag:s21], $0x4000  }
0xa2: {  	[sflag:s21] =	ssyncset.done $0x0  }
0xa3: {  	s14 =	simm.s32 $0x580;
	[sflag:s21] =	ssyncadd.s32 $0xFFFFC000  }
0xa4: {  	[tilespmem:s26], [sflag:$0x2] =	stream.indirect.gather [hbm4b:s5+s24], $0x80, s14, s24, $0xb8;
	[tilespmem:$0x1CC00] =	vst v63  }
0xa5: {  	_ =	swait.ge [sflag:s30], $0x4000  }
0xa6: {  	[sflag:s30] =	ssyncset.done $0x0  }
0xa7: {  	s14 =	simm.s32 $0xD00;
	[sflag:s30] =	ssyncadd.s32 $0xFFFFC000  }
0xa8: {  	[spmem:s3] =	stream.indirect.scatter.add.f32 [tilespmem:s25], [sflag:$0x4], $0x80, s14, s24, $0xb8;
	[tilespmem:$0x1CC00] =	vst v63  }
0xa9: {  	_ =	swait.ge [sflag:s21], $0x4000  }
0xaa: {  	[sflag:s21] =	ssyncset.done $0x0  }
0xab: {  	s14 =	simm.s32 $0x600;
	[sflag:s21] =	ssyncadd.s32 $0xFFFFC000  }
0xac: {  	[tilespmem:s25], [sflag:$0x1] =	stream.indirect.gather [hbm4b:s5+s24], $0x80, s14, s24, $0xb8;
	[tilespmem:$0x1CC00] =	vst v63  }
0xad: {  	_ =	swait.ge [sflag:s0], $0x4000  }
0xae: {  	[sflag:s0] =	ssyncset.done $0x0  }
0xaf: {  	s14 =	simm.s32 $0xD80;
	[sflag:s0] =	ssyncadd.s32 $0xFFFFC000  }
0xb0: {  	[spmem:s3] =	stream.indirect.scatter.add.f32 [tilespmem:s26], [sflag:$0x4], $0x80, s14, s24, $0xb8;
	[tilespmem:$0x1CC00] =	vst v63  }
0xb1: {  	_ =	swait.ge [sflag:s21], $0x4000  }
0xb2: {  	[sflag:s21] =	ssyncset.done $0x0  }
0xb3: {  	s14 =	simm.s32 $0x680;
	[sflag:s21] =	ssyncadd.s32 $0xFFFFC000  }
0xb4: {  	[tilespmem:s26], [sflag:$0x2] =	stream.indirect.gather [hbm4b:s5+s24], $0x80, s14, s24, $0xb8;
	[tilespmem:$0x1CC00] =	vst v63  }
0xb5: {  	_ =	swait.ge [sflag:s30], $0x4000  }
0xb6: {  	[sflag:s30] =	ssyncset.done $0x0  }
0xb7: {  	s14 =	simm.s32 $0xE00;
	[sflag:s30] =	ssyncadd.s32 $0xFFFFC000  }
0xb8: {  	[spmem:s3] =	stream.indirect.scatter.add.f32 [tilespmem:s25], [sflag:$0x4], $0x80, s14, s24, $0xb8;
	[tilespmem:$0x1CC00] =	vst v63  }
0xb9: {  	_ =	swait.ge [sflag:s21], $0x4000  }
0xba: {  	[sflag:s21] =	ssyncset.done $0x0  }
0xbb: {  	s14 =	simm.s32 $0x700;
	[sflag:s21] =	ssyncadd.s32 $0xFFFFC000  }
0xbc: {  	[tilespmem:s25], [sflag:$0x1] =	stream.indirect.gather [hbm4b:s5+s24], $0x80, s14, s24, $0xb8;
	[tilespmem:$0x1CC00] =	vst v63  }
0xbd: {  	_ =	swait.ge [sflag:s0], $0x4000  }
0xbe: {  	[sflag:s0] =	ssyncset.done $0x0  }
0xbf: {  	s14 =	simm.s32 $0xE80;
	[sflag:s0] =	ssyncadd.s32 $0xFFFFC000  }
0xc0: {  	[spmem:s3] =	stream.indirect.scatter.add.f32 [tilespmem:s26], [sflag:$0x4], $0x80, s14, s24, $0xb8;
	[tilespmem:$0x1CC00] =	vst v63  }
0xc1: {  	_ =	swait.ge [sflag:s21], $0x4000  }
0xc2: {  	[sflag:s21] =	ssyncset.done $0x0  }
0xc3: {  	s14 =	simm.s32 $0x780;
	[sflag:s21] =	ssyncadd.s32 $0xFFFFC000  }
0xc4: {  	[tilespmem:s26], [sflag:$0x2] =	stream.indirect.gather [hbm4b:s5+s24], $0x80, s14, s24, $0xb8;
	[tilespmem:$0x1CC00] =	vst v63  }
0xc5: {  	_ =	swait.ge [sflag:s30], $0x4000  }
0xc6: {  	[sflag:s30] =	ssyncset.done $0x0  }
0xc7: {  	s14 =	simm.s32 $0xF00;
	[sflag:s30] =	ssyncadd.s32 $0xFFFFC000  }
0xc8: {  	[spmem:s3] =	stream.indirect.scatter.add.f32 [tilespmem:s25], [sflag:$0x4], $0x80, s14, s24, $0xb8;
	[tilespmem:$0x1CC00] =	vst v63  }
0xc9: {  	_ =	swait.ge [sflag:s21], $0x4000  }
0xca: {  	[sflag:s21] =	ssyncset.done $0x0  }
0xcb: {  	[sflag:s21] =	ssyncadd.s32 $0xFFFFC000  }
0xcc: {  	_ =	swait.ge [sflag:s0], $0x4000  }
0xcd: {  	[sflag:s0] =	ssyncset.done $0x0  }
0xce: {  	s14 =	simm.s32 $0xF80;
	[sflag:s0] =	ssyncadd.s32 $0xFFFFC000  }
0xcf: {  	[spmem:s3] =	stream.indirect.scatter.add.f32 [tilespmem:s26], [sflag:$0x4], $0x80, s14, s24, $0xb8;
	[tilespmem:$0x1CC00] =	vst v63  }
0xd0: {  	_ =	swait.ge [sflag:s21], $0x4000  }
0xd1: {  	[sflag:s21] =	ssyncset.done $0x0  }
0xd2: {  	[sflag:s21] =	ssyncadd.s32 $0xFFFFC000  }
0xd3: {  	_ =	swait.ge [sflag:s23], $0x400  }
0xd4: {  	[sflag:s23] =	ssyncset.done $0x0  }
0xd5: {  	[sflag:s23] =	ssyncadd.s32 $0xFFFFFC00  }
0xd6: {  	_ =	swait.ge [sflag:s23], $0x400  }
0xd7: {  	[sflag:s23] =	ssyncset.done $0x0  }
0xd8: {  	[sflag:s23] =	ssyncadd.s32 $0xFFFFFC00  }
0xd9: {  	[tilespmem:s25], [sflag:$0x1] =	stream.indirect.gather [hbm4b:s5+s24], $0x80, s19, s24, $0xb8;
	[tilespmem:$0x1CC00] =	vst v63  }
0xda: {  	s9 =	sshrl.u32 s9, $0x3  }
0xdb: {  	[tilespmem:s26], [sflag:$0x2] =	stream.indirect.gather [hbm4b:s5+s24], $0x80, s24, s24, $0xb8;
	[tilespmem:$0x1CC00] =	vst v63  }
0xdc: {  	s14 =	sadd.s32 s1, s9  }
0xdd: {  	[tilespmem:s29], [sflag:$0x3] =	stream.linear.gather [hbm4b:s14+s19], $0x400, $0x38;
	[tilespmem:$0x1CC00] =	vst v63  }
0xde: {  	s9 =	sadd.s32 s28, s9  }
0xdf: {  	[tilespmem:s22], [sflag:$0x3] =	stream.linear.gather [hbm4b:s9+s19], $0x400, $0x38;
	[tilespmem:$0x1CC00] =	vst v63  }
0xe0: {  	_ =	swait.ge [sflag:s30], $0x4000  }
0xe1: {  	[sflag:s30] =	ssyncset.done $0x0  }
0xe2: {  	[sflag:s30] =	ssyncadd.s32 $0xFFFFC000  }
0xe3: {  	[spmem:s3] =	stream.indirect.scatter.add.f32 [tilespmem:s25], [sflag:$0x4], $0x80, s20, s24, $0xb8;
	[tilespmem:$0x1CC00] =	vst v63  }
0xe4: {  	_ =	swait.ge [sflag:s21], $0x4000  }
0xe5: {  	[sflag:s21] =	ssyncset.done $0x0  }
0xe6: {  	[sflag:s21] =	ssyncadd.s32 $0xFFFFC000  }
0xe7: {  	[tilespmem:s25], [sflag:$0x1] =	stream.indirect.gather [hbm4b:s5+s24], $0x80, s10, s24, $0xb8;
	[tilespmem:$0x1CC00] =	vst v63  }
0xe8: {  	_ =	swait.ge [sflag:s0], $0x4000  }
0xe9: {  	[sflag:s0] =	ssyncset.done $0x0  }
0xea: {  	[sflag:s0] =	ssyncadd.s32 $0xFFFFC000  }
0xeb: {  	[spmem:s3] =	stream.indirect.scatter.add.f32 [tilespmem:s26], [sflag:$0x4], $0x80, s11, s24, $0xb8;
	[tilespmem:$0x1CC00] =	vst v63  }
0xec: {  	_ =	swait.ge [sflag:s21], $0x4000  }
0xed: {  	[sflag:s21] =	ssyncset.done $0x0  }
0xee: {  	[sflag:s21] =	ssyncadd.s32 $0xFFFFC000  }
0xef: {  	[tilespmem:s26], [sflag:$0x2] =	stream.indirect.gather [hbm4b:s5+s24], $0x80, s12, s24, $0xb8;
	[tilespmem:$0x1CC00] =	vst v63  }
0xf0: {  	_ =	swait.ge [sflag:s30], $0x4000  }
0xf1: {  	[sflag:s30] =	ssyncset.done $0x0  }
0xf2: {  	[sflag:s30] =	ssyncadd.s32 $0xFFFFC000  }
0xf3: {  	[spmem:s3] =	stream.indirect.scatter.add.f32 [tilespmem:s25], [sflag:$0x4], $0x80, s15, s24, $0xb8;
	[tilespmem:$0x1CC00] =	vst v63  }
0xf4: {  	_ =	swait.ge [sflag:s21], $0x4000  }
0xf5: {  	[sflag:s21] =	ssyncset.done $0x0  }
0xf6: {  	[sflag:s21] =	ssyncadd.s32 $0xFFFFC000  }
0xf7: {  	[tilespmem:s25], [sflag:$0x1] =	stream.indirect.gather [hbm4b:s5+s24], $0x80, s16, s24, $0xb8;
	[tilespmem:$0x1CC00] =	vst v63  }
0xf8: {  	_ =	swait.ge [sflag:s0], $0x4000  }
0xf9: {  	[sflag:s0] =	ssyncset.done $0x0  }
0xfa: {  	[sflag:s0] =	ssyncadd.s32 $0xFFFFC000  }
0xfb: {  	[spmem:s3] =	stream.indirect.scatter.add.f32 [tilespmem:s26], [sflag:$0x4], $0x80, s17, s24, $0xb8;
	[tilespmem:$0x1CC00] =	vst v63  }
0xfc: {  	_ =	swait.ge [sflag:s21], $0x4000  }
0xfd: {  	[sflag:s21] =	ssyncset.done $0x0  }
0xfe: {  	[sflag:s21] =	ssyncadd.s32 $0xFFFFC000  }
0xff: {  	[tilespmem:s26], [sflag:$0x2] =	stream.indirect.gather [hbm4b:s5+s24], $0x80, s18, s24, $0xb8;
	[tilespmem:$0x1CC00] =	vst v63  }
0x100: {  	_ =	swait.ge [sflag:s30], $0x4000  }
0x101: {  	[sflag:s30] =	ssyncset.done $0x0  }
0x102: {  	[sflag:s30] =	ssyncadd.s32 $0xFFFFC000  }
0x103: {  	[spmem:s3] =	stream.indirect.scatter.add.f32 [tilespmem:s25], [sflag:$0x4], $0x80, s7, s24, $0xb8;
	[tilespmem:$0x1CC00] =	vst v63  }
0x104: {  	_ =	swait.ge [sflag:s21], $0x4000  }
0x105: {  	[sflag:s21] =	ssyncset.done $0x0  }
0x106: {  	[sflag:s21] =	ssyncadd.s32 $0xFFFFC000  }
0x107: {  	[tilespmem:s25], [sflag:$0x1] =	stream.indirect.gather [hbm4b:s5+s24], $0x80, s8, s24, $0xb8;
	[tilespmem:$0x1CC00] =	vst v63  }
0x108: {  	_ =	swait.ge [sflag:s0], $0x4000  }
0x109: {  	[sflag:s0] =	ssyncset.done $0x0  }
0x10a: {  	s14 =	simm.s32 $0xA80;
	[sflag:s0] =	ssyncadd.s32 $0xFFFFC000  }
0x10b: {  	[spmem:s3] =	stream.indirect.scatter.add.f32 [tilespmem:s26], [sflag:$0x4], $0x80, s14, s24, $0xb8;
	[tilespmem:$0x1CC00] =	vst v63  }
0x10c: {  	_ =	swait.ge [sflag:s21], $0x4000  }
0x10d: {  	[sflag:s21] =	ssyncset.done $0x0  }
0x10e: {  	s31 =	simm.s32 $0x380;
	[sflag:s21] =	ssyncadd.s32 $0xFFFFC000  }
0x10f: {  	[tilespmem:s26], [sflag:$0x2] =	stream.indirect.gather [hbm4b:s5+s24], $0x80, s31, s24, $0xb8;
	[tilespmem:$0x1CC00] =	vst v63  }
0x110: {  	_ =	swait.ge [sflag:s30], $0x4000  }
0x111: {  	[sflag:s30] =	ssyncset.done $0x0  }
0x112: {  	[sflag:s30] =	ssyncadd.s32 $0xFFFFC000  }
0x113: {  	[spmem:s3] =	stream.indirect.scatter.add.f32 [tilespmem:s25], [sflag:$0x4], $0x80, s6, s24, $0xb8;
	[tilespmem:$0x1CC00] =	vst v63  }
0x114: {  	_ =	swait.ge [sflag:s21], $0x4000  }
0x115: {  	[sflag:s21] =	ssyncset.done $0x0  }
0x116: {  	[sflag:s21] =	ssyncadd.s32 $0xFFFFC000  }
0x117: {  	_ =	swait.ge [sflag:s0], $0x4000  }
0x118: {  	[sflag:s0] =	ssyncset.done $0x0  }
0x119: {  	s14 =	simm.s32 $0xB80;
	[sflag:s0] =	ssyncadd.s32 $0xFFFFC000  }
0x11a: {  	[spmem:s3] =	stream.indirect.scatter.add.f32 [tilespmem:s26], [sflag:$0x4], $0x80, s14, s24, $0xb8;
	[tilespmem:$0x1CC00] =	vst v63  }
0x11b: {  	_ =	swait.ge [sflag:s21], $0x4000  }
0x11c: {  	[sflag:s21] =	ssyncset.done $0x0  }
0x11d: {  	[sflag:s21] =	ssyncadd.s32 $0xFFFFC000  }
0x11e: {  	_ =	swait.ge [sflag:s23], $0x400  }
0x11f: {  	[sflag:s23] =	ssyncset.done $0x0  }
0x120: {  	[sflag:s23] =	ssyncadd.s32 $0xFFFFFC00  }
0x121: {  	_ =	swait.ge [sflag:s23], $0x400  }
0x122: {  	[sflag:s23] =	ssyncset.done $0x0;
	s13 =	sld [smem:$0x7F2]  }
0x123: {  	[sflag:s23] =	ssyncadd.s32 $0xFFFFFC00  }
0x124: {  	[tilespmem:s25], [sflag:$0x1] =	stream.indirect.gather [hbm4b:s5+s24], $0x80, s29, s24, $0xb8;
	[tilespmem:$0x1CC00] =	vst v63  }
0x125: {  	s9 =	sshrl.u32 s13, $0x3  }
0x126: {  	[tilespmem:s26], [sflag:$0x2] =	stream.indirect.gather [hbm4b:s5+s24], $0x80, s2, s24, $0xb8;
	[tilespmem:$0x1CC00] =	vst v63  }
0x127: {  	s1 =	sadd.s32 s1, s9  }
0x128: {  	[tilespmem:s19], [sflag:$0x3] =	stream.linear.gather [hbm4b:s1+s19], $0x400, $0x38;
	[tilespmem:$0x1CC00] =	vst v63  }
0x129: {  	s9 =	sadd.s32 s28, s9  }
0x12a: {  	[tilespmem:s20], [sflag:$0x3] =	stream.linear.gather [hbm4b:s9+s19], $0x400, $0x38;
	[tilespmem:$0x1CC00] =	vst v63  }
0x12b: {  	_ =	swait.ge [sflag:s30], $0x4000  }
0x12c: {  	[sflag:s30] =	ssyncset.done $0x0  }
0x12d: {  	[sflag:s30] =	ssyncadd.s32 $0xFFFFC000  }
0x12e: {  	[spmem:s3] =	stream.indirect.scatter.add.f32 [tilespmem:s25], [sflag:$0x4], $0x80, s22, s24, $0xb8;
	[tilespmem:$0x1CC00] =	vst v63  }
0x12f: {  	_ =	swait.ge [sflag:s21], $0x4000  }
0x130: {  	[sflag:s21] =	ssyncset.done $0x0  }
0x131: {  	s2 =	simm.s32 $0x500;
	[sflag:s21] =	ssyncadd.s32 $0xFFFFC000  }
0x132: {  	[tilespmem:s25], [sflag:$0x1] =	stream.indirect.gather [hbm4b:s5+s24], $0x80, s2, s24, $0xb8;
	[tilespmem:$0x1CC00] =	vst v63  }
0x133: {  	_ =	swait.ge [sflag:s0], $0x4000  }
0x134: {  	[sflag:s0] =	ssyncset.done $0x0  }
0x135: {  	s9 =	simm.s32 $0xC80;
	[sflag:s0] =	ssyncadd.s32 $0xFFFFC000  }
0x136: {  	[spmem:s3] =	stream.indirect.scatter.add.f32 [tilespmem:s26], [sflag:$0x4], $0x80, s9, s24, $0xb8;
	[tilespmem:$0x1CC00] =	vst v63  }
0x137: {  	_ =	swait.ge [sflag:s21], $0x4000  }
0x138: {  	[sflag:s21] =	ssyncset.done $0x0  }
0x139: {  	s13 =	simm.s32 $0x580;
	[sflag:s21] =	ssyncadd.s32 $0xFFFFC000  }
0x13a: {  	[tilespmem:s26], [sflag:$0x2] =	stream.indirect.gather [hbm4b:s5+s24], $0x80, s13, s24, $0xb8;
	[tilespmem:$0x1CC00] =	vst v63  }
0x13b: {  	_ =	swait.ge [sflag:s30], $0x4000  }
0x13c: {  	[sflag:s30] =	ssyncset.done $0x0  }
0x13d: {  	s22 =	simm.s32 $0xD00;
	[sflag:s30] =	ssyncadd.s32 $0xFFFFC000  }
0x13e: {  	[spmem:s3] =	stream.indirect.scatter.add.f32 [tilespmem:s25], [sflag:$0x4], $0x80, s22, s24, $0xb8;
	[tilespmem:$0x1CC00] =	vst v63  }
0x13f: {  	_ =	swait.ge [sflag:s21], $0x4000  }
0x140: {  	[sflag:s21] =	ssyncset.done $0x0  }
0x141: {  	s28 =	simm.s32 $0x600;
	[sflag:s21] =	ssyncadd.s32 $0xFFFFC000  }
0x142: {  	[tilespmem:s25], [sflag:$0x1] =	stream.indirect.gather [hbm4b:s5+s24], $0x80, s28, s24, $0xb8;
	[tilespmem:$0x1CC00] =	vst v63  }
0x143: {  	_ =	swait.ge [sflag:s0], $0x4000  }
0x144: {  	[sflag:s0] =	ssyncset.done $0x0  }
0x145: {  	s2 =	simm.s32 $0xD80;
	[sflag:s0] =	ssyncadd.s32 $0xFFFFC000  }
0x146: {  	[spmem:s3] =	stream.indirect.scatter.add.f32 [tilespmem:s26], [sflag:$0x4], $0x80, s2, s24, $0xb8;
	[tilespmem:$0x1CC00] =	vst v63  }
0x147: {  	_ =	swait.ge [sflag:s21], $0x4000  }
0x148: {  	[sflag:s21] =	ssyncset.done $0x0  }
0x149: {  	s9 =	simm.s32 $0x680;
	[sflag:s21] =	ssyncadd.s32 $0xFFFFC000  }
0x14a: {  	[tilespmem:s26], [sflag:$0x2] =	stream.indirect.gather [hbm4b:s5+s24], $0x80, s9, s24, $0xb8;
	[tilespmem:$0x1CC00] =	vst v63  }
0x14b: {  	_ =	swait.ge [sflag:s30], $0x4000  }
0x14c: {  	[sflag:s30] =	ssyncset.done $0x0  }
0x14d: {  	s13 =	simm.s32 $0xE00;
	[sflag:s30] =	ssyncadd.s32 $0xFFFFC000  }
0x14e: {  	[spmem:s3] =	stream.indirect.scatter.add.f32 [tilespmem:s25], [sflag:$0x4], $0x80, s13, s24, $0xb8;
	[tilespmem:$0x1CC00] =	vst v63  }
0x14f: {  	_ =	swait.ge [sflag:s21], $0x4000  }
0x150: {  	[sflag:s21] =	ssyncset.done $0x0  }
0x151: {  	s22 =	simm.s32 $0x700;
	[sflag:s21] =	ssyncadd.s32 $0xFFFFC000  }
0x152: {  	[tilespmem:s25], [sflag:$0x1] =	stream.indirect.gather [hbm4b:s5+s24], $0x80, s22, s24, $0xb8;
	[tilespmem:$0x1CC00] =	vst v63  }
0x153: {  	_ =	swait.ge [sflag:s0], $0x4000  }
0x154: {  	[sflag:s0] =	ssyncset.done $0x0  }
0x155: {  	s28 =	simm.s32 $0xE80;
	[sflag:s0] =	ssyncadd.s32 $0xFFFFC000  }
0x156: {  	[spmem:s3] =	stream.indirect.scatter.add.f32 [tilespmem:s26], [sflag:$0x4], $0x80, s28, s24, $0xb8;
	[tilespmem:$0x1CC00] =	vst v63  }
0x157: {  	_ =	swait.ge [sflag:s21], $0x4000  }
0x158: {  	[sflag:s21] =	ssyncset.done $0x0  }
0x159: {  	s2 =	simm.s32 $0x780;
	[sflag:s21] =	ssyncadd.s32 $0xFFFFC000  }
0x15a: {  	[tilespmem:s26], [sflag:$0x2] =	stream.indirect.gather [hbm4b:s5+s24], $0x80, s2, s24, $0xb8;
	[tilespmem:$0x1CC00] =	vst v63  }
0x15b: {  	_ =	swait.ge [sflag:s30], $0x4000  }
0x15c: {  	[sflag:s30] =	ssyncset.done $0x0  }
0x15d: {  	s9 =	simm.s32 $0xF00;
	[sflag:s30] =	ssyncadd.s32 $0xFFFFC000  }
0x15e: {  	[spmem:s3] =	stream.indirect.scatter.add.f32 [tilespmem:s25], [sflag:$0x4], $0x80, s9, s24, $0xb8;
	[tilespmem:$0x1CC00] =	vst v63  }
0x15f: {  	_ =	swait.ge [sflag:s21], $0x4000  }
0x160: {  	[sflag:s21] =	ssyncset.done $0x0  }
0x161: {  	[sflag:s21] =	ssyncadd.s32 $0xFFFFC000  }
0x162: {  	_ =	swait.ge [sflag:s0], $0x4000  }
0x163: {  	[sflag:s0] =	ssyncset.done $0x0  }
0x164: {  	s13 =	simm.s32 $0xF80;
	[sflag:s0] =	ssyncadd.s32 $0xFFFFC000  }
0x165: {  	[spmem:s3] =	stream.indirect.scatter.add.f32 [tilespmem:s26], [sflag:$0x4], $0x80, s13, s24, $0xb8;
	[tilespmem:$0x1CC00] =	vst v63  }
0x166: {  	_ =	swait.ge [sflag:s21], $0x4000  }
0x167: {  	[sflag:s21] =	ssyncset.done $0x0  }
0x168: {  	[sflag:s21] =	ssyncadd.s32 $0xFFFFC000  }
0x169: {  	_ =	swait.ge [sflag:s23], $0x400  }
0x16a: {  	[sflag:s23] =	ssyncset.done $0x0  }
0x16b: {  	[sflag:s23] =	ssyncadd.s32 $0xFFFFFC00  }
0x16c: {  	_ =	swait.ge [sflag:s23], $0x400  }
0x16d: {  	[sflag:s23] =	ssyncset.done $0x0  }
0x16e: {  	[sflag:s23] =	ssyncadd.s32 $0xFFFFFC00  }
0x16f: {  	[tilespmem:s25], [sflag:$0x1] =	stream.indirect.gather [hbm4b:s5+s24], $0x80, s19, s24, $0xb8;
	[tilespmem:$0x1CC00] =	vst v63  }
0x170: {  	_ = 	snop  }
0x171: {  	[tilespmem:s26], [sflag:$0x2] =	stream.indirect.gather [hbm4b:s5+s24], $0x80, s24, s24, $0xb8;
	[tilespmem:$0x1CC00] =	vst v63  }
0x172: {  	_ =	swait.ge [sflag:s30], $0x4000  }
0x173: {  	[sflag:s30] =	ssyncset.done $0x0  }
0x174: {  	[sflag:s30] =	ssyncadd.s32 $0xFFFFC000  }
0x175: {  	[spmem:s3] =	stream.indirect.scatter.add.f32 [tilespmem:s25], [sflag:$0x4], $0x80, s20, s24, $0xb8;
	[tilespmem:$0x1CC00] =	vst v63  }
0x176: {  	_ =	swait.ge [sflag:s21], $0x4000  }
0x177: {  	[sflag:s21] =	ssyncset.done $0x0  }
0x178: {  	[sflag:s21] =	ssyncadd.s32 $0xFFFFC000  }
0x179: {  	[tilespmem:s25], [sflag:$0x1] =	stream.indirect.gather [hbm4b:s5+s24], $0x80, s10, s24, $0xb8;
	[tilespmem:$0x1CC00] =	vst v63  }
0x17a: {  	_ =	swait.ge [sflag:s0], $0x4000  }
0x17b: {  	[sflag:s0] =	ssyncset.done $0x0  }
0x17c: {  	[sflag:s0] =	ssyncadd.s32 $0xFFFFC000  }
0x17d: {  	[spmem:s3] =	stream.indirect.scatter.add.f32 [tilespmem:s26], [sflag:$0x4], $0x80, s11, s24, $0xb8;
	[tilespmem:$0x1CC00] =	vst v63  }
0x17e: {  	_ =	swait.ge [sflag:s21], $0x4000  }
0x17f: {  	[sflag:s21] =	ssyncset.done $0x0  }
0x180: {  	[sflag:s21] =	ssyncadd.s32 $0xFFFFC000  }
0x181: {  	[tilespmem:s26], [sflag:$0x2] =	stream.indirect.gather [hbm4b:s5+s24], $0x80, s12, s24, $0xb8;
	[tilespmem:$0x1CC00] =	vst v63  }
0x182: {  	_ =	swait.ge [sflag:s30], $0x4000  }
0x183: {  	[sflag:s30] =	ssyncset.done $0x0  }
0x184: {  	[sflag:s30] =	ssyncadd.s32 $0xFFFFC000  }
0x185: {  	[spmem:s3] =	stream.indirect.scatter.add.f32 [tilespmem:s25], [sflag:$0x4], $0x80, s15, s24, $0xb8;
	[tilespmem:$0x1CC00] =	vst v63  }
0x186: {  	_ =	swait.ge [sflag:s21], $0x4000  }
0x187: {  	[sflag:s21] =	ssyncset.done $0x0  }
0x188: {  	[sflag:s21] =	ssyncadd.s32 $0xFFFFC000  }
0x189: {  	[tilespmem:s25], [sflag:$0x1] =	stream.indirect.gather [hbm4b:s5+s24], $0x80, s16, s24, $0xb8;
	[tilespmem:$0x1CC00] =	vst v63  }
0x18a: {  	_ =	swait.ge [sflag:s0], $0x4000  }
0x18b: {  	[sflag:s0] =	ssyncset.done $0x0  }
0x18c: {  	[sflag:s0] =	ssyncadd.s32 $0xFFFFC000  }
0x18d: {  	[spmem:s3] =	stream.indirect.scatter.add.f32 [tilespmem:s26], [sflag:$0x4], $0x80, s17, s24, $0xb8;
	[tilespmem:$0x1CC00] =	vst v63  }
0x18e: {  	_ =	swait.ge [sflag:s21], $0x4000  }
0x18f: {  	[sflag:s21] =	ssyncset.done $0x0  }
0x190: {  	[sflag:s21] =	ssyncadd.s32 $0xFFFFC000  }
0x191: {  	[tilespmem:s26], [sflag:$0x2] =	stream.indirect.gather [hbm4b:s5+s24], $0x80, s18, s24, $0xb8;
	[tilespmem:$0x1CC00] =	vst v63  }
0x192: {  	_ =	swait.ge [sflag:s30], $0x4000  }
0x193: {  	[sflag:s30] =	ssyncset.done $0x0  }
0x194: {  	[sflag:s30] =	ssyncadd.s32 $0xFFFFC000  }
0x195: {  	[spmem:s3] =	stream.indirect.scatter.add.f32 [tilespmem:s25], [sflag:$0x4], $0x80, s7, s24, $0xb8;
	[tilespmem:$0x1CC00] =	vst v63  }
0x196: {  	_ =	swait.ge [sflag:s21], $0x4000  }
0x197: {  	[sflag:s21] =	ssyncset.done $0x0  }
0x198: {  	[sflag:s21] =	ssyncadd.s32 $0xFFFFC000  }
0x199: {  	[tilespmem:s25], [sflag:$0x1] =	stream.indirect.gather [hbm4b:s5+s24], $0x80, s8, s24, $0xb8;
	[tilespmem:$0x1CC00] =	vst v63  }
0x19a: {  	_ =	swait.ge [sflag:s0], $0x4000  }
0x19b: {  	[sflag:s0] =	ssyncset.done $0x0  }
0x19c: {  	s20 =	simm.s32 $0xA80;
	[sflag:s0] =	ssyncadd.s32 $0xFFFFC000  }
0x19d: {  	[spmem:s3] =	stream.indirect.scatter.add.f32 [tilespmem:s26], [sflag:$0x4], $0x80, s20, s24, $0xb8;
	[tilespmem:$0x1CC00] =	vst v63  }
0x19e: {  	_ =	swait.ge [sflag:s21], $0x4000  }
0x19f: {  	[sflag:s21] =	ssyncset.done $0x0  }
0x1a0: {  	[sflag:s21] =	ssyncadd.s32 $0xFFFFC000  }
0x1a1: {  	[tilespmem:s26], [sflag:$0x2] =	stream.indirect.gather [hbm4b:s5+s24], $0x80, s31, s24, $0xb8;
	[tilespmem:$0x1CC00] =	vst v63  }
0x1a2: {  	_ =	swait.ge [sflag:s30], $0x4000  }
0x1a3: {  	[sflag:s30] =	ssyncset.done $0x0  }
0x1a4: {  	[sflag:s30] =	ssyncadd.s32 $0xFFFFC000  }
0x1a5: {  	[spmem:s3] =	stream.indirect.scatter.add.f32 [tilespmem:s25], [sflag:$0x4], $0x80, s6, s24, $0xb8;
	[tilespmem:$0x1CC00] =	vst v63  }
0x1a6: {  	_ =	swait.ge [sflag:s21], $0x4000  }
0x1a7: {  	[sflag:s21] =	ssyncset.done $0x0  }
0x1a8: {  	[sflag:s21] =	ssyncadd.s32 $0xFFFFC000  }
0x1a9: {  	_ =	swait.ge [sflag:s0], $0x4000  }
0x1aa: {  	[sflag:s0] =	ssyncset.done $0x0  }
0x1ab: {  	[sflag:s0] =	ssyncadd.s32 $0xFFFFC000  }
0x1ac: {  	[spmem:s3] =	stream.indirect.scatter.add.f32 [tilespmem:s26], [sflag:$0x4], $0x80, s14, s24, $0xb8;
	[tilespmem:$0x1CC00] =	vst v63  }
0x1ad: {  	s4 =	sadd.s32 $0xFFFFFFFF, s4;
	_ =	swait.ge [sflag:s21], $0x4000  }
0x1ae: {  	p1 =	sne.s32 s4, $0x0;
	[sflag:s21] =	ssyncset.done $0x0  }
0x1af: {  	s29 =	simm.s32 $0xB80;
	s2 =	simm.s32 $0x380;
	[sflag:s21] =	ssyncadd.s32 $0xFFFFC000  }
0x1b0: {  	s9 =	simm.s32 $0x100;
	s19 =	simm.s32 $0x800;
	[bflag:$0x0] =	sbarrier.arrive $0xFFFF  }
0x1b1: {  	s10 =	simm.s32 $0x880;
	s11 =	simm.s32 $0x180;
	s22 =	sld [smem:$0x7FD]  }
0x1b2: {  	s12 =	simm.s32 $0x900;
	s15 =	simm.s32 $0x980;
	s28 =	sld [smem:$0x7F4]  }
0x1b3: {  	s16 =	simm.s32 $0x280;
	s17 =	simm.s32 $0xA00;
	s18 =	simm.s32 $0xC00  }
.Ltmp1:
0x1b4: {  	s7 =	simm.s32 $0x300;
	s13 =	rddreg [dreg:$0x6];
	(pc) =	sbr.rel @!p1 .LBB2_5-.Ltmp1, $4  }
0x1b5: {  	[hbm:s22], [sflag:s13] =	dma.local [spmem:s28], $0x2780  }
0x1b6: {  	s8 =	simm.s32 $0xA80;
	s20 =	simm.s32 $0x0;
	_ =	swait.ge [sflag:s21], $0x2780  }
0x1b7: {  	s31 =	simm.s32 $0x480;
	s6 =	simm.s32 $0x400;
	[sflag:s21] =	ssyncset.done $0x0  }
0x1b8: {  	s14 =	simm.s32 $0x200;
	s22 =	simm.s32 $0xB00;
	[sflag:s21] =	ssyncadd.s32 $0xFFFFD880  }
.LBB2_1:
0x1b9: {  	[smem:$0x7F3] =	sst s4  }
0x1ba: {  	s1 =	rddreg [dreg:$0x4]  }
0x1bb: {  	s28 =	rddreg [dreg:$0x5];
	s1 =	sshrl.u32 s1, $0x3  }
0x1bc: {  	[smem:$0x7F4] =	sst s1  }
0x1bd: {  	[spmem:s1], [sflag:s13] =	dma.local [hbm:s28], $0x2780  }
.Ltmp2:
0x1be: {  	_ =	swait.ge [sflag:s21], $0x2780;
	(pc) =	sbr.rel @p0 .LBB2_3-.Ltmp2, $3  }
0x1bf: {  	[sflag:s21] =	ssyncset.done $0x0  }
0x1c0: {  	[sflag:s21] =	ssyncadd.s32 $0xFFFFD880  }
0x1c1: {  	[bflag:$0x0] =	sbarrier.arrive $0xFFFF;
	_ =	sdelay $0x1  }
0x1c2: {  	s1 =	rddreg [dreg:$0x7]  }
0x1c3: {  	[tilespmem:s20], [sflag:$0x3] =	stream.linear.gather [hbm4b:s1+s20], $0x400, $0x38;
	[tilespmem:$0x1CC00] =	vst v63  }
0x1c4: {  	s28 =	rddreg [dreg:$0x8]  }
0x1c5: {  	[tilespmem:s19], [sflag:$0x3] =	stream.linear.gather [hbm4b:s28+s20], $0x400, $0x38;
	[tilespmem:$0x1CC00] =	vst v63  }
0x1c6: {  	_ =	swait.ge [sflag:s23], $0x400  }
0x1c7: {  	[sflag:s23] =	ssyncset.done $0x0  }
0x1c8: {  	[sflag:s23] =	ssyncadd.s32 $0xFFFFFC00  }
0x1c9: {  	_ =	swait.ge [sflag:s23], $0x400  }
0x1ca: {  	[sflag:s23] =	ssyncset.done $0x0  }
0x1cb: {  	[sflag:s23] =	ssyncadd.s32 $0xFFFFFC00  }
0x1cc: {  	[tilespmem:s25], [sflag:$0x1] =	stream.indirect.gather [hbm4b:s5+s24], $0x80, s20, s24, $0xb8;
	[tilespmem:$0x1CC00] =	vst v63  }
0x1cd: {  	_ = 	snop  }
0x1ce: {  	[tilespmem:s26], [sflag:$0x2] =	stream.indirect.gather [hbm4b:s5+s24], $0x80, s24, s24, $0xb8;
	[tilespmem:$0x1CC00] =	vst v63  }
0x1cf: {  	s4 =	rddreg [dreg:$0x9]  }
0x1d0: {  	[tilespmem:s6], [sflag:$0x3] =	stream.linear.gather [hbm4b:s4+s20], $0x400, $0x38;
	[tilespmem:$0x1CC00] =	vst v63  }
0x1d1: {  	s13 =	rddreg [dreg:$0xa]  }
0x1d2: {  	[tilespmem:s18], [sflag:$0x3] =	stream.linear.gather [hbm4b:s13+s20], $0x400, $0x38;
	[tilespmem:$0x1CC00] =	vst v63  }
0x1d3: {  	_ =	swait.ge [sflag:s30], $0x4000  }
0x1d4: {  	[sflag:s30] =	ssyncset.done $0x0  }
0x1d5: {  	[sflag:s30] =	ssyncadd.s32 $0xFFFFC000  }
0x1d6: {  	[spmem:s3] =	stream.indirect.scatter.add.f32 [tilespmem:s25], [sflag:$0x4], $0x80, s19, s24, $0xb8;
	[tilespmem:$0x1CC00] =	vst v63  }
0x1d7: {  	_ =	swait.ge [sflag:s21], $0x4000  }
0x1d8: {  	[sflag:s21] =	ssyncset.done $0x0  }
0x1d9: {  	[sflag:s21] =	ssyncadd.s32 $0xFFFFC000  }
0x1da: {  	[tilespmem:s25], [sflag:$0x1] =	stream.indirect.gather [hbm4b:s5+s24], $0x80, s9, s24, $0xb8;
	[tilespmem:$0x1CC00] =	vst v63  }
0x1db: {  	_ =	swait.ge [sflag:s0], $0x4000  }
0x1dc: {  	[sflag:s0] =	ssyncset.done $0x0  }
0x1dd: {  	[sflag:s0] =	ssyncadd.s32 $0xFFFFC000  }
0x1de: {  	[spmem:s3] =	stream.indirect.scatter.add.f32 [tilespmem:s26], [sflag:$0x4], $0x80, s10, s24, $0xb8;
	[tilespmem:$0x1CC00] =	vst v63  }
0x1df: {  	_ =	swait.ge [sflag:s21], $0x4000  }
0x1e0: {  	[sflag:s21] =	ssyncset.done $0x0  }
0x1e1: {  	[sflag:s21] =	ssyncadd.s32 $0xFFFFC000  }
0x1e2: {  	[tilespmem:s26], [sflag:$0x2] =	stream.indirect.gather [hbm4b:s5+s24], $0x80, s11, s24, $0xb8;
	[tilespmem:$0x1CC00] =	vst v63  }
0x1e3: {  	_ =	swait.ge [sflag:s30], $0x4000  }
0x1e4: {  	[sflag:s30] =	ssyncset.done $0x0  }
0x1e5: {  	[sflag:s30] =	ssyncadd.s32 $0xFFFFC000  }
0x1e6: {  	[spmem:s3] =	stream.indirect.scatter.add.f32 [tilespmem:s25], [sflag:$0x4], $0x80, s12, s24, $0xb8;
	[tilespmem:$0x1CC00] =	vst v63  }
0x1e7: {  	_ =	swait.ge [sflag:s21], $0x4000  }
0x1e8: {  	[sflag:s21] =	ssyncset.done $0x0  }
0x1e9: {  	[sflag:s21] =	ssyncadd.s32 $0xFFFFC000  }
0x1ea: {  	[tilespmem:s25], [sflag:$0x1] =	stream.indirect.gather [hbm4b:s5+s24], $0x80, s14, s24, $0xb8;
	[tilespmem:$0x1CC00] =	vst v63  }
0x1eb: {  	_ =	swait.ge [sflag:s0], $0x4000  }
0x1ec: {  	[sflag:s0] =	ssyncset.done $0x0  }
0x1ed: {  	[sflag:s0] =	ssyncadd.s32 $0xFFFFC000  }
0x1ee: {  	[spmem:s3] =	stream.indirect.scatter.add.f32 [tilespmem:s26], [sflag:$0x4], $0x80, s15, s24, $0xb8;
	[tilespmem:$0x1CC00] =	vst v63  }
0x1ef: {  	_ =	swait.ge [sflag:s21], $0x4000  }
0x1f0: {  	[sflag:s21] =	ssyncset.done $0x0  }
0x1f1: {  	[sflag:s21] =	ssyncadd.s32 $0xFFFFC000  }
0x1f2: {  	[tilespmem:s26], [sflag:$0x2] =	stream.indirect.gather [hbm4b:s5+s24], $0x80, s16, s24, $0xb8;
	[tilespmem:$0x1CC00] =	vst v63  }
0x1f3: {  	_ =	swait.ge [sflag:s30], $0x4000  }
0x1f4: {  	[sflag:s30] =	ssyncset.done $0x0  }
0x1f5: {  	[sflag:s30] =	ssyncadd.s32 $0xFFFFC000  }
0x1f6: {  	[spmem:s3] =	stream.indirect.scatter.add.f32 [tilespmem:s25], [sflag:$0x4], $0x80, s17, s24, $0xb8;
	[tilespmem:$0x1CC00] =	vst v63  }
0x1f7: {  	_ =	swait.ge [sflag:s21], $0x4000  }
0x1f8: {  	[sflag:s21] =	ssyncset.done $0x0  }
0x1f9: {  	[sflag:s21] =	ssyncadd.s32 $0xFFFFC000  }
0x1fa: {  	[tilespmem:s25], [sflag:$0x1] =	stream.indirect.gather [hbm4b:s5+s24], $0x80, s7, s24, $0xb8;
	[tilespmem:$0x1CC00] =	vst v63  }
0x1fb: {  	_ =	swait.ge [sflag:s0], $0x4000  }
0x1fc: {  	[sflag:s0] =	ssyncset.done $0x0  }
0x1fd: {  	[sflag:s0] =	ssyncadd.s32 $0xFFFFC000  }
0x1fe: {  	[spmem:s3] =	stream.indirect.scatter.add.f32 [tilespmem:s26], [sflag:$0x4], $0x80, s8, s24, $0xb8;
	[tilespmem:$0x1CC00] =	vst v63  }
0x1ff: {  	_ =	swait.ge [sflag:s21], $0x4000  }
0x200: {  	[sflag:s21] =	ssyncset.done $0x0  }
0x201: {  	[sflag:s21] =	ssyncadd.s32 $0xFFFFC000  }
0x202: {  	[tilespmem:s26], [sflag:$0x2] =	stream.indirect.gather [hbm4b:s5+s24], $0x80, s2, s24, $0xb8;
	[tilespmem:$0x1CC00] =	vst v63  }
0x203: {  	_ =	swait.ge [sflag:s30], $0x4000  }
0x204: {  	[sflag:s30] =	ssyncset.done $0x0  }
0x205: {  	[sflag:s30] =	ssyncadd.s32 $0xFFFFC000  }
0x206: {  	[spmem:s3] =	stream.indirect.scatter.add.f32 [tilespmem:s25], [sflag:$0x4], $0x80, s22, s24, $0xb8;
	[tilespmem:$0x1CC00] =	vst v63  }
0x207: {  	_ =	swait.ge [sflag:s21], $0x4000  }
0x208: {  	[sflag:s21] =	ssyncset.done $0x0  }
0x209: {  	[sflag:s21] =	ssyncadd.s32 $0xFFFFC000  }
0x20a: {  	_ =	swait.ge [sflag:s0], $0x4000  }
0x20b: {  	[sflag:s0] =	ssyncset.done $0x0  }
0x20c: {  	[sflag:s0] =	ssyncadd.s32 $0xFFFFC000  }
0x20d: {  	[spmem:s3] =	stream.indirect.scatter.add.f32 [tilespmem:s26], [sflag:$0x4], $0x80, s29, s24, $0xb8;
	[tilespmem:$0x1CC00] =	vst v63  }
0x20e: {  	_ =	swait.ge [sflag:s21], $0x4000  }
0x20f: {  	[sflag:s21] =	ssyncset.done $0x0  }
0x210: {  	[sflag:s21] =	ssyncadd.s32 $0xFFFFC000  }
0x211: {  	_ =	swait.ge [sflag:s23], $0x400  }
0x212: {  	[sflag:s23] =	ssyncset.done $0x0  }
0x213: {  	[sflag:s23] =	ssyncadd.s32 $0xFFFFFC00  }
0x214: {  	_ =	swait.ge [sflag:s23], $0x400  }
0x215: {  	[sflag:s23] =	ssyncset.done $0x0  }
0x216: {  	[sflag:s23] =	ssyncadd.s32 $0xFFFFFC00  }
0x217: {  	[tilespmem:s25], [sflag:$0x1] =	stream.indirect.gather [hbm4b:s5+s24], $0x80, s6, s24, $0xb8;
	[tilespmem:$0x1CC00] =	vst v63  }
0x218: {  	_ = 	snop  }
0x219: {  	[tilespmem:s26], [sflag:$0x2] =	stream.indirect.gather [hbm4b:s5+s24], $0x80, s31, s24, $0xb8;
	[tilespmem:$0x1CC00] =	vst v63  }
0x21a: {  	s28 =	rddreg [dreg:$0xb]  }
0x21b: {  	[tilespmem:s20], [sflag:$0x3] =	stream.linear.gather [hbm4b:s28+s20], $0x400, $0x38;
	[tilespmem:$0x1CC00] =	vst v63  }
0x21c: {  	s4 =	rddreg [dreg:$0xc]  }
0x21d: {  	[tilespmem:s19], [sflag:$0x3] =	stream.linear.gather [hbm4b:s4+s20], $0x400, $0x38;
	[tilespmem:$0x1CC00] =	vst v63  }
0x21e: {  	_ =	swait.ge [sflag:s30], $0x4000  }
0x21f: {  	[sflag:s30] =	ssyncset.done $0x0  }
0x220: {  	[sflag:s30] =	ssyncadd.s32 $0xFFFFC000  }
0x221: {  	[spmem:s3] =	stream.indirect.scatter.add.f32 [tilespmem:s25], [sflag:$0x4], $0x80, s18, s24, $0xb8;
	[tilespmem:$0x1CC00] =	vst v63  }
0x222: {  	_ =	swait.ge [sflag:s21], $0x4000  }
0x223: {  	[sflag:s21] =	ssyncset.done $0x0  }
0x224: {  	s13 =	simm.s32 $0x500;
	[sflag:s21] =	ssyncadd.s32 $0xFFFFC000  }
0x225: {  	[tilespmem:s25], [sflag:$0x1] =	stream.indirect.gather [hbm4b:s5+s24], $0x80, s13, s24, $0xb8;
	[tilespmem:$0x1CC00] =	vst v63  }
0x226: {  	_ =	swait.ge [sflag:s0], $0x4000  }
0x227: {  	[sflag:s0] =	ssyncset.done $0x0  }
0x228: {  	s28 =	simm.s32 $0xC80;
	[sflag:s0] =	ssyncadd.s32 $0xFFFFC000  }
0x229: {  	[spmem:s3] =	stream.indirect.scatter.add.f32 [tilespmem:s26], [sflag:$0x4], $0x80, s28, s24, $0xb8;
	[tilespmem:$0x1CC00] =	vst v63  }
0x22a: {  	_ =	swait.ge [sflag:s21], $0x4000  }
0x22b: {  	[sflag:s21] =	ssyncset.done $0x0  }
0x22c: {  	s4 =	simm.s32 $0x580;
	[sflag:s21] =	ssyncadd.s32 $0xFFFFC000  }
0x22d: {  	[tilespmem:s26], [sflag:$0x2] =	stream.indirect.gather [hbm4b:s5+s24], $0x80, s4, s24, $0xb8;
	[tilespmem:$0x1CC00] =	vst v63  }
0x22e: {  	_ =	swait.ge [sflag:s30], $0x4000  }
0x22f: {  	[sflag:s30] =	ssyncset.done $0x0  }
0x230: {  	s13 =	simm.s32 $0xD00;
	[sflag:s30] =	ssyncadd.s32 $0xFFFFC000  }
0x231: {  	[spmem:s3] =	stream.indirect.scatter.add.f32 [tilespmem:s25], [sflag:$0x4], $0x80, s13, s24, $0xb8;
	[tilespmem:$0x1CC00] =	vst v63  }
0x232: {  	_ =	swait.ge [sflag:s21], $0x4000  }
0x233: {  	[sflag:s21] =	ssyncset.done $0x0  }
0x234: {  	s28 =	simm.s32 $0x600;
	[sflag:s21] =	ssyncadd.s32 $0xFFFFC000  }
0x235: {  	[tilespmem:s25], [sflag:$0x1] =	stream.indirect.gather [hbm4b:s5+s24], $0x80, s28, s24, $0xb8;
	[tilespmem:$0x1CC00] =	vst v63  }
0x236: {  	_ =	swait.ge [sflag:s0], $0x4000  }
0x237: {  	[sflag:s0] =	ssyncset.done $0x0  }
0x238: {  	s1 =	simm.s32 $0xD80;
	[sflag:s0] =	ssyncadd.s32 $0xFFFFC000  }
0x239: {  	[spmem:s3] =	stream.indirect.scatter.add.f32 [tilespmem:s26], [sflag:$0x4], $0x80, s1, s24, $0xb8;
	[tilespmem:$0x1CC00] =	vst v63  }
0x23a: {  	_ =	swait.ge [sflag:s21], $0x4000  }
0x23b: {  	[sflag:s21] =	ssyncset.done $0x0  }
0x23c: {  	s1 =	simm.s32 $0x680;
	[sflag:s21] =	ssyncadd.s32 $0xFFFFC000  }
0x23d: {  	[tilespmem:s26], [sflag:$0x2] =	stream.indirect.gather [hbm4b:s5+s24], $0x80, s1, s24, $0xb8;
	[tilespmem:$0x1CC00] =	vst v63  }
0x23e: {  	_ =	swait.ge [sflag:s30], $0x4000  }
0x23f: {  	[sflag:s30] =	ssyncset.done $0x0  }
0x240: {  	s1 =	simm.s32 $0xE00;
	[sflag:s30] =	ssyncadd.s32 $0xFFFFC000  }
0x241: {  	[spmem:s3] =	stream.indirect.scatter.add.f32 [tilespmem:s25], [sflag:$0x4], $0x80, s1, s24, $0xb8;
	[tilespmem:$0x1CC00] =	vst v63  }
0x242: {  	_ =	swait.ge [sflag:s21], $0x4000  }
0x243: {  	[sflag:s21] =	ssyncset.done $0x0  }
0x244: {  	s1 =	simm.s32 $0x700;
	[sflag:s21] =	ssyncadd.s32 $0xFFFFC000  }
0x245: {  	[tilespmem:s25], [sflag:$0x1] =	stream.indirect.gather [hbm4b:s5+s24], $0x80, s1, s24, $0xb8;
	[tilespmem:$0x1CC00] =	vst v63  }
0x246: {  	_ =	swait.ge [sflag:s0], $0x4000  }
0x247: {  	[sflag:s0] =	ssyncset.done $0x0  }
0x248: {  	s1 =	simm.s32 $0xE80;
	[sflag:s0] =	ssyncadd.s32 $0xFFFFC000  }
0x249: {  	[spmem:s3] =	stream.indirect.scatter.add.f32 [tilespmem:s26], [sflag:$0x4], $0x80, s1, s24, $0xb8;
	[tilespmem:$0x1CC00] =	vst v63  }
0x24a: {  	_ =	swait.ge [sflag:s21], $0x4000  }
0x24b: {  	[sflag:s21] =	ssyncset.done $0x0  }
0x24c: {  	s1 =	simm.s32 $0x780;
	[sflag:s21] =	ssyncadd.s32 $0xFFFFC000  }
0x24d: {  	[tilespmem:s26], [sflag:$0x2] =	stream.indirect.gather [hbm4b:s5+s24], $0x80, s1, s24, $0xb8;
	[tilespmem:$0x1CC00] =	vst v63  }
0x24e: {  	_ =	swait.ge [sflag:s30], $0x4000  }
0x24f: {  	[sflag:s30] =	ssyncset.done $0x0  }
0x250: {  	s1 =	simm.s32 $0xF00;
	[sflag:s30] =	ssyncadd.s32 $0xFFFFC000  }
0x251: {  	[spmem:s3] =	stream.indirect.scatter.add.f32 [tilespmem:s25], [sflag:$0x4], $0x80, s1, s24, $0xb8;
	[tilespmem:$0x1CC00] =	vst v63  }
0x252: {  	_ =	swait.ge [sflag:s21], $0x4000  }
0x253: {  	[sflag:s21] =	ssyncset.done $0x0  }
0x254: {  	[sflag:s21] =	ssyncadd.s32 $0xFFFFC000  }
0x255: {  	_ =	swait.ge [sflag:s0], $0x4000  }
0x256: {  	[sflag:s0] =	ssyncset.done $0x0  }
0x257: {  	s1 =	simm.s32 $0xF80;
	[sflag:s0] =	ssyncadd.s32 $0xFFFFC000  }
0x258: {  	[spmem:s3] =	stream.indirect.scatter.add.f32 [tilespmem:s26], [sflag:$0x4], $0x80, s1, s24, $0xb8;
	[tilespmem:$0x1CC00] =	vst v63  }
0x259: {  	_ =	swait.ge [sflag:s21], $0x4000  }
0x25a: {  	[sflag:s21] =	ssyncset.done $0x0  }
0x25b: {  	[sflag:s21] =	ssyncadd.s32 $0xFFFFC000  }
0x25c: {  	_ =	swait.ge [sflag:s23], $0x400  }
0x25d: {  	[sflag:s23] =	ssyncset.done $0x0  }
0x25e: {  	[sflag:s23] =	ssyncadd.s32 $0xFFFFFC00  }
0x25f: {  	_ =	swait.ge [sflag:s23], $0x400  }
0x260: {  	[sflag:s23] =	ssyncset.done $0x0  }
0x261: {  	[sflag:s23] =	ssyncadd.s32 $0xFFFFFC00  }
0x262: {  	[tilespmem:s25], [sflag:$0x1] =	stream.indirect.gather [hbm4b:s5+s24], $0x80, s20, s24, $0xb8;
	[tilespmem:$0x1CC00] =	vst v63  }
0x263: {  	_ = 	snop  }
0x264: {  	[tilespmem:s26], [sflag:$0x2] =	stream.indirect.gather [hbm4b:s5+s24], $0x80, s24, s24, $0xb8;
	[tilespmem:$0x1CC00] =	vst v63  }
0x265: {  	s1 =	rddreg [dreg:$0xd]  }
0x266: {  	[tilespmem:s6], [sflag:$0x3] =	stream.linear.gather [hbm4b:s1+s20], $0x400, $0x38;
	[tilespmem:$0x1CC00] =	vst v63  }
0x267: {  	s1 =	rddreg [dreg:$0xe]  }
0x268: {  	[tilespmem:s18], [sflag:$0x3] =	stream.linear.gather [hbm4b:s1+s20], $0x400, $0x38;
	[tilespmem:$0x1CC00] =	vst v63  }
0x269: {  	_ =	swait.ge [sflag:s30], $0x4000  }
0x26a: {  	[sflag:s30] =	ssyncset.done $0x0  }
0x26b: {  	[sflag:s30] =	ssyncadd.s32 $0xFFFFC000  }
0x26c: {  	[spmem:s3] =	stream.indirect.scatter.add.f32 [tilespmem:s25], [sflag:$0x4], $0x80, s19, s24, $0xb8;
	[tilespmem:$0x1CC00] =	vst v63  }
0x26d: {  	_ =	swait.ge [sflag:s21], $0x4000  }
0x26e: {  	[sflag:s21] =	ssyncset.done $0x0  }
0x26f: {  	[sflag:s21] =	ssyncadd.s32 $0xFFFFC000  }
0x270: {  	[tilespmem:s25], [sflag:$0x1] =	stream.indirect.gather [hbm4b:s5+s24], $0x80, s9, s24, $0xb8;
	[tilespmem:$0x1CC00] =	vst v63  }
0x271: {  	_ =	swait.ge [sflag:s0], $0x4000  }
0x272: {  	[sflag:s0] =	ssyncset.done $0x0  }
0x273: {  	[sflag:s0] =	ssyncadd.s32 $0xFFFFC000  }
0x274: {  	[spmem:s3] =	stream.indirect.scatter.add.f32 [tilespmem:s26], [sflag:$0x4], $0x80, s10, s24, $0xb8;
	[tilespmem:$0x1CC00] =	vst v63  }
0x275: {  	_ =	swait.ge [sflag:s21], $0x4000  }
0x276: {  	[sflag:s21] =	ssyncset.done $0x0  }
0x277: {  	[sflag:s21] =	ssyncadd.s32 $0xFFFFC000  }
0x278: {  	[tilespmem:s26], [sflag:$0x2] =	stream.indirect.gather [hbm4b:s5+s24], $0x80, s11, s24, $0xb8;
	[tilespmem:$0x1CC00] =	vst v63  }
0x279: {  	_ =	swait.ge [sflag:s30], $0x4000  }
0x27a: {  	[sflag:s30] =	ssyncset.done $0x0  }
0x27b: {  	[sflag:s30] =	ssyncadd.s32 $0xFFFFC000  }
0x27c: {  	[spmem:s3] =	stream.indirect.scatter.add.f32 [tilespmem:s25], [sflag:$0x4], $0x80, s12, s24, $0xb8;
	[tilespmem:$0x1CC00] =	vst v63  }
0x27d: {  	_ =	swait.ge [sflag:s21], $0x4000  }
0x27e: {  	[sflag:s21] =	ssyncset.done $0x0  }
0x27f: {  	[sflag:s21] =	ssyncadd.s32 $0xFFFFC000  }
0x280: {  	[tilespmem:s25], [sflag:$0x1] =	stream.indirect.gather [hbm4b:s5+s24], $0x80, s14, s24, $0xb8;
	[tilespmem:$0x1CC00] =	vst v63  }
0x281: {  	_ =	swait.ge [sflag:s0], $0x4000  }
0x282: {  	[sflag:s0] =	ssyncset.done $0x0  }
0x283: {  	[sflag:s0] =	ssyncadd.s32 $0xFFFFC000  }
0x284: {  	[spmem:s3] =	stream.indirect.scatter.add.f32 [tilespmem:s26], [sflag:$0x4], $0x80, s15, s24, $0xb8;
	[tilespmem:$0x1CC00] =	vst v63  }
0x285: {  	_ =	swait.ge [sflag:s21], $0x4000  }
0x286: {  	[sflag:s21] =	ssyncset.done $0x0  }
0x287: {  	[sflag:s21] =	ssyncadd.s32 $0xFFFFC000  }
0x288: {  	[tilespmem:s26], [sflag:$0x2] =	stream.indirect.gather [hbm4b:s5+s24], $0x80, s16, s24, $0xb8;
	[tilespmem:$0x1CC00] =	vst v63  }
0x289: {  	_ =	swait.ge [sflag:s30], $0x4000  }
0x28a: {  	[sflag:s30] =	ssyncset.done $0x0  }
0x28b: {  	[sflag:s30] =	ssyncadd.s32 $0xFFFFC000  }
0x28c: {  	[spmem:s3] =	stream.indirect.scatter.add.f32 [tilespmem:s25], [sflag:$0x4], $0x80, s17, s24, $0xb8;
	[tilespmem:$0x1CC00] =	vst v63  }
0x28d: {  	_ =	swait.ge [sflag:s21], $0x4000  }
0x28e: {  	[sflag:s21] =	ssyncset.done $0x0  }
0x28f: {  	[sflag:s21] =	ssyncadd.s32 $0xFFFFC000  }
0x290: {  	[tilespmem:s25], [sflag:$0x1] =	stream.indirect.gather [hbm4b:s5+s24], $0x80, s7, s24, $0xb8;
	[tilespmem:$0x1CC00] =	vst v63  }
0x291: {  	_ =	swait.ge [sflag:s0], $0x4000  }
0x292: {  	[sflag:s0] =	ssyncset.done $0x0  }
0x293: {  	[sflag:s0] =	ssyncadd.s32 $0xFFFFC000  }
0x294: {  	[spmem:s3] =	stream.indirect.scatter.add.f32 [tilespmem:s26], [sflag:$0x4], $0x80, s8, s24, $0xb8;
	[tilespmem:$0x1CC00] =	vst v63  }
0x295: {  	_ =	swait.ge [sflag:s21], $0x4000  }
0x296: {  	[sflag:s21] =	ssyncset.done $0x0  }
0x297: {  	[sflag:s21] =	ssyncadd.s32 $0xFFFFC000  }
0x298: {  	[tilespmem:s26], [sflag:$0x2] =	stream.indirect.gather [hbm4b:s5+s24], $0x80, s2, s24, $0xb8;
	[tilespmem:$0x1CC00] =	vst v63  }
0x299: {  	_ =	swait.ge [sflag:s30], $0x4000  }
0x29a: {  	[sflag:s30] =	ssyncset.done $0x0  }
0x29b: {  	[sflag:s30] =	ssyncadd.s32 $0xFFFFC000  }
0x29c: {  	[spmem:s3] =	stream.indirect.scatter.add.f32 [tilespmem:s25], [sflag:$0x4], $0x80, s22, s24, $0xb8;
	[tilespmem:$0x1CC00] =	vst v63  }
0x29d: {  	_ =	swait.ge [sflag:s21], $0x4000  }
0x29e: {  	[sflag:s21] =	ssyncset.done $0x0  }
0x29f: {  	[sflag:s21] =	ssyncadd.s32 $0xFFFFC000  }
0x2a0: {  	_ =	swait.ge [sflag:s0], $0x4000  }
0x2a1: {  	[sflag:s0] =	ssyncset.done $0x0  }
0x2a2: {  	[sflag:s0] =	ssyncadd.s32 $0xFFFFC000  }
0x2a3: {  	[spmem:s3] =	stream.indirect.scatter.add.f32 [tilespmem:s26], [sflag:$0x4], $0x80, s29, s24, $0xb8;
	[tilespmem:$0x1CC00] =	vst v63  }
0x2a4: {  	_ =	swait.ge [sflag:s21], $0x4000  }
0x2a5: {  	[sflag:s21] =	ssyncset.done $0x0  }
0x2a6: {  	[sflag:s21] =	ssyncadd.s32 $0xFFFFC000  }
0x2a7: {  	_ =	swait.ge [sflag:s23], $0x400  }
0x2a8: {  	[sflag:s23] =	ssyncset.done $0x0  }
0x2a9: {  	[sflag:s23] =	ssyncadd.s32 $0xFFFFFC00  }
0x2aa: {  	_ =	swait.ge [sflag:s23], $0x400  }
0x2ab: {  	[sflag:s23] =	ssyncset.done $0x0  }
0x2ac: {  	[sflag:s23] =	ssyncadd.s32 $0xFFFFFC00  }
0x2ad: {  	[tilespmem:s25], [sflag:$0x1] =	stream.indirect.gather [hbm4b:s5+s24], $0x80, s6, s24, $0xb8;
	[tilespmem:$0x1CC00] =	vst v63  }
0x2ae: {  	_ = 	snop  }
0x2af: {  	[tilespmem:s26], [sflag:$0x2] =	stream.indirect.gather [hbm4b:s5+s24], $0x80, s31, s24, $0xb8;
	[tilespmem:$0x1CC00] =	vst v63  }
0x2b0: {  	s1 =	rddreg [dreg:$0xf]  }
0x2b1: {  	[tilespmem:s20], [sflag:$0x3] =	stream.linear.gather [hbm4b:s1+s20], $0x400, $0x38;
	[tilespmem:$0x1CC00] =	vst v63  }
0x2b2: {  	s1 =	rddreg [dreg:$0x10]  }
0x2b3: {  	[tilespmem:s19], [sflag:$0x3] =	stream.linear.gather [hbm4b:s1+s20], $0x400, $0x38;
	[tilespmem:$0x1CC00] =	vst v63  }
0x2b4: {  	_ =	swait.ge [sflag:s30], $0x4000  }
0x2b5: {  	[sflag:s30] =	ssyncset.done $0x0  }
0x2b6: {  	[sflag:s30] =	ssyncadd.s32 $0xFFFFC000  }
0x2b7: {  	[spmem:s3] =	stream.indirect.scatter.add.f32 [tilespmem:s25], [sflag:$0x4], $0x80, s18, s24, $0xb8;
	[tilespmem:$0x1CC00] =	vst v63  }
0x2b8: {  	_ =	swait.ge [sflag:s21], $0x4000  }
0x2b9: {  	[sflag:s21] =	ssyncset.done $0x0  }
0x2ba: {  	s1 =	simm.s32 $0x500;
	[sflag:s21] =	ssyncadd.s32 $0xFFFFC000  }
0x2bb: {  	[tilespmem:s25], [sflag:$0x1] =	stream.indirect.gather [hbm4b:s5+s24], $0x80, s1, s24, $0xb8;
	[tilespmem:$0x1CC00] =	vst v63  }
0x2bc: {  	_ =	swait.ge [sflag:s0], $0x4000  }
0x2bd: {  	[sflag:s0] =	ssyncset.done $0x0  }
0x2be: {  	s1 =	simm.s32 $0xC80;
	[sflag:s0] =	ssyncadd.s32 $0xFFFFC000  }
0x2bf: {  	[spmem:s3] =	stream.indirect.scatter.add.f32 [tilespmem:s26], [sflag:$0x4], $0x80, s1, s24, $0xb8;
	[tilespmem:$0x1CC00] =	vst v63  }
0x2c0: {  	_ =	swait.ge [sflag:s21], $0x4000  }
0x2c1: {  	[sflag:s21] =	ssyncset.done $0x0  }
0x2c2: {  	s4 =	simm.s32 $0x580;
	[sflag:s21] =	ssyncadd.s32 $0xFFFFC000  }
0x2c3: {  	[tilespmem:s26], [sflag:$0x2] =	stream.indirect.gather [hbm4b:s5+s24], $0x80, s4, s24, $0xb8;
	[tilespmem:$0x1CC00] =	vst v63  }
0x2c4: {  	_ =	swait.ge [sflag:s30], $0x4000  }
0x2c5: {  	[sflag:s30] =	ssyncset.done $0x0  }
0x2c6: {  	s13 =	simm.s32 $0xD00;
	[sflag:s30] =	ssyncadd.s32 $0xFFFFC000  }
0x2c7: {  	[spmem:s3] =	stream.indirect.scatter.add.f32 [tilespmem:s25], [sflag:$0x4], $0x80, s13, s24, $0xb8;
	[tilespmem:$0x1CC00] =	vst v63  }
0x2c8: {  	_ =	swait.ge [sflag:s21], $0x4000  }
0x2c9: {  	[sflag:s21] =	ssyncset.done $0x0  }
0x2ca: {  	s28 =	simm.s32 $0x600;
	[sflag:s21] =	ssyncadd.s32 $0xFFFFC000  }
0x2cb: {  	[tilespmem:s25], [sflag:$0x1] =	stream.indirect.gather [hbm4b:s5+s24], $0x80, s28, s24, $0xb8;
	[tilespmem:$0x1CC00] =	vst v63  }
0x2cc: {  	_ =	swait.ge [sflag:s0], $0x4000  }
0x2cd: {  	[sflag:s0] =	ssyncset.done $0x0  }
0x2ce: {  	s1 =	simm.s32 $0xD80;
	[sflag:s0] =	ssyncadd.s32 $0xFFFFC000  }
0x2cf: {  	[spmem:s3] =	stream.indirect.scatter.add.f32 [tilespmem:s26], [sflag:$0x4], $0x80, s1, s24, $0xb8;
	[tilespmem:$0x1CC00] =	vst v63  }
0x2d0: {  	_ =	swait.ge [sflag:s21], $0x4000  }
0x2d1: {  	[sflag:s21] =	ssyncset.done $0x0  }
0x2d2: {  	s1 =	simm.s32 $0x680;
	[sflag:s21] =	ssyncadd.s32 $0xFFFFC000  }
0x2d3: {  	[tilespmem:s26], [sflag:$0x2] =	stream.indirect.gather [hbm4b:s5+s24], $0x80, s1, s24, $0xb8;
	[tilespmem:$0x1CC00] =	vst v63  }
0x2d4: {  	_ =	swait.ge [sflag:s30], $0x4000  }
0x2d5: {  	[sflag:s30] =	ssyncset.done $0x0  }
0x2d6: {  	s1 =	simm.s32 $0xE00;
	[sflag:s30] =	ssyncadd.s32 $0xFFFFC000  }
0x2d7: {  	[spmem:s3] =	stream.indirect.scatter.add.f32 [tilespmem:s25], [sflag:$0x4], $0x80, s1, s24, $0xb8;
	[tilespmem:$0x1CC00] =	vst v63  }
0x2d8: {  	_ =	swait.ge [sflag:s21], $0x4000  }
0x2d9: {  	[sflag:s21] =	ssyncset.done $0x0  }
0x2da: {  	s1 =	simm.s32 $0x700;
	[sflag:s21] =	ssyncadd.s32 $0xFFFFC000  }
0x2db: {  	[tilespmem:s25], [sflag:$0x1] =	stream.indirect.gather [hbm4b:s5+s24], $0x80, s1, s24, $0xb8;
	[tilespmem:$0x1CC00] =	vst v63  }
0x2dc: {  	_ =	swait.ge [sflag:s0], $0x4000  }
0x2dd: {  	[sflag:s0] =	ssyncset.done $0x0  }
0x2de: {  	s1 =	simm.s32 $0xE80;
	[sflag:s0] =	ssyncadd.s32 $0xFFFFC000  }
0x2df: {  	[spmem:s3] =	stream.indirect.scatter.add.f32 [tilespmem:s26], [sflag:$0x4], $0x80, s1, s24, $0xb8;
	[tilespmem:$0x1CC00] =	vst v63  }
0x2e0: {  	_ =	swait.ge [sflag:s21], $0x4000  }
0x2e1: {  	[sflag:s21] =	ssyncset.done $0x0  }
0x2e2: {  	s1 =	simm.s32 $0x780;
	[sflag:s21] =	ssyncadd.s32 $0xFFFFC000  }
0x2e3: {  	[tilespmem:s26], [sflag:$0x2] =	stream.indirect.gather [hbm4b:s5+s24], $0x80, s1, s24, $0xb8;
	[tilespmem:$0x1CC00] =	vst v63  }
0x2e4: {  	_ =	swait.ge [sflag:s30], $0x4000  }
0x2e5: {  	[sflag:s30] =	ssyncset.done $0x0  }
0x2e6: {  	s1 =	simm.s32 $0xF00;
	[sflag:s30] =	ssyncadd.s32 $0xFFFFC000  }
0x2e7: {  	[spmem:s3] =	stream.indirect.scatter.add.f32 [tilespmem:s25], [sflag:$0x4], $0x80, s1, s24, $0xb8;
	[tilespmem:$0x1CC00] =	vst v63  }
0x2e8: {  	_ =	swait.ge [sflag:s21], $0x4000  }
0x2e9: {  	[sflag:s21] =	ssyncset.done $0x0  }
0x2ea: {  	[sflag:s21] =	ssyncadd.s32 $0xFFFFC000  }
0x2eb: {  	_ =	swait.ge [sflag:s0], $0x4000  }
0x2ec: {  	[sflag:s0] =	ssyncset.done $0x0  }
0x2ed: {  	s1 =	simm.s32 $0xF80;
	[sflag:s0] =	ssyncadd.s32 $0xFFFFC000  }
0x2ee: {  	[spmem:s3] =	stream.indirect.scatter.add.f32 [tilespmem:s26], [sflag:$0x4], $0x80, s1, s24, $0xb8;
	[tilespmem:$0x1CC00] =	vst v63  }
0x2ef: {  	_ =	swait.ge [sflag:s21], $0x4000  }
0x2f0: {  	[sflag:s21] =	ssyncset.done $0x0  }
0x2f1: {  	[sflag:s21] =	ssyncadd.s32 $0xFFFFC000  }
0x2f2: {  	_ =	swait.ge [sflag:s23], $0x400  }
0x2f3: {  	[sflag:s23] =	ssyncset.done $0x0  }
0x2f4: {  	[sflag:s23] =	ssyncadd.s32 $0xFFFFFC00  }
0x2f5: {  	_ =	swait.ge [sflag:s23], $0x400  }
0x2f6: {  	[sflag:s23] =	ssyncset.done $0x0  }
0x2f7: {  	[sflag:s23] =	ssyncadd.s32 $0xFFFFFC00  }
0x2f8: {  	[tilespmem:s25], [sflag:$0x1] =	stream.indirect.gather [hbm4b:s5+s24], $0x80, s20, s24, $0xb8;
	[tilespmem:$0x1CC00] =	vst v63  }
0x2f9: {  	_ = 	snop  }
0x2fa: {  	[tilespmem:s26], [sflag:$0x2] =	stream.indirect.gather [hbm4b:s5+s24], $0x80, s24, s24, $0xb8;
	[tilespmem:$0x1CC00] =	vst v63  }
0x2fb: {  	s1 =	rddreg [dreg:$0x11]  }
0x2fc: {  	[tilespmem:s6], [sflag:$0x3] =	stream.linear.gather [hbm4b:s1+s20], $0x400, $0x38;
	[tilespmem:$0x1CC00] =	vst v63  }
0x2fd: {  	s1 =	rddreg [dreg:$0x12]  }
0x2fe: {  	[tilespmem:s18], [sflag:$0x3] =	stream.linear.gather [hbm4b:s1+s20], $0x400, $0x38;
	[tilespmem:$0x1CC00] =	vst v63  }
0x2ff: {  	_ =	swait.ge [sflag:s30], $0x4000  }
0x300: {  	[sflag:s30] =	ssyncset.done $0x0  }
0x301: {  	[sflag:s30] =	ssyncadd.s32 $0xFFFFC000  }
0x302: {  	[spmem:s3] =	stream.indirect.scatter.add.f32 [tilespmem:s25], [sflag:$0x4], $0x80, s19, s24, $0xb8;
	[tilespmem:$0x1CC00] =	vst v63  }
0x303: {  	_ =	swait.ge [sflag:s21], $0x4000  }
0x304: {  	[sflag:s21] =	ssyncset.done $0x0  }
0x305: {  	[sflag:s21] =	ssyncadd.s32 $0xFFFFC000  }
0x306: {  	[tilespmem:s25], [sflag:$0x1] =	stream.indirect.gather [hbm4b:s5+s24], $0x80, s9, s24, $0xb8;
	[tilespmem:$0x1CC00] =	vst v63  }
0x307: {  	_ =	swait.ge [sflag:s0], $0x4000  }
0x308: {  	[sflag:s0] =	ssyncset.done $0x0  }
0x309: {  	[sflag:s0] =	ssyncadd.s32 $0xFFFFC000  }
0x30a: {  	[spmem:s3] =	stream.indirect.scatter.add.f32 [tilespmem:s26], [sflag:$0x4], $0x80, s10, s24, $0xb8;
	[tilespmem:$0x1CC00] =	vst v63  }
0x30b: {  	_ =	swait.ge [sflag:s21], $0x4000  }
0x30c: {  	[sflag:s21] =	ssyncset.done $0x0  }
0x30d: {  	[sflag:s21] =	ssyncadd.s32 $0xFFFFC000  }
0x30e: {  	[tilespmem:s26], [sflag:$0x2] =	stream.indirect.gather [hbm4b:s5+s24], $0x80, s11, s24, $0xb8;
	[tilespmem:$0x1CC00] =	vst v63  }
0x30f: {  	_ =	swait.ge [sflag:s30], $0x4000  }
0x310: {  	[sflag:s30] =	ssyncset.done $0x0  }
0x311: {  	[sflag:s30] =	ssyncadd.s32 $0xFFFFC000  }
0x312: {  	[spmem:s3] =	stream.indirect.scatter.add.f32 [tilespmem:s25], [sflag:$0x4], $0x80, s12, s24, $0xb8;
	[tilespmem:$0x1CC00] =	vst v63  }
0x313: {  	_ =	swait.ge [sflag:s21], $0x4000  }
0x314: {  	[sflag:s21] =	ssyncset.done $0x0  }
0x315: {  	[sflag:s21] =	ssyncadd.s32 $0xFFFFC000  }
0x316: {  	[tilespmem:s25], [sflag:$0x1] =	stream.indirect.gather [hbm4b:s5+s24], $0x80, s14, s24, $0xb8;
	[tilespmem:$0x1CC00] =	vst v63  }
0x317: {  	_ =	swait.ge [sflag:s0], $0x4000  }
0x318: {  	[sflag:s0] =	ssyncset.done $0x0  }
0x319: {  	[sflag:s0] =	ssyncadd.s32 $0xFFFFC000  }
0x31a: {  	[spmem:s3] =	stream.indirect.scatter.add.f32 [tilespmem:s26], [sflag:$0x4], $0x80, s15, s24, $0xb8;
	[tilespmem:$0x1CC00] =	vst v63  }
0x31b: {  	_ =	swait.ge [sflag:s21], $0x4000  }
0x31c: {  	[sflag:s21] =	ssyncset.done $0x0  }
0x31d: {  	[sflag:s21] =	ssyncadd.s32 $0xFFFFC000  }
0x31e: {  	[tilespmem:s26], [sflag:$0x2] =	stream.indirect.gather [hbm4b:s5+s24], $0x80, s16, s24, $0xb8;
	[tilespmem:$0x1CC00] =	vst v63  }
0x31f: {  	_ =	swait.ge [sflag:s30], $0x4000  }
0x320: {  	[sflag:s30] =	ssyncset.done $0x0  }
0x321: {  	[sflag:s30] =	ssyncadd.s32 $0xFFFFC000  }
0x322: {  	[spmem:s3] =	stream.indirect.scatter.add.f32 [tilespmem:s25], [sflag:$0x4], $0x80, s17, s24, $0xb8;
	[tilespmem:$0x1CC00] =	vst v63  }
0x323: {  	_ =	swait.ge [sflag:s21], $0x4000  }
0x324: {  	[sflag:s21] =	ssyncset.done $0x0  }
0x325: {  	[sflag:s21] =	ssyncadd.s32 $0xFFFFC000  }
0x326: {  	[tilespmem:s25], [sflag:$0x1] =	stream.indirect.gather [hbm4b:s5+s24], $0x80, s7, s24, $0xb8;
	[tilespmem:$0x1CC00] =	vst v63  }
0x327: {  	_ =	swait.ge [sflag:s0], $0x4000  }
0x328: {  	[sflag:s0] =	ssyncset.done $0x0  }
0x329: {  	[sflag:s0] =	ssyncadd.s32 $0xFFFFC000  }
0x32a: {  	[spmem:s3] =	stream.indirect.scatter.add.f32 [tilespmem:s26], [sflag:$0x4], $0x80, s8, s24, $0xb8;
	[tilespmem:$0x1CC00] =	vst v63  }
0x32b: {  	_ =	swait.ge [sflag:s21], $0x4000  }
0x32c: {  	[sflag:s21] =	ssyncset.done $0x0  }
0x32d: {  	[sflag:s21] =	ssyncadd.s32 $0xFFFFC000  }
0x32e: {  	[tilespmem:s26], [sflag:$0x2] =	stream.indirect.gather [hbm4b:s5+s24], $0x80, s2, s24, $0xb8;
	[tilespmem:$0x1CC00] =	vst v63  }
0x32f: {  	_ =	swait.ge [sflag:s30], $0x4000  }
0x330: {  	[sflag:s30] =	ssyncset.done $0x0  }
0x331: {  	[sflag:s30] =	ssyncadd.s32 $0xFFFFC000  }
0x332: {  	[spmem:s3] =	stream.indirect.scatter.add.f32 [tilespmem:s25], [sflag:$0x4], $0x80, s22, s24, $0xb8;
	[tilespmem:$0x1CC00] =	vst v63  }
0x333: {  	_ =	swait.ge [sflag:s21], $0x4000  }
0x334: {  	[sflag:s21] =	ssyncset.done $0x0  }
0x335: {  	[sflag:s21] =	ssyncadd.s32 $0xFFFFC000  }
0x336: {  	_ =	swait.ge [sflag:s0], $0x4000  }
0x337: {  	[sflag:s0] =	ssyncset.done $0x0  }
0x338: {  	[sflag:s0] =	ssyncadd.s32 $0xFFFFC000  }
0x339: {  	[spmem:s3] =	stream.indirect.scatter.add.f32 [tilespmem:s26], [sflag:$0x4], $0x80, s29, s24, $0xb8;
	[tilespmem:$0x1CC00] =	vst v63  }
0x33a: {  	_ =	swait.ge [sflag:s21], $0x4000  }
0x33b: {  	[sflag:s21] =	ssyncset.done $0x0  }
0x33c: {  	[sflag:s21] =	ssyncadd.s32 $0xFFFFC000  }
0x33d: {  	_ =	swait.ge [sflag:s23], $0x400  }
0x33e: {  	[sflag:s23] =	ssyncset.done $0x0  }
0x33f: {  	[sflag:s23] =	ssyncadd.s32 $0xFFFFFC00  }
0x340: {  	_ =	swait.ge [sflag:s23], $0x400  }
0x341: {  	[sflag:s23] =	ssyncset.done $0x0  }
0x342: {  	[sflag:s23] =	ssyncadd.s32 $0xFFFFFC00  }
0x343: {  	[tilespmem:s25], [sflag:$0x1] =	stream.indirect.gather [hbm4b:s5+s24], $0x80, s6, s24, $0xb8;
	[tilespmem:$0x1CC00] =	vst v63  }
0x344: {  	_ = 	snop  }
0x345: {  	[tilespmem:s26], [sflag:$0x2] =	stream.indirect.gather [hbm4b:s5+s24], $0x80, s31, s24, $0xb8;
	[tilespmem:$0x1CC00] =	vst v63  }
0x346: {  	s1 =	rddreg [dreg:$0x13]  }
0x347: {  	[tilespmem:s20], [sflag:$0x3] =	stream.linear.gather [hbm4b:s1+s20], $0x400, $0x38;
	[tilespmem:$0x1CC00] =	vst v63  }
0x348: {  	s1 =	rddreg [dreg:$0x14]  }
0x349: {  	[tilespmem:s19], [sflag:$0x3] =	stream.linear.gather [hbm4b:s1+s20], $0x400, $0x38;
	[tilespmem:$0x1CC00] =	vst v63  }
0x34a: {  	_ =	swait.ge [sflag:s30], $0x4000  }
0x34b: {  	[sflag:s30] =	ssyncset.done $0x0  }
0x34c: {  	[sflag:s30] =	ssyncadd.s32 $0xFFFFC000  }
0x34d: {  	[spmem:s3] =	stream.indirect.scatter.add.f32 [tilespmem:s25], [sflag:$0x4], $0x80, s18, s24, $0xb8;
	[tilespmem:$0x1CC00] =	vst v63  }
0x34e: {  	_ =	swait.ge [sflag:s21], $0x4000  }
0x34f: {  	[sflag:s21] =	ssyncset.done $0x0  }
0x350: {  	s1 =	simm.s32 $0x500;
	[sflag:s21] =	ssyncadd.s32 $0xFFFFC000  }
0x351: {  	[tilespmem:s25], [sflag:$0x1] =	stream.indirect.gather [hbm4b:s5+s24], $0x80, s1, s24, $0xb8;
	[tilespmem:$0x1CC00] =	vst v63  }
0x352: {  	_ =	swait.ge [sflag:s0], $0x4000  }
0x353: {  	[sflag:s0] =	ssyncset.done $0x0  }
0x354: {  	s1 =	simm.s32 $0xC80;
	[sflag:s0] =	ssyncadd.s32 $0xFFFFC000  }
0x355: {  	[spmem:s3] =	stream.indirect.scatter.add.f32 [tilespmem:s26], [sflag:$0x4], $0x80, s1, s24, $0xb8;
	[tilespmem:$0x1CC00] =	vst v63  }
0x356: {  	_ =	swait.ge [sflag:s21], $0x4000  }
0x357: {  	[sflag:s21] =	ssyncset.done $0x0  }
0x358: {  	s4 =	simm.s32 $0x580;
	[sflag:s21] =	ssyncadd.s32 $0xFFFFC000  }
0x359: {  	[tilespmem:s26], [sflag:$0x2] =	stream.indirect.gather [hbm4b:s5+s24], $0x80, s4, s24, $0xb8;
	[tilespmem:$0x1CC00] =	vst v63  }
0x35a: {  	_ =	swait.ge [sflag:s30], $0x4000  }
0x35b: {  	[sflag:s30] =	ssyncset.done $0x0  }
0x35c: {  	s13 =	simm.s32 $0xD00;
	[sflag:s30] =	ssyncadd.s32 $0xFFFFC000  }
0x35d: {  	[spmem:s3] =	stream.indirect.scatter.add.f32 [tilespmem:s25], [sflag:$0x4], $0x80, s13, s24, $0xb8;
	[tilespmem:$0x1CC00] =	vst v63  }
0x35e: {  	_ =	swait.ge [sflag:s21], $0x4000  }
0x35f: {  	[sflag:s21] =	ssyncset.done $0x0  }
0x360: {  	s28 =	simm.s32 $0x600;
	[sflag:s21] =	ssyncadd.s32 $0xFFFFC000  }
0x361: {  	[tilespmem:s25], [sflag:$0x1] =	stream.indirect.gather [hbm4b:s5+s24], $0x80, s28, s24, $0xb8;
	[tilespmem:$0x1CC00] =	vst v63  }
0x362: {  	_ =	swait.ge [sflag:s0], $0x4000  }
0x363: {  	[sflag:s0] =	ssyncset.done $0x0  }
0x364: {  	s13 =	simm.s32 $0xD80;
	[sflag:s0] =	ssyncadd.s32 $0xFFFFC000  }
0x365: {  	[spmem:s3] =	stream.indirect.scatter.add.f32 [tilespmem:s26], [sflag:$0x4], $0x80, s13, s24, $0xb8;
	[tilespmem:$0x1CC00] =	vst v63  }
0x366: {  	_ =	swait.ge [sflag:s21], $0x4000  }
0x367: {  	[sflag:s21] =	ssyncset.done $0x0  }
0x368: {  	s28 =	simm.s32 $0x680;
	[sflag:s21] =	ssyncadd.s32 $0xFFFFC000  }
0x369: {  	[tilespmem:s26], [sflag:$0x2] =	stream.indirect.gather [hbm4b:s5+s24], $0x80, s28, s24, $0xb8;
	[tilespmem:$0x1CC00] =	vst v63  }
0x36a: {  	_ =	swait.ge [sflag:s30], $0x4000  }
0x36b: {  	[sflag:s30] =	ssyncset.done $0x0  }
0x36c: {  	s13 =	simm.s32 $0xE00;
	[sflag:s30] =	ssyncadd.s32 $0xFFFFC000  }
0x36d: {  	[spmem:s3] =	stream.indirect.scatter.add.f32 [tilespmem:s25], [sflag:$0x4], $0x80, s13, s24, $0xb8;
	[tilespmem:$0x1CC00] =	vst v63  }
0x36e: {  	_ =	swait.ge [sflag:s21], $0x4000  }
0x36f: {  	[sflag:s21] =	ssyncset.done $0x0  }
0x370: {  	s28 =	simm.s32 $0x700;
	[sflag:s21] =	ssyncadd.s32 $0xFFFFC000  }
0x371: {  	[tilespmem:s25], [sflag:$0x1] =	stream.indirect.gather [hbm4b:s5+s24], $0x80, s28, s24, $0xb8;
	[tilespmem:$0x1CC00] =	vst v63  }
0x372: {  	_ =	swait.ge [sflag:s0], $0x4000  }
0x373: {  	[sflag:s0] =	ssyncset.done $0x0  }
0x374: {  	s13 =	simm.s32 $0xE80;
	[sflag:s0] =	ssyncadd.s32 $0xFFFFC000  }
0x375: {  	[spmem:s3] =	stream.indirect.scatter.add.f32 [tilespmem:s26], [sflag:$0x4], $0x80, s13, s24, $0xb8;
	[tilespmem:$0x1CC00] =	vst v63  }
0x376: {  	_ =	swait.ge [sflag:s21], $0x4000  }
0x377: {  	[sflag:s21] =	ssyncset.done $0x0  }
0x378: {  	s28 =	simm.s32 $0x780;
	[sflag:s21] =	ssyncadd.s32 $0xFFFFC000  }
0x379: {  	[tilespmem:s26], [sflag:$0x2] =	stream.indirect.gather [hbm4b:s5+s24], $0x80, s28, s24, $0xb8;
	[tilespmem:$0x1CC00] =	vst v63  }
0x37a: {  	_ =	swait.ge [sflag:s30], $0x4000  }
0x37b: {  	[sflag:s30] =	ssyncset.done $0x0  }
0x37c: {  	s13 =	simm.s32 $0xF00;
	[sflag:s30] =	ssyncadd.s32 $0xFFFFC000  }
0x37d: {  	[spmem:s3] =	stream.indirect.scatter.add.f32 [tilespmem:s25], [sflag:$0x4], $0x80, s13, s24, $0xb8;
	[tilespmem:$0x1CC00] =	vst v63  }
0x37e: {  	_ =	swait.ge [sflag:s21], $0x4000  }
0x37f: {  	[sflag:s21] =	ssyncset.done $0x0  }
0x380: {  	[sflag:s21] =	ssyncadd.s32 $0xFFFFC000  }
0x381: {  	_ =	swait.ge [sflag:s0], $0x4000  }
0x382: {  	[sflag:s0] =	ssyncset.done $0x0  }
0x383: {  	s28 =	simm.s32 $0xF80;
	[sflag:s0] =	ssyncadd.s32 $0xFFFFC000  }
0x384: {  	[spmem:s3] =	stream.indirect.scatter.add.f32 [tilespmem:s26], [sflag:$0x4], $0x80, s28, s24, $0xb8;
	[tilespmem:$0x1CC00] =	vst v63  }
0x385: {  	_ =	swait.ge [sflag:s21], $0x4000  }
0x386: {  	[sflag:s21] =	ssyncset.done $0x0  }
0x387: {  	[sflag:s21] =	ssyncadd.s32 $0xFFFFC000  }
0x388: {  	_ =	swait.ge [sflag:s23], $0x400  }
0x389: {  	[sflag:s23] =	ssyncset.done $0x0  }
0x38a: {  	[sflag:s23] =	ssyncadd.s32 $0xFFFFFC00  }
0x38b: {  	_ =	swait.ge [sflag:s23], $0x400  }
0x38c: {  	[sflag:s23] =	ssyncset.done $0x0  }
0x38d: {  	[sflag:s23] =	ssyncadd.s32 $0xFFFFFC00  }
0x38e: {  	[tilespmem:s25], [sflag:$0x1] =	stream.indirect.gather [hbm4b:s5+s24], $0x80, s20, s24, $0xb8;
	[tilespmem:$0x1CC00] =	vst v63  }
0x38f: {  	_ = 	snop  }
0x390: {  	[tilespmem:s26], [sflag:$0x2] =	stream.indirect.gather [hbm4b:s5+s24], $0x80, s24, s24, $0xb8;
	[tilespmem:$0x1CC00] =	vst v63  }
0x391: {  	s13 =	rddreg [dreg:$0x15]  }
0x392: {  	[tilespmem:s6], [sflag:$0x3] =	stream.linear.gather [hbm4b:s13+s20], $0x400, $0x38;
	[tilespmem:$0x1CC00] =	vst v63  }
0x393: {  	s28 =	rddreg [dreg:$0x16]  }
0x394: {  	[tilespmem:s18], [sflag:$0x3] =	stream.linear.gather [hbm4b:s28+s20], $0x400, $0x38;
	[tilespmem:$0x1CC00] =	vst v63  }
0x395: {  	_ =	swait.ge [sflag:s30], $0x4000  }
0x396: {  	[sflag:s30] =	ssyncset.done $0x0  }
0x397: {  	[sflag:s30] =	ssyncadd.s32 $0xFFFFC000  }
0x398: {  	[spmem:s3] =	stream.indirect.scatter.add.f32 [tilespmem:s25], [sflag:$0x4], $0x80, s19, s24, $0xb8;
	[tilespmem:$0x1CC00] =	vst v63  }
0x399: {  	_ =	swait.ge [sflag:s21], $0x4000  }
0x39a: {  	[sflag:s21] =	ssyncset.done $0x0  }
0x39b: {  	[sflag:s21] =	ssyncadd.s32 $0xFFFFC000  }
0x39c: {  	[tilespmem:s25], [sflag:$0x1] =	stream.indirect.gather [hbm4b:s5+s24], $0x80, s9, s24, $0xb8;
	[tilespmem:$0x1CC00] =	vst v63  }
0x39d: {  	_ =	swait.ge [sflag:s0], $0x4000  }
0x39e: {  	[sflag:s0] =	ssyncset.done $0x0  }
0x39f: {  	[sflag:s0] =	ssyncadd.s32 $0xFFFFC000  }
0x3a0: {  	[spmem:s3] =	stream.indirect.scatter.add.f32 [tilespmem:s26], [sflag:$0x4], $0x80, s10, s24, $0xb8;
	[tilespmem:$0x1CC00] =	vst v63  }
0x3a1: {  	_ =	swait.ge [sflag:s21], $0x4000  }
0x3a2: {  	[sflag:s21] =	ssyncset.done $0x0  }
0x3a3: {  	[sflag:s21] =	ssyncadd.s32 $0xFFFFC000  }
0x3a4: {  	[tilespmem:s26], [sflag:$0x2] =	stream.indirect.gather [hbm4b:s5+s24], $0x80, s11, s24, $0xb8;
	[tilespmem:$0x1CC00] =	vst v63  }
0x3a5: {  	_ =	swait.ge [sflag:s30], $0x4000  }
0x3a6: {  	[sflag:s30] =	ssyncset.done $0x0  }
0x3a7: {  	[sflag:s30] =	ssyncadd.s32 $0xFFFFC000  }
0x3a8: {  	[spmem:s3] =	stream.indirect.scatter.add.f32 [tilespmem:s25], [sflag:$0x4], $0x80, s12, s24, $0xb8;
	[tilespmem:$0x1CC00] =	vst v63  }
0x3a9: {  	_ =	swait.ge [sflag:s21], $0x4000  }
0x3aa: {  	[sflag:s21] =	ssyncset.done $0x0  }
0x3ab: {  	[sflag:s21] =	ssyncadd.s32 $0xFFFFC000  }
0x3ac: {  	[tilespmem:s25], [sflag:$0x1] =	stream.indirect.gather [hbm4b:s5+s24], $0x80, s14, s24, $0xb8;
	[tilespmem:$0x1CC00] =	vst v63  }
0x3ad: {  	_ =	swait.ge [sflag:s0], $0x4000  }
0x3ae: {  	[sflag:s0] =	ssyncset.done $0x0  }
0x3af: {  	[sflag:s0] =	ssyncadd.s32 $0xFFFFC000  }
0x3b0: {  	[spmem:s3] =	stream.indirect.scatter.add.f32 [tilespmem:s26], [sflag:$0x4], $0x80, s15, s24, $0xb8;
	[tilespmem:$0x1CC00] =	vst v63  }
0x3b1: {  	_ =	swait.ge [sflag:s21], $0x4000  }
0x3b2: {  	[sflag:s21] =	ssyncset.done $0x0  }
0x3b3: {  	[sflag:s21] =	ssyncadd.s32 $0xFFFFC000  }
0x3b4: {  	[tilespmem:s26], [sflag:$0x2] =	stream.indirect.gather [hbm4b:s5+s24], $0x80, s16, s24, $0xb8;
	[tilespmem:$0x1CC00] =	vst v63  }
0x3b5: {  	_ =	swait.ge [sflag:s30], $0x4000  }
0x3b6: {  	[sflag:s30] =	ssyncset.done $0x0  }
0x3b7: {  	[sflag:s30] =	ssyncadd.s32 $0xFFFFC000  }
0x3b8: {  	[spmem:s3] =	stream.indirect.scatter.add.f32 [tilespmem:s25], [sflag:$0x4], $0x80, s17, s24, $0xb8;
	[tilespmem:$0x1CC00] =	vst v63  }
0x3b9: {  	_ =	swait.ge [sflag:s21], $0x4000  }
0x3ba: {  	[sflag:s21] =	ssyncset.done $0x0  }
0x3bb: {  	[sflag:s21] =	ssyncadd.s32 $0xFFFFC000  }
0x3bc: {  	[tilespmem:s25], [sflag:$0x1] =	stream.indirect.gather [hbm4b:s5+s24], $0x80, s7, s24, $0xb8;
	[tilespmem:$0x1CC00] =	vst v63  }
0x3bd: {  	_ =	swait.ge [sflag:s0], $0x4000  }
0x3be: {  	[sflag:s0] =	ssyncset.done $0x0  }
0x3bf: {  	[sflag:s0] =	ssyncadd.s32 $0xFFFFC000  }
0x3c0: {  	[spmem:s3] =	stream.indirect.scatter.add.f32 [tilespmem:s26], [sflag:$0x4], $0x80, s8, s24, $0xb8;
	[tilespmem:$0x1CC00] =	vst v63  }
0x3c1: {  	_ =	swait.ge [sflag:s21], $0x4000  }
0x3c2: {  	[sflag:s21] =	ssyncset.done $0x0  }
0x3c3: {  	[sflag:s21] =	ssyncadd.s32 $0xFFFFC000  }
0x3c4: {  	[tilespmem:s26], [sflag:$0x2] =	stream.indirect.gather [hbm4b:s5+s24], $0x80, s2, s24, $0xb8;
	[tilespmem:$0x1CC00] =	vst v63  }
0x3c5: {  	_ =	swait.ge [sflag:s30], $0x4000  }
0x3c6: {  	[sflag:s30] =	ssyncset.done $0x0  }
0x3c7: {  	[sflag:s30] =	ssyncadd.s32 $0xFFFFC000  }
0x3c8: {  	[spmem:s3] =	stream.indirect.scatter.add.f32 [tilespmem:s25], [sflag:$0x4], $0x80, s22, s24, $0xb8;
	[tilespmem:$0x1CC00] =	vst v63  }
0x3c9: {  	_ =	swait.ge [sflag:s21], $0x4000  }
0x3ca: {  	[sflag:s21] =	ssyncset.done $0x0  }
0x3cb: {  	[sflag:s21] =	ssyncadd.s32 $0xFFFFC000  }
0x3cc: {  	_ =	swait.ge [sflag:s0], $0x4000  }
0x3cd: {  	[sflag:s0] =	ssyncset.done $0x0  }
0x3ce: {  	[sflag:s0] =	ssyncadd.s32 $0xFFFFC000  }
0x3cf: {  	[spmem:s3] =	stream.indirect.scatter.add.f32 [tilespmem:s26], [sflag:$0x4], $0x80, s29, s24, $0xb8;
	[tilespmem:$0x1CC00] =	vst v63  }
0x3d0: {  	_ =	swait.ge [sflag:s21], $0x4000  }
0x3d1: {  	[sflag:s21] =	ssyncset.done $0x0  }
0x3d2: {  	[sflag:s21] =	ssyncadd.s32 $0xFFFFC000  }
0x3d3: {  	_ =	swait.ge [sflag:s23], $0x400  }
0x3d4: {  	[sflag:s23] =	ssyncset.done $0x0  }
0x3d5: {  	[sflag:s23] =	ssyncadd.s32 $0xFFFFFC00  }
0x3d6: {  	_ =	swait.ge [sflag:s23], $0x400  }
0x3d7: {  	[sflag:s23] =	ssyncset.done $0x0  }
0x3d8: {  	[sflag:s23] =	ssyncadd.s32 $0xFFFFFC00  }
0x3d9: {  	[tilespmem:s25], [sflag:$0x1] =	stream.indirect.gather [hbm4b:s5+s24], $0x80, s6, s24, $0xb8;
	[tilespmem:$0x1CC00] =	vst v63  }
0x3da: {  	_ = 	snop  }
0x3db: {  	[tilespmem:s26], [sflag:$0x2] =	stream.indirect.gather [hbm4b:s5+s24], $0x80, s31, s24, $0xb8;
	[tilespmem:$0x1CC00] =	vst v63  }
0x3dc: {  	s13 =	rddreg [dreg:$0x17]  }
0x3dd: {  	[tilespmem:s20], [sflag:$0x3] =	stream.linear.gather [hbm4b:s13+s20], $0x400, $0x38;
	[tilespmem:$0x1CC00] =	vst v63  }
0x3de: {  	s28 =	rddreg [dreg:$0x18]  }
0x3df: {  	[tilespmem:s19], [sflag:$0x3] =	stream.linear.gather [hbm4b:s28+s20], $0x400, $0x38;
	[tilespmem:$0x1CC00] =	vst v63  }
0x3e0: {  	_ =	swait.ge [sflag:s30], $0x4000  }
0x3e1: {  	[sflag:s30] =	ssyncset.done $0x0  }
0x3e2: {  	[sflag:s30] =	ssyncadd.s32 $0xFFFFC000  }
0x3e3: {  	[spmem:s3] =	stream.indirect.scatter.add.f32 [tilespmem:s25], [sflag:$0x4], $0x80, s18, s24, $0xb8;
	[tilespmem:$0x1CC00] =	vst v63  }
0x3e4: {  	_ =	swait.ge [sflag:s21], $0x4000  }
0x3e5: {  	[sflag:s21] =	ssyncset.done $0x0  }
0x3e6: {  	s13 =	simm.s32 $0x500;
	[sflag:s21] =	ssyncadd.s32 $0xFFFFC000  }
0x3e7: {  	[tilespmem:s25], [sflag:$0x1] =	stream.indirect.gather [hbm4b:s5+s24], $0x80, s13, s24, $0xb8;
	[tilespmem:$0x1CC00] =	vst v63  }
0x3e8: {  	_ =	swait.ge [sflag:s0], $0x4000  }
0x3e9: {  	[sflag:s0] =	ssyncset.done $0x0  }
0x3ea: {  	s28 =	simm.s32 $0xC80;
	[sflag:s0] =	ssyncadd.s32 $0xFFFFC000  }
0x3eb: {  	[spmem:s3] =	stream.indirect.scatter.add.f32 [tilespmem:s26], [sflag:$0x4], $0x80, s28, s24, $0xb8;
	[tilespmem:$0x1CC00] =	vst v63  }
0x3ec: {  	_ =	swait.ge [sflag:s21], $0x4000  }
0x3ed: {  	[sflag:s21] =	ssyncset.done $0x0  }
0x3ee: {  	s13 =	simm.s32 $0x580;
	[sflag:s21] =	ssyncadd.s32 $0xFFFFC000  }
0x3ef: {  	[tilespmem:s26], [sflag:$0x2] =	stream.indirect.gather [hbm4b:s5+s24], $0x80, s13, s24, $0xb8;
	[tilespmem:$0x1CC00] =	vst v63  }
0x3f0: {  	_ =	swait.ge [sflag:s30], $0x4000  }
0x3f1: {  	[sflag:s30] =	ssyncset.done $0x0  }
0x3f2: {  	s28 =	simm.s32 $0xD00;
	[sflag:s30] =	ssyncadd.s32 $0xFFFFC000  }
0x3f3: {  	[spmem:s3] =	stream.indirect.scatter.add.f32 [tilespmem:s25], [sflag:$0x4], $0x80, s28, s24, $0xb8;
	[tilespmem:$0x1CC00] =	vst v63  }
0x3f4: {  	_ =	swait.ge [sflag:s21], $0x4000  }
0x3f5: {  	[sflag:s21] =	ssyncset.done $0x0  }
0x3f6: {  	s1 =	simm.s32 $0x600;
	[sflag:s21] =	ssyncadd.s32 $0xFFFFC000  }
0x3f7: {  	[tilespmem:s25], [sflag:$0x1] =	stream.indirect.gather [hbm4b:s5+s24], $0x80, s1, s24, $0xb8;
	[tilespmem:$0x1CC00] =	vst v63  }
0x3f8: {  	_ =	swait.ge [sflag:s0], $0x4000  }
0x3f9: {  	[sflag:s0] =	ssyncset.done $0x0  }
0x3fa: {  	s4 =	simm.s32 $0xD80;
	[sflag:s0] =	ssyncadd.s32 $0xFFFFC000  }
0x3fb: {  	[spmem:s3] =	stream.indirect.scatter.add.f32 [tilespmem:s26], [sflag:$0x4], $0x80, s4, s24, $0xb8;
	[tilespmem:$0x1CC00] =	vst v63  }
0x3fc: {  	_ =	swait.ge [sflag:s21], $0x4000  }
0x3fd: {  	[sflag:s21] =	ssyncset.done $0x0  }
0x3fe: {  	s1 =	simm.s32 $0x680;
	[sflag:s21] =	ssyncadd.s32 $0xFFFFC000  }
0x3ff: {  	[tilespmem:s26], [sflag:$0x2] =	stream.indirect.gather [hbm4b:s5+s24], $0x80, s1, s24, $0xb8;
	[tilespmem:$0x1CC00] =	vst v63  }
0x400: {  	_ =	swait.ge [sflag:s30], $0x4000  }
0x401: {  	[sflag:s30] =	ssyncset.done $0x0  }
0x402: {  	s1 =	simm.s32 $0xE00;
	[sflag:s30] =	ssyncadd.s32 $0xFFFFC000  }
0x403: {  	[spmem:s3] =	stream.indirect.scatter.add.f32 [tilespmem:s25], [sflag:$0x4], $0x80, s1, s24, $0xb8;
	[tilespmem:$0x1CC00] =	vst v63  }
0x404: {  	_ =	swait.ge [sflag:s21], $0x4000  }
0x405: {  	[sflag:s21] =	ssyncset.done $0x0  }
0x406: {  	s1 =	simm.s32 $0x700;
	[sflag:s21] =	ssyncadd.s32 $0xFFFFC000  }
0x407: {  	[tilespmem:s25], [sflag:$0x1] =	stream.indirect.gather [hbm4b:s5+s24], $0x80, s1, s24, $0xb8;
	[tilespmem:$0x1CC00] =	vst v63  }
0x408: {  	_ =	swait.ge [sflag:s0], $0x4000  }
0x409: {  	[sflag:s0] =	ssyncset.done $0x0  }
0x40a: {  	s1 =	simm.s32 $0xE80;
	[sflag:s0] =	ssyncadd.s32 $0xFFFFC000  }
0x40b: {  	[spmem:s3] =	stream.indirect.scatter.add.f32 [tilespmem:s26], [sflag:$0x4], $0x80, s1, s24, $0xb8;
	[tilespmem:$0x1CC00] =	vst v63  }
0x40c: {  	_ =	swait.ge [sflag:s21], $0x4000  }
0x40d: {  	[sflag:s21] =	ssyncset.done $0x0  }
0x40e: {  	s1 =	simm.s32 $0x780;
	[sflag:s21] =	ssyncadd.s32 $0xFFFFC000  }
0x40f: {  	[tilespmem:s26], [sflag:$0x2] =	stream.indirect.gather [hbm4b:s5+s24], $0x80, s1, s24, $0xb8;
	[tilespmem:$0x1CC00] =	vst v63  }
0x410: {  	_ =	swait.ge [sflag:s30], $0x4000  }
0x411: {  	[sflag:s30] =	ssyncset.done $0x0  }
0x412: {  	s1 =	simm.s32 $0xF00;
	[sflag:s30] =	ssyncadd.s32 $0xFFFFC000  }
0x413: {  	[spmem:s3] =	stream.indirect.scatter.add.f32 [tilespmem:s25], [sflag:$0x4], $0x80, s1, s24, $0xb8;
	[tilespmem:$0x1CC00] =	vst v63  }
0x414: {  	_ =	swait.ge [sflag:s21], $0x4000  }
0x415: {  	[sflag:s21] =	ssyncset.done $0x0  }
0x416: {  	[sflag:s21] =	ssyncadd.s32 $0xFFFFC000  }
0x417: {  	_ =	swait.ge [sflag:s0], $0x4000  }
0x418: {  	[sflag:s0] =	ssyncset.done $0x0  }
0x419: {  	s1 =	simm.s32 $0xF80;
	[sflag:s0] =	ssyncadd.s32 $0xFFFFC000  }
0x41a: {  	[spmem:s3] =	stream.indirect.scatter.add.f32 [tilespmem:s26], [sflag:$0x4], $0x80, s1, s24, $0xb8;
	[tilespmem:$0x1CC00] =	vst v63  }
0x41b: {  	_ =	swait.ge [sflag:s21], $0x4000  }
0x41c: {  	[sflag:s21] =	ssyncset.done $0x0  }
0x41d: {  	[sflag:s21] =	ssyncadd.s32 $0xFFFFC000  }
0x41e: {  	_ =	swait.ge [sflag:s23], $0x400  }
0x41f: {  	[sflag:s23] =	ssyncset.done $0x0  }
0x420: {  	[sflag:s23] =	ssyncadd.s32 $0xFFFFFC00  }
0x421: {  	_ =	swait.ge [sflag:s23], $0x400  }
0x422: {  	[sflag:s23] =	ssyncset.done $0x0  }
0x423: {  	[sflag:s23] =	ssyncadd.s32 $0xFFFFFC00  }
0x424: {  	[tilespmem:s25], [sflag:$0x1] =	stream.indirect.gather [hbm4b:s5+s24], $0x80, s20, s24, $0xb8;
	[tilespmem:$0x1CC00] =	vst v63  }
0x425: {  	_ = 	snop  }
0x426: {  	[tilespmem:s26], [sflag:$0x2] =	stream.indirect.gather [hbm4b:s5+s24], $0x80, s24, s24, $0xb8;
	[tilespmem:$0x1CC00] =	vst v63  }
0x427: {  	s1 =	rddreg [dreg:$0x19]  }
0x428: {  	[tilespmem:s6], [sflag:$0x3] =	stream.linear.gather [hbm4b:s1+s20], $0x400, $0x38;
	[tilespmem:$0x1CC00] =	vst v63  }
0x429: {  	s1 =	rddreg [dreg:$0x1a]  }
0x42a: {  	[tilespmem:s18], [sflag:$0x3] =	stream.linear.gather [hbm4b:s1+s20], $0x400, $0x38;
	[tilespmem:$0x1CC00] =	vst v63  }
0x42b: {  	_ =	swait.ge [sflag:s30], $0x4000  }
0x42c: {  	[sflag:s30] =	ssyncset.done $0x0  }
0x42d: {  	[sflag:s30] =	ssyncadd.s32 $0xFFFFC000  }
0x42e: {  	[spmem:s3] =	stream.indirect.scatter.add.f32 [tilespmem:s25], [sflag:$0x4], $0x80, s19, s24, $0xb8;
	[tilespmem:$0x1CC00] =	vst v63  }
0x42f: {  	_ =	swait.ge [sflag:s21], $0x4000  }
0x430: {  	[sflag:s21] =	ssyncset.done $0x0  }
0x431: {  	[sflag:s21] =	ssyncadd.s32 $0xFFFFC000  }
0x432: {  	[tilespmem:s25], [sflag:$0x1] =	stream.indirect.gather [hbm4b:s5+s24], $0x80, s9, s24, $0xb8;
	[tilespmem:$0x1CC00] =	vst v63  }
0x433: {  	_ =	swait.ge [sflag:s0], $0x4000  }
0x434: {  	[sflag:s0] =	ssyncset.done $0x0  }
0x435: {  	[sflag:s0] =	ssyncadd.s32 $0xFFFFC000  }
0x436: {  	[spmem:s3] =	stream.indirect.scatter.add.f32 [tilespmem:s26], [sflag:$0x4], $0x80, s10, s24, $0xb8;
	[tilespmem:$0x1CC00] =	vst v63  }
0x437: {  	_ =	swait.ge [sflag:s21], $0x4000  }
0x438: {  	[sflag:s21] =	ssyncset.done $0x0  }
0x439: {  	[sflag:s21] =	ssyncadd.s32 $0xFFFFC000  }
0x43a: {  	[tilespmem:s26], [sflag:$0x2] =	stream.indirect.gather [hbm4b:s5+s24], $0x80, s11, s24, $0xb8;
	[tilespmem:$0x1CC00] =	vst v63  }
0x43b: {  	_ =	swait.ge [sflag:s30], $0x4000  }
0x43c: {  	[sflag:s30] =	ssyncset.done $0x0  }
0x43d: {  	[sflag:s30] =	ssyncadd.s32 $0xFFFFC000  }
0x43e: {  	[spmem:s3] =	stream.indirect.scatter.add.f32 [tilespmem:s25], [sflag:$0x4], $0x80, s12, s24, $0xb8;
	[tilespmem:$0x1CC00] =	vst v63  }
0x43f: {  	_ =	swait.ge [sflag:s21], $0x4000  }
0x440: {  	[sflag:s21] =	ssyncset.done $0x0  }
0x441: {  	[sflag:s21] =	ssyncadd.s32 $0xFFFFC000  }
0x442: {  	[tilespmem:s25], [sflag:$0x1] =	stream.indirect.gather [hbm4b:s5+s24], $0x80, s14, s24, $0xb8;
	[tilespmem:$0x1CC00] =	vst v63  }
0x443: {  	_ =	swait.ge [sflag:s0], $0x4000  }
0x444: {  	[sflag:s0] =	ssyncset.done $0x0  }
0x445: {  	[sflag:s0] =	ssyncadd.s32 $0xFFFFC000  }
0x446: {  	[spmem:s3] =	stream.indirect.scatter.add.f32 [tilespmem:s26], [sflag:$0x4], $0x80, s15, s24, $0xb8;
	[tilespmem:$0x1CC00] =	vst v63  }
0x447: {  	_ =	swait.ge [sflag:s21], $0x4000  }
0x448: {  	[sflag:s21] =	ssyncset.done $0x0  }
0x449: {  	[sflag:s21] =	ssyncadd.s32 $0xFFFFC000  }
0x44a: {  	[tilespmem:s26], [sflag:$0x2] =	stream.indirect.gather [hbm4b:s5+s24], $0x80, s16, s24, $0xb8;
	[tilespmem:$0x1CC00] =	vst v63  }
0x44b: {  	_ =	swait.ge [sflag:s30], $0x4000  }
0x44c: {  	[sflag:s30] =	ssyncset.done $0x0  }
0x44d: {  	[sflag:s30] =	ssyncadd.s32 $0xFFFFC000  }
0x44e: {  	[spmem:s3] =	stream.indirect.scatter.add.f32 [tilespmem:s25], [sflag:$0x4], $0x80, s17, s24, $0xb8;
	[tilespmem:$0x1CC00] =	vst v63  }
0x44f: {  	_ =	swait.ge [sflag:s21], $0x4000  }
0x450: {  	[sflag:s21] =	ssyncset.done $0x0  }
0x451: {  	[sflag:s21] =	ssyncadd.s32 $0xFFFFC000  }
0x452: {  	[tilespmem:s25], [sflag:$0x1] =	stream.indirect.gather [hbm4b:s5+s24], $0x80, s7, s24, $0xb8;
	[tilespmem:$0x1CC00] =	vst v63  }
0x453: {  	_ =	swait.ge [sflag:s0], $0x4000  }
0x454: {  	[sflag:s0] =	ssyncset.done $0x0  }
0x455: {  	[sflag:s0] =	ssyncadd.s32 $0xFFFFC000  }
0x456: {  	[spmem:s3] =	stream.indirect.scatter.add.f32 [tilespmem:s26], [sflag:$0x4], $0x80, s8, s24, $0xb8;
	[tilespmem:$0x1CC00] =	vst v63  }
0x457: {  	_ =	swait.ge [sflag:s21], $0x4000  }
0x458: {  	[sflag:s21] =	ssyncset.done $0x0  }
0x459: {  	[sflag:s21] =	ssyncadd.s32 $0xFFFFC000  }
0x45a: {  	[tilespmem:s26], [sflag:$0x2] =	stream.indirect.gather [hbm4b:s5+s24], $0x80, s2, s24, $0xb8;
	[tilespmem:$0x1CC00] =	vst v63  }
0x45b: {  	_ =	swait.ge [sflag:s30], $0x4000  }
0x45c: {  	[sflag:s30] =	ssyncset.done $0x0  }
0x45d: {  	[sflag:s30] =	ssyncadd.s32 $0xFFFFC000  }
0x45e: {  	[spmem:s3] =	stream.indirect.scatter.add.f32 [tilespmem:s25], [sflag:$0x4], $0x80, s22, s24, $0xb8;
	[tilespmem:$0x1CC00] =	vst v63  }
0x45f: {  	_ =	swait.ge [sflag:s21], $0x4000  }
0x460: {  	[sflag:s21] =	ssyncset.done $0x0  }
0x461: {  	[sflag:s21] =	ssyncadd.s32 $0xFFFFC000  }
0x462: {  	_ =	swait.ge [sflag:s0], $0x4000  }
0x463: {  	[sflag:s0] =	ssyncset.done $0x0  }
0x464: {  	[sflag:s0] =	ssyncadd.s32 $0xFFFFC000  }
0x465: {  	[spmem:s3] =	stream.indirect.scatter.add.f32 [tilespmem:s26], [sflag:$0x4], $0x80, s29, s24, $0xb8;
	[tilespmem:$0x1CC00] =	vst v63  }
0x466: {  	_ =	swait.ge [sflag:s21], $0x4000  }
0x467: {  	[sflag:s21] =	ssyncset.done $0x0  }
0x468: {  	[sflag:s21] =	ssyncadd.s32 $0xFFFFC000  }
0x469: {  	_ =	swait.ge [sflag:s23], $0x400  }
0x46a: {  	[sflag:s23] =	ssyncset.done $0x0  }
0x46b: {  	[sflag:s23] =	ssyncadd.s32 $0xFFFFFC00  }
0x46c: {  	_ =	swait.ge [sflag:s23], $0x400  }
0x46d: {  	[sflag:s23] =	ssyncset.done $0x0  }
0x46e: {  	[sflag:s23] =	ssyncadd.s32 $0xFFFFFC00  }
0x46f: {  	[tilespmem:s25], [sflag:$0x1] =	stream.indirect.gather [hbm4b:s5+s24], $0x80, s6, s24, $0xb8;
	[tilespmem:$0x1CC00] =	vst v63  }
0x470: {  	_ = 	snop  }
0x471: {  	[tilespmem:s26], [sflag:$0x2] =	stream.indirect.gather [hbm4b:s5+s24], $0x80, s31, s24, $0xb8;
	[tilespmem:$0x1CC00] =	vst v63  }
0x472: {  	s9 =	rddreg [dreg:$0x1b]  }
0x473: {  	[tilespmem:s20], [sflag:$0x3] =	stream.linear.gather [hbm4b:s9+s20], $0x400, $0x38;
	[tilespmem:$0x1CC00] =	vst v63  }
0x474: {  	s10 =	rddreg [dreg:$0x1c]  }
0x475: {  	[tilespmem:s19], [sflag:$0x3] =	stream.linear.gather [hbm4b:s10+s20], $0x400, $0x38;
	[tilespmem:$0x1CC00] =	vst v63  }
0x476: {  	_ =	swait.ge [sflag:s30], $0x4000  }
0x477: {  	[sflag:s30] =	ssyncset.done $0x0  }
0x478: {  	[sflag:s30] =	ssyncadd.s32 $0xFFFFC000  }
0x479: {  	[spmem:s3] =	stream.indirect.scatter.add.f32 [tilespmem:s25], [sflag:$0x4], $0x80, s18, s24, $0xb8;
	[tilespmem:$0x1CC00] =	vst v63  }
0x47a: {  	_ =	swait.ge [sflag:s21], $0x4000  }
0x47b: {  	[sflag:s21] =	ssyncset.done $0x0  }
0x47c: {  	s11 =	simm.s32 $0x500;
	[sflag:s21] =	ssyncadd.s32 $0xFFFFC000  }
0x47d: {  	[tilespmem:s25], [sflag:$0x1] =	stream.indirect.gather [hbm4b:s5+s24], $0x80, s11, s24, $0xb8;
	[tilespmem:$0x1CC00] =	vst v63  }
0x47e: {  	_ =	swait.ge [sflag:s0], $0x4000  }
0x47f: {  	[sflag:s0] =	ssyncset.done $0x0  }
0x480: {  	s12 =	simm.s32 $0xC80;
	[sflag:s0] =	ssyncadd.s32 $0xFFFFC000  }
0x481: {  	[spmem:s3] =	stream.indirect.scatter.add.f32 [tilespmem:s26], [sflag:$0x4], $0x80, s12, s24, $0xb8;
	[tilespmem:$0x1CC00] =	vst v63  }
0x482: {  	_ =	swait.ge [sflag:s21], $0x4000  }
0x483: {  	[sflag:s21] =	ssyncset.done $0x0  }
0x484: {  	s13 =	simm.s32 $0x580;
	[sflag:s21] =	ssyncadd.s32 $0xFFFFC000  }
0x485: {  	[tilespmem:s26], [sflag:$0x2] =	stream.indirect.gather [hbm4b:s5+s24], $0x80, s13, s24, $0xb8;
	[tilespmem:$0x1CC00] =	vst v63  }
0x486: {  	_ =	swait.ge [sflag:s30], $0x4000  }
0x487: {  	[sflag:s30] =	ssyncset.done $0x0  }
0x488: {  	s28 =	simm.s32 $0xD00;
	[sflag:s30] =	ssyncadd.s32 $0xFFFFC000  }
0x489: {  	[spmem:s3] =	stream.indirect.scatter.add.f32 [tilespmem:s25], [sflag:$0x4], $0x80, s28, s24, $0xb8;
	[tilespmem:$0x1CC00] =	vst v63  }
0x48a: {  	_ =	swait.ge [sflag:s21], $0x4000  }
0x48b: {  	[sflag:s21] =	ssyncset.done $0x0  }
0x48c: {  	s14 =	simm.s32 $0x600;
	[sflag:s21] =	ssyncadd.s32 $0xFFFFC000  }
0x48d: {  	[tilespmem:s25], [sflag:$0x1] =	stream.indirect.gather [hbm4b:s5+s24], $0x80, s14, s24, $0xb8;
	[tilespmem:$0x1CC00] =	vst v63  }
0x48e: {  	_ =	swait.ge [sflag:s0], $0x4000  }
0x48f: {  	[sflag:s0] =	ssyncset.done $0x0  }
0x490: {  	s4 =	simm.s32 $0xD80;
	[sflag:s0] =	ssyncadd.s32 $0xFFFFC000  }
0x491: {  	[spmem:s3] =	stream.indirect.scatter.add.f32 [tilespmem:s26], [sflag:$0x4], $0x80, s4, s24, $0xb8;
	[tilespmem:$0x1CC00] =	vst v63  }
0x492: {  	_ =	swait.ge [sflag:s21], $0x4000  }
0x493: {  	[sflag:s21] =	ssyncset.done $0x0  }
0x494: {  	s15 =	simm.s32 $0x680;
	[sflag:s21] =	ssyncadd.s32 $0xFFFFC000  }
0x495: {  	[tilespmem:s26], [sflag:$0x2] =	stream.indirect.gather [hbm4b:s5+s24], $0x80, s15, s24, $0xb8;
	[tilespmem:$0x1CC00] =	vst v63  }
0x496: {  	_ =	swait.ge [sflag:s30], $0x4000  }
0x497: {  	[sflag:s30] =	ssyncset.done $0x0  }
0x498: {  	s16 =	simm.s32 $0xE00;
	[sflag:s30] =	ssyncadd.s32 $0xFFFFC000  }
0x499: {  	[spmem:s3] =	stream.indirect.scatter.add.f32 [tilespmem:s25], [sflag:$0x4], $0x80, s16, s24, $0xb8;
	[tilespmem:$0x1CC00] =	vst v63  }
0x49a: {  	_ =	swait.ge [sflag:s21], $0x4000  }
0x49b: {  	[sflag:s21] =	ssyncset.done $0x0  }
0x49c: {  	s17 =	simm.s32 $0x700;
	[sflag:s21] =	ssyncadd.s32 $0xFFFFC000  }
0x49d: {  	[tilespmem:s25], [sflag:$0x1] =	stream.indirect.gather [hbm4b:s5+s24], $0x80, s17, s24, $0xb8;
	[tilespmem:$0x1CC00] =	vst v63  }
0x49e: {  	_ =	swait.ge [sflag:s0], $0x4000  }
0x49f: {  	[sflag:s0] =	ssyncset.done $0x0  }
0x4a0: {  	s18 =	simm.s32 $0xE80;
	[sflag:s0] =	ssyncadd.s32 $0xFFFFC000  }
0x4a1: {  	[spmem:s3] =	stream.indirect.scatter.add.f32 [tilespmem:s26], [sflag:$0x4], $0x80, s18, s24, $0xb8;
	[tilespmem:$0x1CC00] =	vst v63  }
0x4a2: {  	_ =	swait.ge [sflag:s21], $0x4000  }
0x4a3: {  	[sflag:s21] =	ssyncset.done $0x0  }
0x4a4: {  	s19 =	simm.s32 $0x780;
	[sflag:s21] =	ssyncadd.s32 $0xFFFFC000  }
0x4a5: {  	[tilespmem:s26], [sflag:$0x2] =	stream.indirect.gather [hbm4b:s5+s24], $0x80, s19, s24, $0xb8;
	[tilespmem:$0x1CC00] =	vst v63  }
0x4a6: {  	_ =	swait.ge [sflag:s30], $0x4000  }
0x4a7: {  	[sflag:s30] =	ssyncset.done $0x0  }
0x4a8: {  	s20 =	simm.s32 $0xF00;
	[sflag:s30] =	ssyncadd.s32 $0xFFFFC000  }
0x4a9: {  	[spmem:s3] =	stream.indirect.scatter.add.f32 [tilespmem:s25], [sflag:$0x4], $0x80, s20, s24, $0xb8;
	[tilespmem:$0x1CC00] =	vst v63  }
0x4aa: {  	_ =	swait.ge [sflag:s21], $0x4000  }
0x4ab: {  	[sflag:s21] =	ssyncset.done $0x0  }
0x4ac: {  	[sflag:s21] =	ssyncadd.s32 $0xFFFFC000  }
0x4ad: {  	s7 =	simm.s32 $0xA00;
	_ =	swait.ge [sflag:s0], $0x4000  }
0x4ae: {  	s8 =	simm.s32 $0x300;
	s2 =	simm.s32 $0x480;
	[sflag:s0] =	ssyncset.done $0x0  }
0x4af: {  	s22 =	simm.s32 $0xF80;
	s29 =	simm.s32 $0x400;
	[sflag:s0] =	ssyncadd.s32 $0xFFFFC000  }
0x4b0: {  	[spmem:s3] =	stream.indirect.scatter.add.f32 [tilespmem:s26], [sflag:$0x4], $0x80, s22, s24, $0xb8;
	[tilespmem:$0x1CC00] =	vst v63  }
0x4b1: {  	s6 =	simm.s32 $0xB00;
	s10 =	simm.s32 $0x100;
	_ =	swait.ge [sflag:s21], $0x4000  }
0x4b2: {  	s11 =	simm.s32 $0x880;
	s12 =	simm.s32 $0x180;
	s13 =	rddreg [dreg:$0x1d]  }
.Ltmp3:
0x4b3: {  	s15 =	simm.s32 $0x900;
	s31 =	rddreg [dreg:$0x1e];
	(pc) =	sbr.rel .LBB2_4-.Ltmp3, $4  }
0x4b4: {  	s16 =	simm.s32 $0x200;
	s17 =	simm.s32 $0x980;
	s28 =	sld [smem:$0x7F5]  }
0x4b5: {  	s18 =	simm.s32 $0x280;
	s19 =	simm.s32 $0x0;
	s9 =	rddreg [dreg:$0x1f]  }
0x4b6: {  	s20 =	simm.s32 $0x800;
	[sflag:s21] =	ssyncset.done $0x0;
	s4 =	sld [smem:$0x7F3]  }
0x4b7: {  	s22 =	simm.s32 $0xC00;
	[sflag:s21] =	ssyncadd.s32 $0xFFFFC000;
	[smem:$0x7F2] =	sst s28  }
.LBB2_5:
0x4b8: {  	_ =	sfence.sel $0x180000  }
0x4b9: {  	[bflag:$0x0] =	sbarrier.arrive $0xFFFF  }
0x4ba: {  	_ =	strace $0x90000047  }
0x4bb: {  	s0 =	stileid.u32;
	[bflag:$0x2] =	sbarrier.arrive $0xFFFF  }
0x4bc: {  	p0 =	sne.s32 s0, $0x0;
	s0 =	rddreg [dreg:$0x3]  }
0x4bd: {  	s0 =	sadd.s32 @!p0 $0x100000, s0  }
0x4be: {  	[sflag:s0] =	ssyncadd.tile.s32 @!p0 $0x1;
	_ =	shalt  }
.Lfunc_end2:
_tile_overlayer_lowered:
.L_overlay_start_2:
0x4bf: {  	(tag) =	ssettag $0x2  }
0x4c0: {  	s0 =	rddreg [dreg:$0x0];
	s2 =	stileid.u32  }
0x4c1: {  	s1 =	rddreg [dreg:$0x1];
	p0 =	sne.s32 s2, $0x0  }
0x4c2: {  	s3 =	rddreg [dreg:$0x2];
	[bflag:$0x3] =	sbarrier.arrive $0xFFFF;
	s2 =	simm.s32 @!p0 $0x1C04  }
0x4c3: {  	[timem:s3], [sflag:s2] =	dma.local @!p0 [hbm:s0], s1  }
0x4c4: {  	s0 =	simm.s32 @!p0 $0x4  }
0x4c5: {  	_ =	swait.ge @!p0 [sflag:s0], s1  }
0x4c6: {  	s1 =	ssub.s32 @!p0 $0x0, s1;
	[sflag:s0] =	ssyncset.done @!p0 $0x0  }
0x4c7: {  	[sflag:s0] =	ssyncadd.s32 @!p0 s1  }
0x4c8: {  	[bflag:$0x3] =	sbarrier.arrive $0xFFFF  }
0x4c9: {  	_ =	shalt  }

</sc_bundles>
